<compile_context>
chip_gen: v7x
topology: tpu7x:2x2x1
jax: 0.10.2.dev20260603
libtpu: 0.0.44.dev20260713+nightly
codegen_flags: <defaults>
</compile_context>

<pallas_src>
import functools

import jax
import jax.numpy as jnp
from jax import lax
from jax.experimental import pallas as pl
from jax.experimental.pallas import tpu as pltpu
from jax.experimental.pallas import tpu_sc as plsc

_L = 8192
_K = 256
_H = 16
_LANES = 16

_NC = 2
_NS = 16
_NW = _NC * _NS
_ROWS_PER_W = _L // _NW
_ROW_CHUNK = 64


def _sc_dist_body(coords_flat_hbm, idx_hbm, out_hbm, tab_x, tab_y, tab_z,
                  idx_buf, dist_buf, sem_in0, sem_in1, sem_out0, sem_out1):
    cid = lax.axis_index("c")
    sid = lax.axis_index("s")
    wid = sid * _NC + cid
    row0 = wid * _ROWS_PER_W

    pltpu.sync_copy(coords_flat_hbm.at[pl.ds(0, _L)], tab_x)
    pltpu.sync_copy(coords_flat_hbm.at[pl.ds(_L, _L)], tab_y)
    pltpu.sync_copy(coords_flat_hbm.at[pl.ds(2 * _L, _L)], tab_z)

    sem_in = (sem_in0, sem_in1)
    sem_out = (sem_out0, sem_out1)
    n_bufs = _ROWS_PER_W // _ROW_CHUNK

    def start_in(c):
        return pltpu.async_copy(
            idx_hbm.at[pl.ds(row0 + c * _ROW_CHUNK, _ROW_CHUNK)],
            idx_buf.at[c % 2], sem_in[c % 2])

    in_h = [None] * n_bufs
    out_h = [None] * n_bufs
    in_h[0] = start_in(0)
    for c in range(n_bufs):
        cur = c % 2
        if c + 1 < n_bufs:
            in_h[c + 1] = start_in(c + 1)
        in_h[c].wait()
        if c >= 2:
            out_h[c - 2].wait()
        base = row0 + c * _ROW_CHUNK

        @plsc.parallel_loop(0, _ROW_CHUNK)
        def row_body(r, cur=cur, base=base):
            rowv = jnp.full((_LANES,), base + r, jnp.int32)
            qx = plsc.load_gather(tab_x, [rowv])
            qy = plsc.load_gather(tab_y, [rowv])
            qz = plsc.load_gather(tab_z, [rowv])
            for v in range(_K // _LANES):
                idxv = idx_buf[cur, r, pl.ds(v * _LANES, _LANES)]
                gx = plsc.load_gather(tab_x, [idxv])
                gy = plsc.load_gather(tab_y, [idxv])
                gz = plsc.load_gather(tab_z, [idxv])
                d = jnp.abs(qx - gx) + jnp.abs(qy - gy) + jnp.abs(qz - gz)
                dist_buf[cur, r, pl.ds(v * _LANES, _LANES)] = d

        out_h[c] = pltpu.async_copy(
            dist_buf.at[cur], out_hbm.at[pl.ds(base, _ROW_CHUNK)],
            sem_out[cur])
    out_h[n_bufs - 2].wait()
    out_h[n_bufs - 1].wait()


_sc_dist = pl.kernel(
    _sc_dist_body,
    out_type=jax.ShapeDtypeStruct((_L, _K), jnp.float32),
    mesh=plsc.VectorSubcoreMesh(core_axis_name="c", subcore_axis_name="s"),
    compiler_params=pltpu.CompilerParams(needs_layout_passes=False),
    scratch_types=[
        pltpu.VMEM((_L,), jnp.float32),
        pltpu.VMEM((_L,), jnp.float32),
        pltpu.VMEM((_L,), jnp.float32),
        pltpu.VMEM((2, _ROW_CHUNK, _K), jnp.int32),
        pltpu.VMEM((2, _ROW_CHUNK, _K), jnp.float32),
        pltpu.SemaphoreType.DMA,
        pltpu.SemaphoreType.DMA,
        pltpu.SemaphoreType.DMA,
        pltpu.SemaphoreType.DMA,
    ],
)

_BLK = 512


def _tc_scale_body(dist_ref, decay_ref, out_ref):
    out_ref[...] = dist_ref[...][None, :, :] * decay_ref[...]


_tc_scale = pl.pallas_call(
    _tc_scale_body,
    grid=(_L // _BLK,),
    in_specs=[
        pl.BlockSpec((_BLK, _K), lambda i: (i, 0)),
        pl.BlockSpec((_H, 1, 1), lambda i: (0, 0, 0)),
    ],
    out_specs=pl.BlockSpec((_H, _BLK, _K), lambda i: (0, i, 0)),
    out_shape=jax.ShapeDtypeStruct((_H, _L, _K), jnp.float32),
)


def kernel(all_coords, idx_tensor, decay):
    dist = _sc_dist(all_coords.T.reshape(-1), idx_tensor)
    return _tc_scale(dist, decay.reshape(_H, 1, 1))

# --- scband reference (transcript-rebuilt; emitter-appended) ---
"""Pipeline reference for scband-geo-prior-gen3-d-44341242364524 (READ-ONLY COPY).

The authoritative reference and input builder live on the scoring server;
editing this copy changes nothing except your own understanding.
"""

import jax, jax.numpy as jnp
import numpy as np

L = 8192
K = 256
NUM_HEADS = 16
INITIAL_VALUE = 2.0
HEADS_RANGE = 4.0


def setup_inputs(seed: int = 0) -> dict:
    key = jax.random.key(seed)
    k1, k2 = jax.random.split(key)
    all_coords = jax.random.normal(k1, (L, 3), dtype=jnp.float32)
    idx_tensor = jax.random.randint(k2, (L, K), 0, L, dtype=jnp.int32)
    # buffer 'decay' materialized per init_kwargs (num_heads=16, initial_value=2, heads_range=4)
    decay = jnp.log(1.0 - 2.0 ** (-INITIAL_VALUE - HEADS_RANGE * jnp.arange(NUM_HEADS, dtype=jnp.float32) / NUM_HEADS))
    return {"all_coords": all_coords, "idx_tensor": idx_tensor, "decay": decay}


def reference(all_coords, idx_tensor, decay):
    # forward_sparse: all_coords (L,3), idx_tensor (L,K)
    sampled_coords = jnp.take(all_coords, idx_tensor, axis=0)            # (L, K, 3) gather
    dist = jnp.abs(all_coords[:, None, :] - sampled_coords).sum(axis=-1)  # (L, K) L1 distance
    bias = dist[None, :, :] * decay[:, None, None]                        # (H, L, K)
    return bias

if __name__ == "__main__":
    import jax
    _d = setup_inputs()
    print(jax.jit(kernel)(*tuple(_d.values())))

</pallas_src>

<mosaic_0001>
#map = affine_map<(d0, d1) -> (0)>
#map1 = affine_map<(d0, d1) -> (0, 0)>
module attributes {stable_mosaic.version = 14 : i64} {
  func.func @_sc_dist_body(%arg0: i32, %arg1: i32, %arg2: memref<24576xf32, #tpu.memory_space<hbm>>, %arg3: memref<8192x256xi32, #tpu.memory_space<hbm>>, %arg4: memref<8192x256xf32, #tpu.memory_space<hbm>>, %arg5: memref<8192xf32, #tpu.memory_space<vmem>>, %arg6: memref<8192xf32, #tpu.memory_space<vmem>>, %arg7: memref<8192xf32, #tpu.memory_space<vmem>>, %arg8: memref<2x64x256xi32, #tpu.memory_space<vmem>>, %arg9: memref<2x64x256xf32, #tpu.memory_space<vmem>>, %arg10: memref<!tpu.dma_semaphore, #tpu.memory_space<semaphore_mem>>, %arg11: memref<!tpu.dma_semaphore, #tpu.memory_space<semaphore_mem>>, %arg12: memref<!tpu.dma_semaphore, #tpu.memory_space<semaphore_mem>>, %arg13: memref<!tpu.dma_semaphore, #tpu.memory_space<semaphore_mem>>) attributes {dimension_semantics = [#tpu.dimension_semantics<core_parallel>, #tpu.dimension_semantics<subcore_parallel>], iteration_bounds = array<i64: 2, 16>, scalar_prefetch = 0 : i64, scratch_operands = 9 : i64, tpu.core_type = #tpu.core_type<sc_vector_subcore>, window_params = [{transform_indices = #map}, {transform_indices = #map1}, {transform_indices = #map1}]} {
    %mul3A = arith.constant 2 : i32
    %mul3A_0 = arith.muli %arg1, %mul3A : i32
    %add3A = arith.addi %mul3A_0, %arg0 : i32
    %mul3A_1 = arith.constant 256 : i32
    %mul3A_2 = arith.muli %add3A, %mul3A_1 : i32
    "tpu.region"() ({
      %run_scoped3A = tpu.sem_alloc : memref<!tpu.dma_semaphore, #tpu.memory_space<semaphore_mem>>
      %dma_start3A_236 = arith.constant 0 : i32
      %dma_start3A_237 = tpu.memref_slice %arg2[%dma_start3A_236] : memref<24576xf32, #tpu.memory_space<hbm>> -> memref<8192xf32, #tpu.memory_space<hbm>>
      %dma_start3A_238 = arith.constant 0 : i32
      %dma_start3A_239 = tpu.memref_slice %arg2[%dma_start3A_238] : memref<24576xf32, #tpu.memory_space<hbm>> -> memref<8192xf32, #tpu.memory_space<hbm>>
      tpu.enqueue_dma source(%dma_start3A_239 : memref<8192xf32, #tpu.memory_space<hbm>>) target(%arg5 : memref<8192xf32, #tpu.memory_space<vmem>>) target_semaphore(%run_scoped3A : memref<!tpu.dma_semaphore, #tpu.memory_space<semaphore_mem>>)
      %dma_wait3A_240 = arith.constant 0 : i32
      %dma_wait3A_241 = tpu.memref_slice %arg2[%dma_wait3A_240] : memref<24576xf32, #tpu.memory_space<hbm>> -> memref<8192xf32, #tpu.memory_space<hbm>>
      %dma_wait3A_242 = arith.constant 0 : i32
      %dma_wait3A_243 = tpu.memref_slice %arg2[%dma_wait3A_242] : memref<24576xf32, #tpu.memory_space<hbm>> -> memref<8192xf32, #tpu.memory_space<hbm>>
      tpu.wait_dma2 semaphore(%run_scoped3A : memref<!tpu.dma_semaphore, #tpu.memory_space<semaphore_mem>>) src(%dma_wait3A_243 : memref<8192xf32, #tpu.memory_space<hbm>>) dst(%arg5 : memref<8192xf32, #tpu.memory_space<vmem>>)
      tpu.yield
    }) : () -> ()
    "tpu.region"() ({
      %run_scoped3A = tpu.sem_alloc : memref<!tpu.dma_semaphore, #tpu.memory_space<semaphore_mem>>
      %dma_start3A_236 = arith.constant 8192 : i32
      %dma_start3A_237 = tpu.memref_slice %arg2[%dma_start3A_236] : memref<24576xf32, #tpu.memory_space<hbm>> -> memref<8192xf32, #tpu.memory_space<hbm>>
      %dma_start3A_238 = arith.constant 8192 : i32
      %dma_start3A_239 = tpu.memref_slice %arg2[%dma_start3A_238] : memref<24576xf32, #tpu.memory_space<hbm>> -> memref<8192xf32, #tpu.memory_space<hbm>>
      tpu.enqueue_dma source(%dma_start3A_239 : memref<8192xf32, #tpu.memory_space<hbm>>) target(%arg6 : memref<8192xf32, #tpu.memory_space<vmem>>) target_semaphore(%run_scoped3A : memref<!tpu.dma_semaphore, #tpu.memory_space<semaphore_mem>>)
      %dma_wait3A_240 = arith.constant 8192 : i32
      %dma_wait3A_241 = tpu.memref_slice %arg2[%dma_wait3A_240] : memref<24576xf32, #tpu.memory_space<hbm>> -> memref<8192xf32, #tpu.memory_space<hbm>>
      %dma_wait3A_242 = arith.constant 8192 : i32
      %dma_wait3A_243 = tpu.memref_slice %arg2[%dma_wait3A_242] : memref<24576xf32, #tpu.memory_space<hbm>> -> memref<8192xf32, #tpu.memory_space<hbm>>
      tpu.wait_dma2 semaphore(%run_scoped3A : memref<!tpu.dma_semaphore, #tpu.memory_space<semaphore_mem>>) src(%dma_wait3A_243 : memref<8192xf32, #tpu.memory_space<hbm>>) dst(%arg6 : memref<8192xf32, #tpu.memory_space<vmem>>)
      tpu.yield
    }) : () -> ()
    "tpu.region"() ({
      %run_scoped3A = tpu.sem_alloc : memref<!tpu.dma_semaphore, #tpu.memory_space<semaphore_mem>>
      %dma_start3A_236 = arith.constant 16384 : i32
      %dma_start3A_237 = tpu.memref_slice %arg2[%dma_start3A_236] : memref<24576xf32, #tpu.memory_space<hbm>> -> memref<8192xf32, #tpu.memory_space<hbm>>
      %dma_start3A_238 = arith.constant 16384 : i32
      %dma_start3A_239 = tpu.memref_slice %arg2[%dma_start3A_238] : memref<24576xf32, #tpu.memory_space<hbm>> -> memref<8192xf32, #tpu.memory_space<hbm>>
      tpu.enqueue_dma source(%dma_start3A_239 : memref<8192xf32, #tpu.memory_space<hbm>>) target(%arg7 : memref<8192xf32, #tpu.memory_space<vmem>>) target_semaphore(%run_scoped3A : memref<!tpu.dma_semaphore, #tpu.memory_space<semaphore_mem>>)
      %dma_wait3A_240 = arith.constant 16384 : i32
      %dma_wait3A_241 = tpu.memref_slice %arg2[%dma_wait3A_240] : memref<24576xf32, #tpu.memory_space<hbm>> -> memref<8192xf32, #tpu.memory_space<hbm>>
      %dma_wait3A_242 = arith.constant 16384 : i32
      %dma_wait3A_243 = tpu.memref_slice %arg2[%dma_wait3A_242] : memref<24576xf32, #tpu.memory_space<hbm>> -> memref<8192xf32, #tpu.memory_space<hbm>>
      tpu.wait_dma2 semaphore(%run_scoped3A : memref<!tpu.dma_semaphore, #tpu.memory_space<semaphore_mem>>) src(%dma_wait3A_243 : memref<8192xf32, #tpu.memory_space<hbm>>) dst(%arg7 : memref<8192xf32, #tpu.memory_space<vmem>>)
      tpu.yield
    }) : () -> ()
    %add3A_3 = arith.constant 0 : i32
    %add3A_4 = arith.addi %mul3A_2, %add3A_3 : i32
    %dma_start3A = arith.constant 0 : i32
    %dma_start3A_5 = arith.constant 0 : i32
    %dma_start3A_6 = arith.constant 0 : i32
    %dma_start3A_7 = tpu.memref_slice %arg8[%dma_start3A, %dma_start3A_5, %dma_start3A_6] : memref<2x64x256xi32, #tpu.memory_space<vmem>> -> memref<1x64x256xi32, #tpu.memory_space<vmem>>
    %dma_start3A_8 = tpu.memref_squeeze %dma_start3A_7 : memref<1x64x256xi32, #tpu.memory_space<vmem>> -> memref<64x256xi32, #tpu.memory_space<vmem>>
    %dma_start3A_9 = arith.constant 0 : i32
    %dma_start3A_10 = tpu.memref_slice %arg3[%add3A_4, %dma_start3A_9] : memref<8192x256xi32, #tpu.memory_space<hbm>> -> memref<64x256xi32, #tpu.memory_space<hbm>>
    %dma_start3A_11 = arith.constant 0 : i32
    %dma_start3A_12 = arith.constant 0 : i32
    %dma_start3A_13 = tpu.memref_slice %arg8[%dma_start3A, %dma_start3A_11, %dma_start3A_12] : memref<2x64x256xi32, #tpu.memory_space<vmem>> -> memref<1x64x256xi32, #tpu.memory_space<vmem>>
    %dma_start3A_14 = tpu.memref_squeeze %dma_start3A_13 : memref<1x64x256xi32, #tpu.memory_space<vmem>> -> memref<64x256xi32, #tpu.memory_space<vmem>>
    %dma_start3A_15 = arith.constant 0 : i32
    %dma_start3A_16 = tpu.memref_slice %arg3[%add3A_4, %dma_start3A_15] : memref<8192x256xi32, #tpu.memory_space<hbm>> -> memref<64x256xi32, #tpu.memory_space<hbm>>
    tpu.enqueue_dma source(%dma_start3A_16 : memref<64x256xi32, #tpu.memory_space<hbm>>) target(%dma_start3A_14 : memref<64x256xi32, #tpu.memory_space<vmem>>) target_semaphore(%arg10 : memref<!tpu.dma_semaphore, #tpu.memory_space<semaphore_mem>>)
    %add3A_17 = arith.constant 64 : i32
    %add3A_18 = arith.addi %mul3A_2, %add3A_17 : i32
    %dma_start3A_19 = arith.constant 1 : i32
    %dma_start3A_20 = arith.constant 0 : i32
    %dma_start3A_21 = arith.constant 0 : i32
    %dma_start3A_22 = tpu.memref_slice %arg8[%dma_start3A_19, %dma_start3A_20, %dma_start3A_21] : memref<2x64x256xi32, #tpu.memory_space<vmem>> -> memref<1x64x256xi32, #tpu.memory_space<vmem>>
    %dma_start3A_23 = tpu.memref_squeeze %dma_start3A_22 : memref<1x64x256xi32, #tpu.memory_space<vmem>> -> memref<64x256xi32, #tpu.memory_space<vmem>>
    %dma_start3A_24 = arith.constant 0 : i32
    %dma_start3A_25 = tpu.memref_slice %arg3[%add3A_18, %dma_start3A_24] : memref<8192x256xi32, #tpu.memory_space<hbm>> -> memref<64x256xi32, #tpu.memory_space<hbm>>
    %dma_start3A_26 = arith.constant 0 : i32
    %dma_start3A_27 = arith.constant 0 : i32
    %dma_start3A_28 = tpu.memref_slice %arg8[%dma_start3A_19, %dma_start3A_26, %dma_start3A_27] : memref<2x64x256xi32, #tpu.memory_space<vmem>> -> memref<1x64x256xi32, #tpu.memory_space<vmem>>
    %dma_start3A_29 = tpu.memref_squeeze %dma_start3A_28 : memref<1x64x256xi32, #tpu.memory_space<vmem>> -> memref<64x256xi32, #tpu.memory_space<vmem>>
    %dma_start3A_30 = arith.constant 0 : i32
    %dma_start3A_31 = tpu.memref_slice %arg3[%add3A_18, %dma_start3A_30] : memref<8192x256xi32, #tpu.memory_space<hbm>> -> memref<64x256xi32, #tpu.memory_space<hbm>>
    tpu.enqueue_dma source(%dma_start3A_31 : memref<64x256xi32, #tpu.memory_space<hbm>>) target(%dma_start3A_29 : memref<64x256xi32, #tpu.memory_space<vmem>>) target_semaphore(%arg11 : memref<!tpu.dma_semaphore, #tpu.memory_space<semaphore_mem>>)
    %dma_wait3A = arith.constant 0 : i32
    %dma_wait3A_32 = arith.constant 0 : i32
    %dma_wait3A_33 = arith.constant 0 : i32
    %dma_wait3A_34 = tpu.memref_slice %arg8[%dma_wait3A, %dma_wait3A_32, %dma_wait3A_33] : memref<2x64x256xi32, #tpu.memory_space<vmem>> -> memref<1x64x256xi32, #tpu.memory_space<vmem>>
    %dma_wait3A_35 = tpu.memref_squeeze %dma_wait3A_34 : memref<1x64x256xi32, #tpu.memory_space<vmem>> -> memref<64x256xi32, #tpu.memory_space<vmem>>
    %dma_wait3A_36 = arith.constant 0 : i32
    %dma_wait3A_37 = tpu.memref_slice %arg3[%add3A_4, %dma_wait3A_36] : memref<8192x256xi32, #tpu.memory_space<hbm>> -> memref<64x256xi32, #tpu.memory_space<hbm>>
    %dma_wait3A_38 = arith.constant 0 : i32
    %dma_wait3A_39 = arith.constant 0 : i32
    %dma_wait3A_40 = tpu.memref_slice %arg8[%dma_wait3A, %dma_wait3A_38, %dma_wait3A_39] : memref<2x64x256xi32, #tpu.memory_space<vmem>> -> memref<1x64x256xi32, #tpu.memory_space<vmem>>
    %dma_wait3A_41 = tpu.memref_squeeze %dma_wait3A_40 : memref<1x64x256xi32, #tpu.memory_space<vmem>> -> memref<64x256xi32, #tpu.memory_space<vmem>>
    %dma_wait3A_42 = arith.constant 0 : i32
    %dma_wait3A_43 = tpu.memref_slice %arg3[%add3A_4, %dma_wait3A_42] : memref<8192x256xi32, #tpu.memory_space<hbm>> -> memref<64x256xi32, #tpu.memory_space<hbm>>
    tpu.wait_dma2 semaphore(%arg10 : memref<!tpu.dma_semaphore, #tpu.memory_space<semaphore_mem>>) src(%dma_wait3A_43 : memref<64x256xi32, #tpu.memory_space<hbm>>) dst(%dma_wait3A_41 : memref<64x256xi32, #tpu.memory_space<vmem>>)
    %add3A_44 = arith.constant 0 : i32
    %add3A_45 = arith.addi %mul3A_2, %add3A_44 : i32
    %parallel_loop3A = arith.constant 0 : i32
    %parallel_loop3A_46 = arith.constant 64 : i32
    %parallel_loop3A_47 = arith.constant 1 : i32
    scf.for %parallel_loop3A_236 = %parallel_loop3A to %parallel_loop3A_46 step %parallel_loop3A_47  : i32 {
      %parallel_loop3A_237 = arith.addi %add3A_45, %parallel_loop3A_236 : i32
      %parallel_loop3A_238 = vector.broadcast %parallel_loop3A_237 : i32 to vector<16xi32>
      %parallel_loop3A_239 = tpu.vector_load_idx %arg5[%parallel_loop3A_238] : memref<8192xf32, #tpu.memory_space<vmem>>[vector<16xi32>], vector<16xf32>,
      %parallel_loop3A_240 = tpu.vector_load_idx %arg6[%parallel_loop3A_238] : memref<8192xf32, #tpu.memory_space<vmem>>[vector<16xi32>], vector<16xf32>,
      %parallel_loop3A_241 = tpu.vector_load_idx %arg7[%parallel_loop3A_238] : memref<8192xf32, #tpu.memory_space<vmem>>[vector<16xi32>], vector<16xf32>,
      %parallel_loop3A_242 = arith.constant 0 : i32
      %parallel_loop3A_243 = arith.index_cast %parallel_loop3A_242 : i32 to index
      %parallel_loop3A_244 = arith.index_cast %parallel_loop3A_236 : i32 to index
      %parallel_loop3A_245 = arith.constant 0 : index
      %parallel_loop3A_246 = tpu.vector_load %arg8[%parallel_loop3A_243, %parallel_loop3A_244, %parallel_loop3A_245] {strides = array<i32>} : memref<2x64x256xi32, #tpu.memory_space<vmem>>, vector<16xi32>,
      %parallel_loop3A_247 = tpu.vector_load_idx %arg5[%parallel_loop3A_246] : memref<8192xf32, #tpu.memory_space<vmem>>[vector<16xi32>], vector<16xf32>,
      %parallel_loop3A_248 = tpu.vector_load_idx %arg6[%parallel_loop3A_246] : memref<8192xf32, #tpu.memory_space<vmem>>[vector<16xi32>], vector<16xf32>,
      %parallel_loop3A_249 = tpu.vector_load_idx %arg7[%parallel_loop3A_246] : memref<8192xf32, #tpu.memory_space<vmem>>[vector<16xi32>], vector<16xf32>,
      %parallel_loop3A_250 = arith.subf %parallel_loop3A_239, %parallel_loop3A_247 : vector<16xf32>
      %parallel_loop3A_251 = math.absf %parallel_loop3A_250 : vector<16xf32>
      %parallel_loop3A_252 = arith.subf %parallel_loop3A_240, %parallel_loop3A_248 : vector<16xf32>
      %parallel_loop3A_253 = math.absf %parallel_loop3A_252 : vector<16xf32>
      %parallel_loop3A_254 = arith.addf %parallel_loop3A_251, %parallel_loop3A_253 : vector<16xf32>
      %parallel_loop3A_255 = arith.subf %parallel_loop3A_241, %parallel_loop3A_249 : vector<16xf32>
      %parallel_loop3A_256 = math.absf %parallel_loop3A_255 : vector<16xf32>
      %parallel_loop3A_257 = arith.addf %parallel_loop3A_254, %parallel_loop3A_256 : vector<16xf32>
      %parallel_loop3A_258 = arith.constant 0 : i32
      %parallel_loop3A_259 = arith.index_cast %parallel_loop3A_258 : i32 to index
      %parallel_loop3A_260 = arith.index_cast %parallel_loop3A_236 : i32 to index
      %parallel_loop3A_261 = arith.constant 0 : index
      %parallel_loop3A_262 = tpu.vector_load %arg9[%parallel_loop3A_259, %parallel_loop3A_260, %parallel_loop3A_261] {strides = array<i32>} : memref<2x64x256xf32, #tpu.memory_space<vmem>>, vector<16xf32>,
      tpu.vector_store %arg9[%parallel_loop3A_259, %parallel_loop3A_260, %parallel_loop3A_261], %parallel_loop3A_257 {strides = array<i32>} : memref<2x64x256xf32, #tpu.memory_space<vmem>>, vector<16xf32>,
      %parallel_loop3A_263 = arith.constant 0 : i32
      %parallel_loop3A_264 = arith.index_cast %parallel_loop3A_263 : i32 to index
      %parallel_loop3A_265 = arith.index_cast %parallel_loop3A_236 : i32 to index
      %parallel_loop3A_266 = arith.constant 16 : index
      %parallel_loop3A_267 = tpu.vector_load %arg8[%parallel_loop3A_264, %parallel_loop3A_265, %parallel_loop3A_266] {strides = array<i32>} : memref<2x64x256xi32, #tpu.memory_space<vmem>>, vector<16xi32>,
      %parallel_loop3A_268 = tpu.vector_load_idx %arg5[%parallel_loop3A_267] : memref<8192xf32, #tpu.memory_space<vmem>>[vector<16xi32>], vector<16xf32>,
      %parallel_loop3A_269 = tpu.vector_load_idx %arg6[%parallel_loop3A_267] : memref<8192xf32, #tpu.memory_space<vmem>>[vector<16xi32>], vector<16xf32>,
      %parallel_loop3A_270 = tpu.vector_load_idx %arg7[%parallel_loop3A_267] : memref<8192xf32, #tpu.memory_space<vmem>>[vector<16xi32>], vector<16xf32>,
      %parallel_loop3A_271 = arith.subf %parallel_loop3A_239, %parallel_loop3A_268 : vector<16xf32>
      %parallel_loop3A_272 = math.absf %parallel_loop3A_271 : vector<16xf32>
      %parallel_loop3A_273 = arith.subf %parallel_loop3A_240, %parallel_loop3A_269 : vector<16xf32>
      %parallel_loop3A_274 = math.absf %parallel_loop3A_273 : vector<16xf32>
      %parallel_loop3A_275 = arith.addf %parallel_loop3A_272, %parallel_loop3A_274 : vector<16xf32>
      %parallel_loop3A_276 = arith.subf %parallel_loop3A_241, %parallel_loop3A_270 : vector<16xf32>
      %parallel_loop3A_277 = math.absf %parallel_loop3A_276 : vector<16xf32>
      %parallel_loop3A_278 = arith.addf %parallel_loop3A_275, %parallel_loop3A_277 : vector<16xf32>
      %parallel_loop3A_279 = arith.constant 0 : i32
      %parallel_loop3A_280 = arith.index_cast %parallel_loop3A_279 : i32 to index
      %parallel_loop3A_281 = arith.index_cast %parallel_loop3A_236 : i32 to index
      %parallel_loop3A_282 = arith.constant 16 : index
      %parallel_loop3A_283 = tpu.vector_load %arg9[%parallel_loop3A_280, %parallel_loop3A_281, %parallel_loop3A_282] {strides = array<i32>} : memref<2x64x256xf32, #tpu.memory_space<vmem>>, vector<16xf32>,
      tpu.vector_store %arg9[%parallel_loop3A_280, %parallel_loop3A_281, %parallel_loop3A_282], %parallel_loop3A_278 {strides = array<i32>} : memref<2x64x256xf32, #tpu.memory_space<vmem>>, vector<16xf32>,
      %parallel_loop3A_284 = arith.constant 0 : i32
      %parallel_loop3A_285 = arith.index_cast %parallel_loop3A_284 : i32 to index
      %parallel_loop3A_286 = arith.index_cast %parallel_loop3A_236 : i32 to index
      %parallel_loop3A_287 = arith.constant 32 : index
      %parallel_loop3A_288 = tpu.vector_load %arg8[%parallel_loop3A_285, %parallel_loop3A_286, %parallel_loop3A_287] {strides = array<i32>} : memref<2x64x256xi32, #tpu.memory_space<vmem>>, vector<16xi32>,
      %parallel_loop3A_289 = tpu.vector_load_idx %arg5[%parallel_loop3A_288] : memref<8192xf32, #tpu.memory_space<vmem>>[vector<16xi32>], vector<16xf32>,
      %parallel_loop3A_290 = tpu.vector_load_idx %arg6[%parallel_loop3A_288] : memref<8192xf32, #tpu.memory_space<vmem>>[vector<16xi32>], vector<16xf32>,
      %parallel_loop3A_291 = tpu.vector_load_idx %arg7[%parallel_loop3A_288] : memref<8192xf32, #tpu.memory_space<vmem>>[vector<16xi32>], vector<16xf32>,
      %parallel_loop3A_292 = arith.subf %parallel_loop3A_239, %parallel_loop3A_289 : vector<16xf32>
      %parallel_loop3A_293 = math.absf %parallel_loop3A_292 : vector<16xf32>
      %parallel_loop3A_294 = arith.subf %parallel_loop3A_240, %parallel_loop3A_290 : vector<16xf32>
      %parallel_loop3A_295 = math.absf %parallel_loop3A_294 : vector<16xf32>
      %parallel_loop3A_296 = arith.addf %parallel_loop3A_293, %parallel_loop3A_295 : vector<16xf32>
      %parallel_loop3A_297 = arith.subf %parallel_loop3A_241, %parallel_loop3A_291 : vector<16xf32>
      %parallel_loop3A_298 = math.absf %parallel_loop3A_297 : vector<16xf32>
      %parallel_loop3A_299 = arith.addf %parallel_loop3A_296, %parallel_loop3A_298 : vector<16xf32>
      %parallel_loop3A_300 = arith.constant 0 : i32
      %parallel_loop3A_301 = arith.index_cast %parallel_loop3A_300 : i32 to index
      %parallel_loop3A_302 = arith.index_cast %parallel_loop3A_236 : i32 to index
      %parallel_loop3A_303 = arith.constant 32 : index
      %parallel_loop3A_304 = tpu.vector_load %arg9[%parallel_loop3A_301, %parallel_loop3A_302, %parallel_loop3A_303] {strides = array<i32>} : memref<2x64x256xf32, #tpu.memory_space<vmem>>, vector<16xf32>,
      tpu.vector_store %arg9[%parallel_loop3A_301, %parallel_loop3A_302, %parallel_loop3A_303], %parallel_loop3A_299 {strides = array<i32>} : memref<2x64x256xf32, #tpu.memory_space<vmem>>, vector<16xf32>,
      %parallel_loop3A_305 = arith.constant 0 : i32
      %parallel_loop3A_306 = arith.index_cast %parallel_loop3A_305 : i32 to index
      %parallel_loop3A_307 = arith.index_cast %parallel_loop3A_236 : i32 to index
      %parallel_loop3A_308 = arith.constant 48 : index
      %parallel_loop3A_309 = tpu.vector_load %arg8[%parallel_loop3A_306, %parallel_loop3A_307, %parallel_loop3A_308] {strides = array<i32>} : memref<2x64x256xi32, #tpu.memory_space<vmem>>, vector<16xi32>,
      %parallel_loop3A_310 = tpu.vector_load_idx %arg5[%parallel_loop3A_309] : memref<8192xf32, #tpu.memory_space<vmem>>[vector<16xi32>], vector<16xf32>,
      %parallel_loop3A_311 = tpu.vector_load_idx %arg6[%parallel_loop3A_309] : memref<8192xf32, #tpu.memory_space<vmem>>[vector<16xi32>], vector<16xf32>,
      %parallel_loop3A_312 = tpu.vector_load_idx %arg7[%parallel_loop3A_309] : memref<8192xf32, #tpu.memory_space<vmem>>[vector<16xi32>], vector<16xf32>,
      %parallel_loop3A_313 = arith.subf %parallel_loop3A_239, %parallel_loop3A_310 : vector<16xf32>
      %parallel_loop3A_314 = math.absf %parallel_loop3A_313 : vector<16xf32>
      %parallel_loop3A_315 = arith.subf %parallel_loop3A_240, %parallel_loop3A_311 : vector<16xf32>
      %parallel_loop3A_316 = math.absf %parallel_loop3A_315 : vector<16xf32>
      %parallel_loop3A_317 = arith.addf %parallel_loop3A_314, %parallel_loop3A_316 : vector<16xf32>
      %parallel_loop3A_318 = arith.subf %parallel_loop3A_241, %parallel_loop3A_312 : vector<16xf32>
      %parallel_loop3A_319 = math.absf %parallel_loop3A_318 : vector<16xf32>
      %parallel_loop3A_320 = arith.addf %parallel_loop3A_317, %parallel_loop3A_319 : vector<16xf32>
      %parallel_loop3A_321 = arith.constant 0 : i32
      %parallel_loop3A_322 = arith.index_cast %parallel_loop3A_321 : i32 to index
      %parallel_loop3A_323 = arith.index_cast %parallel_loop3A_236 : i32 to index
      %parallel_loop3A_324 = arith.constant 48 : index
      %parallel_loop3A_325 = tpu.vector_load %arg9[%parallel_loop3A_322, %parallel_loop3A_323, %parallel_loop3A_324] {strides = array<i32>} : memref<2x64x256xf32, #tpu.memory_space<vmem>>, vector<16xf32>,
      tpu.vector_store %arg9[%parallel_loop3A_322, %parallel_loop3A_323, %parallel_loop3A_324], %parallel_loop3A_320 {strides = array<i32>} : memref<2x64x256xf32, #tpu.memory_space<vmem>>, vector<16xf32>,
      %parallel_loop3A_326 = arith.constant 0 : i32
      %parallel_loop3A_327 = arith.index_cast %parallel_loop3A_326 : i32 to index
      %parallel_loop3A_328 = arith.index_cast %parallel_loop3A_236 : i32 to index
      %parallel_loop3A_329 = arith.constant 64 : index
      %parallel_loop3A_330 = tpu.vector_load %arg8[%parallel_loop3A_327, %parallel_loop3A_328, %parallel_loop3A_329] {strides = array<i32>} : memref<2x64x256xi32, #tpu.memory_space<vmem>>, vector<16xi32>,
      %parallel_loop3A_331 = tpu.vector_load_idx %arg5[%parallel_loop3A_330] : memref<8192xf32, #tpu.memory_space<vmem>>[vector<16xi32>], vector<16xf32>,
      %parallel_loop3A_332 = tpu.vector_load_idx %arg6[%parallel_loop3A_330] : memref<8192xf32, #tpu.memory_space<vmem>>[vector<16xi32>], vector<16xf32>,
      %parallel_loop3A_333 = tpu.vector_load_idx %arg7[%parallel_loop3A_330] : memref<8192xf32, #tpu.memory_space<vmem>>[vector<16xi32>], vector<16xf32>,
      %parallel_loop3A_334 = arith.subf %parallel_loop3A_239, %parallel_loop3A_331 : vector<16xf32>
      %parallel_loop3A_335 = math.absf %parallel_loop3A_334 : vector<16xf32>
      %parallel_loop3A_336 = arith.subf %parallel_loop3A_240, %parallel_loop3A_332 : vector<16xf32>
      %parallel_loop3A_337 = math.absf %parallel_loop3A_336 : vector<16xf32>
      %parallel_loop3A_338 = arith.addf %parallel_loop3A_335, %parallel_loop3A_337 : vector<16xf32>
      %parallel_loop3A_339 = arith.subf %parallel_loop3A_241, %parallel_loop3A_333 : vector<16xf32>
      %parallel_loop3A_340 = math.absf %parallel_loop3A_339 : vector<16xf32>
      %parallel_loop3A_341 = arith.addf %parallel_loop3A_338, %parallel_loop3A_340 : vector<16xf32>
      %parallel_loop3A_342 = arith.constant 0 : i32
      %parallel_loop3A_343 = arith.index_cast %parallel_loop3A_342 : i32 to index
      %parallel_loop3A_344 = arith.index_cast %parallel_loop3A_236 : i32 to index
      %parallel_loop3A_345 = arith.constant 64 : index
      %parallel_loop3A_346 = tpu.vector_load %arg9[%parallel_loop3A_343, %parallel_loop3A_344, %parallel_loop3A_345] {strides = array<i32>} : memref<2x64x256xf32, #tpu.memory_space<vmem>>, vector<16xf32>,
      tpu.vector_store %arg9[%parallel_loop3A_343, %parallel_loop3A_344, %parallel_loop3A_345], %parallel_loop3A_341 {strides = array<i32>} : memref<2x64x256xf32, #tpu.memory_space<vmem>>, vector<16xf32>,
      %parallel_loop3A_347 = arith.constant 0 : i32
      %parallel_loop3A_348 = arith.index_cast %parallel_loop3A_347 : i32 to index
      %parallel_loop3A_349 = arith.index_cast %parallel_loop3A_236 : i32 to index
      %parallel_loop3A_350 = arith.constant 80 : index
      %parallel_loop3A_351 = tpu.vector_load %arg8[%parallel_loop3A_348, %parallel_loop3A_349, %parallel_loop3A_350] {strides = array<i32>} : memref<2x64x256xi32, #tpu.memory_space<vmem>>, vector<16xi32>,
      %parallel_loop3A_352 = tpu.vector_load_idx %arg5[%parallel_loop3A_351] : memref<8192xf32, #tpu.memory_space<vmem>>[vector<16xi32>], vector<16xf32>,
      %parallel_loop3A_353 = tpu.vector_load_idx %arg6[%parallel_loop3A_351] : memref<8192xf32, #tpu.memory_space<vmem>>[vector<16xi32>], vector<16xf32>,
      %parallel_loop3A_354 = tpu.vector_load_idx %arg7[%parallel_loop3A_351] : memref<8192xf32, #tpu.memory_space<vmem>>[vector<16xi32>], vector<16xf32>,
      %parallel_loop3A_355 = arith.subf %parallel_loop3A_239, %parallel_loop3A_352 : vector<16xf32>
      %parallel_loop3A_356 = math.absf %parallel_loop3A_355 : vector<16xf32>
      %parallel_loop3A_357 = arith.subf %parallel_loop3A_240, %parallel_loop3A_353 : vector<16xf32>
      %parallel_loop3A_358 = math.absf %parallel_loop3A_357 : vector<16xf32>
      %parallel_loop3A_359 = arith.addf %parallel_loop3A_356, %parallel_loop3A_358 : vector<16xf32>
      %parallel_loop3A_360 = arith.subf %parallel_loop3A_241, %parallel_loop3A_354 : vector<16xf32>
      %parallel_loop3A_361 = math.absf %parallel_loop3A_360 : vector<16xf32>
      %parallel_loop3A_362 = arith.addf %parallel_loop3A_359, %parallel_loop3A_361 : vector<16xf32>
      %parallel_loop3A_363 = arith.constant 0 : i32
      %parallel_loop3A_364 = arith.index_cast %parallel_loop3A_363 : i32 to index
      %parallel_loop3A_365 = arith.index_cast %parallel_loop3A_236 : i32 to index
      %parallel_loop3A_366 = arith.constant 80 : index
      %parallel_loop3A_367 = tpu.vector_load %arg9[%parallel_loop3A_364, %parallel_loop3A_365, %parallel_loop3A_366] {strides = array<i32>} : memref<2x64x256xf32, #tpu.memory_space<vmem>>, vector<16xf32>,
      tpu.vector_store %arg9[%parallel_loop3A_364, %parallel_loop3A_365, %parallel_loop3A_366], %parallel_loop3A_362 {strides = array<i32>} : memref<2x64x256xf32, #tpu.memory_space<vmem>>, vector<16xf32>,
      %parallel_loop3A_368 = arith.constant 0 : i32
      %parallel_loop3A_369 = arith.index_cast %parallel_loop3A_368 : i32 to index
      %parallel_loop3A_370 = arith.index_cast %parallel_loop3A_236 : i32 to index
      %parallel_loop3A_371 = arith.constant 96 : index
      %parallel_loop3A_372 = tpu.vector_load %arg8[%parallel_loop3A_369, %parallel_loop3A_370, %parallel_loop3A_371] {strides = array<i32>} : memref<2x64x256xi32, #tpu.memory_space<vmem>>, vector<16xi32>,
      %parallel_loop3A_373 = tpu.vector_load_idx %arg5[%parallel_loop3A_372] : memref<8192xf32, #tpu.memory_space<vmem>>[vector<16xi32>], vector<16xf32>,
      %parallel_loop3A_374 = tpu.vector_load_idx %arg6[%parallel_loop3A_372] : memref<8192xf32, #tpu.memory_space<vmem>>[vector<16xi32>], vector<16xf32>,
      %parallel_loop3A_375 = tpu.vector_load_idx %arg7[%parallel_loop3A_372] : memref<8192xf32, #tpu.memory_space<vmem>>[vector<16xi32>], vector<16xf32>,
      %parallel_loop3A_376 = arith.subf %parallel_loop3A_239, %parallel_loop3A_373 : vector<16xf32>
      %parallel_loop3A_377 = math.absf %parallel_loop3A_376 : vector<16xf32>
      %parallel_loop3A_378 = arith.subf %parallel_loop3A_240, %parallel_loop3A_374 : vector<16xf32>
      %parallel_loop3A_379 = math.absf %parallel_loop3A_378 : vector<16xf32>
      %parallel_loop3A_380 = arith.addf %parallel_loop3A_377, %parallel_loop3A_379 : vector<16xf32>
      %parallel_loop3A_381 = arith.subf %parallel_loop3A_241, %parallel_loop3A_375 : vector<16xf32>
      %parallel_loop3A_382 = math.absf %parallel_loop3A_381 : vector<16xf32>
      %parallel_loop3A_383 = arith.addf %parallel_loop3A_380, %parallel_loop3A_382 : vector<16xf32>
      %parallel_loop3A_384 = arith.constant 0 : i32
      %parallel_loop3A_385 = arith.index_cast %parallel_loop3A_384 : i32 to index
      %parallel_loop3A_386 = arith.index_cast %parallel_loop3A_236 : i32 to index
      %parallel_loop3A_387 = arith.constant 96 : index
      %parallel_loop3A_388 = tpu.vector_load %arg9[%parallel_loop3A_385, %parallel_loop3A_386, %parallel_loop3A_387] {strides = array<i32>} : memref<2x64x256xf32, #tpu.memory_space<vmem>>, vector<16xf32>,
      tpu.vector_store %arg9[%parallel_loop3A_385, %parallel_loop3A_386, %parallel_loop3A_387], %parallel_loop3A_383 {strides = array<i32>} : memref<2x64x256xf32, #tpu.memory_space<vmem>>, vector<16xf32>,
      %parallel_loop3A_389 = arith.constant 0 : i32
      %parallel_loop3A_390 = arith.index_cast %parallel_loop3A_389 : i32 to index
      %parallel_loop3A_391 = arith.index_cast %parallel_loop3A_236 : i32 to index
      %parallel_loop3A_392 = arith.constant 112 : index
      %parallel_loop3A_393 = tpu.vector_load %arg8[%parallel_loop3A_390, %parallel_loop3A_391, %parallel_loop3A_392] {strides = array<i32>} : memref<2x64x256xi32, #tpu.memory_space<vmem>>, vector<16xi32>,
      %parallel_loop3A_394 = tpu.vector_load_idx %arg5[%parallel_loop3A_393] : memref<8192xf32, #tpu.memory_space<vmem>>[vector<16xi32>], vector<16xf32>,
      %parallel_loop3A_395 = tpu.vector_load_idx %arg6[%parallel_loop3A_393] : memref<8192xf32, #tpu.memory_space<vmem>>[vector<16xi32>], vector<16xf32>,
      %parallel_loop3A_396 = tpu.vector_load_idx %arg7[%parallel_loop3A_393] : memref<8192xf32, #tpu.memory_space<vmem>>[vector<16xi32>], vector<16xf32>,
      %parallel_loop3A_397 = arith.subf %parallel_loop3A_239, %parallel_loop3A_394 : vector<16xf32>
      %parallel_loop3A_398 = math.absf %parallel_loop3A_397 : vector<16xf32>
      %parallel_loop3A_399 = arith.subf %parallel_loop3A_240, %parallel_loop3A_395 : vector<16xf32>
      %parallel_loop3A_400 = math.absf %parallel_loop3A_399 : vector<16xf32>
      %parallel_loop3A_401 = arith.addf %parallel_loop3A_398, %parallel_loop3A_400 : vector<16xf32>
      %parallel_loop3A_402 = arith.subf %parallel_loop3A_241, %parallel_loop3A_396 : vector<16xf32>
      %parallel_loop3A_403 = math.absf %parallel_loop3A_402 : vector<16xf32>
      %parallel_loop3A_404 = arith.addf %parallel_loop3A_401, %parallel_loop3A_403 : vector<16xf32>
      %parallel_loop3A_405 = arith.constant 0 : i32
      %parallel_loop3A_406 = arith.index_cast %parallel_loop3A_405 : i32 to index
      %parallel_loop3A_407 = arith.index_cast %parallel_loop3A_236 : i32 to index
      %parallel_loop3A_408 = arith.constant 112 : index
      %parallel_loop3A_409 = tpu.vector_load %arg9[%parallel_loop3A_406, %parallel_loop3A_407, %parallel_loop3A_408] {strides = array<i32>} : memref<2x64x256xf32, #tpu.memory_space<vmem>>, vector<16xf32>,
      tpu.vector_store %arg9[%parallel_loop3A_406, %parallel_loop3A_407, %parallel_loop3A_408], %parallel_loop3A_404 {strides = array<i32>} : memref<2x64x256xf32, #tpu.memory_space<vmem>>, vector<16xf32>,
      %parallel_loop3A_410 = arith.constant 0 : i32
      %parallel_loop3A_411 = arith.index_cast %parallel_loop3A_410 : i32 to index
      %parallel_loop3A_412 = arith.index_cast %parallel_loop3A_236 : i32 to index
      %parallel_loop3A_413 = arith.constant 128 : index
      %parallel_loop3A_414 = tpu.vector_load %arg8[%parallel_loop3A_411, %parallel_loop3A_412, %parallel_loop3A_413] {strides = array<i32>} : memref<2x64x256xi32, #tpu.memory_space<vmem>>, vector<16xi32>,
      %parallel_loop3A_415 = tpu.vector_load_idx %arg5[%parallel_loop3A_414] : memref<8192xf32, #tpu.memory_space<vmem>>[vector<16xi32>], vector<16xf32>,
      %parallel_loop3A_416 = tpu.vector_load_idx %arg6[%parallel_loop3A_414] : memref<8192xf32, #tpu.memory_space<vmem>>[vector<16xi32>], vector<16xf32>,
      %parallel_loop3A_417 = tpu.vector_load_idx %arg7[%parallel_loop3A_414] : memref<8192xf32, #tpu.memory_space<vmem>>[vector<16xi32>], vector<16xf32>,
      %parallel_loop3A_418 = arith.subf %parallel_loop3A_239, %parallel_loop3A_415 : vector<16xf32>
      %parallel_loop3A_419 = math.absf %parallel_loop3A_418 : vector<16xf32>
      %parallel_loop3A_420 = arith.subf %parallel_loop3A_240, %parallel_loop3A_416 : vector<16xf32>
      %parallel_loop3A_421 = math.absf %parallel_loop3A_420 : vector<16xf32>
      %parallel_loop3A_422 = arith.addf %parallel_loop3A_419, %parallel_loop3A_421 : vector<16xf32>
      %parallel_loop3A_423 = arith.subf %parallel_loop3A_241, %parallel_loop3A_417 : vector<16xf32>
      %parallel_loop3A_424 = math.absf %parallel_loop3A_423 : vector<16xf32>
      %parallel_loop3A_425 = arith.addf %parallel_loop3A_422, %parallel_loop3A_424 : vector<16xf32>
      %parallel_loop3A_426 = arith.constant 0 : i32
      %parallel_loop3A_427 = arith.index_cast %parallel_loop3A_426 : i32 to index
      %parallel_loop3A_428 = arith.index_cast %parallel_loop3A_236 : i32 to index
      %parallel_loop3A_429 = arith.constant 128 : index
      %parallel_loop3A_430 = tpu.vector_load %arg9[%parallel_loop3A_427, %parallel_loop3A_428, %parallel_loop3A_429] {strides = array<i32>} : memref<2x64x256xf32, #tpu.memory_space<vmem>>, vector<16xf32>,
      tpu.vector_store %arg9[%parallel_loop3A_427, %parallel_loop3A_428, %parallel_loop3A_429], %parallel_loop3A_425 {strides = array<i32>} : memref<2x64x256xf32, #tpu.memory_space<vmem>>, vector<16xf32>,
      %parallel_loop3A_431 = arith.constant 0 : i32
      %parallel_loop3A_432 = arith.index_cast %parallel_loop3A_431 : i32 to index
      %parallel_loop3A_433 = arith.index_cast %parallel_loop3A_236 : i32 to index
      %parallel_loop3A_434 = arith.constant 144 : index
      %parallel_loop3A_435 = tpu.vector_load %arg8[%parallel_loop3A_432, %parallel_loop3A_433, %parallel_loop3A_434] {strides = array<i32>} : memref<2x64x256xi32, #tpu.memory_space<vmem>>, vector<16xi32>,
      %parallel_loop3A_436 = tpu.vector_load_idx %arg5[%parallel_loop3A_435] : memref<8192xf32, #tpu.memory_space<vmem>>[vector<16xi32>], vector<16xf32>,
      %parallel_loop3A_437 = tpu.vector_load_idx %arg6[%parallel_loop3A_435] : memref<8192xf32, #tpu.memory_space<vmem>>[vector<16xi32>], vector<16xf32>,
      %parallel_loop3A_438 = tpu.vector_load_idx %arg7[%parallel_loop3A_435] : memref<8192xf32, #tpu.memory_space<vmem>>[vector<16xi32>], vector<16xf32>,
      %parallel_loop3A_439 = arith.subf %parallel_loop3A_239, %parallel_loop3A_436 : vector<16xf32>
      %parallel_loop3A_440 = math.absf %parallel_loop3A_439 : vector<16xf32>
      %parallel_loop3A_441 = arith.subf %parallel_loop3A_240, %parallel_loop3A_437 : vector<16xf32>
      %parallel_loop3A_442 = math.absf %parallel_loop3A_441 : vector<16xf32>
      %parallel_loop3A_443 = arith.addf %parallel_loop3A_440, %parallel_loop3A_442 : vector<16xf32>
      %parallel_loop3A_444 = arith.subf %parallel_loop3A_241, %parallel_loop3A_438 : vector<16xf32>
      %parallel_loop3A_445 = math.absf %parallel_loop3A_444 : vector<16xf32>
      %parallel_loop3A_446 = arith.addf %parallel_loop3A_443, %parallel_loop3A_445 : vector<16xf32>
      %parallel_loop3A_447 = arith.constant 0 : i32
      %parallel_loop3A_448 = arith.index_cast %parallel_loop3A_447 : i32 to index
      %parallel_loop3A_449 = arith.index_cast %parallel_loop3A_236 : i32 to index
      %parallel_loop3A_450 = arith.constant 144 : index
      %parallel_loop3A_451 = tpu.vector_load %arg9[%parallel_loop3A_448, %parallel_loop3A_449, %parallel_loop3A_450] {strides = array<i32>} : memref<2x64x256xf32, #tpu.memory_space<vmem>>, vector<16xf32>,
      tpu.vector_store %arg9[%parallel_loop3A_448, %parallel_loop3A_449, %parallel_loop3A_450], %parallel_loop3A_446 {strides = array<i32>} : memref<2x64x256xf32, #tpu.memory_space<vmem>>, vector<16xf32>,
      %parallel_loop3A_452 = arith.constant 0 : i32
      %parallel_loop3A_453 = arith.index_cast %parallel_loop3A_452 : i32 to index
      %parallel_loop3A_454 = arith.index_cast %parallel_loop3A_236 : i32 to index
      %parallel_loop3A_455 = arith.constant 160 : index
      %parallel_loop3A_456 = tpu.vector_load %arg8[%parallel_loop3A_453, %parallel_loop3A_454, %parallel_loop3A_455] {strides = array<i32>} : memref<2x64x256xi32, #tpu.memory_space<vmem>>, vector<16xi32>,
      %parallel_loop3A_457 = tpu.vector_load_idx %arg5[%parallel_loop3A_456] : memref<8192xf32, #tpu.memory_space<vmem>>[vector<16xi32>], vector<16xf32>,
      %parallel_loop3A_458 = tpu.vector_load_idx %arg6[%parallel_loop3A_456] : memref<8192xf32, #tpu.memory_space<vmem>>[vector<16xi32>], vector<16xf32>,
      %parallel_loop3A_459 = tpu.vector_load_idx %arg7[%parallel_loop3A_456] : memref<8192xf32, #tpu.memory_space<vmem>>[vector<16xi32>], vector<16xf32>,
      %parallel_loop3A_460 = arith.subf %parallel_loop3A_239, %parallel_loop3A_457 : vector<16xf32>
      %parallel_loop3A_461 = math.absf %parallel_loop3A_460 : vector<16xf32>
      %parallel_loop3A_462 = arith.subf %parallel_loop3A_240, %parallel_loop3A_458 : vector<16xf32>
      %parallel_loop3A_463 = math.absf %parallel_loop3A_462 : vector<16xf32>
      %parallel_loop3A_464 = arith.addf %parallel_loop3A_461, %parallel_loop3A_463 : vector<16xf32>
      %parallel_loop3A_465 = arith.subf %parallel_loop3A_241, %parallel_loop3A_459 : vector<16xf32>
      %parallel_loop3A_466 = math.absf %parallel_loop3A_465 : vector<16xf32>
      %parallel_loop3A_467 = arith.addf %parallel_loop3A_464, %parallel_loop3A_466 : vector<16xf32>
      %parallel_loop3A_468 = arith.constant 0 : i32
      %parallel_loop3A_469 = arith.index_cast %parallel_loop3A_468 : i32 to index
      %parallel_loop3A_470 = arith.index_cast %parallel_loop3A_236 : i32 to index
      %parallel_loop3A_471 = arith.constant 160 : index
      %parallel_loop3A_472 = tpu.vector_load %arg9[%parallel_loop3A_469, %parallel_loop3A_470, %parallel_loop3A_471] {strides = array<i32>} : memref<2x64x256xf32, #tpu.memory_space<vmem>>, vector<16xf32>,
      tpu.vector_store %arg9[%parallel_loop3A_469, %parallel_loop3A_470, %parallel_loop3A_471], %parallel_loop3A_467 {strides = array<i32>} : memref<2x64x256xf32, #tpu.memory_space<vmem>>, vector<16xf32>,
      %parallel_loop3A_473 = arith.constant 0 : i32
      %parallel_loop3A_474 = arith.index_cast %parallel_loop3A_473 : i32 to index
      %parallel_loop3A_475 = arith.index_cast %parallel_loop3A_236 : i32 to index
      %parallel_loop3A_476 = arith.constant 176 : index
      %parallel_loop3A_477 = tpu.vector_load %arg8[%parallel_loop3A_474, %parallel_loop3A_475, %parallel_loop3A_476] {strides = array<i32>} : memref<2x64x256xi32, #tpu.memory_space<vmem>>, vector<16xi32>,
      %parallel_loop3A_478 = tpu.vector_load_idx %arg5[%parallel_loop3A_477] : memref<8192xf32, #tpu.memory_space<vmem>>[vector<16xi32>], vector<16xf32>,
      %parallel_loop3A_479 = tpu.vector_load_idx %arg6[%parallel_loop3A_477] : memref<8192xf32, #tpu.memory_space<vmem>>[vector<16xi32>], vector<16xf32>,
      %parallel_loop3A_480 = tpu.vector_load_idx %arg7[%parallel_loop3A_477] : memref<8192xf32, #tpu.memory_space<vmem>>[vector<16xi32>], vector<16xf32>,
      %parallel_loop3A_481 = arith.subf %parallel_loop3A_239, %parallel_loop3A_478 : vector<16xf32>
      %parallel_loop3A_482 = math.absf %parallel_loop3A_481 : vector<16xf32>
      %parallel_loop3A_483 = arith.subf %parallel_loop3A_240, %parallel_loop3A_479 : vector<16xf32>
      %parallel_loop3A_484 = math.absf %parallel_loop3A_483 : vector<16xf32>
      %parallel_loop3A_485 = arith.addf %parallel_loop3A_482, %parallel_loop3A_484 : vector<16xf32>
      %parallel_loop3A_486 = arith.subf %parallel_loop3A_241, %parallel_loop3A_480 : vector<16xf32>
      %parallel_loop3A_487 = math.absf %parallel_loop3A_486 : vector<16xf32>
      %parallel_loop3A_488 = arith.addf %parallel_loop3A_485, %parallel_loop3A_487 : vector<16xf32>
      %parallel_loop3A_489 = arith.constant 0 : i32
      %parallel_loop3A_490 = arith.index_cast %parallel_loop3A_489 : i32 to index
      %parallel_loop3A_491 = arith.index_cast %parallel_loop3A_236 : i32 to index
      %parallel_loop3A_492 = arith.constant 176 : index
      %parallel_loop3A_493 = tpu.vector_load %arg9[%parallel_loop3A_490, %parallel_loop3A_491, %parallel_loop3A_492] {strides = array<i32>} : memref<2x64x256xf32, #tpu.memory_space<vmem>>, vector<16xf32>,
      tpu.vector_store %arg9[%parallel_loop3A_490, %parallel_loop3A_491, %parallel_loop3A_492], %parallel_loop3A_488 {strides = array<i32>} : memref<2x64x256xf32, #tpu.memory_space<vmem>>, vector<16xf32>,
      %parallel_loop3A_494 = arith.constant 0 : i32
      %parallel_loop3A_495 = arith.index_cast %parallel_loop3A_494 : i32 to index
      %parallel_loop3A_496 = arith.index_cast %parallel_loop3A_236 : i32 to index
      %parallel_loop3A_497 = arith.constant 192 : index
      %parallel_loop3A_498 = tpu.vector_load %arg8[%parallel_loop3A_495, %parallel_loop3A_496, %parallel_loop3A_497] {strides = array<i32>} : memref<2x64x256xi32, #tpu.memory_space<vmem>>, vector<16xi32>,
      %parallel_loop3A_499 = tpu.vector_load_idx %arg5[%parallel_loop3A_498] : memref<8192xf32, #tpu.memory_space<vmem>>[vector<16xi32>], vector<16xf32>,
      %parallel_loop3A_500 = tpu.vector_load_idx %arg6[%parallel_loop3A_498] : memref<8192xf32, #tpu.memory_space<vmem>>[vector<16xi32>], vector<16xf32>,
      %parallel_loop3A_501 = tpu.vector_load_idx %arg7[%parallel_loop3A_498] : memref<8192xf32, #tpu.memory_space<vmem>>[vector<16xi32>], vector<16xf32>,
      %parallel_loop3A_502 = arith.subf %parallel_loop3A_239, %parallel_loop3A_499 : vector<16xf32>
      %parallel_loop3A_503 = math.absf %parallel_loop3A_502 : vector<16xf32>
      %parallel_loop3A_504 = arith.subf %parallel_loop3A_240, %parallel_loop3A_500 : vector<16xf32>
      %parallel_loop3A_505 = math.absf %parallel_loop3A_504 : vector<16xf32>
      %parallel_loop3A_506 = arith.addf %parallel_loop3A_503, %parallel_loop3A_505 : vector<16xf32>
      %parallel_loop3A_507 = arith.subf %parallel_loop3A_241, %parallel_loop3A_501 : vector<16xf32>
      %parallel_loop3A_508 = math.absf %parallel_loop3A_507 : vector<16xf32>
      %parallel_loop3A_509 = arith.addf %parallel_loop3A_506, %parallel_loop3A_508 : vector<16xf32>
      %parallel_loop3A_510 = arith.constant 0 : i32
      %parallel_loop3A_511 = arith.index_cast %parallel_loop3A_510 : i32 to index
      %parallel_loop3A_512 = arith.index_cast %parallel_loop3A_236 : i32 to index
      %parallel_loop3A_513 = arith.constant 192 : index
      %parallel_loop3A_514 = tpu.vector_load %arg9[%parallel_loop3A_511, %parallel_loop3A_512, %parallel_loop3A_513] {strides = array<i32>} : memref<2x64x256xf32, #tpu.memory_space<vmem>>, vector<16xf32>,
      tpu.vector_store %arg9[%parallel_loop3A_511, %parallel_loop3A_512, %parallel_loop3A_513], %parallel_loop3A_509 {strides = array<i32>} : memref<2x64x256xf32, #tpu.memory_space<vmem>>, vector<16xf32>,
      %parallel_loop3A_515 = arith.constant 0 : i32
      %parallel_loop3A_516 = arith.index_cast %parallel_loop3A_515 : i32 to index
      %parallel_loop3A_517 = arith.index_cast %parallel_loop3A_236 : i32 to index
      %parallel_loop3A_518 = arith.constant 208 : index
      %parallel_loop3A_519 = tpu.vector_load %arg8[%parallel_loop3A_516, %parallel_loop3A_517, %parallel_loop3A_518] {strides = array<i32>} : memref<2x64x256xi32, #tpu.memory_space<vmem>>, vector<16xi32>,
      %parallel_loop3A_520 = tpu.vector_load_idx %arg5[%parallel_loop3A_519] : memref<8192xf32, #tpu.memory_space<vmem>>[vector<16xi32>], vector<16xf32>,
      %parallel_loop3A_521 = tpu.vector_load_idx %arg6[%parallel_loop3A_519] : memref<8192xf32, #tpu.memory_space<vmem>>[vector<16xi32>], vector<16xf32>,
      %parallel_loop3A_522 = tpu.vector_load_idx %arg7[%parallel_loop3A_519] : memref<8192xf32, #tpu.memory_space<vmem>>[vector<16xi32>], vector<16xf32>,
      %parallel_loop3A_523 = arith.subf %parallel_loop3A_239, %parallel_loop3A_520 : vector<16xf32>
      %parallel_loop3A_524 = math.absf %parallel_loop3A_523 : vector<16xf32>
      %parallel_loop3A_525 = arith.subf %parallel_loop3A_240, %parallel_loop3A_521 : vector<16xf32>
      %parallel_loop3A_526 = math.absf %parallel_loop3A_525 : vector<16xf32>
      %parallel_loop3A_527 = arith.addf %parallel_loop3A_524, %parallel_loop3A_526 : vector<16xf32>
      %parallel_loop3A_528 = arith.subf %parallel_loop3A_241, %parallel_loop3A_522 : vector<16xf32>
      %parallel_loop3A_529 = math.absf %parallel_loop3A_528 : vector<16xf32>
      %parallel_loop3A_530 = arith.addf %parallel_loop3A_527, %parallel_loop3A_529 : vector<16xf32>
      %parallel_loop3A_531 = arith.constant 0 : i32
      %parallel_loop3A_532 = arith.index_cast %parallel_loop3A_531 : i32 to index
      %parallel_loop3A_533 = arith.index_cast %parallel_loop3A_236 : i32 to index
      %parallel_loop3A_534 = arith.constant 208 : index
      %parallel_loop3A_535 = tpu.vector_load %arg9[%parallel_loop3A_532, %parallel_loop3A_533, %parallel_loop3A_534] {strides = array<i32>} : memref<2x64x256xf32, #tpu.memory_space<vmem>>, vector<16xf32>,
      tpu.vector_store %arg9[%parallel_loop3A_532, %parallel_loop3A_533, %parallel_loop3A_534], %parallel_loop3A_530 {strides = array<i32>} : memref<2x64x256xf32, #tpu.memory_space<vmem>>, vector<16xf32>,
      %parallel_loop3A_536 = arith.constant 0 : i32
      %parallel_loop3A_537 = arith.index_cast %parallel_loop3A_536 : i32 to index
      %parallel_loop3A_538 = arith.index_cast %parallel_loop3A_236 : i32 to index
      %parallel_loop3A_539 = arith.constant 224 : index
      %parallel_loop3A_540 = tpu.vector_load %arg8[%parallel_loop3A_537, %parallel_loop3A_538, %parallel_loop3A_539] {strides = array<i32>} : memref<2x64x256xi32, #tpu.memory_space<vmem>>, vector<16xi32>,
      %parallel_loop3A_541 = tpu.vector_load_idx %arg5[%parallel_loop3A_540] : memref<8192xf32, #tpu.memory_space<vmem>>[vector<16xi32>], vector<16xf32>,
      %parallel_loop3A_542 = tpu.vector_load_idx %arg6[%parallel_loop3A_540] : memref<8192xf32, #tpu.memory_space<vmem>>[vector<16xi32>], vector<16xf32>,
      %parallel_loop3A_543 = tpu.vector_load_idx %arg7[%parallel_loop3A_540] : memref<8192xf32, #tpu.memory_space<vmem>>[vector<16xi32>], vector<16xf32>,
      %parallel_loop3A_544 = arith.subf %parallel_loop3A_239, %parallel_loop3A_541 : vector<16xf32>
      %parallel_loop3A_545 = math.absf %parallel_loop3A_544 : vector<16xf32>
      %parallel_loop3A_546 = arith.subf %parallel_loop3A_240, %parallel_loop3A_542 : vector<16xf32>
      %parallel_loop3A_547 = math.absf %parallel_loop3A_546 : vector<16xf32>
      %parallel_loop3A_548 = arith.addf %parallel_loop3A_545, %parallel_loop3A_547 : vector<16xf32>
      %parallel_loop3A_549 = arith.subf %parallel_loop3A_241, %parallel_loop3A_543 : vector<16xf32>
      %parallel_loop3A_550 = math.absf %parallel_loop3A_549 : vector<16xf32>
      %parallel_loop3A_551 = arith.addf %parallel_loop3A_548, %parallel_loop3A_550 : vector<16xf32>
      %parallel_loop3A_552 = arith.constant 0 : i32
      %parallel_loop3A_553 = arith.index_cast %parallel_loop3A_552 : i32 to index
      %parallel_loop3A_554 = arith.index_cast %parallel_loop3A_236 : i32 to index
      %parallel_loop3A_555 = arith.constant 224 : index
      %parallel_loop3A_556 = tpu.vector_load %arg9[%parallel_loop3A_553, %parallel_loop3A_554, %parallel_loop3A_555] {strides = array<i32>} : memref<2x64x256xf32, #tpu.memory_space<vmem>>, vector<16xf32>,
      tpu.vector_store %arg9[%parallel_loop3A_553, %parallel_loop3A_554, %parallel_loop3A_555], %parallel_loop3A_551 {strides = array<i32>} : memref<2x64x256xf32, #tpu.memory_space<vmem>>, vector<16xf32>,
      %parallel_loop3A_557 = arith.constant 0 : i32
      %parallel_loop3A_558 = arith.index_cast %parallel_loop3A_557 : i32 to index
      %parallel_loop3A_559 = arith.index_cast %parallel_loop3A_236 : i32 to index
      %parallel_loop3A_560 = arith.constant 240 : index
      %parallel_loop3A_561 = tpu.vector_load %arg8[%parallel_loop3A_558, %parallel_loop3A_559, %parallel_loop3A_560] {strides = array<i32>} : memref<2x64x256xi32, #tpu.memory_space<vmem>>, vector<16xi32>,
      %parallel_loop3A_562 = tpu.vector_load_idx %arg5[%parallel_loop3A_561] : memref<8192xf32, #tpu.memory_space<vmem>>[vector<16xi32>], vector<16xf32>,
      %parallel_loop3A_563 = tpu.vector_load_idx %arg6[%parallel_loop3A_561] : memref<8192xf32, #tpu.memory_space<vmem>>[vector<16xi32>], vector<16xf32>,
      %parallel_loop3A_564 = tpu.vector_load_idx %arg7[%parallel_loop3A_561] : memref<8192xf32, #tpu.memory_space<vmem>>[vector<16xi32>], vector<16xf32>,
      %parallel_loop3A_565 = arith.subf %parallel_loop3A_239, %parallel_loop3A_562 : vector<16xf32>
      %parallel_loop3A_566 = math.absf %parallel_loop3A_565 : vector<16xf32>
      %parallel_loop3A_567 = arith.subf %parallel_loop3A_240, %parallel_loop3A_563 : vector<16xf32>
      %parallel_loop3A_568 = math.absf %parallel_loop3A_567 : vector<16xf32>
      %parallel_loop3A_569 = arith.addf %parallel_loop3A_566, %parallel_loop3A_568 : vector<16xf32>
      %parallel_loop3A_570 = arith.subf %parallel_loop3A_241, %parallel_loop3A_564 : vector<16xf32>
      %parallel_loop3A_571 = math.absf %parallel_loop3A_570 : vector<16xf32>
      %parallel_loop3A_572 = arith.addf %parallel_loop3A_569, %parallel_loop3A_571 : vector<16xf32>
      %parallel_loop3A_573 = arith.constant 0 : i32
      %parallel_loop3A_574 = arith.index_cast %parallel_loop3A_573 : i32 to index
      %parallel_loop3A_575 = arith.index_cast %parallel_loop3A_236 : i32 to index
      %parallel_loop3A_576 = arith.constant 240 : index
      %parallel_loop3A_577 = tpu.vector_load %arg9[%parallel_loop3A_574, %parallel_loop3A_575, %parallel_loop3A_576] {strides = array<i32>} : memref<2x64x256xf32, #tpu.memory_space<vmem>>, vector<16xf32>,
      tpu.vector_store %arg9[%parallel_loop3A_574, %parallel_loop3A_575, %parallel_loop3A_576], %parallel_loop3A_572 {strides = array<i32>} : memref<2x64x256xf32, #tpu.memory_space<vmem>>, vector<16xf32>,
    } {sc.loop_unroll_factor = 1 : i64, sc.parallel_access}
    %dma_start3A_48 = arith.constant 0 : i32
    %dma_start3A_49 = arith.constant 0 : i32
    %dma_start3A_50 = arith.constant 0 : i32
    %dma_start3A_51 = tpu.memref_slice %arg9[%dma_start3A_48, %dma_start3A_49, %dma_start3A_50] : memref<2x64x256xf32, #tpu.memory_space<vmem>> -> memref<1x64x256xf32, #tpu.memory_space<vmem>>
    %dma_start3A_52 = tpu.memref_squeeze %dma_start3A_51 : memref<1x64x256xf32, #tpu.memory_space<vmem>> -> memref<64x256xf32, #tpu.memory_space<vmem>>
    %dma_start3A_53 = arith.constant 0 : i32
    %dma_start3A_54 = tpu.memref_slice %arg4[%add3A_45, %dma_start3A_53] : memref<8192x256xf32, #tpu.memory_space<hbm>> -> memref<64x256xf32, #tpu.memory_space<hbm>>
    %dma_start3A_55 = arith.constant 0 : i32
    %dma_start3A_56 = tpu.memref_slice %arg4[%add3A_45, %dma_start3A_55] : memref<8192x256xf32, #tpu.memory_space<hbm>> -> memref<64x256xf32, #tpu.memory_space<hbm>>
    %dma_start3A_57 = arith.constant 0 : i32
    %dma_start3A_58 = arith.constant 0 : i32
    %dma_start3A_59 = tpu.memref_slice %arg9[%dma_start3A_48, %dma_start3A_57, %dma_start3A_58] : memref<2x64x256xf32, #tpu.memory_space<vmem>> -> memref<1x64x256xf32, #tpu.memory_space<vmem>>
    %dma_start3A_60 = tpu.memref_squeeze %dma_start3A_59 : memref<1x64x256xf32, #tpu.memory_space<vmem>> -> memref<64x256xf32, #tpu.memory_space<vmem>>
    tpu.enqueue_dma source(%dma_start3A_60 : memref<64x256xf32, #tpu.memory_space<vmem>>) target(%dma_start3A_56 : memref<64x256xf32, #tpu.memory_space<hbm>>) target_semaphore(%arg12 : memref<!tpu.dma_semaphore, #tpu.memory_space<semaphore_mem>>)
    %add3A_61 = arith.constant 128 : i32
    %add3A_62 = arith.addi %mul3A_2, %add3A_61 : i32
    %dma_start3A_63 = arith.constant 0 : i32
    %dma_start3A_64 = arith.constant 0 : i32
    %dma_start3A_65 = arith.constant 0 : i32
    %dma_start3A_66 = tpu.memref_slice %arg8[%dma_start3A_63, %dma_start3A_64, %dma_start3A_65] : memref<2x64x256xi32, #tpu.memory_space<vmem>> -> memref<1x64x256xi32, #tpu.memory_space<vmem>>
    %dma_start3A_67 = tpu.memref_squeeze %dma_start3A_66 : memref<1x64x256xi32, #tpu.memory_space<vmem>> -> memref<64x256xi32, #tpu.memory_space<vmem>>
    %dma_start3A_68 = arith.constant 0 : i32
    %dma_start3A_69 = tpu.memref_slice %arg3[%add3A_62, %dma_start3A_68] : memref<8192x256xi32, #tpu.memory_space<hbm>> -> memref<64x256xi32, #tpu.memory_space<hbm>>
    %dma_start3A_70 = arith.constant 0 : i32
    %dma_start3A_71 = arith.constant 0 : i32
    %dma_start3A_72 = tpu.memref_slice %arg8[%dma_start3A_63, %dma_start3A_70, %dma_start3A_71] : memref<2x64x256xi32, #tpu.memory_space<vmem>> -> memref<1x64x256xi32, #tpu.memory_space<vmem>>
    %dma_start3A_73 = tpu.memref_squeeze %dma_start3A_72 : memref<1x64x256xi32, #tpu.memory_space<vmem>> -> memref<64x256xi32, #tpu.memory_space<vmem>>
    %dma_start3A_74 = arith.constant 0 : i32
    %dma_start3A_75 = tpu.memref_slice %arg3[%add3A_62, %dma_start3A_74] : memref<8192x256xi32, #tpu.memory_space<hbm>> -> memref<64x256xi32, #tpu.memory_space<hbm>>
    tpu.enqueue_dma source(%dma_start3A_75 : memref<64x256xi32, #tpu.memory_space<hbm>>) target(%dma_start3A_73 : memref<64x256xi32, #tpu.memory_space<vmem>>) target_semaphore(%arg10 : memref<!tpu.dma_semaphore, #tpu.memory_space<semaphore_mem>>)
    %dma_wait3A_76 = arith.constant 1 : i32
    %dma_wait3A_77 = arith.constant 0 : i32
    %dma_wait3A_78 = arith.constant 0 : i32
    %dma_wait3A_79 = tpu.memref_slice %arg8[%dma_wait3A_76, %dma_wait3A_77, %dma_wait3A_78] : memref<2x64x256xi32, #tpu.memory_space<vmem>> -> memref<1x64x256xi32, #tpu.memory_space<vmem>>
    %dma_wait3A_80 = tpu.memref_squeeze %dma_wait3A_79 : memref<1x64x256xi32, #tpu.memory_space<vmem>> -> memref<64x256xi32, #tpu.memory_space<vmem>>
    %dma_wait3A_81 = arith.constant 0 : i32
    %dma_wait3A_82 = tpu.memref_slice %arg3[%add3A_18, %dma_wait3A_81] : memref<8192x256xi32, #tpu.memory_space<hbm>> -> memref<64x256xi32, #tpu.memory_space<hbm>>
    %dma_wait3A_83 = arith.constant 0 : i32
    %dma_wait3A_84 = arith.constant 0 : i32
    %dma_wait3A_85 = tpu.memref_slice %arg8[%dma_wait3A_76, %dma_wait3A_83, %dma_wait3A_84] : memref<2x64x256xi32, #tpu.memory_space<vmem>> -> memref<1x64x256xi32, #tpu.memory_space<vmem>>
    %dma_wait3A_86 = tpu.memref_squeeze %dma_wait3A_85 : memref<1x64x256xi32, #tpu.memory_space<vmem>> -> memref<64x256xi32, #tpu.memory_space<vmem>>
    %dma_wait3A_87 = arith.constant 0 : i32
    %dma_wait3A_88 = tpu.memref_slice %arg3[%add3A_18, %dma_wait3A_87] : memref<8192x256xi32, #tpu.memory_space<hbm>> -> memref<64x256xi32, #tpu.memory_space<hbm>>
    tpu.wait_dma2 semaphore(%arg11 : memref<!tpu.dma_semaphore, #tpu.memory_space<semaphore_mem>>) src(%dma_wait3A_88 : memref<64x256xi32, #tpu.memory_space<hbm>>) dst(%dma_wait3A_86 : memref<64x256xi32, #tpu.memory_space<vmem>>)
    %add3A_89 = arith.constant 64 : i32
    %add3A_90 = arith.addi %mul3A_2, %add3A_89 : i32
    %parallel_loop3A_91 = arith.constant 0 : i32
    %parallel_loop3A_92 = arith.constant 64 : i32
    %parallel_loop3A_93 = arith.constant 1 : i32
    scf.for %parallel_loop3A_236 = %parallel_loop3A_91 to %parallel_loop3A_92 step %parallel_loop3A_93  : i32 {
      %parallel_loop3A_237 = arith.addi %add3A_90, %parallel_loop3A_236 : i32
      %parallel_loop3A_238 = vector.broadcast %parallel_loop3A_237 : i32 to vector<16xi32>
      %parallel_loop3A_239 = tpu.vector_load_idx %arg5[%parallel_loop3A_238] : memref<8192xf32, #tpu.memory_space<vmem>>[vector<16xi32>], vector<16xf32>,
      %parallel_loop3A_240 = tpu.vector_load_idx %arg6[%parallel_loop3A_238] : memref<8192xf32, #tpu.memory_space<vmem>>[vector<16xi32>], vector<16xf32>,
      %parallel_loop3A_241 = tpu.vector_load_idx %arg7[%parallel_loop3A_238] : memref<8192xf32, #tpu.memory_space<vmem>>[vector<16xi32>], vector<16xf32>,
      %parallel_loop3A_242 = arith.constant 1 : i32
      %parallel_loop3A_243 = arith.index_cast %parallel_loop3A_242 : i32 to index
      %parallel_loop3A_244 = arith.index_cast %parallel_loop3A_236 : i32 to index
      %parallel_loop3A_245 = arith.constant 0 : index
      %parallel_loop3A_246 = tpu.vector_load %arg8[%parallel_loop3A_243, %parallel_loop3A_244, %parallel_loop3A_245] {strides = array<i32>} : memref<2x64x256xi32, #tpu.memory_space<vmem>>, vector<16xi32>,
      %parallel_loop3A_247 = tpu.vector_load_idx %arg5[%parallel_loop3A_246] : memref<8192xf32, #tpu.memory_space<vmem>>[vector<16xi32>], vector<16xf32>,
      %parallel_loop3A_248 = tpu.vector_load_idx %arg6[%parallel_loop3A_246] : memref<8192xf32, #tpu.memory_space<vmem>>[vector<16xi32>], vector<16xf32>,
      %parallel_loop3A_249 = tpu.vector_load_idx %arg7[%parallel_loop3A_246] : memref<8192xf32, #tpu.memory_space<vmem>>[vector<16xi32>], vector<16xf32>,
      %parallel_loop3A_250 = arith.subf %parallel_loop3A_239, %parallel_loop3A_247 : vector<16xf32>
      %parallel_loop3A_251 = math.absf %parallel_loop3A_250 : vector<16xf32>
      %parallel_loop3A_252 = arith.subf %parallel_loop3A_240, %parallel_loop3A_248 : vector<16xf32>
      %parallel_loop3A_253 = math.absf %parallel_loop3A_252 : vector<16xf32>
      %parallel_loop3A_254 = arith.addf %parallel_loop3A_251, %parallel_loop3A_253 : vector<16xf32>
      %parallel_loop3A_255 = arith.subf %parallel_loop3A_241, %parallel_loop3A_249 : vector<16xf32>
      %parallel_loop3A_256 = math.absf %parallel_loop3A_255 : vector<16xf32>
      %parallel_loop3A_257 = arith.addf %parallel_loop3A_254, %parallel_loop3A_256 : vector<16xf32>
      %parallel_loop3A_258 = arith.constant 1 : i32
      %parallel_loop3A_259 = arith.index_cast %parallel_loop3A_258 : i32 to index
      %parallel_loop3A_260 = arith.index_cast %parallel_loop3A_236 : i32 to index
      %parallel_loop3A_261 = arith.constant 0 : index
      %parallel_loop3A_262 = tpu.vector_load %arg9[%parallel_loop3A_259, %parallel_loop3A_260, %parallel_loop3A_261] {strides = array<i32>} : memref<2x64x256xf32, #tpu.memory_space<vmem>>, vector<16xf32>,
      tpu.vector_store %arg9[%parallel_loop3A_259, %parallel_loop3A_260, %parallel_loop3A_261], %parallel_loop3A_257 {strides = array<i32>} : memref<2x64x256xf32, #tpu.memory_space<vmem>>, vector<16xf32>,
      %parallel_loop3A_263 = arith.constant 1 : i32
      %parallel_loop3A_264 = arith.index_cast %parallel_loop3A_263 : i32 to index
      %parallel_loop3A_265 = arith.index_cast %parallel_loop3A_236 : i32 to index
      %parallel_loop3A_266 = arith.constant 16 : index
      %parallel_loop3A_267 = tpu.vector_load %arg8[%parallel_loop3A_264, %parallel_loop3A_265, %parallel_loop3A_266] {strides = array<i32>} : memref<2x64x256xi32, #tpu.memory_space<vmem>>, vector<16xi32>,
      %parallel_loop3A_268 = tpu.vector_load_idx %arg5[%parallel_loop3A_267] : memref<8192xf32, #tpu.memory_space<vmem>>[vector<16xi32>], vector<16xf32>,
      %parallel_loop3A_269 = tpu.vector_load_idx %arg6[%parallel_loop3A_267] : memref<8192xf32, #tpu.memory_space<vmem>>[vector<16xi32>], vector<16xf32>,
      %parallel_loop3A_270 = tpu.vector_load_idx %arg7[%parallel_loop3A_267] : memref<8192xf32, #tpu.memory_space<vmem>>[vector<16xi32>], vector<16xf32>,
      %parallel_loop3A_271 = arith.subf %parallel_loop3A_239, %parallel_loop3A_268 : vector<16xf32>
      %parallel_loop3A_272 = math.absf %parallel_loop3A_271 : vector<16xf32>
      %parallel_loop3A_273 = arith.subf %parallel_loop3A_240, %parallel_loop3A_269 : vector<16xf32>
      %parallel_loop3A_274 = math.absf %parallel_loop3A_273 : vector<16xf32>
      %parallel_loop3A_275 = arith.addf %parallel_loop3A_272, %parallel_loop3A_274 : vector<16xf32>
      %parallel_loop3A_276 = arith.subf %parallel_loop3A_241, %parallel_loop3A_270 : vector<16xf32>
      %parallel_loop3A_277 = math.absf %parallel_loop3A_276 : vector<16xf32>
      %parallel_loop3A_278 = arith.addf %parallel_loop3A_275, %parallel_loop3A_277 : vector<16xf32>
      %parallel_loop3A_279 = arith.constant 1 : i32
      %parallel_loop3A_280 = arith.index_cast %parallel_loop3A_279 : i32 to index
      %parallel_loop3A_281 = arith.index_cast %parallel_loop3A_236 : i32 to index
      %parallel_loop3A_282 = arith.constant 16 : index
      %parallel_loop3A_283 = tpu.vector_load %arg9[%parallel_loop3A_280, %parallel_loop3A_281, %parallel_loop3A_282] {strides = array<i32>} : memref<2x64x256xf32, #tpu.memory_space<vmem>>, vector<16xf32>,
      tpu.vector_store %arg9[%parallel_loop3A_280, %parallel_loop3A_281, %parallel_loop3A_282], %parallel_loop3A_278 {strides = array<i32>} : memref<2x64x256xf32, #tpu.memory_space<vmem>>, vector<16xf32>,
      %parallel_loop3A_284 = arith.constant 1 : i32
      %parallel_loop3A_285 = arith.index_cast %parallel_loop3A_284 : i32 to index
      %parallel_loop3A_286 = arith.index_cast %parallel_loop3A_236 : i32 to index
      %parallel_loop3A_287 = arith.constant 32 : index
      %parallel_loop3A_288 = tpu.vector_load %arg8[%parallel_loop3A_285, %parallel_loop3A_286, %parallel_loop3A_287] {strides = array<i32>} : memref<2x64x256xi32, #tpu.memory_space<vmem>>, vector<16xi32>,
      %parallel_loop3A_289 = tpu.vector_load_idx %arg5[%parallel_loop3A_288] : memref<8192xf32, #tpu.memory_space<vmem>>[vector<16xi32>], vector<16xf32>,
      %parallel_loop3A_290 = tpu.vector_load_idx %arg6[%parallel_loop3A_288] : memref<8192xf32, #tpu.memory_space<vmem>>[vector<16xi32>], vector<16xf32>,
      %parallel_loop3A_291 = tpu.vector_load_idx %arg7[%parallel_loop3A_288] : memref<8192xf32, #tpu.memory_space<vmem>>[vector<16xi32>], vector<16xf32>,
      %parallel_loop3A_292 = arith.subf %parallel_loop3A_239, %parallel_loop3A_289 : vector<16xf32>
      %parallel_loop3A_293 = math.absf %parallel_loop3A_292 : vector<16xf32>
      %parallel_loop3A_294 = arith.subf %parallel_loop3A_240, %parallel_loop3A_290 : vector<16xf32>
      %parallel_loop3A_295 = math.absf %parallel_loop3A_294 : vector<16xf32>
      %parallel_loop3A_296 = arith.addf %parallel_loop3A_293, %parallel_loop3A_295 : vector<16xf32>
      %parallel_loop3A_297 = arith.subf %parallel_loop3A_241, %parallel_loop3A_291 : vector<16xf32>
      %parallel_loop3A_298 = math.absf %parallel_loop3A_297 : vector<16xf32>
      %parallel_loop3A_299 = arith.addf %parallel_loop3A_296, %parallel_loop3A_298 : vector<16xf32>
      %parallel_loop3A_300 = arith.constant 1 : i32
      %parallel_loop3A_301 = arith.index_cast %parallel_loop3A_300 : i32 to index
      %parallel_loop3A_302 = arith.index_cast %parallel_loop3A_236 : i32 to index
      %parallel_loop3A_303 = arith.constant 32 : index
      %parallel_loop3A_304 = tpu.vector_load %arg9[%parallel_loop3A_301, %parallel_loop3A_302, %parallel_loop3A_303] {strides = array<i32>} : memref<2x64x256xf32, #tpu.memory_space<vmem>>, vector<16xf32>,
      tpu.vector_store %arg9[%parallel_loop3A_301, %parallel_loop3A_302, %parallel_loop3A_303], %parallel_loop3A_299 {strides = array<i32>} : memref<2x64x256xf32, #tpu.memory_space<vmem>>, vector<16xf32>,
      %parallel_loop3A_305 = arith.constant 1 : i32
      %parallel_loop3A_306 = arith.index_cast %parallel_loop3A_305 : i32 to index
      %parallel_loop3A_307 = arith.index_cast %parallel_loop3A_236 : i32 to index
      %parallel_loop3A_308 = arith.constant 48 : index
      %parallel_loop3A_309 = tpu.vector_load %arg8[%parallel_loop3A_306, %parallel_loop3A_307, %parallel_loop3A_308] {strides = array<i32>} : memref<2x64x256xi32, #tpu.memory_space<vmem>>, vector<16xi32>,
      %parallel_loop3A_310 = tpu.vector_load_idx %arg5[%parallel_loop3A_309] : memref<8192xf32, #tpu.memory_space<vmem>>[vector<16xi32>], vector<16xf32>,
      %parallel_loop3A_311 = tpu.vector_load_idx %arg6[%parallel_loop3A_309] : memref<8192xf32, #tpu.memory_space<vmem>>[vector<16xi32>], vector<16xf32>,
      %parallel_loop3A_312 = tpu.vector_load_idx %arg7[%parallel_loop3A_309] : memref<8192xf32, #tpu.memory_space<vmem>>[vector<16xi32>], vector<16xf32>,
      %parallel_loop3A_313 = arith.subf %parallel_loop3A_239, %parallel_loop3A_310 : vector<16xf32>
      %parallel_loop3A_314 = math.absf %parallel_loop3A_313 : vector<16xf32>
      %parallel_loop3A_315 = arith.subf %parallel_loop3A_240, %parallel_loop3A_311 : vector<16xf32>
      %parallel_loop3A_316 = math.absf %parallel_loop3A_315 : vector<16xf32>
      %parallel_loop3A_317 = arith.addf %parallel_loop3A_314, %parallel_loop3A_316 : vector<16xf32>
      %parallel_loop3A_318 = arith.subf %parallel_loop3A_241, %parallel_loop3A_312 : vector<16xf32>
      %parallel_loop3A_319 = math.absf %parallel_loop3A_318 : vector<16xf32>
      %parallel_loop3A_320 = arith.addf %parallel_loop3A_317, %parallel_loop3A_319 : vector<16xf32>
      %parallel_loop3A_321 = arith.constant 1 : i32
      %parallel_loop3A_322 = arith.index_cast %parallel_loop3A_321 : i32 to index
      %parallel_loop3A_323 = arith.index_cast %parallel_loop3A_236 : i32 to index
      %parallel_loop3A_324 = arith.constant 48 : index
      %parallel_loop3A_325 = tpu.vector_load %arg9[%parallel_loop3A_322, %parallel_loop3A_323, %parallel_loop3A_324] {strides = array<i32>} : memref<2x64x256xf32, #tpu.memory_space<vmem>>, vector<16xf32>,
      tpu.vector_store %arg9[%parallel_loop3A_322, %parallel_loop3A_323, %parallel_loop3A_324], %parallel_loop3A_320 {strides = array<i32>} : memref<2x64x256xf32, #tpu.memory_space<vmem>>, vector<16xf32>,
      %parallel_loop3A_326 = arith.constant 1 : i32
      %parallel_loop3A_327 = arith.index_cast %parallel_loop3A_326 : i32 to index
      %parallel_loop3A_328 = arith.index_cast %parallel_loop3A_236 : i32 to index
      %parallel_loop3A_329 = arith.constant 64 : index
      %parallel_loop3A_330 = tpu.vector_load %arg8[%parallel_loop3A_327, %parallel_loop3A_328, %parallel_loop3A_329] {strides = array<i32>} : memref<2x64x256xi32, #tpu.memory_space<vmem>>, vector<16xi32>,
      %parallel_loop3A_331 = tpu.vector_load_idx %arg5[%parallel_loop3A_330] : memref<8192xf32, #tpu.memory_space<vmem>>[vector<16xi32>], vector<16xf32>,
      %parallel_loop3A_332 = tpu.vector_load_idx %arg6[%parallel_loop3A_330] : memref<8192xf32, #tpu.memory_space<vmem>>[vector<16xi32>], vector<16xf32>,
      %parallel_loop3A_333 = tpu.vector_load_idx %arg7[%parallel_loop3A_330] : memref<8192xf32, #tpu.memory_space<vmem>>[vector<16xi32>], vector<16xf32>,
      %parallel_loop3A_334 = arith.subf %parallel_loop3A_239, %parallel_loop3A_331 : vector<16xf32>
      %parallel_loop3A_335 = math.absf %parallel_loop3A_334 : vector<16xf32>
      %parallel_loop3A_336 = arith.subf %parallel_loop3A_240, %parallel_loop3A_332 : vector<16xf32>
      %parallel_loop3A_337 = math.absf %parallel_loop3A_336 : vector<16xf32>
      %parallel_loop3A_338 = arith.addf %parallel_loop3A_335, %parallel_loop3A_337 : vector<16xf32>
      %parallel_loop3A_339 = arith.subf %parallel_loop3A_241, %parallel_loop3A_333 : vector<16xf32>
      %parallel_loop3A_340 = math.absf %parallel_loop3A_339 : vector<16xf32>
      %parallel_loop3A_341 = arith.addf %parallel_loop3A_338, %parallel_loop3A_340 : vector<16xf32>
      %parallel_loop3A_342 = arith.constant 1 : i32
      %parallel_loop3A_343 = arith.index_cast %parallel_loop3A_342 : i32 to index
      %parallel_loop3A_344 = arith.index_cast %parallel_loop3A_236 : i32 to index
      %parallel_loop3A_345 = arith.constant 64 : index
      %parallel_loop3A_346 = tpu.vector_load %arg9[%parallel_loop3A_343, %parallel_loop3A_344, %parallel_loop3A_345] {strides = array<i32>} : memref<2x64x256xf32, #tpu.memory_space<vmem>>, vector<16xf32>,
      tpu.vector_store %arg9[%parallel_loop3A_343, %parallel_loop3A_344, %parallel_loop3A_345], %parallel_loop3A_341 {strides = array<i32>} : memref<2x64x256xf32, #tpu.memory_space<vmem>>, vector<16xf32>,
      %parallel_loop3A_347 = arith.constant 1 : i32
      %parallel_loop3A_348 = arith.index_cast %parallel_loop3A_347 : i32 to index
      %parallel_loop3A_349 = arith.index_cast %parallel_loop3A_236 : i32 to index
      %parallel_loop3A_350 = arith.constant 80 : index
      %parallel_loop3A_351 = tpu.vector_load %arg8[%parallel_loop3A_348, %parallel_loop3A_349, %parallel_loop3A_350] {strides = array<i32>} : memref<2x64x256xi32, #tpu.memory_space<vmem>>, vector<16xi32>,
      %parallel_loop3A_352 = tpu.vector_load_idx %arg5[%parallel_loop3A_351] : memref<8192xf32, #tpu.memory_space<vmem>>[vector<16xi32>], vector<16xf32>,
      %parallel_loop3A_353 = tpu.vector_load_idx %arg6[%parallel_loop3A_351] : memref<8192xf32, #tpu.memory_space<vmem>>[vector<16xi32>], vector<16xf32>,
      %parallel_loop3A_354 = tpu.vector_load_idx %arg7[%parallel_loop3A_351] : memref<8192xf32, #tpu.memory_space<vmem>>[vector<16xi32>], vector<16xf32>,
      %parallel_loop3A_355 = arith.subf %parallel_loop3A_239, %parallel_loop3A_352 : vector<16xf32>
      %parallel_loop3A_356 = math.absf %parallel_loop3A_355 : vector<16xf32>
      %parallel_loop3A_357 = arith.subf %parallel_loop3A_240, %parallel_loop3A_353 : vector<16xf32>
      %parallel_loop3A_358 = math.absf %parallel_loop3A_357 : vector<16xf32>
      %parallel_loop3A_359 = arith.addf %parallel_loop3A_356, %parallel_loop3A_358 : vector<16xf32>
      %parallel_loop3A_360 = arith.subf %parallel_loop3A_241, %parallel_loop3A_354 : vector<16xf32>
      %parallel_loop3A_361 = math.absf %parallel_loop3A_360 : vector<16xf32>
      %parallel_loop3A_362 = arith.addf %parallel_loop3A_359, %parallel_loop3A_361 : vector<16xf32>
      %parallel_loop3A_363 = arith.constant 1 : i32
      %parallel_loop3A_364 = arith.index_cast %parallel_loop3A_363 : i32 to index
      %parallel_loop3A_365 = arith.index_cast %parallel_loop3A_236 : i32 to index
      %parallel_loop3A_366 = arith.constant 80 : index
      %parallel_loop3A_367 = tpu.vector_load %arg9[%parallel_loop3A_364, %parallel_loop3A_365, %parallel_loop3A_366] {strides = array<i32>} : memref<2x64x256xf32, #tpu.memory_space<vmem>>, vector<16xf32>,
      tpu.vector_store %arg9[%parallel_loop3A_364, %parallel_loop3A_365, %parallel_loop3A_366], %parallel_loop3A_362 {strides = array<i32>} : memref<2x64x256xf32, #tpu.memory_space<vmem>>, vector<16xf32>,
      %parallel_loop3A_368 = arith.constant 1 : i32
      %parallel_loop3A_369 = arith.index_cast %parallel_loop3A_368 : i32 to index
      %parallel_loop3A_370 = arith.index_cast %parallel_loop3A_236 : i32 to index
      %parallel_loop3A_371 = arith.constant 96 : index
      %parallel_loop3A_372 = tpu.vector_load %arg8[%parallel_loop3A_369, %parallel_loop3A_370, %parallel_loop3A_371] {strides = array<i32>} : memref<2x64x256xi32, #tpu.memory_space<vmem>>, vector<16xi32>,
      %parallel_loop3A_373 = tpu.vector_load_idx %arg5[%parallel_loop3A_372] : memref<8192xf32, #tpu.memory_space<vmem>>[vector<16xi32>], vector<16xf32>,
      %parallel_loop3A_374 = tpu.vector_load_idx %arg6[%parallel_loop3A_372] : memref<8192xf32, #tpu.memory_space<vmem>>[vector<16xi32>], vector<16xf32>,
      %parallel_loop3A_375 = tpu.vector_load_idx %arg7[%parallel_loop3A_372] : memref<8192xf32, #tpu.memory_space<vmem>>[vector<16xi32>], vector<16xf32>,
      %parallel_loop3A_376 = arith.subf %parallel_loop3A_239, %parallel_loop3A_373 : vector<16xf32>
      %parallel_loop3A_377 = math.absf %parallel_loop3A_376 : vector<16xf32>
      %parallel_loop3A_378 = arith.subf %parallel_loop3A_240, %parallel_loop3A_374 : vector<16xf32>
      %parallel_loop3A_379 = math.absf %parallel_loop3A_378 : vector<16xf32>
      %parallel_loop3A_380 = arith.addf %parallel_loop3A_377, %parallel_loop3A_379 : vector<16xf32>
      %parallel_loop3A_381 = arith.subf %parallel_loop3A_241, %parallel_loop3A_375 : vector<16xf32>
      %parallel_loop3A_382 = math.absf %parallel_loop3A_381 : vector<16xf32>
      %parallel_loop3A_383 = arith.addf %parallel_loop3A_380, %parallel_loop3A_382 : vector<16xf32>
      %parallel_loop3A_384 = arith.constant 1 : i32
      %parallel_loop3A_385 = arith.index_cast %parallel_loop3A_384 : i32 to index
      %parallel_loop3A_386 = arith.index_cast %parallel_loop3A_236 : i32 to index
      %parallel_loop3A_387 = arith.constant 96 : index
      %parallel_loop3A_388 = tpu.vector_load %arg9[%parallel_loop3A_385, %parallel_loop3A_386, %parallel_loop3A_387] {strides = array<i32>} : memref<2x64x256xf32, #tpu.memory_space<vmem>>, vector<16xf32>,
      tpu.vector_store %arg9[%parallel_loop3A_385, %parallel_loop3A_386, %parallel_loop3A_387], %parallel_loop3A_383 {strides = array<i32>} : memref<2x64x256xf32, #tpu.memory_space<vmem>>, vector<16xf32>,
      %parallel_loop3A_389 = arith.constant 1 : i32
      %parallel_loop3A_390 = arith.index_cast %parallel_loop3A_389 : i32 to index
      %parallel_loop3A_391 = arith.index_cast %parallel_loop3A_236 : i32 to index
      %parallel_loop3A_392 = arith.constant 112 : index
      %parallel_loop3A_393 = tpu.vector_load %arg8[%parallel_loop3A_390, %parallel_loop3A_391, %parallel_loop3A_392] {strides = array<i32>} : memref<2x64x256xi32, #tpu.memory_space<vmem>>, vector<16xi32>,
      %parallel_loop3A_394 = tpu.vector_load_idx %arg5[%parallel_loop3A_393] : memref<8192xf32, #tpu.memory_space<vmem>>[vector<16xi32>], vector<16xf32>,
      %parallel_loop3A_395 = tpu.vector_load_idx %arg6[%parallel_loop3A_393] : memref<8192xf32, #tpu.memory_space<vmem>>[vector<16xi32>], vector<16xf32>,
      %parallel_loop3A_396 = tpu.vector_load_idx %arg7[%parallel_loop3A_393] : memref<8192xf32, #tpu.memory_space<vmem>>[vector<16xi32>], vector<16xf32>,
      %parallel_loop3A_397 = arith.subf %parallel_loop3A_239, %parallel_loop3A_394 : vector<16xf32>
      %parallel_loop3A_398 = math.absf %parallel_loop3A_397 : vector<16xf32>
      %parallel_loop3A_399 = arith.subf %parallel_loop3A_240, %parallel_loop3A_395 : vector<16xf32>
      %parallel_loop3A_400 = math.absf %parallel_loop3A_399 : vector<16xf32>
      %parallel_loop3A_401 = arith.addf %parallel_loop3A_398, %parallel_loop3A_400 : vector<16xf32>
      %parallel_loop3A_402 = arith.subf %parallel_loop3A_241, %parallel_loop3A_396 : vector<16xf32>
      %parallel_loop3A_403 = math.absf %parallel_loop3A_402 : vector<16xf32>
      %parallel_loop3A_404 = arith.addf %parallel_loop3A_401, %parallel_loop3A_403 : vector<16xf32>
      %parallel_loop3A_405 = arith.constant 1 : i32
      %parallel_loop3A_406 = arith.index_cast %parallel_loop3A_405 : i32 to index
      %parallel_loop3A_407 = arith.index_cast %parallel_loop3A_236 : i32 to index
      %parallel_loop3A_408 = arith.constant 112 : index
      %parallel_loop3A_409 = tpu.vector_load %arg9[%parallel_loop3A_406, %parallel_loop3A_407, %parallel_loop3A_408] {strides = array<i32>} : memref<2x64x256xf32, #tpu.memory_space<vmem>>, vector<16xf32>,
      tpu.vector_store %arg9[%parallel_loop3A_406, %parallel_loop3A_407, %parallel_loop3A_408], %parallel_loop3A_404 {strides = array<i32>} : memref<2x64x256xf32, #tpu.memory_space<vmem>>, vector<16xf32>,
      %parallel_loop3A_410 = arith.constant 1 : i32
      %parallel_loop3A_411 = arith.index_cast %parallel_loop3A_410 : i32 to index
      %parallel_loop3A_412 = arith.index_cast %parallel_loop3A_236 : i32 to index
      %parallel_loop3A_413 = arith.constant 128 : index
      %parallel_loop3A_414 = tpu.vector_load %arg8[%parallel_loop3A_411, %parallel_loop3A_412, %parallel_loop3A_413] {strides = array<i32>} : memref<2x64x256xi32, #tpu.memory_space<vmem>>, vector<16xi32>,
      %parallel_loop3A_415 = tpu.vector_load_idx %arg5[%parallel_loop3A_414] : memref<8192xf32, #tpu.memory_space<vmem>>[vector<16xi32>], vector<16xf32>,
      %parallel_loop3A_416 = tpu.vector_load_idx %arg6[%parallel_loop3A_414] : memref<8192xf32, #tpu.memory_space<vmem>>[vector<16xi32>], vector<16xf32>,
      %parallel_loop3A_417 = tpu.vector_load_idx %arg7[%parallel_loop3A_414] : memref<8192xf32, #tpu.memory_space<vmem>>[vector<16xi32>], vector<16xf32>,
      %parallel_loop3A_418 = arith.subf %parallel_loop3A_239, %parallel_loop3A_415 : vector<16xf32>
      %parallel_loop3A_419 = math.absf %parallel_loop3A_418 : vector<16xf32>
      %parallel_loop3A_420 = arith.subf %parallel_loop3A_240, %parallel_loop3A_416 : vector<16xf32>
      %parallel_loop3A_421 = math.absf %parallel_loop3A_420 : vector<16xf32>
      %parallel_loop3A_422 = arith.addf %parallel_loop3A_419, %parallel_loop3A_421 : vector<16xf32>
      %parallel_loop3A_423 = arith.subf %parallel_loop3A_241, %parallel_loop3A_417 : vector<16xf32>
      %parallel_loop3A_424 = math.absf %parallel_loop3A_423 : vector<16xf32>
      %parallel_loop3A_425 = arith.addf %parallel_loop3A_422, %parallel_loop3A_424 : vector<16xf32>
      %parallel_loop3A_426 = arith.constant 1 : i32
      %parallel_loop3A_427 = arith.index_cast %parallel_loop3A_426 : i32 to index
      %parallel_loop3A_428 = arith.index_cast %parallel_loop3A_236 : i32 to index
      %parallel_loop3A_429 = arith.constant 128 : index
      %parallel_loop3A_430 = tpu.vector_load %arg9[%parallel_loop3A_427, %parallel_loop3A_428, %parallel_loop3A_429] {strides = array<i32>} : memref<2x64x256xf32, #tpu.memory_space<vmem>>, vector<16xf32>,
      tpu.vector_store %arg9[%parallel_loop3A_427, %parallel_loop3A_428, %parallel_loop3A_429], %parallel_loop3A_425 {strides = array<i32>} : memref<2x64x256xf32, #tpu.memory_space<vmem>>, vector<16xf32>,
      %parallel_loop3A_431 = arith.constant 1 : i32
      %parallel_loop3A_432 = arith.index_cast %parallel_loop3A_431 : i32 to index
      %parallel_loop3A_433 = arith.index_cast %parallel_loop3A_236 : i32 to index
      %parallel_loop3A_434 = arith.constant 144 : index
      %parallel_loop3A_435 = tpu.vector_load %arg8[%parallel_loop3A_432, %parallel_loop3A_433, %parallel_loop3A_434] {strides = array<i32>} : memref<2x64x256xi32, #tpu.memory_space<vmem>>, vector<16xi32>,
      %parallel_loop3A_436 = tpu.vector_load_idx %arg5[%parallel_loop3A_435] : memref<8192xf32, #tpu.memory_space<vmem>>[vector<16xi32>], vector<16xf32>,
      %parallel_loop3A_437 = tpu.vector_load_idx %arg6[%parallel_loop3A_435] : memref<8192xf32, #tpu.memory_space<vmem>>[vector<16xi32>], vector<16xf32>,
      %parallel_loop3A_438 = tpu.vector_load_idx %arg7[%parallel_loop3A_435] : memref<8192xf32, #tpu.memory_space<vmem>>[vector<16xi32>], vector<16xf32>,
      %parallel_loop3A_439 = arith.subf %parallel_loop3A_239, %parallel_loop3A_436 : vector<16xf32>
      %parallel_loop3A_440 = math.absf %parallel_loop3A_439 : vector<16xf32>
      %parallel_loop3A_441 = arith.subf %parallel_loop3A_240, %parallel_loop3A_437 : vector<16xf32>
      %parallel_loop3A_442 = math.absf %parallel_loop3A_441 : vector<16xf32>
      %parallel_loop3A_443 = arith.addf %parallel_loop3A_440, %parallel_loop3A_442 : vector<16xf32>
      %parallel_loop3A_444 = arith.subf %parallel_loop3A_241, %parallel_loop3A_438 : vector<16xf32>
      %parallel_loop3A_445 = math.absf %parallel_loop3A_444 : vector<16xf32>
      %parallel_loop3A_446 = arith.addf %parallel_loop3A_443, %parallel_loop3A_445 : vector<16xf32>
      %parallel_loop3A_447 = arith.constant 1 : i32
      %parallel_loop3A_448 = arith.index_cast %parallel_loop3A_447 : i32 to index
      %parallel_loop3A_449 = arith.index_cast %parallel_loop3A_236 : i32 to index
      %parallel_loop3A_450 = arith.constant 144 : index
      %parallel_loop3A_451 = tpu.vector_load %arg9[%parallel_loop3A_448, %parallel_loop3A_449, %parallel_loop3A_450] {strides = array<i32>} : memref<2x64x256xf32, #tpu.memory_space<vmem>>, vector<16xf32>,
      tpu.vector_store %arg9[%parallel_loop3A_448, %parallel_loop3A_449, %parallel_loop3A_450], %parallel_loop3A_446 {strides = array<i32>} : memref<2x64x256xf32, #tpu.memory_space<vmem>>, vector<16xf32>,
      %parallel_loop3A_452 = arith.constant 1 : i32
      %parallel_loop3A_453 = arith.index_cast %parallel_loop3A_452 : i32 to index
      %parallel_loop3A_454 = arith.index_cast %parallel_loop3A_236 : i32 to index
      %parallel_loop3A_455 = arith.constant 160 : index
      %parallel_loop3A_456 = tpu.vector_load %arg8[%parallel_loop3A_453, %parallel_loop3A_454, %parallel_loop3A_455] {strides = array<i32>} : memref<2x64x256xi32, #tpu.memory_space<vmem>>, vector<16xi32>,
      %parallel_loop3A_457 = tpu.vector_load_idx %arg5[%parallel_loop3A_456] : memref<8192xf32, #tpu.memory_space<vmem>>[vector<16xi32>], vector<16xf32>,
      %parallel_loop3A_458 = tpu.vector_load_idx %arg6[%parallel_loop3A_456] : memref<8192xf32, #tpu.memory_space<vmem>>[vector<16xi32>], vector<16xf32>,
      %parallel_loop3A_459 = tpu.vector_load_idx %arg7[%parallel_loop3A_456] : memref<8192xf32, #tpu.memory_space<vmem>>[vector<16xi32>], vector<16xf32>,
      %parallel_loop3A_460 = arith.subf %parallel_loop3A_239, %parallel_loop3A_457 : vector<16xf32>
      %parallel_loop3A_461 = math.absf %parallel_loop3A_460 : vector<16xf32>
      %parallel_loop3A_462 = arith.subf %parallel_loop3A_240, %parallel_loop3A_458 : vector<16xf32>
      %parallel_loop3A_463 = math.absf %parallel_loop3A_462 : vector<16xf32>
      %parallel_loop3A_464 = arith.addf %parallel_loop3A_461, %parallel_loop3A_463 : vector<16xf32>
      %parallel_loop3A_465 = arith.subf %parallel_loop3A_241, %parallel_loop3A_459 : vector<16xf32>
      %parallel_loop3A_466 = math.absf %parallel_loop3A_465 : vector<16xf32>
      %parallel_loop3A_467 = arith.addf %parallel_loop3A_464, %parallel_loop3A_466 : vector<16xf32>
      %parallel_loop3A_468 = arith.constant 1 : i32
      %parallel_loop3A_469 = arith.index_cast %parallel_loop3A_468 : i32 to index
      %parallel_loop3A_470 = arith.index_cast %parallel_loop3A_236 : i32 to index
      %parallel_loop3A_471 = arith.constant 160 : index
      %parallel_loop3A_472 = tpu.vector_load %arg9[%parallel_loop3A_469, %parallel_loop3A_470, %parallel_loop3A_471] {strides = array<i32>} : memref<2x64x256xf32, #tpu.memory_space<vmem>>, vector<16xf32>,
      tpu.vector_store %arg9[%parallel_loop3A_469, %parallel_loop3A_470, %parallel_loop3A_471], %parallel_loop3A_467 {strides = array<i32>} : memref<2x64x256xf32, #tpu.memory_space<vmem>>, vector<16xf32>,
      %parallel_loop3A_473 = arith.constant 1 : i32
      %parallel_loop3A_474 = arith.index_cast %parallel_loop3A_473 : i32 to index
      %parallel_loop3A_475 = arith.index_cast %parallel_loop3A_236 : i32 to index
      %parallel_loop3A_476 = arith.constant 176 : index
      %parallel_loop3A_477 = tpu.vector_load %arg8[%parallel_loop3A_474, %parallel_loop3A_475, %parallel_loop3A_476] {strides = array<i32>} : memref<2x64x256xi32, #tpu.memory_space<vmem>>, vector<16xi32>,
      %parallel_loop3A_478 = tpu.vector_load_idx %arg5[%parallel_loop3A_477] : memref<8192xf32, #tpu.memory_space<vmem>>[vector<16xi32>], vector<16xf32>,
      %parallel_loop3A_479 = tpu.vector_load_idx %arg6[%parallel_loop3A_477] : memref<8192xf32, #tpu.memory_space<vmem>>[vector<16xi32>], vector<16xf32>,
      %parallel_loop3A_480 = tpu.vector_load_idx %arg7[%parallel_loop3A_477] : memref<8192xf32, #tpu.memory_space<vmem>>[vector<16xi32>], vector<16xf32>,
      %parallel_loop3A_481 = arith.subf %parallel_loop3A_239, %parallel_loop3A_478 : vector<16xf32>
      %parallel_loop3A_482 = math.absf %parallel_loop3A_481 : vector<16xf32>
      %parallel_loop3A_483 = arith.subf %parallel_loop3A_240, %parallel_loop3A_479 : vector<16xf32>
      %parallel_loop3A_484 = math.absf %parallel_loop3A_483 : vector<16xf32>
      %parallel_loop3A_485 = arith.addf %parallel_loop3A_482, %parallel_loop3A_484 : vector<16xf32>
      %parallel_loop3A_486 = arith.subf %parallel_loop3A_241, %parallel_loop3A_480 : vector<16xf32>
      %parallel_loop3A_487 = math.absf %parallel_loop3A_486 : vector<16xf32>
      %parallel_loop3A_488 = arith.addf %parallel_loop3A_485, %parallel_loop3A_487 : vector<16xf32>
      %parallel_loop3A_489 = arith.constant 1 : i32
      %parallel_loop3A_490 = arith.index_cast %parallel_loop3A_489 : i32 to index
      %parallel_loop3A_491 = arith.index_cast %parallel_loop3A_236 : i32 to index
      %parallel_loop3A_492 = arith.constant 176 : index
      %parallel_loop3A_493 = tpu.vector_load %arg9[%parallel_loop3A_490, %parallel_loop3A_491, %parallel_loop3A_492] {strides = array<i32>} : memref<2x64x256xf32, #tpu.memory_space<vmem>>, vector<16xf32>,
      tpu.vector_store %arg9[%parallel_loop3A_490, %parallel_loop3A_491, %parallel_loop3A_492], %parallel_loop3A_488 {strides = array<i32>} : memref<2x64x256xf32, #tpu.memory_space<vmem>>, vector<16xf32>,
      %parallel_loop3A_494 = arith.constant 1 : i32
      %parallel_loop3A_495 = arith.index_cast %parallel_loop3A_494 : i32 to index
      %parallel_loop3A_496 = arith.index_cast %parallel_loop3A_236 : i32 to index
      %parallel_loop3A_497 = arith.constant 192 : index
      %parallel_loop3A_498 = tpu.vector_load %arg8[%parallel_loop3A_495, %parallel_loop3A_496, %parallel_loop3A_497] {strides = array<i32>} : memref<2x64x256xi32, #tpu.memory_space<vmem>>, vector<16xi32>,
      %parallel_loop3A_499 = tpu.vector_load_idx %arg5[%parallel_loop3A_498] : memref<8192xf32, #tpu.memory_space<vmem>>[vector<16xi32>], vector<16xf32>,
      %parallel_loop3A_500 = tpu.vector_load_idx %arg6[%parallel_loop3A_498] : memref<8192xf32, #tpu.memory_space<vmem>>[vector<16xi32>], vector<16xf32>,
      %parallel_loop3A_501 = tpu.vector_load_idx %arg7[%parallel_loop3A_498] : memref<8192xf32, #tpu.memory_space<vmem>>[vector<16xi32>], vector<16xf32>,
      %parallel_loop3A_502 = arith.subf %parallel_loop3A_239, %parallel_loop3A_499 : vector<16xf32>
      %parallel_loop3A_503 = math.absf %parallel_loop3A_502 : vector<16xf32>
      %parallel_loop3A_504 = arith.subf %parallel_loop3A_240, %parallel_loop3A_500 : vector<16xf32>
      %parallel_loop3A_505 = math.absf %parallel_loop3A_504 : vector<16xf32>
      %parallel_loop3A_506 = arith.addf %parallel_loop3A_503, %parallel_loop3A_505 : vector<16xf32>
      %parallel_loop3A_507 = arith.subf %parallel_loop3A_241, %parallel_loop3A_501 : vector<16xf32>
      %parallel_loop3A_508 = math.absf %parallel_loop3A_507 : vector<16xf32>
      %parallel_loop3A_509 = arith.addf %parallel_loop3A_506, %parallel_loop3A_508 : vector<16xf32>
      %parallel_loop3A_510 = arith.constant 1 : i32
      %parallel_loop3A_511 = arith.index_cast %parallel_loop3A_510 : i32 to index
      %parallel_loop3A_512 = arith.index_cast %parallel_loop3A_236 : i32 to index
      %parallel_loop3A_513 = arith.constant 192 : index
      %parallel_loop3A_514 = tpu.vector_load %arg9[%parallel_loop3A_511, %parallel_loop3A_512, %parallel_loop3A_513] {strides = array<i32>} : memref<2x64x256xf32, #tpu.memory_space<vmem>>, vector<16xf32>,
      tpu.vector_store %arg9[%parallel_loop3A_511, %parallel_loop3A_512, %parallel_loop3A_513], %parallel_loop3A_509 {strides = array<i32>} : memref<2x64x256xf32, #tpu.memory_space<vmem>>, vector<16xf32>,
      %parallel_loop3A_515 = arith.constant 1 : i32
      %parallel_loop3A_516 = arith.index_cast %parallel_loop3A_515 : i32 to index
      %parallel_loop3A_517 = arith.index_cast %parallel_loop3A_236 : i32 to index
      %parallel_loop3A_518 = arith.constant 208 : index
      %parallel_loop3A_519 = tpu.vector_load %arg8[%parallel_loop3A_516, %parallel_loop3A_517, %parallel_loop3A_518] {strides = array<i32>} : memref<2x64x256xi32, #tpu.memory_space<vmem>>, vector<16xi32>,
      %parallel_loop3A_520 = tpu.vector_load_idx %arg5[%parallel_loop3A_519] : memref<8192xf32, #tpu.memory_space<vmem>>[vector<16xi32>], vector<16xf32>,
      %parallel_loop3A_521 = tpu.vector_load_idx %arg6[%parallel_loop3A_519] : memref<8192xf32, #tpu.memory_space<vmem>>[vector<16xi32>], vector<16xf32>,
      %parallel_loop3A_522 = tpu.vector_load_idx %arg7[%parallel_loop3A_519] : memref<8192xf32, #tpu.memory_space<vmem>>[vector<16xi32>], vector<16xf32>,
      %parallel_loop3A_523 = arith.subf %parallel_loop3A_239, %parallel_loop3A_520 : vector<16xf32>
      %parallel_loop3A_524 = math.absf %parallel_loop3A_523 : vector<16xf32>
      %parallel_loop3A_525 = arith.subf %parallel_loop3A_240, %parallel_loop3A_521 : vector<16xf32>
      %parallel_loop3A_526 = math.absf %parallel_loop3A_525 : vector<16xf32>
      %parallel_loop3A_527 = arith.addf %parallel_loop3A_524, %parallel_loop3A_526 : vector<16xf32>
      %parallel_loop3A_528 = arith.subf %parallel_loop3A_241, %parallel_loop3A_522 : vector<16xf32>
      %parallel_loop3A_529 = math.absf %parallel_loop3A_528 : vector<16xf32>
      %parallel_loop3A_530 = arith.addf %parallel_loop3A_527, %parallel_loop3A_529 : vector<16xf32>
      %parallel_loop3A_531 = arith.constant 1 : i32
      %parallel_loop3A_532 = arith.index_cast %parallel_loop3A_531 : i32 to index
      %parallel_loop3A_533 = arith.index_cast %parallel_loop3A_236 : i32 to index
      %parallel_loop3A_534 = arith.constant 208 : index
      %parallel_loop3A_535 = tpu.vector_load %arg9[%parallel_loop3A_532, %parallel_loop3A_533, %parallel_loop3A_534] {strides = array<i32>} : memref<2x64x256xf32, #tpu.memory_space<vmem>>, vector<16xf32>,
      tpu.vector_store %arg9[%parallel_loop3A_532, %parallel_loop3A_533, %parallel_loop3A_534], %parallel_loop3A_530 {strides = array<i32>} : memref<2x64x256xf32, #tpu.memory_space<vmem>>, vector<16xf32>,
      %parallel_loop3A_536 = arith.constant 1 : i32
      %parallel_loop3A_537 = arith.index_cast %parallel_loop3A_536 : i32 to index
      %parallel_loop3A_538 = arith.index_cast %parallel_loop3A_236 : i32 to index
      %parallel_loop3A_539 = arith.constant 224 : index
      %parallel_loop3A_540 = tpu.vector_load %arg8[%parallel_loop3A_537, %parallel_loop3A_538, %parallel_loop3A_539] {strides = array<i32>} : memref<2x64x256xi32, #tpu.memory_space<vmem>>, vector<16xi32>,
      %parallel_loop3A_541 = tpu.vector_load_idx %arg5[%parallel_loop3A_540] : memref<8192xf32, #tpu.memory_space<vmem>>[vector<16xi32>], vector<16xf32>,
      %parallel_loop3A_542 = tpu.vector_load_idx %arg6[%parallel_loop3A_540] : memref<8192xf32, #tpu.memory_space<vmem>>[vector<16xi32>], vector<16xf32>,
      %parallel_loop3A_543 = tpu.vector_load_idx %arg7[%parallel_loop3A_540] : memref<8192xf32, #tpu.memory_space<vmem>>[vector<16xi32>], vector<16xf32>,
      %parallel_loop3A_544 = arith.subf %parallel_loop3A_239, %parallel_loop3A_541 : vector<16xf32>
      %parallel_loop3A_545 = math.absf %parallel_loop3A_544 : vector<16xf32>
      %parallel_loop3A_546 = arith.subf %parallel_loop3A_240, %parallel_loop3A_542 : vector<16xf32>
      %parallel_loop3A_547 = math.absf %parallel_loop3A_546 : vector<16xf32>
      %parallel_loop3A_548 = arith.addf %parallel_loop3A_545, %parallel_loop3A_547 : vector<16xf32>
      %parallel_loop3A_549 = arith.subf %parallel_loop3A_241, %parallel_loop3A_543 : vector<16xf32>
      %parallel_loop3A_550 = math.absf %parallel_loop3A_549 : vector<16xf32>
      %parallel_loop3A_551 = arith.addf %parallel_loop3A_548, %parallel_loop3A_550 : vector<16xf32>
      %parallel_loop3A_552 = arith.constant 1 : i32
      %parallel_loop3A_553 = arith.index_cast %parallel_loop3A_552 : i32 to index
      %parallel_loop3A_554 = arith.index_cast %parallel_loop3A_236 : i32 to index
      %parallel_loop3A_555 = arith.constant 224 : index
      %parallel_loop3A_556 = tpu.vector_load %arg9[%parallel_loop3A_553, %parallel_loop3A_554, %parallel_loop3A_555] {strides = array<i32>} : memref<2x64x256xf32, #tpu.memory_space<vmem>>, vector<16xf32>,
      tpu.vector_store %arg9[%parallel_loop3A_553, %parallel_loop3A_554, %parallel_loop3A_555], %parallel_loop3A_551 {strides = array<i32>} : memref<2x64x256xf32, #tpu.memory_space<vmem>>, vector<16xf32>,
      %parallel_loop3A_557 = arith.constant 1 : i32
      %parallel_loop3A_558 = arith.index_cast %parallel_loop3A_557 : i32 to index
      %parallel_loop3A_559 = arith.index_cast %parallel_loop3A_236 : i32 to index
      %parallel_loop3A_560 = arith.constant 240 : index
      %parallel_loop3A_561 = tpu.vector_load %arg8[%parallel_loop3A_558, %parallel_loop3A_559, %parallel_loop3A_560] {strides = array<i32>} : memref<2x64x256xi32, #tpu.memory_space<vmem>>, vector<16xi32>,
      %parallel_loop3A_562 = tpu.vector_load_idx %arg5[%parallel_loop3A_561] : memref<8192xf32, #tpu.memory_space<vmem>>[vector<16xi32>], vector<16xf32>,
      %parallel_loop3A_563 = tpu.vector_load_idx %arg6[%parallel_loop3A_561] : memref<8192xf32, #tpu.memory_space<vmem>>[vector<16xi32>], vector<16xf32>,
      %parallel_loop3A_564 = tpu.vector_load_idx %arg7[%parallel_loop3A_561] : memref<8192xf32, #tpu.memory_space<vmem>>[vector<16xi32>], vector<16xf32>,
      %parallel_loop3A_565 = arith.subf %parallel_loop3A_239, %parallel_loop3A_562 : vector<16xf32>
      %parallel_loop3A_566 = math.absf %parallel_loop3A_565 : vector<16xf32>
      %parallel_loop3A_567 = arith.subf %parallel_loop3A_240, %parallel_loop3A_563 : vector<16xf32>
      %parallel_loop3A_568 = math.absf %parallel_loop3A_567 : vector<16xf32>
      %parallel_loop3A_569 = arith.addf %parallel_loop3A_566, %parallel_loop3A_568 : vector<16xf32>
      %parallel_loop3A_570 = arith.subf %parallel_loop3A_241, %parallel_loop3A_564 : vector<16xf32>
      %parallel_loop3A_571 = math.absf %parallel_loop3A_570 : vector<16xf32>
      %parallel_loop3A_572 = arith.addf %parallel_loop3A_569, %parallel_loop3A_571 : vector<16xf32>
      %parallel_loop3A_573 = arith.constant 1 : i32
      %parallel_loop3A_574 = arith.index_cast %parallel_loop3A_573 : i32 to index
      %parallel_loop3A_575 = arith.index_cast %parallel_loop3A_236 : i32 to index
      %parallel_loop3A_576 = arith.constant 240 : index
      %parallel_loop3A_577 = tpu.vector_load %arg9[%parallel_loop3A_574, %parallel_loop3A_575, %parallel_loop3A_576] {strides = array<i32>} : memref<2x64x256xf32, #tpu.memory_space<vmem>>, vector<16xf32>,
      tpu.vector_store %arg9[%parallel_loop3A_574, %parallel_loop3A_575, %parallel_loop3A_576], %parallel_loop3A_572 {strides = array<i32>} : memref<2x64x256xf32, #tpu.memory_space<vmem>>, vector<16xf32>,
    } {sc.loop_unroll_factor = 1 : i64, sc.parallel_access}
    %dma_start3A_94 = arith.constant 1 : i32
    %dma_start3A_95 = arith.constant 0 : i32
    %dma_start3A_96 = arith.constant 0 : i32
    %dma_start3A_97 = tpu.memref_slice %arg9[%dma_start3A_94, %dma_start3A_95, %dma_start3A_96] : memref<2x64x256xf32, #tpu.memory_space<vmem>> -> memref<1x64x256xf32, #tpu.memory_space<vmem>>
    %dma_start3A_98 = tpu.memref_squeeze %dma_start3A_97 : memref<1x64x256xf32, #tpu.memory_space<vmem>> -> memref<64x256xf32, #tpu.memory_space<vmem>>
    %dma_start3A_99 = arith.constant 0 : i32
    %dma_start3A_100 = tpu.memref_slice %arg4[%add3A_90, %dma_start3A_99] : memref<8192x256xf32, #tpu.memory_space<hbm>> -> memref<64x256xf32, #tpu.memory_space<hbm>>
    %dma_start3A_101 = arith.constant 0 : i32
    %dma_start3A_102 = tpu.memref_slice %arg4[%add3A_90, %dma_start3A_101] : memref<8192x256xf32, #tpu.memory_space<hbm>> -> memref<64x256xf32, #tpu.memory_space<hbm>>
    %dma_start3A_103 = arith.constant 0 : i32
    %dma_start3A_104 = arith.constant 0 : i32
    %dma_start3A_105 = tpu.memref_slice %arg9[%dma_start3A_94, %dma_start3A_103, %dma_start3A_104] : memref<2x64x256xf32, #tpu.memory_space<vmem>> -> memref<1x64x256xf32, #tpu.memory_space<vmem>>
    %dma_start3A_106 = tpu.memref_squeeze %dma_start3A_105 : memref<1x64x256xf32, #tpu.memory_space<vmem>> -> memref<64x256xf32, #tpu.memory_space<vmem>>
    tpu.enqueue_dma source(%dma_start3A_106 : memref<64x256xf32, #tpu.memory_space<vmem>>) target(%dma_start3A_102 : memref<64x256xf32, #tpu.memory_space<hbm>>) target_semaphore(%arg13 : memref<!tpu.dma_semaphore, #tpu.memory_space<semaphore_mem>>)
    %add3A_107 = arith.constant 192 : i32
    %add3A_108 = arith.addi %mul3A_2, %add3A_107 : i32
    %dma_start3A_109 = arith.constant 1 : i32
    %dma_start3A_110 = arith.constant 0 : i32
    %dma_start3A_111 = arith.constant 0 : i32
    %dma_start3A_112 = tpu.memref_slice %arg8[%dma_start3A_109, %dma_start3A_110, %dma_start3A_111] : memref<2x64x256xi32, #tpu.memory_space<vmem>> -> memref<1x64x256xi32, #tpu.memory_space<vmem>>
    %dma_start3A_113 = tpu.memref_squeeze %dma_start3A_112 : memref<1x64x256xi32, #tpu.memory_space<vmem>> -> memref<64x256xi32, #tpu.memory_space<vmem>>
    %dma_start3A_114 = arith.constant 0 : i32
    %dma_start3A_115 = tpu.memref_slice %arg3[%add3A_108, %dma_start3A_114] : memref<8192x256xi32, #tpu.memory_space<hbm>> -> memref<64x256xi32, #tpu.memory_space<hbm>>
    %dma_start3A_116 = arith.constant 0 : i32
    %dma_start3A_117 = arith.constant 0 : i32
    %dma_start3A_118 = tpu.memref_slice %arg8[%dma_start3A_109, %dma_start3A_116, %dma_start3A_117] : memref<2x64x256xi32, #tpu.memory_space<vmem>> -> memref<1x64x256xi32, #tpu.memory_space<vmem>>
    %dma_start3A_119 = tpu.memref_squeeze %dma_start3A_118 : memref<1x64x256xi32, #tpu.memory_space<vmem>> -> memref<64x256xi32, #tpu.memory_space<vmem>>
    %dma_start3A_120 = arith.constant 0 : i32
    %dma_start3A_121 = tpu.memref_slice %arg3[%add3A_108, %dma_start3A_120] : memref<8192x256xi32, #tpu.memory_space<hbm>> -> memref<64x256xi32, #tpu.memory_space<hbm>>
    tpu.enqueue_dma source(%dma_start3A_121 : memref<64x256xi32, #tpu.memory_space<hbm>>) target(%dma_start3A_119 : memref<64x256xi32, #tpu.memory_space<vmem>>) target_semaphore(%arg11 : memref<!tpu.dma_semaphore, #tpu.memory_space<semaphore_mem>>)
    %dma_wait3A_122 = arith.constant 0 : i32
    %dma_wait3A_123 = arith.constant 0 : i32
    %dma_wait3A_124 = arith.constant 0 : i32
    %dma_wait3A_125 = tpu.memref_slice %arg8[%dma_wait3A_122, %dma_wait3A_123, %dma_wait3A_124] : memref<2x64x256xi32, #tpu.memory_space<vmem>> -> memref<1x64x256xi32, #tpu.memory_space<vmem>>
    %dma_wait3A_126 = tpu.memref_squeeze %dma_wait3A_125 : memref<1x64x256xi32, #tpu.memory_space<vmem>> -> memref<64x256xi32, #tpu.memory_space<vmem>>
    %dma_wait3A_127 = arith.constant 0 : i32
    %dma_wait3A_128 = tpu.memref_slice %arg3[%add3A_62, %dma_wait3A_127] : memref<8192x256xi32, #tpu.memory_space<hbm>> -> memref<64x256xi32, #tpu.memory_space<hbm>>
    %dma_wait3A_129 = arith.constant 0 : i32
    %dma_wait3A_130 = arith.constant 0 : i32
    %dma_wait3A_131 = tpu.memref_slice %arg8[%dma_wait3A_122, %dma_wait3A_129, %dma_wait3A_130] : memref<2x64x256xi32, #tpu.memory_space<vmem>> -> memref<1x64x256xi32, #tpu.memory_space<vmem>>
    %dma_wait3A_132 = tpu.memref_squeeze %dma_wait3A_131 : memref<1x64x256xi32, #tpu.memory_space<vmem>> -> memref<64x256xi32, #tpu.memory_space<vmem>>
    %dma_wait3A_133 = arith.constant 0 : i32
    %dma_wait3A_134 = tpu.memref_slice %arg3[%add3A_62, %dma_wait3A_133] : memref<8192x256xi32, #tpu.memory_space<hbm>> -> memref<64x256xi32, #tpu.memory_space<hbm>>
    tpu.wait_dma2 semaphore(%arg10 : memref<!tpu.dma_semaphore, #tpu.memory_space<semaphore_mem>>) src(%dma_wait3A_134 : memref<64x256xi32, #tpu.memory_space<hbm>>) dst(%dma_wait3A_132 : memref<64x256xi32, #tpu.memory_space<vmem>>)
    %dma_wait3A_135 = arith.constant 0 : i32
    %dma_wait3A_136 = arith.constant 0 : i32
    %dma_wait3A_137 = arith.constant 0 : i32
    %dma_wait3A_138 = tpu.memref_slice %arg9[%dma_wait3A_135, %dma_wait3A_136, %dma_wait3A_137] : memref<2x64x256xf32, #tpu.memory_space<vmem>> -> memref<1x64x256xf32, #tpu.memory_space<vmem>>
    %dma_wait3A_139 = tpu.memref_squeeze %dma_wait3A_138 : memref<1x64x256xf32, #tpu.memory_space<vmem>> -> memref<64x256xf32, #tpu.memory_space<vmem>>
    %dma_wait3A_140 = arith.constant 0 : i32
    %dma_wait3A_141 = tpu.memref_slice %arg4[%add3A_45, %dma_wait3A_140] : memref<8192x256xf32, #tpu.memory_space<hbm>> -> memref<64x256xf32, #tpu.memory_space<hbm>>
    %dma_wait3A_142 = arith.constant 0 : i32
    %dma_wait3A_143 = tpu.memref_slice %arg4[%add3A_45, %dma_wait3A_142] : memref<8192x256xf32, #tpu.memory_space<hbm>> -> memref<64x256xf32, #tpu.memory_space<hbm>>
    %dma_wait3A_144 = arith.constant 0 : i32
    %dma_wait3A_145 = arith.constant 0 : i32
    %dma_wait3A_146 = tpu.memref_slice %arg9[%dma_wait3A_135, %dma_wait3A_144, %dma_wait3A_145] : memref<2x64x256xf32, #tpu.memory_space<vmem>> -> memref<1x64x256xf32, #tpu.memory_space<vmem>>
    %dma_wait3A_147 = tpu.memref_squeeze %dma_wait3A_146 : memref<1x64x256xf32, #tpu.memory_space<vmem>> -> memref<64x256xf32, #tpu.memory_space<vmem>>
    tpu.wait_dma2 semaphore(%arg12 : memref<!tpu.dma_semaphore, #tpu.memory_space<semaphore_mem>>) src(%dma_wait3A_147 : memref<64x256xf32, #tpu.memory_space<vmem>>) dst(%dma_wait3A_143 : memref<64x256xf32, #tpu.memory_space<hbm>>)
    %add3A_148 = arith.constant 128 : i32
    %add3A_149 = arith.addi %mul3A_2, %add3A_148 : i32
    %parallel_loop3A_150 = arith.constant 0 : i32
    %parallel_loop3A_151 = arith.constant 64 : i32
    %parallel_loop3A_152 = arith.constant 1 : i32
    scf.for %parallel_loop3A_236 = %parallel_loop3A_150 to %parallel_loop3A_151 step %parallel_loop3A_152  : i32 {
      %parallel_loop3A_237 = arith.addi %add3A_149, %parallel_loop3A_236 : i32
      %parallel_loop3A_238 = vector.broadcast %parallel_loop3A_237 : i32 to vector<16xi32>
      %parallel_loop3A_239 = tpu.vector_load_idx %arg5[%parallel_loop3A_238] : memref<8192xf32, #tpu.memory_space<vmem>>[vector<16xi32>], vector<16xf32>,
      %parallel_loop3A_240 = tpu.vector_load_idx %arg6[%parallel_loop3A_238] : memref<8192xf32, #tpu.memory_space<vmem>>[vector<16xi32>], vector<16xf32>,
      %parallel_loop3A_241 = tpu.vector_load_idx %arg7[%parallel_loop3A_238] : memref<8192xf32, #tpu.memory_space<vmem>>[vector<16xi32>], vector<16xf32>,
      %parallel_loop3A_242 = arith.constant 0 : i32
      %parallel_loop3A_243 = arith.index_cast %parallel_loop3A_242 : i32 to index
      %parallel_loop3A_244 = arith.index_cast %parallel_loop3A_236 : i32 to index
      %parallel_loop3A_245 = arith.constant 0 : index
      %parallel_loop3A_246 = tpu.vector_load %arg8[%parallel_loop3A_243, %parallel_loop3A_244, %parallel_loop3A_245] {strides = array<i32>} : memref<2x64x256xi32, #tpu.memory_space<vmem>>, vector<16xi32>,
      %parallel_loop3A_247 = tpu.vector_load_idx %arg5[%parallel_loop3A_246] : memref<8192xf32, #tpu.memory_space<vmem>>[vector<16xi32>], vector<16xf32>,
      %parallel_loop3A_248 = tpu.vector_load_idx %arg6[%parallel_loop3A_246] : memref<8192xf32, #tpu.memory_space<vmem>>[vector<16xi32>], vector<16xf32>,
      %parallel_loop3A_249 = tpu.vector_load_idx %arg7[%parallel_loop3A_246] : memref<8192xf32, #tpu.memory_space<vmem>>[vector<16xi32>], vector<16xf32>,
      %parallel_loop3A_250 = arith.subf %parallel_loop3A_239, %parallel_loop3A_247 : vector<16xf32>
      %parallel_loop3A_251 = math.absf %parallel_loop3A_250 : vector<16xf32>
      %parallel_loop3A_252 = arith.subf %parallel_loop3A_240, %parallel_loop3A_248 : vector<16xf32>
      %parallel_loop3A_253 = math.absf %parallel_loop3A_252 : vector<16xf32>
      %parallel_loop3A_254 = arith.addf %parallel_loop3A_251, %parallel_loop3A_253 : vector<16xf32>
      %parallel_loop3A_255 = arith.subf %parallel_loop3A_241, %parallel_loop3A_249 : vector<16xf32>
      %parallel_loop3A_256 = math.absf %parallel_loop3A_255 : vector<16xf32>
      %parallel_loop3A_257 = arith.addf %parallel_loop3A_254, %parallel_loop3A_256 : vector<16xf32>
      %parallel_loop3A_258 = arith.constant 0 : i32
      %parallel_loop3A_259 = arith.index_cast %parallel_loop3A_258 : i32 to index
      %parallel_loop3A_260 = arith.index_cast %parallel_loop3A_236 : i32 to index
      %parallel_loop3A_261 = arith.constant 0 : index
      %parallel_loop3A_262 = tpu.vector_load %arg9[%parallel_loop3A_259, %parallel_loop3A_260, %parallel_loop3A_261] {strides = array<i32>} : memref<2x64x256xf32, #tpu.memory_space<vmem>>, vector<16xf32>,
      tpu.vector_store %arg9[%parallel_loop3A_259, %parallel_loop3A_260, %parallel_loop3A_261], %parallel_loop3A_257 {strides = array<i32>} : memref<2x64x256xf32, #tpu.memory_space<vmem>>, vector<16xf32>,
      %parallel_loop3A_263 = arith.constant 0 : i32
      %parallel_loop3A_264 = arith.index_cast %parallel_loop3A_263 : i32 to index
      %parallel_loop3A_265 = arith.index_cast %parallel_loop3A_236 : i32 to index
      %parallel_loop3A_266 = arith.constant 16 : index
      %parallel_loop3A_267 = tpu.vector_load %arg8[%parallel_loop3A_264, %parallel_loop3A_265, %parallel_loop3A_266] {strides = array<i32>} : memref<2x64x256xi32, #tpu.memory_space<vmem>>, vector<16xi32>,
      %parallel_loop3A_268 = tpu.vector_load_idx %arg5[%parallel_loop3A_267] : memref<8192xf32, #tpu.memory_space<vmem>>[vector<16xi32>], vector<16xf32>,
      %parallel_loop3A_269 = tpu.vector_load_idx %arg6[%parallel_loop3A_267] : memref<8192xf32, #tpu.memory_space<vmem>>[vector<16xi32>], vector<16xf32>,
      %parallel_loop3A_270 = tpu.vector_load_idx %arg7[%parallel_loop3A_267] : memref<8192xf32, #tpu.memory_space<vmem>>[vector<16xi32>], vector<16xf32>,
      %parallel_loop3A_271 = arith.subf %parallel_loop3A_239, %parallel_loop3A_268 : vector<16xf32>
      %parallel_loop3A_272 = math.absf %parallel_loop3A_271 : vector<16xf32>
      %parallel_loop3A_273 = arith.subf %parallel_loop3A_240, %parallel_loop3A_269 : vector<16xf32>
      %parallel_loop3A_274 = math.absf %parallel_loop3A_273 : vector<16xf32>
      %parallel_loop3A_275 = arith.addf %parallel_loop3A_272, %parallel_loop3A_274 : vector<16xf32>
      %parallel_loop3A_276 = arith.subf %parallel_loop3A_241, %parallel_loop3A_270 : vector<16xf32>
      %parallel_loop3A_277 = math.absf %parallel_loop3A_276 : vector<16xf32>
      %parallel_loop3A_278 = arith.addf %parallel_loop3A_275, %parallel_loop3A_277 : vector<16xf32>
      %parallel_loop3A_279 = arith.constant 0 : i32
      %parallel_loop3A_280 = arith.index_cast %parallel_loop3A_279 : i32 to index
      %parallel_loop3A_281 = arith.index_cast %parallel_loop3A_236 : i32 to index
      %parallel_loop3A_282 = arith.constant 16 : index
      %parallel_loop3A_283 = tpu.vector_load %arg9[%parallel_loop3A_280, %parallel_loop3A_281, %parallel_loop3A_282] {strides = array<i32>} : memref<2x64x256xf32, #tpu.memory_space<vmem>>, vector<16xf32>,
      tpu.vector_store %arg9[%parallel_loop3A_280, %parallel_loop3A_281, %parallel_loop3A_282], %parallel_loop3A_278 {strides = array<i32>} : memref<2x64x256xf32, #tpu.memory_space<vmem>>, vector<16xf32>,
      %parallel_loop3A_284 = arith.constant 0 : i32
      %parallel_loop3A_285 = arith.index_cast %parallel_loop3A_284 : i32 to index
      %parallel_loop3A_286 = arith.index_cast %parallel_loop3A_236 : i32 to index
      %parallel_loop3A_287 = arith.constant 32 : index
      %parallel_loop3A_288 = tpu.vector_load %arg8[%parallel_loop3A_285, %parallel_loop3A_286, %parallel_loop3A_287] {strides = array<i32>} : memref<2x64x256xi32, #tpu.memory_space<vmem>>, vector<16xi32>,
      %parallel_loop3A_289 = tpu.vector_load_idx %arg5[%parallel_loop3A_288] : memref<8192xf32, #tpu.memory_space<vmem>>[vector<16xi32>], vector<16xf32>,
      %parallel_loop3A_290 = tpu.vector_load_idx %arg6[%parallel_loop3A_288] : memref<8192xf32, #tpu.memory_space<vmem>>[vector<16xi32>], vector<16xf32>,
      %parallel_loop3A_291 = tpu.vector_load_idx %arg7[%parallel_loop3A_288] : memref<8192xf32, #tpu.memory_space<vmem>>[vector<16xi32>], vector<16xf32>,
      %parallel_loop3A_292 = arith.subf %parallel_loop3A_239, %parallel_loop3A_289 : vector<16xf32>
      %parallel_loop3A_293 = math.absf %parallel_loop3A_292 : vector<16xf32>
      %parallel_loop3A_294 = arith.subf %parallel_loop3A_240, %parallel_loop3A_290 : vector<16xf32>
      %parallel_loop3A_295 = math.absf %parallel_loop3A_294 : vector<16xf32>
      %parallel_loop3A_296 = arith.addf %parallel_loop3A_293, %parallel_loop3A_295 : vector<16xf32>
      %parallel_loop3A_297 = arith.subf %parallel_loop3A_241, %parallel_loop3A_291 : vector<16xf32>
      %parallel_loop3A_298 = math.absf %parallel_loop3A_297 : vector<16xf32>
      %parallel_loop3A_299 = arith.addf %parallel_loop3A_296, %parallel_loop3A_298 : vector<16xf32>
      %parallel_loop3A_300 = arith.constant 0 : i32
      %parallel_loop3A_301 = arith.index_cast %parallel_loop3A_300 : i32 to index
      %parallel_loop3A_302 = arith.index_cast %parallel_loop3A_236 : i32 to index
      %parallel_loop3A_303 = arith.constant 32 : index
      %parallel_loop3A_304 = tpu.vector_load %arg9[%parallel_loop3A_301, %parallel_loop3A_302, %parallel_loop3A_303] {strides = array<i32>} : memref<2x64x256xf32, #tpu.memory_space<vmem>>, vector<16xf32>,
      tpu.vector_store %arg9[%parallel_loop3A_301, %parallel_loop3A_302, %parallel_loop3A_303], %parallel_loop3A_299 {strides = array<i32>} : memref<2x64x256xf32, #tpu.memory_space<vmem>>, vector<16xf32>,
      %parallel_loop3A_305 = arith.constant 0 : i32
      %parallel_loop3A_306 = arith.index_cast %parallel_loop3A_305 : i32 to index
      %parallel_loop3A_307 = arith.index_cast %parallel_loop3A_236 : i32 to index
      %parallel_loop3A_308 = arith.constant 48 : index
      %parallel_loop3A_309 = tpu.vector_load %arg8[%parallel_loop3A_306, %parallel_loop3A_307, %parallel_loop3A_308] {strides = array<i32>} : memref<2x64x256xi32, #tpu.memory_space<vmem>>, vector<16xi32>,
      %parallel_loop3A_310 = tpu.vector_load_idx %arg5[%parallel_loop3A_309] : memref<8192xf32, #tpu.memory_space<vmem>>[vector<16xi32>], vector<16xf32>,
      %parallel_loop3A_311 = tpu.vector_load_idx %arg6[%parallel_loop3A_309] : memref<8192xf32, #tpu.memory_space<vmem>>[vector<16xi32>], vector<16xf32>,
      %parallel_loop3A_312 = tpu.vector_load_idx %arg7[%parallel_loop3A_309] : memref<8192xf32, #tpu.memory_space<vmem>>[vector<16xi32>], vector<16xf32>,
      %parallel_loop3A_313 = arith.subf %parallel_loop3A_239, %parallel_loop3A_310 : vector<16xf32>
      %parallel_loop3A_314 = math.absf %parallel_loop3A_313 : vector<16xf32>
      %parallel_loop3A_315 = arith.subf %parallel_loop3A_240, %parallel_loop3A_311 : vector<16xf32>
      %parallel_loop3A_316 = math.absf %parallel_loop3A_315 : vector<16xf32>
      %parallel_loop3A_317 = arith.addf %parallel_loop3A_314, %parallel_loop3A_316 : vector<16xf32>
      %parallel_loop3A_318 = arith.subf %parallel_loop3A_241, %parallel_loop3A_312 : vector<16xf32>
      %parallel_loop3A_319 = math.absf %parallel_loop3A_318 : vector<16xf32>
      %parallel_loop3A_320 = arith.addf %parallel_loop3A_317, %parallel_loop3A_319 : vector<16xf32>
      %parallel_loop3A_321 = arith.constant 0 : i32
      %parallel_loop3A_322 = arith.index_cast %parallel_loop3A_321 : i32 to index
      %parallel_loop3A_323 = arith.index_cast %parallel_loop3A_236 : i32 to index
      %parallel_loop3A_324 = arith.constant 48 : index
      %parallel_loop3A_325 = tpu.vector_load %arg9[%parallel_loop3A_322, %parallel_loop3A_323, %parallel_loop3A_324] {strides = array<i32>} : memref<2x64x256xf32, #tpu.memory_space<vmem>>, vector<16xf32>,
      tpu.vector_store %arg9[%parallel_loop3A_322, %parallel_loop3A_323, %parallel_loop3A_324], %parallel_loop3A_320 {strides = array<i32>} : memref<2x64x256xf32, #tpu.memory_space<vmem>>, vector<16xf32>,
      %parallel_loop3A_326 = arith.constant 0 : i32
      %parallel_loop3A_327 = arith.index_cast %parallel_loop3A_326 : i32 to index
      %parallel_loop3A_328 = arith.index_cast %parallel_loop3A_236 : i32 to index
      %parallel_loop3A_329 = arith.constant 64 : index
      %parallel_loop3A_330 = tpu.vector_load %arg8[%parallel_loop3A_327, %parallel_loop3A_328, %parallel_loop3A_329] {strides = array<i32>} : memref<2x64x256xi32, #tpu.memory_space<vmem>>, vector<16xi32>,
      %parallel_loop3A_331 = tpu.vector_load_idx %arg5[%parallel_loop3A_330] : memref<8192xf32, #tpu.memory_space<vmem>>[vector<16xi32>], vector<16xf32>,
      %parallel_loop3A_332 = tpu.vector_load_idx %arg6[%parallel_loop3A_330] : memref<8192xf32, #tpu.memory_space<vmem>>[vector<16xi32>], vector<16xf32>,
      %parallel_loop3A_333 = tpu.vector_load_idx %arg7[%parallel_loop3A_330] : memref<8192xf32, #tpu.memory_space<vmem>>[vector<16xi32>], vector<16xf32>,
      %parallel_loop3A_334 = arith.subf %parallel_loop3A_239, %parallel_loop3A_331 : vector<16xf32>
      %parallel_loop3A_335 = math.absf %parallel_loop3A_334 : vector<16xf32>
      %parallel_loop3A_336 = arith.subf %parallel_loop3A_240, %parallel_loop3A_332 : vector<16xf32>
      %parallel_loop3A_337 = math.absf %parallel_loop3A_336 : vector<16xf32>
      %parallel_loop3A_338 = arith.addf %parallel_loop3A_335, %parallel_loop3A_337 : vector<16xf32>
      %parallel_loop3A_339 = arith.subf %parallel_loop3A_241, %parallel_loop3A_333 : vector<16xf32>
      %parallel_loop3A_340 = math.absf %parallel_loop3A_339 : vector<16xf32>
      %parallel_loop3A_341 = arith.addf %parallel_loop3A_338, %parallel_loop3A_340 : vector<16xf32>
      %parallel_loop3A_342 = arith.constant 0 : i32
      %parallel_loop3A_343 = arith.index_cast %parallel_loop3A_342 : i32 to index
      %parallel_loop3A_344 = arith.index_cast %parallel_loop3A_236 : i32 to index
      %parallel_loop3A_345 = arith.constant 64 : index
      %parallel_loop3A_346 = tpu.vector_load %arg9[%parallel_loop3A_343, %parallel_loop3A_344, %parallel_loop3A_345] {strides = array<i32>} : memref<2x64x256xf32, #tpu.memory_space<vmem>>, vector<16xf32>,
      tpu.vector_store %arg9[%parallel_loop3A_343, %parallel_loop3A_344, %parallel_loop3A_345], %parallel_loop3A_341 {strides = array<i32>} : memref<2x64x256xf32, #tpu.memory_space<vmem>>, vector<16xf32>,
      %parallel_loop3A_347 = arith.constant 0 : i32
      %parallel_loop3A_348 = arith.index_cast %parallel_loop3A_347 : i32 to index
      %parallel_loop3A_349 = arith.index_cast %parallel_loop3A_236 : i32 to index
      %parallel_loop3A_350 = arith.constant 80 : index
      %parallel_loop3A_351 = tpu.vector_load %arg8[%parallel_loop3A_348, %parallel_loop3A_349, %parallel_loop3A_350] {strides = array<i32>} : memref<2x64x256xi32, #tpu.memory_space<vmem>>, vector<16xi32>,
      %parallel_loop3A_352 = tpu.vector_load_idx %arg5[%parallel_loop3A_351] : memref<8192xf32, #tpu.memory_space<vmem>>[vector<16xi32>], vector<16xf32>,
      %parallel_loop3A_353 = tpu.vector_load_idx %arg6[%parallel_loop3A_351] : memref<8192xf32, #tpu.memory_space<vmem>>[vector<16xi32>], vector<16xf32>,
      %parallel_loop3A_354 = tpu.vector_load_idx %arg7[%parallel_loop3A_351] : memref<8192xf32, #tpu.memory_space<vmem>>[vector<16xi32>], vector<16xf32>,
      %parallel_loop3A_355 = arith.subf %parallel_loop3A_239, %parallel_loop3A_352 : vector<16xf32>
      %parallel_loop3A_356 = math.absf %parallel_loop3A_355 : vector<16xf32>
      %parallel_loop3A_357 = arith.subf %parallel_loop3A_240, %parallel_loop3A_353 : vector<16xf32>
      %parallel_loop3A_358 = math.absf %parallel_loop3A_357 : vector<16xf32>
      %parallel_loop3A_359 = arith.addf %parallel_loop3A_356, %parallel_loop3A_358 : vector<16xf32>
      %parallel_loop3A_360 = arith.subf %parallel_loop3A_241, %parallel_loop3A_354 : vector<16xf32>
      %parallel_loop3A_361 = math.absf %parallel_loop3A_360 : vector<16xf32>
      %parallel_loop3A_362 = arith.addf %parallel_loop3A_359, %parallel_loop3A_361 : vector<16xf32>
      %parallel_loop3A_363 = arith.constant 0 : i32
      %parallel_loop3A_364 = arith.index_cast %parallel_loop3A_363 : i32 to index
      %parallel_loop3A_365 = arith.index_cast %parallel_loop3A_236 : i32 to index
      %parallel_loop3A_366 = arith.constant 80 : index
      %parallel_loop3A_367 = tpu.vector_load %arg9[%parallel_loop3A_364, %parallel_loop3A_365, %parallel_loop3A_366] {strides = array<i32>} : memref<2x64x256xf32, #tpu.memory_space<vmem>>, vector<16xf32>,
      tpu.vector_store %arg9[%parallel_loop3A_364, %parallel_loop3A_365, %parallel_loop3A_366], %parallel_loop3A_362 {strides = array<i32>} : memref<2x64x256xf32, #tpu.memory_space<vmem>>, vector<16xf32>,
      %parallel_loop3A_368 = arith.constant 0 : i32
      %parallel_loop3A_369 = arith.index_cast %parallel_loop3A_368 : i32 to index
      %parallel_loop3A_370 = arith.index_cast %parallel_loop3A_236 : i32 to index
      %parallel_loop3A_371 = arith.constant 96 : index
      %parallel_loop3A_372 = tpu.vector_load %arg8[%parallel_loop3A_369, %parallel_loop3A_370, %parallel_loop3A_371] {strides = array<i32>} : memref<2x64x256xi32, #tpu.memory_space<vmem>>, vector<16xi32>,
      %parallel_loop3A_373 = tpu.vector_load_idx %arg5[%parallel_loop3A_372] : memref<8192xf32, #tpu.memory_space<vmem>>[vector<16xi32>], vector<16xf32>,
      %parallel_loop3A_374 = tpu.vector_load_idx %arg6[%parallel_loop3A_372] : memref<8192xf32, #tpu.memory_space<vmem>>[vector<16xi32>], vector<16xf32>,
      %parallel_loop3A_375 = tpu.vector_load_idx %arg7[%parallel_loop3A_372] : memref<8192xf32, #tpu.memory_space<vmem>>[vector<16xi32>], vector<16xf32>,
      %parallel_loop3A_376 = arith.subf %parallel_loop3A_239, %parallel_loop3A_373 : vector<16xf32>
      %parallel_loop3A_377 = math.absf %parallel_loop3A_376 : vector<16xf32>
      %parallel_loop3A_378 = arith.subf %parallel_loop3A_240, %parallel_loop3A_374 : vector<16xf32>
      %parallel_loop3A_379 = math.absf %parallel_loop3A_378 : vector<16xf32>
      %parallel_loop3A_380 = arith.addf %parallel_loop3A_377, %parallel_loop3A_379 : vector<16xf32>
      %parallel_loop3A_381 = arith.subf %parallel_loop3A_241, %parallel_loop3A_375 : vector<16xf32>
      %parallel_loop3A_382 = math.absf %parallel_loop3A_381 : vector<16xf32>
      %parallel_loop3A_383 = arith.addf %parallel_loop3A_380, %parallel_loop3A_382 : vector<16xf32>
      %parallel_loop3A_384 = arith.constant 0 : i32
      %parallel_loop3A_385 = arith.index_cast %parallel_loop3A_384 : i32 to index
      %parallel_loop3A_386 = arith.index_cast %parallel_loop3A_236 : i32 to index
      %parallel_loop3A_387 = arith.constant 96 : index
      %parallel_loop3A_388 = tpu.vector_load %arg9[%parallel_loop3A_385, %parallel_loop3A_386, %parallel_loop3A_387] {strides = array<i32>} : memref<2x64x256xf32, #tpu.memory_space<vmem>>, vector<16xf32>,
      tpu.vector_store %arg9[%parallel_loop3A_385, %parallel_loop3A_386, %parallel_loop3A_387], %parallel_loop3A_383 {strides = array<i32>} : memref<2x64x256xf32, #tpu.memory_space<vmem>>, vector<16xf32>,
      %parallel_loop3A_389 = arith.constant 0 : i32
      %parallel_loop3A_390 = arith.index_cast %parallel_loop3A_389 : i32 to index
      %parallel_loop3A_391 = arith.index_cast %parallel_loop3A_236 : i32 to index
      %parallel_loop3A_392 = arith.constant 112 : index
      %parallel_loop3A_393 = tpu.vector_load %arg8[%parallel_loop3A_390, %parallel_loop3A_391, %parallel_loop3A_392] {strides = array<i32>} : memref<2x64x256xi32, #tpu.memory_space<vmem>>, vector<16xi32>,
      %parallel_loop3A_394 = tpu.vector_load_idx %arg5[%parallel_loop3A_393] : memref<8192xf32, #tpu.memory_space<vmem>>[vector<16xi32>], vector<16xf32>,
      %parallel_loop3A_395 = tpu.vector_load_idx %arg6[%parallel_loop3A_393] : memref<8192xf32, #tpu.memory_space<vmem>>[vector<16xi32>], vector<16xf32>,
      %parallel_loop3A_396 = tpu.vector_load_idx %arg7[%parallel_loop3A_393] : memref<8192xf32, #tpu.memory_space<vmem>>[vector<16xi32>], vector<16xf32>,
      %parallel_loop3A_397 = arith.subf %parallel_loop3A_239, %parallel_loop3A_394 : vector<16xf32>
      %parallel_loop3A_398 = math.absf %parallel_loop3A_397 : vector<16xf32>
      %parallel_loop3A_399 = arith.subf %parallel_loop3A_240, %parallel_loop3A_395 : vector<16xf32>
      %parallel_loop3A_400 = math.absf %parallel_loop3A_399 : vector<16xf32>
      %parallel_loop3A_401 = arith.addf %parallel_loop3A_398, %parallel_loop3A_400 : vector<16xf32>
      %parallel_loop3A_402 = arith.subf %parallel_loop3A_241, %parallel_loop3A_396 : vector<16xf32>
      %parallel_loop3A_403 = math.absf %parallel_loop3A_402 : vector<16xf32>
      %parallel_loop3A_404 = arith.addf %parallel_loop3A_401, %parallel_loop3A_403 : vector<16xf32>
      %parallel_loop3A_405 = arith.constant 0 : i32
      %parallel_loop3A_406 = arith.index_cast %parallel_loop3A_405 : i32 to index
      %parallel_loop3A_407 = arith.index_cast %parallel_loop3A_236 : i32 to index
      %parallel_loop3A_408 = arith.constant 112 : index
      %parallel_loop3A_409 = tpu.vector_load %arg9[%parallel_loop3A_406, %parallel_loop3A_407, %parallel_loop3A_408] {strides = array<i32>} : memref<2x64x256xf32, #tpu.memory_space<vmem>>, vector<16xf32>,
      tpu.vector_store %arg9[%parallel_loop3A_406, %parallel_loop3A_407, %parallel_loop3A_408], %parallel_loop3A_404 {strides = array<i32>} : memref<2x64x256xf32, #tpu.memory_space<vmem>>, vector<16xf32>,
      %parallel_loop3A_410 = arith.constant 0 : i32
      %parallel_loop3A_411 = arith.index_cast %parallel_loop3A_410 : i32 to index
      %parallel_loop3A_412 = arith.index_cast %parallel_loop3A_236 : i32 to index
      %parallel_loop3A_413 = arith.constant 128 : index
      %parallel_loop3A_414 = tpu.vector_load %arg8[%parallel_loop3A_411, %parallel_loop3A_412, %parallel_loop3A_413] {strides = array<i32>} : memref<2x64x256xi32, #tpu.memory_space<vmem>>, vector<16xi32>,
      %parallel_loop3A_415 = tpu.vector_load_idx %arg5[%parallel_loop3A_414] : memref<8192xf32, #tpu.memory_space<vmem>>[vector<16xi32>], vector<16xf32>,
      %parallel_loop3A_416 = tpu.vector_load_idx %arg6[%parallel_loop3A_414] : memref<8192xf32, #tpu.memory_space<vmem>>[vector<16xi32>], vector<16xf32>,
      %parallel_loop3A_417 = tpu.vector_load_idx %arg7[%parallel_loop3A_414] : memref<8192xf32, #tpu.memory_space<vmem>>[vector<16xi32>], vector<16xf32>,
      %parallel_loop3A_418 = arith.subf %parallel_loop3A_239, %parallel_loop3A_415 : vector<16xf32>
      %parallel_loop3A_419 = math.absf %parallel_loop3A_418 : vector<16xf32>
      %parallel_loop3A_420 = arith.subf %parallel_loop3A_240, %parallel_loop3A_416 : vector<16xf32>
      %parallel_loop3A_421 = math.absf %parallel_loop3A_420 : vector<16xf32>
      %parallel_loop3A_422 = arith.addf %parallel_loop3A_419, %parallel_loop3A_421 : vector<16xf32>
      %parallel_loop3A_423 = arith.subf %parallel_loop3A_241, %parallel_loop3A_417 : vector<16xf32>
      %parallel_loop3A_424 = math.absf %parallel_loop3A_423 : vector<16xf32>
      %parallel_loop3A_425 = arith.addf %parallel_loop3A_422, %parallel_loop3A_424 : vector<16xf32>
      %parallel_loop3A_426 = arith.constant 0 : i32
      %parallel_loop3A_427 = arith.index_cast %parallel_loop3A_426 : i32 to index
      %parallel_loop3A_428 = arith.index_cast %parallel_loop3A_236 : i32 to index
      %parallel_loop3A_429 = arith.constant 128 : index
      %parallel_loop3A_430 = tpu.vector_load %arg9[%parallel_loop3A_427, %parallel_loop3A_428, %parallel_loop3A_429] {strides = array<i32>} : memref<2x64x256xf32, #tpu.memory_space<vmem>>, vector<16xf32>,
      tpu.vector_store %arg9[%parallel_loop3A_427, %parallel_loop3A_428, %parallel_loop3A_429], %parallel_loop3A_425 {strides = array<i32>} : memref<2x64x256xf32, #tpu.memory_space<vmem>>, vector<16xf32>,
      %parallel_loop3A_431 = arith.constant 0 : i32
      %parallel_loop3A_432 = arith.index_cast %parallel_loop3A_431 : i32 to index
      %parallel_loop3A_433 = arith.index_cast %parallel_loop3A_236 : i32 to index
      %parallel_loop3A_434 = arith.constant 144 : index
      %parallel_loop3A_435 = tpu.vector_load %arg8[%parallel_loop3A_432, %parallel_loop3A_433, %parallel_loop3A_434] {strides = array<i32>} : memref<2x64x256xi32, #tpu.memory_space<vmem>>, vector<16xi32>,
      %parallel_loop3A_436 = tpu.vector_load_idx %arg5[%parallel_loop3A_435] : memref<8192xf32, #tpu.memory_space<vmem>>[vector<16xi32>], vector<16xf32>,
      %parallel_loop3A_437 = tpu.vector_load_idx %arg6[%parallel_loop3A_435] : memref<8192xf32, #tpu.memory_space<vmem>>[vector<16xi32>], vector<16xf32>,
      %parallel_loop3A_438 = tpu.vector_load_idx %arg7[%parallel_loop3A_435] : memref<8192xf32, #tpu.memory_space<vmem>>[vector<16xi32>], vector<16xf32>,
      %parallel_loop3A_439 = arith.subf %parallel_loop3A_239, %parallel_loop3A_436 : vector<16xf32>
      %parallel_loop3A_440 = math.absf %parallel_loop3A_439 : vector<16xf32>
      %parallel_loop3A_441 = arith.subf %parallel_loop3A_240, %parallel_loop3A_437 : vector<16xf32>
      %parallel_loop3A_442 = math.absf %parallel_loop3A_441 : vector<16xf32>
      %parallel_loop3A_443 = arith.addf %parallel_loop3A_440, %parallel_loop3A_442 : vector<16xf32>
      %parallel_loop3A_444 = arith.subf %parallel_loop3A_241, %parallel_loop3A_438 : vector<16xf32>
      %parallel_loop3A_445 = math.absf %parallel_loop3A_444 : vector<16xf32>
      %parallel_loop3A_446 = arith.addf %parallel_loop3A_443, %parallel_loop3A_445 : vector<16xf32>
      %parallel_loop3A_447 = arith.constant 0 : i32
      %parallel_loop3A_448 = arith.index_cast %parallel_loop3A_447 : i32 to index
      %parallel_loop3A_449 = arith.index_cast %parallel_loop3A_236 : i32 to index
      %parallel_loop3A_450 = arith.constant 144 : index
      %parallel_loop3A_451 = tpu.vector_load %arg9[%parallel_loop3A_448, %parallel_loop3A_449, %parallel_loop3A_450] {strides = array<i32>} : memref<2x64x256xf32, #tpu.memory_space<vmem>>, vector<16xf32>,
      tpu.vector_store %arg9[%parallel_loop3A_448, %parallel_loop3A_449, %parallel_loop3A_450], %parallel_loop3A_446 {strides = array<i32>} : memref<2x64x256xf32, #tpu.memory_space<vmem>>, vector<16xf32>,
      %parallel_loop3A_452 = arith.constant 0 : i32
      %parallel_loop3A_453 = arith.index_cast %parallel_loop3A_452 : i32 to index
      %parallel_loop3A_454 = arith.index_cast %parallel_loop3A_236 : i32 to index
      %parallel_loop3A_455 = arith.constant 160 : index
      %parallel_loop3A_456 = tpu.vector_load %arg8[%parallel_loop3A_453, %parallel_loop3A_454, %parallel_loop3A_455] {strides = array<i32>} : memref<2x64x256xi32, #tpu.memory_space<vmem>>, vector<16xi32>,
      %parallel_loop3A_457 = tpu.vector_load_idx %arg5[%parallel_loop3A_456] : memref<8192xf32, #tpu.memory_space<vmem>>[vector<16xi32>], vector<16xf32>,
      %parallel_loop3A_458 = tpu.vector_load_idx %arg6[%parallel_loop3A_456] : memref<8192xf32, #tpu.memory_space<vmem>>[vector<16xi32>], vector<16xf32>,
      %parallel_loop3A_459 = tpu.vector_load_idx %arg7[%parallel_loop3A_456] : memref<8192xf32, #tpu.memory_space<vmem>>[vector<16xi32>], vector<16xf32>,
      %parallel_loop3A_460 = arith.subf %parallel_loop3A_239, %parallel_loop3A_457 : vector<16xf32>
      %parallel_loop3A_461 = math.absf %parallel_loop3A_460 : vector<16xf32>
      %parallel_loop3A_462 = arith.subf %parallel_loop3A_240, %parallel_loop3A_458 : vector<16xf32>
      %parallel_loop3A_463 = math.absf %parallel_loop3A_462 : vector<16xf32>
      %parallel_loop3A_464 = arith.addf %parallel_loop3A_461, %parallel_loop3A_463 : vector<16xf32>
      %parallel_loop3A_465 = arith.subf %parallel_loop3A_241, %parallel_loop3A_459 : vector<16xf32>
      %parallel_loop3A_466 = math.absf %parallel_loop3A_465 : vector<16xf32>
      %parallel_loop3A_467 = arith.addf %parallel_loop3A_464, %parallel_loop3A_466 : vector<16xf32>
      %parallel_loop3A_468 = arith.constant 0 : i32
      %parallel_loop3A_469 = arith.index_cast %parallel_loop3A_468 : i32 to index
      %parallel_loop3A_470 = arith.index_cast %parallel_loop3A_236 : i32 to index
      %parallel_loop3A_471 = arith.constant 160 : index
      %parallel_loop3A_472 = tpu.vector_load %arg9[%parallel_loop3A_469, %parallel_loop3A_470, %parallel_loop3A_471] {strides = array<i32>} : memref<2x64x256xf32, #tpu.memory_space<vmem>>, vector<16xf32>,
      tpu.vector_store %arg9[%parallel_loop3A_469, %parallel_loop3A_470, %parallel_loop3A_471], %parallel_loop3A_467 {strides = array<i32>} : memref<2x64x256xf32, #tpu.memory_space<vmem>>, vector<16xf32>,
      %parallel_loop3A_473 = arith.constant 0 : i32
      %parallel_loop3A_474 = arith.index_cast %parallel_loop3A_473 : i32 to index
      %parallel_loop3A_475 = arith.index_cast %parallel_loop3A_236 : i32 to index
      %parallel_loop3A_476 = arith.constant 176 : index
      %parallel_loop3A_477 = tpu.vector_load %arg8[%parallel_loop3A_474, %parallel_loop3A_475, %parallel_loop3A_476] {strides = array<i32>} : memref<2x64x256xi32, #tpu.memory_space<vmem>>, vector<16xi32>,
      %parallel_loop3A_478 = tpu.vector_load_idx %arg5[%parallel_loop3A_477] : memref<8192xf32, #tpu.memory_space<vmem>>[vector<16xi32>], vector<16xf32>,
      %parallel_loop3A_479 = tpu.vector_load_idx %arg6[%parallel_loop3A_477] : memref<8192xf32, #tpu.memory_space<vmem>>[vector<16xi32>], vector<16xf32>,
      %parallel_loop3A_480 = tpu.vector_load_idx %arg7[%parallel_loop3A_477] : memref<8192xf32, #tpu.memory_space<vmem>>[vector<16xi32>], vector<16xf32>,
      %parallel_loop3A_481 = arith.subf %parallel_loop3A_239, %parallel_loop3A_478 : vector<16xf32>
      %parallel_loop3A_482 = math.absf %parallel_loop3A_481 : vector<16xf32>
      %parallel_loop3A_483 = arith.subf %parallel_loop3A_240, %parallel_loop3A_479 : vector<16xf32>
      %parallel_loop3A_484 = math.absf %parallel_loop3A_483 : vector<16xf32>
      %parallel_loop3A_485 = arith.addf %parallel_loop3A_482, %parallel_loop3A_484 : vector<16xf32>
      %parallel_loop3A_486 = arith.subf %parallel_loop3A_241, %parallel_loop3A_480 : vector<16xf32>
      %parallel_loop3A_487 = math.absf %parallel_loop3A_486 : vector<16xf32>
      %parallel_loop3A_488 = arith.addf %parallel_loop3A_485, %parallel_loop3A_487 : vector<16xf32>
      %parallel_loop3A_489 = arith.constant 0 : i32
      %parallel_loop3A_490 = arith.index_cast %parallel_loop3A_489 : i32 to index
      %parallel_loop3A_491 = arith.index_cast %parallel_loop3A_236 : i32 to index
      %parallel_loop3A_492 = arith.constant 176 : index
      %parallel_loop3A_493 = tpu.vector_load %arg9[%parallel_loop3A_490, %parallel_loop3A_491, %parallel_loop3A_492] {strides = array<i32>} : memref<2x64x256xf32, #tpu.memory_space<vmem>>, vector<16xf32>,
      tpu.vector_store %arg9[%parallel_loop3A_490, %parallel_loop3A_491, %parallel_loop3A_492], %parallel_loop3A_488 {strides = array<i32>} : memref<2x64x256xf32, #tpu.memory_space<vmem>>, vector<16xf32>,
      %parallel_loop3A_494 = arith.constant 0 : i32
      %parallel_loop3A_495 = arith.index_cast %parallel_loop3A_494 : i32 to index
      %parallel_loop3A_496 = arith.index_cast %parallel_loop3A_236 : i32 to index
      %parallel_loop3A_497 = arith.constant 192 : index
      %parallel_loop3A_498 = tpu.vector_load %arg8[%parallel_loop3A_495, %parallel_loop3A_496, %parallel_loop3A_497] {strides = array<i32>} : memref<2x64x256xi32, #tpu.memory_space<vmem>>, vector<16xi32>,
      %parallel_loop3A_499 = tpu.vector_load_idx %arg5[%parallel_loop3A_498] : memref<8192xf32, #tpu.memory_space<vmem>>[vector<16xi32>], vector<16xf32>,
      %parallel_loop3A_500 = tpu.vector_load_idx %arg6[%parallel_loop3A_498] : memref<8192xf32, #tpu.memory_space<vmem>>[vector<16xi32>], vector<16xf32>,
      %parallel_loop3A_501 = tpu.vector_load_idx %arg7[%parallel_loop3A_498] : memref<8192xf32, #tpu.memory_space<vmem>>[vector<16xi32>], vector<16xf32>,
      %parallel_loop3A_502 = arith.subf %parallel_loop3A_239, %parallel_loop3A_499 : vector<16xf32>
      %parallel_loop3A_503 = math.absf %parallel_loop3A_502 : vector<16xf32>
      %parallel_loop3A_504 = arith.subf %parallel_loop3A_240, %parallel_loop3A_500 : vector<16xf32>
      %parallel_loop3A_505 = math.absf %parallel_loop3A_504 : vector<16xf32>
      %parallel_loop3A_506 = arith.addf %parallel_loop3A_503, %parallel_loop3A_505 : vector<16xf32>
      %parallel_loop3A_507 = arith.subf %parallel_loop3A_241, %parallel_loop3A_501 : vector<16xf32>
      %parallel_loop3A_508 = math.absf %parallel_loop3A_507 : vector<16xf32>
      %parallel_loop3A_509 = arith.addf %parallel_loop3A_506, %parallel_loop3A_508 : vector<16xf32>
      %parallel_loop3A_510 = arith.constant 0 : i32
      %parallel_loop3A_511 = arith.index_cast %parallel_loop3A_510 : i32 to index
      %parallel_loop3A_512 = arith.index_cast %parallel_loop3A_236 : i32 to index
      %parallel_loop3A_513 = arith.constant 192 : index
      %parallel_loop3A_514 = tpu.vector_load %arg9[%parallel_loop3A_511, %parallel_loop3A_512, %parallel_loop3A_513] {strides = array<i32>} : memref<2x64x256xf32, #tpu.memory_space<vmem>>, vector<16xf32>,
      tpu.vector_store %arg9[%parallel_loop3A_511, %parallel_loop3A_512, %parallel_loop3A_513], %parallel_loop3A_509 {strides = array<i32>} : memref<2x64x256xf32, #tpu.memory_space<vmem>>, vector<16xf32>,
      %parallel_loop3A_515 = arith.constant 0 : i32
      %parallel_loop3A_516 = arith.index_cast %parallel_loop3A_515 : i32 to index
      %parallel_loop3A_517 = arith.index_cast %parallel_loop3A_236 : i32 to index
      %parallel_loop3A_518 = arith.constant 208 : index
      %parallel_loop3A_519 = tpu.vector_load %arg8[%parallel_loop3A_516, %parallel_loop3A_517, %parallel_loop3A_518] {strides = array<i32>} : memref<2x64x256xi32, #tpu.memory_space<vmem>>, vector<16xi32>,
      %parallel_loop3A_520 = tpu.vector_load_idx %arg5[%parallel_loop3A_519] : memref<8192xf32, #tpu.memory_space<vmem>>[vector<16xi32>], vector<16xf32>,
      %parallel_loop3A_521 = tpu.vector_load_idx %arg6[%parallel_loop3A_519] : memref<8192xf32, #tpu.memory_space<vmem>>[vector<16xi32>], vector<16xf32>,
      %parallel_loop3A_522 = tpu.vector_load_idx %arg7[%parallel_loop3A_519] : memref<8192xf32, #tpu.memory_space<vmem>>[vector<16xi32>], vector<16xf32>,
      %parallel_loop3A_523 = arith.subf %parallel_loop3A_239, %parallel_loop3A_520 : vector<16xf32>
      %parallel_loop3A_524 = math.absf %parallel_loop3A_523 : vector<16xf32>
      %parallel_loop3A_525 = arith.subf %parallel_loop3A_240, %parallel_loop3A_521 : vector<16xf32>
      %parallel_loop3A_526 = math.absf %parallel_loop3A_525 : vector<16xf32>
      %parallel_loop3A_527 = arith.addf %parallel_loop3A_524, %parallel_loop3A_526 : vector<16xf32>
      %parallel_loop3A_528 = arith.subf %parallel_loop3A_241, %parallel_loop3A_522 : vector<16xf32>
      %parallel_loop3A_529 = math.absf %parallel_loop3A_528 : vector<16xf32>
      %parallel_loop3A_530 = arith.addf %parallel_loop3A_527, %parallel_loop3A_529 : vector<16xf32>
      %parallel_loop3A_531 = arith.constant 0 : i32
      %parallel_loop3A_532 = arith.index_cast %parallel_loop3A_531 : i32 to index
      %parallel_loop3A_533 = arith.index_cast %parallel_loop3A_236 : i32 to index
      %parallel_loop3A_534 = arith.constant 208 : index
      %parallel_loop3A_535 = tpu.vector_load %arg9[%parallel_loop3A_532, %parallel_loop3A_533, %parallel_loop3A_534] {strides = array<i32>} : memref<2x64x256xf32, #tpu.memory_space<vmem>>, vector<16xf32>,
      tpu.vector_store %arg9[%parallel_loop3A_532, %parallel_loop3A_533, %parallel_loop3A_534], %parallel_loop3A_530 {strides = array<i32>} : memref<2x64x256xf32, #tpu.memory_space<vmem>>, vector<16xf32>,
      %parallel_loop3A_536 = arith.constant 0 : i32
      %parallel_loop3A_537 = arith.index_cast %parallel_loop3A_536 : i32 to index
      %parallel_loop3A_538 = arith.index_cast %parallel_loop3A_236 : i32 to index
      %parallel_loop3A_539 = arith.constant 224 : index
      %parallel_loop3A_540 = tpu.vector_load %arg8[%parallel_loop3A_537, %parallel_loop3A_538, %parallel_loop3A_539] {strides = array<i32>} : memref<2x64x256xi32, #tpu.memory_space<vmem>>, vector<16xi32>,
      %parallel_loop3A_541 = tpu.vector_load_idx %arg5[%parallel_loop3A_540] : memref<8192xf32, #tpu.memory_space<vmem>>[vector<16xi32>], vector<16xf32>,
      %parallel_loop3A_542 = tpu.vector_load_idx %arg6[%parallel_loop3A_540] : memref<8192xf32, #tpu.memory_space<vmem>>[vector<16xi32>], vector<16xf32>,
      %parallel_loop3A_543 = tpu.vector_load_idx %arg7[%parallel_loop3A_540] : memref<8192xf32, #tpu.memory_space<vmem>>[vector<16xi32>], vector<16xf32>,
      %parallel_loop3A_544 = arith.subf %parallel_loop3A_239, %parallel_loop3A_541 : vector<16xf32>
      %parallel_loop3A_545 = math.absf %parallel_loop3A_544 : vector<16xf32>
      %parallel_loop3A_546 = arith.subf %parallel_loop3A_240, %parallel_loop3A_542 : vector<16xf32>
      %parallel_loop3A_547 = math.absf %parallel_loop3A_546 : vector<16xf32>
      %parallel_loop3A_548 = arith.addf %parallel_loop3A_545, %parallel_loop3A_547 : vector<16xf32>
      %parallel_loop3A_549 = arith.subf %parallel_loop3A_241, %parallel_loop3A_543 : vector<16xf32>
      %parallel_loop3A_550 = math.absf %parallel_loop3A_549 : vector<16xf32>
      %parallel_loop3A_551 = arith.addf %parallel_loop3A_548, %parallel_loop3A_550 : vector<16xf32>
      %parallel_loop3A_552 = arith.constant 0 : i32
      %parallel_loop3A_553 = arith.index_cast %parallel_loop3A_552 : i32 to index
      %parallel_loop3A_554 = arith.index_cast %parallel_loop3A_236 : i32 to index
      %parallel_loop3A_555 = arith.constant 224 : index
      %parallel_loop3A_556 = tpu.vector_load %arg9[%parallel_loop3A_553, %parallel_loop3A_554, %parallel_loop3A_555] {strides = array<i32>} : memref<2x64x256xf32, #tpu.memory_space<vmem>>, vector<16xf32>,
      tpu.vector_store %arg9[%parallel_loop3A_553, %parallel_loop3A_554, %parallel_loop3A_555], %parallel_loop3A_551 {strides = array<i32>} : memref<2x64x256xf32, #tpu.memory_space<vmem>>, vector<16xf32>,
      %parallel_loop3A_557 = arith.constant 0 : i32
      %parallel_loop3A_558 = arith.index_cast %parallel_loop3A_557 : i32 to index
      %parallel_loop3A_559 = arith.index_cast %parallel_loop3A_236 : i32 to index
      %parallel_loop3A_560 = arith.constant 240 : index
      %parallel_loop3A_561 = tpu.vector_load %arg8[%parallel_loop3A_558, %parallel_loop3A_559, %parallel_loop3A_560] {strides = array<i32>} : memref<2x64x256xi32, #tpu.memory_space<vmem>>, vector<16xi32>,
      %parallel_loop3A_562 = tpu.vector_load_idx %arg5[%parallel_loop3A_561] : memref<8192xf32, #tpu.memory_space<vmem>>[vector<16xi32>], vector<16xf32>,
      %parallel_loop3A_563 = tpu.vector_load_idx %arg6[%parallel_loop3A_561] : memref<8192xf32, #tpu.memory_space<vmem>>[vector<16xi32>], vector<16xf32>,
      %parallel_loop3A_564 = tpu.vector_load_idx %arg7[%parallel_loop3A_561] : memref<8192xf32, #tpu.memory_space<vmem>>[vector<16xi32>], vector<16xf32>,
      %parallel_loop3A_565 = arith.subf %parallel_loop3A_239, %parallel_loop3A_562 : vector<16xf32>
      %parallel_loop3A_566 = math.absf %parallel_loop3A_565 : vector<16xf32>
      %parallel_loop3A_567 = arith.subf %parallel_loop3A_240, %parallel_loop3A_563 : vector<16xf32>
      %parallel_loop3A_568 = math.absf %parallel_loop3A_567 : vector<16xf32>
      %parallel_loop3A_569 = arith.addf %parallel_loop3A_566, %parallel_loop3A_568 : vector<16xf32>
      %parallel_loop3A_570 = arith.subf %parallel_loop3A_241, %parallel_loop3A_564 : vector<16xf32>
      %parallel_loop3A_571 = math.absf %parallel_loop3A_570 : vector<16xf32>
      %parallel_loop3A_572 = arith.addf %parallel_loop3A_569, %parallel_loop3A_571 : vector<16xf32>
      %parallel_loop3A_573 = arith.constant 0 : i32
      %parallel_loop3A_574 = arith.index_cast %parallel_loop3A_573 : i32 to index
      %parallel_loop3A_575 = arith.index_cast %parallel_loop3A_236 : i32 to index
      %parallel_loop3A_576 = arith.constant 240 : index
      %parallel_loop3A_577 = tpu.vector_load %arg9[%parallel_loop3A_574, %parallel_loop3A_575, %parallel_loop3A_576] {strides = array<i32>} : memref<2x64x256xf32, #tpu.memory_space<vmem>>, vector<16xf32>,
      tpu.vector_store %arg9[%parallel_loop3A_574, %parallel_loop3A_575, %parallel_loop3A_576], %parallel_loop3A_572 {strides = array<i32>} : memref<2x64x256xf32, #tpu.memory_space<vmem>>, vector<16xf32>,
    } {sc.loop_unroll_factor = 1 : i64, sc.parallel_access}
    %dma_start3A_153 = arith.constant 0 : i32
    %dma_start3A_154 = arith.constant 0 : i32
    %dma_start3A_155 = arith.constant 0 : i32
    %dma_start3A_156 = tpu.memref_slice %arg9[%dma_start3A_153, %dma_start3A_154, %dma_start3A_155] : memref<2x64x256xf32, #tpu.memory_space<vmem>> -> memref<1x64x256xf32, #tpu.memory_space<vmem>>
    %dma_start3A_157 = tpu.memref_squeeze %dma_start3A_156 : memref<1x64x256xf32, #tpu.memory_space<vmem>> -> memref<64x256xf32, #tpu.memory_space<vmem>>
    %dma_start3A_158 = arith.constant 0 : i32
    %dma_start3A_159 = tpu.memref_slice %arg4[%add3A_149, %dma_start3A_158] : memref<8192x256xf32, #tpu.memory_space<hbm>> -> memref<64x256xf32, #tpu.memory_space<hbm>>
    %dma_start3A_160 = arith.constant 0 : i32
    %dma_start3A_161 = tpu.memref_slice %arg4[%add3A_149, %dma_start3A_160] : memref<8192x256xf32, #tpu.memory_space<hbm>> -> memref<64x256xf32, #tpu.memory_space<hbm>>
    %dma_start3A_162 = arith.constant 0 : i32
    %dma_start3A_163 = arith.constant 0 : i32
    %dma_start3A_164 = tpu.memref_slice %arg9[%dma_start3A_153, %dma_start3A_162, %dma_start3A_163] : memref<2x64x256xf32, #tpu.memory_space<vmem>> -> memref<1x64x256xf32, #tpu.memory_space<vmem>>
    %dma_start3A_165 = tpu.memref_squeeze %dma_start3A_164 : memref<1x64x256xf32, #tpu.memory_space<vmem>> -> memref<64x256xf32, #tpu.memory_space<vmem>>
    tpu.enqueue_dma source(%dma_start3A_165 : memref<64x256xf32, #tpu.memory_space<vmem>>) target(%dma_start3A_161 : memref<64x256xf32, #tpu.memory_space<hbm>>) target_semaphore(%arg12 : memref<!tpu.dma_semaphore, #tpu.memory_space<semaphore_mem>>)
    %dma_wait3A_166 = arith.constant 1 : i32
    %dma_wait3A_167 = arith.constant 0 : i32
    %dma_wait3A_168 = arith.constant 0 : i32
    %dma_wait3A_169 = tpu.memref_slice %arg8[%dma_wait3A_166, %dma_wait3A_167, %dma_wait3A_168] : memref<2x64x256xi32, #tpu.memory_space<vmem>> -> memref<1x64x256xi32, #tpu.memory_space<vmem>>
    %dma_wait3A_170 = tpu.memref_squeeze %dma_wait3A_169 : memref<1x64x256xi32, #tpu.memory_space<vmem>> -> memref<64x256xi32, #tpu.memory_space<vmem>>
    %dma_wait3A_171 = arith.constant 0 : i32
    %dma_wait3A_172 = tpu.memref_slice %arg3[%add3A_108, %dma_wait3A_171] : memref<8192x256xi32, #tpu.memory_space<hbm>> -> memref<64x256xi32, #tpu.memory_space<hbm>>
    %dma_wait3A_173 = arith.constant 0 : i32
    %dma_wait3A_174 = arith.constant 0 : i32
    %dma_wait3A_175 = tpu.memref_slice %arg8[%dma_wait3A_166, %dma_wait3A_173, %dma_wait3A_174] : memref<2x64x256xi32, #tpu.memory_space<vmem>> -> memref<1x64x256xi32, #tpu.memory_space<vmem>>
    %dma_wait3A_176 = tpu.memref_squeeze %dma_wait3A_175 : memref<1x64x256xi32, #tpu.memory_space<vmem>> -> memref<64x256xi32, #tpu.memory_space<vmem>>
    %dma_wait3A_177 = arith.constant 0 : i32
    %dma_wait3A_178 = tpu.memref_slice %arg3[%add3A_108, %dma_wait3A_177] : memref<8192x256xi32, #tpu.memory_space<hbm>> -> memref<64x256xi32, #tpu.memory_space<hbm>>
    tpu.wait_dma2 semaphore(%arg11 : memref<!tpu.dma_semaphore, #tpu.memory_space<semaphore_mem>>) src(%dma_wait3A_178 : memref<64x256xi32, #tpu.memory_space<hbm>>) dst(%dma_wait3A_176 : memref<64x256xi32, #tpu.memory_space<vmem>>)
    %dma_wait3A_179 = arith.constant 1 : i32
    %dma_wait3A_180 = arith.constant 0 : i32
    %dma_wait3A_181 = arith.constant 0 : i32
    %dma_wait3A_182 = tpu.memref_slice %arg9[%dma_wait3A_179, %dma_wait3A_180, %dma_wait3A_181] : memref<2x64x256xf32, #tpu.memory_space<vmem>> -> memref<1x64x256xf32, #tpu.memory_space<vmem>>
    %dma_wait3A_183 = tpu.memref_squeeze %dma_wait3A_182 : memref<1x64x256xf32, #tpu.memory_space<vmem>> -> memref<64x256xf32, #tpu.memory_space<vmem>>
    %dma_wait3A_184 = arith.constant 0 : i32
    %dma_wait3A_185 = tpu.memref_slice %arg4[%add3A_90, %dma_wait3A_184] : memref<8192x256xf32, #tpu.memory_space<hbm>> -> memref<64x256xf32, #tpu.memory_space<hbm>>
    %dma_wait3A_186 = arith.constant 0 : i32
    %dma_wait3A_187 = tpu.memref_slice %arg4[%add3A_90, %dma_wait3A_186] : memref<8192x256xf32, #tpu.memory_space<hbm>> -> memref<64x256xf32, #tpu.memory_space<hbm>>
    %dma_wait3A_188 = arith.constant 0 : i32
    %dma_wait3A_189 = arith.constant 0 : i32
    %dma_wait3A_190 = tpu.memref_slice %arg9[%dma_wait3A_179, %dma_wait3A_188, %dma_wait3A_189] : memref<2x64x256xf32, #tpu.memory_space<vmem>> -> memref<1x64x256xf32, #tpu.memory_space<vmem>>
    %dma_wait3A_191 = tpu.memref_squeeze %dma_wait3A_190 : memref<1x64x256xf32, #tpu.memory_space<vmem>> -> memref<64x256xf32, #tpu.memory_space<vmem>>
    tpu.wait_dma2 semaphore(%arg13 : memref<!tpu.dma_semaphore, #tpu.memory_space<semaphore_mem>>) src(%dma_wait3A_191 : memref<64x256xf32, #tpu.memory_space<vmem>>) dst(%dma_wait3A_187 : memref<64x256xf32, #tpu.memory_space<hbm>>)
    %add3A_192 = arith.constant 192 : i32
    %add3A_193 = arith.addi %mul3A_2, %add3A_192 : i32
    %parallel_loop3A_194 = arith.constant 0 : i32
    %parallel_loop3A_195 = arith.constant 64 : i32
    %parallel_loop3A_196 = arith.constant 1 : i32
    scf.for %parallel_loop3A_236 = %parallel_loop3A_194 to %parallel_loop3A_195 step %parallel_loop3A_196  : i32 {
      %parallel_loop3A_237 = arith.addi %add3A_193, %parallel_loop3A_236 : i32
      %parallel_loop3A_238 = vector.broadcast %parallel_loop3A_237 : i32 to vector<16xi32>
      %parallel_loop3A_239 = tpu.vector_load_idx %arg5[%parallel_loop3A_238] : memref<8192xf32, #tpu.memory_space<vmem>>[vector<16xi32>], vector<16xf32>,
      %parallel_loop3A_240 = tpu.vector_load_idx %arg6[%parallel_loop3A_238] : memref<8192xf32, #tpu.memory_space<vmem>>[vector<16xi32>], vector<16xf32>,
      %parallel_loop3A_241 = tpu.vector_load_idx %arg7[%parallel_loop3A_238] : memref<8192xf32, #tpu.memory_space<vmem>>[vector<16xi32>], vector<16xf32>,
      %parallel_loop3A_242 = arith.constant 1 : i32
      %parallel_loop3A_243 = arith.index_cast %parallel_loop3A_242 : i32 to index
      %parallel_loop3A_244 = arith.index_cast %parallel_loop3A_236 : i32 to index
      %parallel_loop3A_245 = arith.constant 0 : index
      %parallel_loop3A_246 = tpu.vector_load %arg8[%parallel_loop3A_243, %parallel_loop3A_244, %parallel_loop3A_245] {strides = array<i32>} : memref<2x64x256xi32, #tpu.memory_space<vmem>>, vector<16xi32>,
      %parallel_loop3A_247 = tpu.vector_load_idx %arg5[%parallel_loop3A_246] : memref<8192xf32, #tpu.memory_space<vmem>>[vector<16xi32>], vector<16xf32>,
      %parallel_loop3A_248 = tpu.vector_load_idx %arg6[%parallel_loop3A_246] : memref<8192xf32, #tpu.memory_space<vmem>>[vector<16xi32>], vector<16xf32>,
      %parallel_loop3A_249 = tpu.vector_load_idx %arg7[%parallel_loop3A_246] : memref<8192xf32, #tpu.memory_space<vmem>>[vector<16xi32>], vector<16xf32>,
      %parallel_loop3A_250 = arith.subf %parallel_loop3A_239, %parallel_loop3A_247 : vector<16xf32>
      %parallel_loop3A_251 = math.absf %parallel_loop3A_250 : vector<16xf32>
      %parallel_loop3A_252 = arith.subf %parallel_loop3A_240, %parallel_loop3A_248 : vector<16xf32>
      %parallel_loop3A_253 = math.absf %parallel_loop3A_252 : vector<16xf32>
      %parallel_loop3A_254 = arith.addf %parallel_loop3A_251, %parallel_loop3A_253 : vector<16xf32>
      %parallel_loop3A_255 = arith.subf %parallel_loop3A_241, %parallel_loop3A_249 : vector<16xf32>
      %parallel_loop3A_256 = math.absf %parallel_loop3A_255 : vector<16xf32>
      %parallel_loop3A_257 = arith.addf %parallel_loop3A_254, %parallel_loop3A_256 : vector<16xf32>
      %parallel_loop3A_258 = arith.constant 1 : i32
      %parallel_loop3A_259 = arith.index_cast %parallel_loop3A_258 : i32 to index
      %parallel_loop3A_260 = arith.index_cast %parallel_loop3A_236 : i32 to index
      %parallel_loop3A_261 = arith.constant 0 : index
      %parallel_loop3A_262 = tpu.vector_load %arg9[%parallel_loop3A_259, %parallel_loop3A_260, %parallel_loop3A_261] {strides = array<i32>} : memref<2x64x256xf32, #tpu.memory_space<vmem>>, vector<16xf32>,
      tpu.vector_store %arg9[%parallel_loop3A_259, %parallel_loop3A_260, %parallel_loop3A_261], %parallel_loop3A_257 {strides = array<i32>} : memref<2x64x256xf32, #tpu.memory_space<vmem>>, vector<16xf32>,
      %parallel_loop3A_263 = arith.constant 1 : i32
      %parallel_loop3A_264 = arith.index_cast %parallel_loop3A_263 : i32 to index
      %parallel_loop3A_265 = arith.index_cast %parallel_loop3A_236 : i32 to index
      %parallel_loop3A_266 = arith.constant 16 : index
      %parallel_loop3A_267 = tpu.vector_load %arg8[%parallel_loop3A_264, %parallel_loop3A_265, %parallel_loop3A_266] {strides = array<i32>} : memref<2x64x256xi32, #tpu.memory_space<vmem>>, vector<16xi32>,
      %parallel_loop3A_268 = tpu.vector_load_idx %arg5[%parallel_loop3A_267] : memref<8192xf32, #tpu.memory_space<vmem>>[vector<16xi32>], vector<16xf32>,
      %parallel_loop3A_269 = tpu.vector_load_idx %arg6[%parallel_loop3A_267] : memref<8192xf32, #tpu.memory_space<vmem>>[vector<16xi32>], vector<16xf32>,
      %parallel_loop3A_270 = tpu.vector_load_idx %arg7[%parallel_loop3A_267] : memref<8192xf32, #tpu.memory_space<vmem>>[vector<16xi32>], vector<16xf32>,
      %parallel_loop3A_271 = arith.subf %parallel_loop3A_239, %parallel_loop3A_268 : vector<16xf32>
      %parallel_loop3A_272 = math.absf %parallel_loop3A_271 : vector<16xf32>
      %parallel_loop3A_273 = arith.subf %parallel_loop3A_240, %parallel_loop3A_269 : vector<16xf32>
      %parallel_loop3A_274 = math.absf %parallel_loop3A_273 : vector<16xf32>
      %parallel_loop3A_275 = arith.addf %parallel_loop3A_272, %parallel_loop3A_274 : vector<16xf32>
      %parallel_loop3A_276 = arith.subf %parallel_loop3A_241, %parallel_loop3A_270 : vector<16xf32>
      %parallel_loop3A_277 = math.absf %parallel_loop3A_276 : vector<16xf32>
      %parallel_loop3A_278 = arith.addf %parallel_loop3A_275, %parallel_loop3A_277 : vector<16xf32>
      %parallel_loop3A_279 = arith.constant 1 : i32
      %parallel_loop3A_280 = arith.index_cast %parallel_loop3A_279 : i32 to index
      %parallel_loop3A_281 = arith.index_cast %parallel_loop3A_236 : i32 to index
      %parallel_loop3A_282 = arith.constant 16 : index
      %parallel_loop3A_283 = tpu.vector_load %arg9[%parallel_loop3A_280, %parallel_loop3A_281, %parallel_loop3A_282] {strides = array<i32>} : memref<2x64x256xf32, #tpu.memory_space<vmem>>, vector<16xf32>,
      tpu.vector_store %arg9[%parallel_loop3A_280, %parallel_loop3A_281, %parallel_loop3A_282], %parallel_loop3A_278 {strides = array<i32>} : memref<2x64x256xf32, #tpu.memory_space<vmem>>, vector<16xf32>,
      %parallel_loop3A_284 = arith.constant 1 : i32
      %parallel_loop3A_285 = arith.index_cast %parallel_loop3A_284 : i32 to index
      %parallel_loop3A_286 = arith.index_cast %parallel_loop3A_236 : i32 to index
      %parallel_loop3A_287 = arith.constant 32 : index
      %parallel_loop3A_288 = tpu.vector_load %arg8[%parallel_loop3A_285, %parallel_loop3A_286, %parallel_loop3A_287] {strides = array<i32>} : memref<2x64x256xi32, #tpu.memory_space<vmem>>, vector<16xi32>,
      %parallel_loop3A_289 = tpu.vector_load_idx %arg5[%parallel_loop3A_288] : memref<8192xf32, #tpu.memory_space<vmem>>[vector<16xi32>], vector<16xf32>,
      %parallel_loop3A_290 = tpu.vector_load_idx %arg6[%parallel_loop3A_288] : memref<8192xf32, #tpu.memory_space<vmem>>[vector<16xi32>], vector<16xf32>,
      %parallel_loop3A_291 = tpu.vector_load_idx %arg7[%parallel_loop3A_288] : memref<8192xf32, #tpu.memory_space<vmem>>[vector<16xi32>], vector<16xf32>,
      %parallel_loop3A_292 = arith.subf %parallel_loop3A_239, %parallel_loop3A_289 : vector<16xf32>
      %parallel_loop3A_293 = math.absf %parallel_loop3A_292 : vector<16xf32>
      %parallel_loop3A_294 = arith.subf %parallel_loop3A_240, %parallel_loop3A_290 : vector<16xf32>
      %parallel_loop3A_295 = math.absf %parallel_loop3A_294 : vector<16xf32>
      %parallel_loop3A_296 = arith.addf %parallel_loop3A_293, %parallel_loop3A_295 : vector<16xf32>
      %parallel_loop3A_297 = arith.subf %parallel_loop3A_241, %parallel_loop3A_291 : vector<16xf32>
      %parallel_loop3A_298 = math.absf %parallel_loop3A_297 : vector<16xf32>
      %parallel_loop3A_299 = arith.addf %parallel_loop3A_296, %parallel_loop3A_298 : vector<16xf32>
      %parallel_loop3A_300 = arith.constant 1 : i32
      %parallel_loop3A_301 = arith.index_cast %parallel_loop3A_300 : i32 to index
      %parallel_loop3A_302 = arith.index_cast %parallel_loop3A_236 : i32 to index
      %parallel_loop3A_303 = arith.constant 32 : index
      %parallel_loop3A_304 = tpu.vector_load %arg9[%parallel_loop3A_301, %parallel_loop3A_302, %parallel_loop3A_303] {strides = array<i32>} : memref<2x64x256xf32, #tpu.memory_space<vmem>>, vector<16xf32>,
      tpu.vector_store %arg9[%parallel_loop3A_301, %parallel_loop3A_302, %parallel_loop3A_303], %parallel_loop3A_299 {strides = array<i32>} : memref<2x64x256xf32, #tpu.memory_space<vmem>>, vector<16xf32>,
      %parallel_loop3A_305 = arith.constant 1 : i32
      %parallel_loop3A_306 = arith.index_cast %parallel_loop3A_305 : i32 to index
      %parallel_loop3A_307 = arith.index_cast %parallel_loop3A_236 : i32 to index
      %parallel_loop3A_308 = arith.constant 48 : index
      %parallel_loop3A_309 = tpu.vector_load %arg8[%parallel_loop3A_306, %parallel_loop3A_307, %parallel_loop3A_308] {strides = array<i32>} : memref<2x64x256xi32, #tpu.memory_space<vmem>>, vector<16xi32>,
      %parallel_loop3A_310 = tpu.vector_load_idx %arg5[%parallel_loop3A_309] : memref<8192xf32, #tpu.memory_space<vmem>>[vector<16xi32>], vector<16xf32>,
      %parallel_loop3A_311 = tpu.vector_load_idx %arg6[%parallel_loop3A_309] : memref<8192xf32, #tpu.memory_space<vmem>>[vector<16xi32>], vector<16xf32>,
      %parallel_loop3A_312 = tpu.vector_load_idx %arg7[%parallel_loop3A_309] : memref<8192xf32, #tpu.memory_space<vmem>>[vector<16xi32>], vector<16xf32>,
      %parallel_loop3A_313 = arith.subf %parallel_loop3A_239, %parallel_loop3A_310 : vector<16xf32>
      %parallel_loop3A_314 = math.absf %parallel_loop3A_313 : vector<16xf32>
      %parallel_loop3A_315 = arith.subf %parallel_loop3A_240, %parallel_loop3A_311 : vector<16xf32>
      %parallel_loop3A_316 = math.absf %parallel_loop3A_315 : vector<16xf32>
      %parallel_loop3A_317 = arith.addf %parallel_loop3A_314, %parallel_loop3A_316 : vector<16xf32>
      %parallel_loop3A_318 = arith.subf %parallel_loop3A_241, %parallel_loop3A_312 : vector<16xf32>
      %parallel_loop3A_319 = math.absf %parallel_loop3A_318 : vector<16xf32>
      %parallel_loop3A_320 = arith.addf %parallel_loop3A_317, %parallel_loop3A_319 : vector<16xf32>
      %parallel_loop3A_321 = arith.constant 1 : i32
      %parallel_loop3A_322 = arith.index_cast %parallel_loop3A_321 : i32 to index
      %parallel_loop3A_323 = arith.index_cast %parallel_loop3A_236 : i32 to index
      %parallel_loop3A_324 = arith.constant 48 : index
      %parallel_loop3A_325 = tpu.vector_load %arg9[%parallel_loop3A_322, %parallel_loop3A_323, %parallel_loop3A_324] {strides = array<i32>} : memref<2x64x256xf32, #tpu.memory_space<vmem>>, vector<16xf32>,
      tpu.vector_store %arg9[%parallel_loop3A_322, %parallel_loop3A_323, %parallel_loop3A_324], %parallel_loop3A_320 {strides = array<i32>} : memref<2x64x256xf32, #tpu.memory_space<vmem>>, vector<16xf32>,
      %parallel_loop3A_326 = arith.constant 1 : i32
      %parallel_loop3A_327 = arith.index_cast %parallel_loop3A_326 : i32 to index
      %parallel_loop3A_328 = arith.index_cast %parallel_loop3A_236 : i32 to index
      %parallel_loop3A_329 = arith.constant 64 : index
      %parallel_loop3A_330 = tpu.vector_load %arg8[%parallel_loop3A_327, %parallel_loop3A_328, %parallel_loop3A_329] {strides = array<i32>} : memref<2x64x256xi32, #tpu.memory_space<vmem>>, vector<16xi32>,
      %parallel_loop3A_331 = tpu.vector_load_idx %arg5[%parallel_loop3A_330] : memref<8192xf32, #tpu.memory_space<vmem>>[vector<16xi32>], vector<16xf32>,
      %parallel_loop3A_332 = tpu.vector_load_idx %arg6[%parallel_loop3A_330] : memref<8192xf32, #tpu.memory_space<vmem>>[vector<16xi32>], vector<16xf32>,
      %parallel_loop3A_333 = tpu.vector_load_idx %arg7[%parallel_loop3A_330] : memref<8192xf32, #tpu.memory_space<vmem>>[vector<16xi32>], vector<16xf32>,
      %parallel_loop3A_334 = arith.subf %parallel_loop3A_239, %parallel_loop3A_331 : vector<16xf32>
      %parallel_loop3A_335 = math.absf %parallel_loop3A_334 : vector<16xf32>
      %parallel_loop3A_336 = arith.subf %parallel_loop3A_240, %parallel_loop3A_332 : vector<16xf32>
      %parallel_loop3A_337 = math.absf %parallel_loop3A_336 : vector<16xf32>
      %parallel_loop3A_338 = arith.addf %parallel_loop3A_335, %parallel_loop3A_337 : vector<16xf32>
      %parallel_loop3A_339 = arith.subf %parallel_loop3A_241, %parallel_loop3A_333 : vector<16xf32>
      %parallel_loop3A_340 = math.absf %parallel_loop3A_339 : vector<16xf32>
      %parallel_loop3A_341 = arith.addf %parallel_loop3A_338, %parallel_loop3A_340 : vector<16xf32>
      %parallel_loop3A_342 = arith.constant 1 : i32
      %parallel_loop3A_343 = arith.index_cast %parallel_loop3A_342 : i32 to index
      %parallel_loop3A_344 = arith.index_cast %parallel_loop3A_236 : i32 to index
      %parallel_loop3A_345 = arith.constant 64 : index
      %parallel_loop3A_346 = tpu.vector_load %arg9[%parallel_loop3A_343, %parallel_loop3A_344, %parallel_loop3A_345] {strides = array<i32>} : memref<2x64x256xf32, #tpu.memory_space<vmem>>, vector<16xf32>,
      tpu.vector_store %arg9[%parallel_loop3A_343, %parallel_loop3A_344, %parallel_loop3A_345], %parallel_loop3A_341 {strides = array<i32>} : memref<2x64x256xf32, #tpu.memory_space<vmem>>, vector<16xf32>,
      %parallel_loop3A_347 = arith.constant 1 : i32
      %parallel_loop3A_348 = arith.index_cast %parallel_loop3A_347 : i32 to index
      %parallel_loop3A_349 = arith.index_cast %parallel_loop3A_236 : i32 to index
      %parallel_loop3A_350 = arith.constant 80 : index
      %parallel_loop3A_351 = tpu.vector_load %arg8[%parallel_loop3A_348, %parallel_loop3A_349, %parallel_loop3A_350] {strides = array<i32>} : memref<2x64x256xi32, #tpu.memory_space<vmem>>, vector<16xi32>,
      %parallel_loop3A_352 = tpu.vector_load_idx %arg5[%parallel_loop3A_351] : memref<8192xf32, #tpu.memory_space<vmem>>[vector<16xi32>], vector<16xf32>,
      %parallel_loop3A_353 = tpu.vector_load_idx %arg6[%parallel_loop3A_351] : memref<8192xf32, #tpu.memory_space<vmem>>[vector<16xi32>], vector<16xf32>,
      %parallel_loop3A_354 = tpu.vector_load_idx %arg7[%parallel_loop3A_351] : memref<8192xf32, #tpu.memory_space<vmem>>[vector<16xi32>], vector<16xf32>,
      %parallel_loop3A_355 = arith.subf %parallel_loop3A_239, %parallel_loop3A_352 : vector<16xf32>
      %parallel_loop3A_356 = math.absf %parallel_loop3A_355 : vector<16xf32>
      %parallel_loop3A_357 = arith.subf %parallel_loop3A_240, %parallel_loop3A_353 : vector<16xf32>
      %parallel_loop3A_358 = math.absf %parallel_loop3A_357 : vector<16xf32>
      %parallel_loop3A_359 = arith.addf %parallel_loop3A_356, %parallel_loop3A_358 : vector<16xf32>
      %parallel_loop3A_360 = arith.subf %parallel_loop3A_241, %parallel_loop3A_354 : vector<16xf32>
      %parallel_loop3A_361 = math.absf %parallel_loop3A_360 : vector<16xf32>
      %parallel_loop3A_362 = arith.addf %parallel_loop3A_359, %parallel_loop3A_361 : vector<16xf32>
      %parallel_loop3A_363 = arith.constant 1 : i32
      %parallel_loop3A_364 = arith.index_cast %parallel_loop3A_363 : i32 to index
      %parallel_loop3A_365 = arith.index_cast %parallel_loop3A_236 : i32 to index
      %parallel_loop3A_366 = arith.constant 80 : index
      %parallel_loop3A_367 = tpu.vector_load %arg9[%parallel_loop3A_364, %parallel_loop3A_365, %parallel_loop3A_366] {strides = array<i32>} : memref<2x64x256xf32, #tpu.memory_space<vmem>>, vector<16xf32>,
      tpu.vector_store %arg9[%parallel_loop3A_364, %parallel_loop3A_365, %parallel_loop3A_366], %parallel_loop3A_362 {strides = array<i32>} : memref<2x64x256xf32, #tpu.memory_space<vmem>>, vector<16xf32>,
      %parallel_loop3A_368 = arith.constant 1 : i32
      %parallel_loop3A_369 = arith.index_cast %parallel_loop3A_368 : i32 to index
      %parallel_loop3A_370 = arith.index_cast %parallel_loop3A_236 : i32 to index
      %parallel_loop3A_371 = arith.constant 96 : index
      %parallel_loop3A_372 = tpu.vector_load %arg8[%parallel_loop3A_369, %parallel_loop3A_370, %parallel_loop3A_371] {strides = array<i32>} : memref<2x64x256xi32, #tpu.memory_space<vmem>>, vector<16xi32>,
      %parallel_loop3A_373 = tpu.vector_load_idx %arg5[%parallel_loop3A_372] : memref<8192xf32, #tpu.memory_space<vmem>>[vector<16xi32>], vector<16xf32>,
      %parallel_loop3A_374 = tpu.vector_load_idx %arg6[%parallel_loop3A_372] : memref<8192xf32, #tpu.memory_space<vmem>>[vector<16xi32>], vector<16xf32>,
      %parallel_loop3A_375 = tpu.vector_load_idx %arg7[%parallel_loop3A_372] : memref<8192xf32, #tpu.memory_space<vmem>>[vector<16xi32>], vector<16xf32>,
      %parallel_loop3A_376 = arith.subf %parallel_loop3A_239, %parallel_loop3A_373 : vector<16xf32>
      %parallel_loop3A_377 = math.absf %parallel_loop3A_376 : vector<16xf32>
      %parallel_loop3A_378 = arith.subf %parallel_loop3A_240, %parallel_loop3A_374 : vector<16xf32>
      %parallel_loop3A_379 = math.absf %parallel_loop3A_378 : vector<16xf32>
      %parallel_loop3A_380 = arith.addf %parallel_loop3A_377, %parallel_loop3A_379 : vector<16xf32>
      %parallel_loop3A_381 = arith.subf %parallel_loop3A_241, %parallel_loop3A_375 : vector<16xf32>
      %parallel_loop3A_382 = math.absf %parallel_loop3A_381 : vector<16xf32>
      %parallel_loop3A_383 = arith.addf %parallel_loop3A_380, %parallel_loop3A_382 : vector<16xf32>
      %parallel_loop3A_384 = arith.constant 1 : i32
      %parallel_loop3A_385 = arith.index_cast %parallel_loop3A_384 : i32 to index
      %parallel_loop3A_386 = arith.index_cast %parallel_loop3A_236 : i32 to index
      %parallel_loop3A_387 = arith.constant 96 : index
      %parallel_loop3A_388 = tpu.vector_load %arg9[%parallel_loop3A_385, %parallel_loop3A_386, %parallel_loop3A_387] {strides = array<i32>} : memref<2x64x256xf32, #tpu.memory_space<vmem>>, vector<16xf32>,
      tpu.vector_store %arg9[%parallel_loop3A_385, %parallel_loop3A_386, %parallel_loop3A_387], %parallel_loop3A_383 {strides = array<i32>} : memref<2x64x256xf32, #tpu.memory_space<vmem>>, vector<16xf32>,
      %parallel_loop3A_389 = arith.constant 1 : i32
      %parallel_loop3A_390 = arith.index_cast %parallel_loop3A_389 : i32 to index
      %parallel_loop3A_391 = arith.index_cast %parallel_loop3A_236 : i32 to index
      %parallel_loop3A_392 = arith.constant 112 : index
      %parallel_loop3A_393 = tpu.vector_load %arg8[%parallel_loop3A_390, %parallel_loop3A_391, %parallel_loop3A_392] {strides = array<i32>} : memref<2x64x256xi32, #tpu.memory_space<vmem>>, vector<16xi32>,
      %parallel_loop3A_394 = tpu.vector_load_idx %arg5[%parallel_loop3A_393] : memref<8192xf32, #tpu.memory_space<vmem>>[vector<16xi32>], vector<16xf32>,
      %parallel_loop3A_395 = tpu.vector_load_idx %arg6[%parallel_loop3A_393] : memref<8192xf32, #tpu.memory_space<vmem>>[vector<16xi32>], vector<16xf32>,
      %parallel_loop3A_396 = tpu.vector_load_idx %arg7[%parallel_loop3A_393] : memref<8192xf32, #tpu.memory_space<vmem>>[vector<16xi32>], vector<16xf32>,
      %parallel_loop3A_397 = arith.subf %parallel_loop3A_239, %parallel_loop3A_394 : vector<16xf32>
      %parallel_loop3A_398 = math.absf %parallel_loop3A_397 : vector<16xf32>
      %parallel_loop3A_399 = arith.subf %parallel_loop3A_240, %parallel_loop3A_395 : vector<16xf32>
      %parallel_loop3A_400 = math.absf %parallel_loop3A_399 : vector<16xf32>
      %parallel_loop3A_401 = arith.addf %parallel_loop3A_398, %parallel_loop3A_400 : vector<16xf32>
      %parallel_loop3A_402 = arith.subf %parallel_loop3A_241, %parallel_loop3A_396 : vector<16xf32>
      %parallel_loop3A_403 = math.absf %parallel_loop3A_402 : vector<16xf32>
      %parallel_loop3A_404 = arith.addf %parallel_loop3A_401, %parallel_loop3A_403 : vector<16xf32>
      %parallel_loop3A_405 = arith.constant 1 : i32
      %parallel_loop3A_406 = arith.index_cast %parallel_loop3A_405 : i32 to index
      %parallel_loop3A_407 = arith.index_cast %parallel_loop3A_236 : i32 to index
      %parallel_loop3A_408 = arith.constant 112 : index
      %parallel_loop3A_409 = tpu.vector_load %arg9[%parallel_loop3A_406, %parallel_loop3A_407, %parallel_loop3A_408] {strides = array<i32>} : memref<2x64x256xf32, #tpu.memory_space<vmem>>, vector<16xf32>,
      tpu.vector_store %arg9[%parallel_loop3A_406, %parallel_loop3A_407, %parallel_loop3A_408], %parallel_loop3A_404 {strides = array<i32>} : memref<2x64x256xf32, #tpu.memory_space<vmem>>, vector<16xf32>,
      %parallel_loop3A_410 = arith.constant 1 : i32
      %parallel_loop3A_411 = arith.index_cast %parallel_loop3A_410 : i32 to index
      %parallel_loop3A_412 = arith.index_cast %parallel_loop3A_236 : i32 to index
      %parallel_loop3A_413 = arith.constant 128 : index
      %parallel_loop3A_414 = tpu.vector_load %arg8[%parallel_loop3A_411, %parallel_loop3A_412, %parallel_loop3A_413] {strides = array<i32>} : memref<2x64x256xi32, #tpu.memory_space<vmem>>, vector<16xi32>,
      %parallel_loop3A_415 = tpu.vector_load_idx %arg5[%parallel_loop3A_414] : memref<8192xf32, #tpu.memory_space<vmem>>[vector<16xi32>], vector<16xf32>,
      %parallel_loop3A_416 = tpu.vector_load_idx %arg6[%parallel_loop3A_414] : memref<8192xf32, #tpu.memory_space<vmem>>[vector<16xi32>], vector<16xf32>,
      %parallel_loop3A_417 = tpu.vector_load_idx %arg7[%parallel_loop3A_414] : memref<8192xf32, #tpu.memory_space<vmem>>[vector<16xi32>], vector<16xf32>,
      %parallel_loop3A_418 = arith.subf %parallel_loop3A_239, %parallel_loop3A_415 : vector<16xf32>
      %parallel_loop3A_419 = math.absf %parallel_loop3A_418 : vector<16xf32>
      %parallel_loop3A_420 = arith.subf %parallel_loop3A_240, %parallel_loop3A_416 : vector<16xf32>
      %parallel_loop3A_421 = math.absf %parallel_loop3A_420 : vector<16xf32>
      %parallel_loop3A_422 = arith.addf %parallel_loop3A_419, %parallel_loop3A_421 : vector<16xf32>
      %parallel_loop3A_423 = arith.subf %parallel_loop3A_241, %parallel_loop3A_417 : vector<16xf32>
      %parallel_loop3A_424 = math.absf %parallel_loop3A_423 : vector<16xf32>
      %parallel_loop3A_425 = arith.addf %parallel_loop3A_422, %parallel_loop3A_424 : vector<16xf32>
      %parallel_loop3A_426 = arith.constant 1 : i32
      %parallel_loop3A_427 = arith.index_cast %parallel_loop3A_426 : i32 to index
      %parallel_loop3A_428 = arith.index_cast %parallel_loop3A_236 : i32 to index
      %parallel_loop3A_429 = arith.constant 128 : index
      %parallel_loop3A_430 = tpu.vector_load %arg9[%parallel_loop3A_427, %parallel_loop3A_428, %parallel_loop3A_429] {strides = array<i32>} : memref<2x64x256xf32, #tpu.memory_space<vmem>>, vector<16xf32>,
      tpu.vector_store %arg9[%parallel_loop3A_427, %parallel_loop3A_428, %parallel_loop3A_429], %parallel_loop3A_425 {strides = array<i32>} : memref<2x64x256xf32, #tpu.memory_space<vmem>>, vector<16xf32>,
      %parallel_loop3A_431 = arith.constant 1 : i32
      %parallel_loop3A_432 = arith.index_cast %parallel_loop3A_431 : i32 to index
      %parallel_loop3A_433 = arith.index_cast %parallel_loop3A_236 : i32 to index
      %parallel_loop3A_434 = arith.constant 144 : index
      %parallel_loop3A_435 = tpu.vector_load %arg8[%parallel_loop3A_432, %parallel_loop3A_433, %parallel_loop3A_434] {strides = array<i32>} : memref<2x64x256xi32, #tpu.memory_space<vmem>>, vector<16xi32>,
      %parallel_loop3A_436 = tpu.vector_load_idx %arg5[%parallel_loop3A_435] : memref<8192xf32, #tpu.memory_space<vmem>>[vector<16xi32>], vector<16xf32>,
      %parallel_loop3A_437 = tpu.vector_load_idx %arg6[%parallel_loop3A_435] : memref<8192xf32, #tpu.memory_space<vmem>>[vector<16xi32>], vector<16xf32>,
      %parallel_loop3A_438 = tpu.vector_load_idx %arg7[%parallel_loop3A_435] : memref<8192xf32, #tpu.memory_space<vmem>>[vector<16xi32>], vector<16xf32>,
      %parallel_loop3A_439 = arith.subf %parallel_loop3A_239, %parallel_loop3A_436 : vector<16xf32>
      %parallel_loop3A_440 = math.absf %parallel_loop3A_439 : vector<16xf32>
      %parallel_loop3A_441 = arith.subf %parallel_loop3A_240, %parallel_loop3A_437 : vector<16xf32>
      %parallel_loop3A_442 = math.absf %parallel_loop3A_441 : vector<16xf32>
      %parallel_loop3A_443 = arith.addf %parallel_loop3A_440, %parallel_loop3A_442 : vector<16xf32>
      %parallel_loop3A_444 = arith.subf %parallel_loop3A_241, %parallel_loop3A_438 : vector<16xf32>
      %parallel_loop3A_445 = math.absf %parallel_loop3A_444 : vector<16xf32>
      %parallel_loop3A_446 = arith.addf %parallel_loop3A_443, %parallel_loop3A_445 : vector<16xf32>
      %parallel_loop3A_447 = arith.constant 1 : i32
      %parallel_loop3A_448 = arith.index_cast %parallel_loop3A_447 : i32 to index
      %parallel_loop3A_449 = arith.index_cast %parallel_loop3A_236 : i32 to index
      %parallel_loop3A_450 = arith.constant 144 : index
      %parallel_loop3A_451 = tpu.vector_load %arg9[%parallel_loop3A_448, %parallel_loop3A_449, %parallel_loop3A_450] {strides = array<i32>} : memref<2x64x256xf32, #tpu.memory_space<vmem>>, vector<16xf32>,
      tpu.vector_store %arg9[%parallel_loop3A_448, %parallel_loop3A_449, %parallel_loop3A_450], %parallel_loop3A_446 {strides = array<i32>} : memref<2x64x256xf32, #tpu.memory_space<vmem>>, vector<16xf32>,
      %parallel_loop3A_452 = arith.constant 1 : i32
      %parallel_loop3A_453 = arith.index_cast %parallel_loop3A_452 : i32 to index
      %parallel_loop3A_454 = arith.index_cast %parallel_loop3A_236 : i32 to index
      %parallel_loop3A_455 = arith.constant 160 : index
      %parallel_loop3A_456 = tpu.vector_load %arg8[%parallel_loop3A_453, %parallel_loop3A_454, %parallel_loop3A_455] {strides = array<i32>} : memref<2x64x256xi32, #tpu.memory_space<vmem>>, vector<16xi32>,
      %parallel_loop3A_457 = tpu.vector_load_idx %arg5[%parallel_loop3A_456] : memref<8192xf32, #tpu.memory_space<vmem>>[vector<16xi32>], vector<16xf32>,
      %parallel_loop3A_458 = tpu.vector_load_idx %arg6[%parallel_loop3A_456] : memref<8192xf32, #tpu.memory_space<vmem>>[vector<16xi32>], vector<16xf32>,
      %parallel_loop3A_459 = tpu.vector_load_idx %arg7[%parallel_loop3A_456] : memref<8192xf32, #tpu.memory_space<vmem>>[vector<16xi32>], vector<16xf32>,
      %parallel_loop3A_460 = arith.subf %parallel_loop3A_239, %parallel_loop3A_457 : vector<16xf32>
      %parallel_loop3A_461 = math.absf %parallel_loop3A_460 : vector<16xf32>
      %parallel_loop3A_462 = arith.subf %parallel_loop3A_240, %parallel_loop3A_458 : vector<16xf32>
      %parallel_loop3A_463 = math.absf %parallel_loop3A_462 : vector<16xf32>
      %parallel_loop3A_464 = arith.addf %parallel_loop3A_461, %parallel_loop3A_463 : vector<16xf32>
      %parallel_loop3A_465 = arith.subf %parallel_loop3A_241, %parallel_loop3A_459 : vector<16xf32>
      %parallel_loop3A_466 = math.absf %parallel_loop3A_465 : vector<16xf32>
      %parallel_loop3A_467 = arith.addf %parallel_loop3A_464, %parallel_loop3A_466 : vector<16xf32>
      %parallel_loop3A_468 = arith.constant 1 : i32
      %parallel_loop3A_469 = arith.index_cast %parallel_loop3A_468 : i32 to index
      %parallel_loop3A_470 = arith.index_cast %parallel_loop3A_236 : i32 to index
      %parallel_loop3A_471 = arith.constant 160 : index
      %parallel_loop3A_472 = tpu.vector_load %arg9[%parallel_loop3A_469, %parallel_loop3A_470, %parallel_loop3A_471] {strides = array<i32>} : memref<2x64x256xf32, #tpu.memory_space<vmem>>, vector<16xf32>,
      tpu.vector_store %arg9[%parallel_loop3A_469, %parallel_loop3A_470, %parallel_loop3A_471], %parallel_loop3A_467 {strides = array<i32>} : memref<2x64x256xf32, #tpu.memory_space<vmem>>, vector<16xf32>,
      %parallel_loop3A_473 = arith.constant 1 : i32
      %parallel_loop3A_474 = arith.index_cast %parallel_loop3A_473 : i32 to index
      %parallel_loop3A_475 = arith.index_cast %parallel_loop3A_236 : i32 to index
      %parallel_loop3A_476 = arith.constant 176 : index
      %parallel_loop3A_477 = tpu.vector_load %arg8[%parallel_loop3A_474, %parallel_loop3A_475, %parallel_loop3A_476] {strides = array<i32>} : memref<2x64x256xi32, #tpu.memory_space<vmem>>, vector<16xi32>,
      %parallel_loop3A_478 = tpu.vector_load_idx %arg5[%parallel_loop3A_477] : memref<8192xf32, #tpu.memory_space<vmem>>[vector<16xi32>], vector<16xf32>,
      %parallel_loop3A_479 = tpu.vector_load_idx %arg6[%parallel_loop3A_477] : memref<8192xf32, #tpu.memory_space<vmem>>[vector<16xi32>], vector<16xf32>,
      %parallel_loop3A_480 = tpu.vector_load_idx %arg7[%parallel_loop3A_477] : memref<8192xf32, #tpu.memory_space<vmem>>[vector<16xi32>], vector<16xf32>,
      %parallel_loop3A_481 = arith.subf %parallel_loop3A_239, %parallel_loop3A_478 : vector<16xf32>
      %parallel_loop3A_482 = math.absf %parallel_loop3A_481 : vector<16xf32>
      %parallel_loop3A_483 = arith.subf %parallel_loop3A_240, %parallel_loop3A_479 : vector<16xf32>
      %parallel_loop3A_484 = math.absf %parallel_loop3A_483 : vector<16xf32>
      %parallel_loop3A_485 = arith.addf %parallel_loop3A_482, %parallel_loop3A_484 : vector<16xf32>
      %parallel_loop3A_486 = arith.subf %parallel_loop3A_241, %parallel_loop3A_480 : vector<16xf32>
      %parallel_loop3A_487 = math.absf %parallel_loop3A_486 : vector<16xf32>
      %parallel_loop3A_488 = arith.addf %parallel_loop3A_485, %parallel_loop3A_487 : vector<16xf32>
      %parallel_loop3A_489 = arith.constant 1 : i32
      %parallel_loop3A_490 = arith.index_cast %parallel_loop3A_489 : i32 to index
      %parallel_loop3A_491 = arith.index_cast %parallel_loop3A_236 : i32 to index
      %parallel_loop3A_492 = arith.constant 176 : index
      %parallel_loop3A_493 = tpu.vector_load %arg9[%parallel_loop3A_490, %parallel_loop3A_491, %parallel_loop3A_492] {strides = array<i32>} : memref<2x64x256xf32, #tpu.memory_space<vmem>>, vector<16xf32>,
      tpu.vector_store %arg9[%parallel_loop3A_490, %parallel_loop3A_491, %parallel_loop3A_492], %parallel_loop3A_488 {strides = array<i32>} : memref<2x64x256xf32, #tpu.memory_space<vmem>>, vector<16xf32>,
      %parallel_loop3A_494 = arith.constant 1 : i32
      %parallel_loop3A_495 = arith.index_cast %parallel_loop3A_494 : i32 to index
      %parallel_loop3A_496 = arith.index_cast %parallel_loop3A_236 : i32 to index
      %parallel_loop3A_497 = arith.constant 192 : index
      %parallel_loop3A_498 = tpu.vector_load %arg8[%parallel_loop3A_495, %parallel_loop3A_496, %parallel_loop3A_497] {strides = array<i32>} : memref<2x64x256xi32, #tpu.memory_space<vmem>>, vector<16xi32>,
      %parallel_loop3A_499 = tpu.vector_load_idx %arg5[%parallel_loop3A_498] : memref<8192xf32, #tpu.memory_space<vmem>>[vector<16xi32>], vector<16xf32>,
      %parallel_loop3A_500 = tpu.vector_load_idx %arg6[%parallel_loop3A_498] : memref<8192xf32, #tpu.memory_space<vmem>>[vector<16xi32>], vector<16xf32>,
      %parallel_loop3A_501 = tpu.vector_load_idx %arg7[%parallel_loop3A_498] : memref<8192xf32, #tpu.memory_space<vmem>>[vector<16xi32>], vector<16xf32>,
      %parallel_loop3A_502 = arith.subf %parallel_loop3A_239, %parallel_loop3A_499 : vector<16xf32>
      %parallel_loop3A_503 = math.absf %parallel_loop3A_502 : vector<16xf32>
      %parallel_loop3A_504 = arith.subf %parallel_loop3A_240, %parallel_loop3A_500 : vector<16xf32>
      %parallel_loop3A_505 = math.absf %parallel_loop3A_504 : vector<16xf32>
      %parallel_loop3A_506 = arith.addf %parallel_loop3A_503, %parallel_loop3A_505 : vector<16xf32>
      %parallel_loop3A_507 = arith.subf %parallel_loop3A_241, %parallel_loop3A_501 : vector<16xf32>
      %parallel_loop3A_508 = math.absf %parallel_loop3A_507 : vector<16xf32>
      %parallel_loop3A_509 = arith.addf %parallel_loop3A_506, %parallel_loop3A_508 : vector<16xf32>
      %parallel_loop3A_510 = arith.constant 1 : i32
      %parallel_loop3A_511 = arith.index_cast %parallel_loop3A_510 : i32 to index
      %parallel_loop3A_512 = arith.index_cast %parallel_loop3A_236 : i32 to index
      %parallel_loop3A_513 = arith.constant 192 : index
      %parallel_loop3A_514 = tpu.vector_load %arg9[%parallel_loop3A_511, %parallel_loop3A_512, %parallel_loop3A_513] {strides = array<i32>} : memref<2x64x256xf32, #tpu.memory_space<vmem>>, vector<16xf32>,
      tpu.vector_store %arg9[%parallel_loop3A_511, %parallel_loop3A_512, %parallel_loop3A_513], %parallel_loop3A_509 {strides = array<i32>} : memref<2x64x256xf32, #tpu.memory_space<vmem>>, vector<16xf32>,
      %parallel_loop3A_515 = arith.constant 1 : i32
      %parallel_loop3A_516 = arith.index_cast %parallel_loop3A_515 : i32 to index
      %parallel_loop3A_517 = arith.index_cast %parallel_loop3A_236 : i32 to index
      %parallel_loop3A_518 = arith.constant 208 : index
      %parallel_loop3A_519 = tpu.vector_load %arg8[%parallel_loop3A_516, %parallel_loop3A_517, %parallel_loop3A_518] {strides = array<i32>} : memref<2x64x256xi32, #tpu.memory_space<vmem>>, vector<16xi32>,
      %parallel_loop3A_520 = tpu.vector_load_idx %arg5[%parallel_loop3A_519] : memref<8192xf32, #tpu.memory_space<vmem>>[vector<16xi32>], vector<16xf32>,
      %parallel_loop3A_521 = tpu.vector_load_idx %arg6[%parallel_loop3A_519] : memref<8192xf32, #tpu.memory_space<vmem>>[vector<16xi32>], vector<16xf32>,
      %parallel_loop3A_522 = tpu.vector_load_idx %arg7[%parallel_loop3A_519] : memref<8192xf32, #tpu.memory_space<vmem>>[vector<16xi32>], vector<16xf32>,
      %parallel_loop3A_523 = arith.subf %parallel_loop3A_239, %parallel_loop3A_520 : vector<16xf32>
      %parallel_loop3A_524 = math.absf %parallel_loop3A_523 : vector<16xf32>
      %parallel_loop3A_525 = arith.subf %parallel_loop3A_240, %parallel_loop3A_521 : vector<16xf32>
      %parallel_loop3A_526 = math.absf %parallel_loop3A_525 : vector<16xf32>
      %parallel_loop3A_527 = arith.addf %parallel_loop3A_524, %parallel_loop3A_526 : vector<16xf32>
      %parallel_loop3A_528 = arith.subf %parallel_loop3A_241, %parallel_loop3A_522 : vector<16xf32>
      %parallel_loop3A_529 = math.absf %parallel_loop3A_528 : vector<16xf32>
      %parallel_loop3A_530 = arith.addf %parallel_loop3A_527, %parallel_loop3A_529 : vector<16xf32>
      %parallel_loop3A_531 = arith.constant 1 : i32
      %parallel_loop3A_532 = arith.index_cast %parallel_loop3A_531 : i32 to index
      %parallel_loop3A_533 = arith.index_cast %parallel_loop3A_236 : i32 to index
      %parallel_loop3A_534 = arith.constant 208 : index
      %parallel_loop3A_535 = tpu.vector_load %arg9[%parallel_loop3A_532, %parallel_loop3A_533, %parallel_loop3A_534] {strides = array<i32>} : memref<2x64x256xf32, #tpu.memory_space<vmem>>, vector<16xf32>,
      tpu.vector_store %arg9[%parallel_loop3A_532, %parallel_loop3A_533, %parallel_loop3A_534], %parallel_loop3A_530 {strides = array<i32>} : memref<2x64x256xf32, #tpu.memory_space<vmem>>, vector<16xf32>,
      %parallel_loop3A_536 = arith.constant 1 : i32
      %parallel_loop3A_537 = arith.index_cast %parallel_loop3A_536 : i32 to index
      %parallel_loop3A_538 = arith.index_cast %parallel_loop3A_236 : i32 to index
      %parallel_loop3A_539 = arith.constant 224 : index
      %parallel_loop3A_540 = tpu.vector_load %arg8[%parallel_loop3A_537, %parallel_loop3A_538, %parallel_loop3A_539] {strides = array<i32>} : memref<2x64x256xi32, #tpu.memory_space<vmem>>, vector<16xi32>,
      %parallel_loop3A_541 = tpu.vector_load_idx %arg5[%parallel_loop3A_540] : memref<8192xf32, #tpu.memory_space<vmem>>[vector<16xi32>], vector<16xf32>,
      %parallel_loop3A_542 = tpu.vector_load_idx %arg6[%parallel_loop3A_540] : memref<8192xf32, #tpu.memory_space<vmem>>[vector<16xi32>], vector<16xf32>,
      %parallel_loop3A_543 = tpu.vector_load_idx %arg7[%parallel_loop3A_540] : memref<8192xf32, #tpu.memory_space<vmem>>[vector<16xi32>], vector<16xf32>,
      %parallel_loop3A_544 = arith.subf %parallel_loop3A_239, %parallel_loop3A_541 : vector<16xf32>
      %parallel_loop3A_545 = math.absf %parallel_loop3A_544 : vector<16xf32>
      %parallel_loop3A_546 = arith.subf %parallel_loop3A_240, %parallel_loop3A_542 : vector<16xf32>
      %parallel_loop3A_547 = math.absf %parallel_loop3A_546 : vector<16xf32>
      %parallel_loop3A_548 = arith.addf %parallel_loop3A_545, %parallel_loop3A_547 : vector<16xf32>
      %parallel_loop3A_549 = arith.subf %parallel_loop3A_241, %parallel_loop3A_543 : vector<16xf32>
      %parallel_loop3A_550 = math.absf %parallel_loop3A_549 : vector<16xf32>
      %parallel_loop3A_551 = arith.addf %parallel_loop3A_548, %parallel_loop3A_550 : vector<16xf32>
      %parallel_loop3A_552 = arith.constant 1 : i32
      %parallel_loop3A_553 = arith.index_cast %parallel_loop3A_552 : i32 to index
      %parallel_loop3A_554 = arith.index_cast %parallel_loop3A_236 : i32 to index
      %parallel_loop3A_555 = arith.constant 224 : index
      %parallel_loop3A_556 = tpu.vector_load %arg9[%parallel_loop3A_553, %parallel_loop3A_554, %parallel_loop3A_555] {strides = array<i32>} : memref<2x64x256xf32, #tpu.memory_space<vmem>>, vector<16xf32>,
      tpu.vector_store %arg9[%parallel_loop3A_553, %parallel_loop3A_554, %parallel_loop3A_555], %parallel_loop3A_551 {strides = array<i32>} : memref<2x64x256xf32, #tpu.memory_space<vmem>>, vector<16xf32>,
      %parallel_loop3A_557 = arith.constant 1 : i32
      %parallel_loop3A_558 = arith.index_cast %parallel_loop3A_557 : i32 to index
      %parallel_loop3A_559 = arith.index_cast %parallel_loop3A_236 : i32 to index
      %parallel_loop3A_560 = arith.constant 240 : index
      %parallel_loop3A_561 = tpu.vector_load %arg8[%parallel_loop3A_558, %parallel_loop3A_559, %parallel_loop3A_560] {strides = array<i32>} : memref<2x64x256xi32, #tpu.memory_space<vmem>>, vector<16xi32>,
      %parallel_loop3A_562 = tpu.vector_load_idx %arg5[%parallel_loop3A_561] : memref<8192xf32, #tpu.memory_space<vmem>>[vector<16xi32>], vector<16xf32>,
      %parallel_loop3A_563 = tpu.vector_load_idx %arg6[%parallel_loop3A_561] : memref<8192xf32, #tpu.memory_space<vmem>>[vector<16xi32>], vector<16xf32>,
      %parallel_loop3A_564 = tpu.vector_load_idx %arg7[%parallel_loop3A_561] : memref<8192xf32, #tpu.memory_space<vmem>>[vector<16xi32>], vector<16xf32>,
      %parallel_loop3A_565 = arith.subf %parallel_loop3A_239, %parallel_loop3A_562 : vector<16xf32>
      %parallel_loop3A_566 = math.absf %parallel_loop3A_565 : vector<16xf32>
      %parallel_loop3A_567 = arith.subf %parallel_loop3A_240, %parallel_loop3A_563 : vector<16xf32>
      %parallel_loop3A_568 = math.absf %parallel_loop3A_567 : vector<16xf32>
      %parallel_loop3A_569 = arith.addf %parallel_loop3A_566, %parallel_loop3A_568 : vector<16xf32>
      %parallel_loop3A_570 = arith.subf %parallel_loop3A_241, %parallel_loop3A_564 : vector<16xf32>
      %parallel_loop3A_571 = math.absf %parallel_loop3A_570 : vector<16xf32>
      %parallel_loop3A_572 = arith.addf %parallel_loop3A_569, %parallel_loop3A_571 : vector<16xf32>
      %parallel_loop3A_573 = arith.constant 1 : i32
      %parallel_loop3A_574 = arith.index_cast %parallel_loop3A_573 : i32 to index
      %parallel_loop3A_575 = arith.index_cast %parallel_loop3A_236 : i32 to index
      %parallel_loop3A_576 = arith.constant 240 : index
      %parallel_loop3A_577 = tpu.vector_load %arg9[%parallel_loop3A_574, %parallel_loop3A_575, %parallel_loop3A_576] {strides = array<i32>} : memref<2x64x256xf32, #tpu.memory_space<vmem>>, vector<16xf32>,
      tpu.vector_store %arg9[%parallel_loop3A_574, %parallel_loop3A_575, %parallel_loop3A_576], %parallel_loop3A_572 {strides = array<i32>} : memref<2x64x256xf32, #tpu.memory_space<vmem>>, vector<16xf32>,
    } {sc.loop_unroll_factor = 1 : i64, sc.parallel_access}
    %dma_start3A_197 = arith.constant 1 : i32
    %dma_start3A_198 = arith.constant 0 : i32
    %dma_start3A_199 = arith.constant 0 : i32
    %dma_start3A_200 = tpu.memref_slice %arg9[%dma_start3A_197, %dma_start3A_198, %dma_start3A_199] : memref<2x64x256xf32, #tpu.memory_space<vmem>> -> memref<1x64x256xf32, #tpu.memory_space<vmem>>
    %dma_start3A_201 = tpu.memref_squeeze %dma_start3A_200 : memref<1x64x256xf32, #tpu.memory_space<vmem>> -> memref<64x256xf32, #tpu.memory_space<vmem>>
    %dma_start3A_202 = arith.constant 0 : i32
    %dma_start3A_203 = tpu.memref_slice %arg4[%add3A_193, %dma_start3A_202] : memref<8192x256xf32, #tpu.memory_space<hbm>> -> memref<64x256xf32, #tpu.memory_space<hbm>>
    %dma_start3A_204 = arith.constant 0 : i32
    %dma_start3A_205 = tpu.memref_slice %arg4[%add3A_193, %dma_start3A_204] : memref<8192x256xf32, #tpu.memory_space<hbm>> -> memref<64x256xf32, #tpu.memory_space<hbm>>
    %dma_start3A_206 = arith.constant 0 : i32
    %dma_start3A_207 = arith.constant 0 : i32
    %dma_start3A_208 = tpu.memref_slice %arg9[%dma_start3A_197, %dma_start3A_206, %dma_start3A_207] : memref<2x64x256xf32, #tpu.memory_space<vmem>> -> memref<1x64x256xf32, #tpu.memory_space<vmem>>
    %dma_start3A_209 = tpu.memref_squeeze %dma_start3A_208 : memref<1x64x256xf32, #tpu.memory_space<vmem>> -> memref<64x256xf32, #tpu.memory_space<vmem>>
    tpu.enqueue_dma source(%dma_start3A_209 : memref<64x256xf32, #tpu.memory_space<vmem>>) target(%dma_start3A_205 : memref<64x256xf32, #tpu.memory_space<hbm>>) target_semaphore(%arg13 : memref<!tpu.dma_semaphore, #tpu.memory_space<semaphore_mem>>)
    %dma_wait3A_210 = arith.constant 0 : i32
    %dma_wait3A_211 = arith.constant 0 : i32
    %dma_wait3A_212 = arith.constant 0 : i32
    %dma_wait3A_213 = tpu.memref_slice %arg9[%dma_wait3A_210, %dma_wait3A_211, %dma_wait3A_212] : memref<2x64x256xf32, #tpu.memory_space<vmem>> -> memref<1x64x256xf32, #tpu.memory_space<vmem>>
    %dma_wait3A_214 = tpu.memref_squeeze %dma_wait3A_213 : memref<1x64x256xf32, #tpu.memory_space<vmem>> -> memref<64x256xf32, #tpu.memory_space<vmem>>
    %dma_wait3A_215 = arith.constant 0 : i32
    %dma_wait3A_216 = tpu.memref_slice %arg4[%add3A_149, %dma_wait3A_215] : memref<8192x256xf32, #tpu.memory_space<hbm>> -> memref<64x256xf32, #tpu.memory_space<hbm>>
    %dma_wait3A_217 = arith.constant 0 : i32
    %dma_wait3A_218 = tpu.memref_slice %arg4[%add3A_149, %dma_wait3A_217] : memref<8192x256xf32, #tpu.memory_space<hbm>> -> memref<64x256xf32, #tpu.memory_space<hbm>>
    %dma_wait3A_219 = arith.constant 0 : i32
    %dma_wait3A_220 = arith.constant 0 : i32
    %dma_wait3A_221 = tpu.memref_slice %arg9[%dma_wait3A_210, %dma_wait3A_219, %dma_wait3A_220] : memref<2x64x256xf32, #tpu.memory_space<vmem>> -> memref<1x64x256xf32, #tpu.memory_space<vmem>>
    %dma_wait3A_222 = tpu.memref_squeeze %dma_wait3A_221 : memref<1x64x256xf32, #tpu.memory_space<vmem>> -> memref<64x256xf32, #tpu.memory_space<vmem>>
    tpu.wait_dma2 semaphore(%arg12 : memref<!tpu.dma_semaphore, #tpu.memory_space<semaphore_mem>>) src(%dma_wait3A_222 : memref<64x256xf32, #tpu.memory_space<vmem>>) dst(%dma_wait3A_218 : memref<64x256xf32, #tpu.memory_space<hbm>>)
    %dma_wait3A_223 = arith.constant 1 : i32
    %dma_wait3A_224 = arith.constant 0 : i32
    %dma_wait3A_225 = arith.constant 0 : i32
    %dma_wait3A_226 = tpu.memref_slice %arg9[%dma_wait3A_223, %dma_wait3A_224, %dma_wait3A_225] : memref<2x64x256xf32, #tpu.memory_space<vmem>> -> memref<1x64x256xf32, #tpu.memory_space<vmem>>
    %dma_wait3A_227 = tpu.memref_squeeze %dma_wait3A_226 : memref<1x64x256xf32, #tpu.memory_space<vmem>> -> memref<64x256xf32, #tpu.memory_space<vmem>>
    %dma_wait3A_228 = arith.constant 0 : i32
    %dma_wait3A_229 = tpu.memref_slice %arg4[%add3A_193, %dma_wait3A_228] : memref<8192x256xf32, #tpu.memory_space<hbm>> -> memref<64x256xf32, #tpu.memory_space<hbm>>
    %dma_wait3A_230 = arith.constant 0 : i32
    %dma_wait3A_231 = tpu.memref_slice %arg4[%add3A_193, %dma_wait3A_230] : memref<8192x256xf32, #tpu.memory_space<hbm>> -> memref<64x256xf32, #tpu.memory_space<hbm>>
    %dma_wait3A_232 = arith.constant 0 : i32
    %dma_wait3A_233 = arith.constant 0 : i32
    %dma_wait3A_234 = tpu.memref_slice %arg9[%dma_wait3A_223, %dma_wait3A_232, %dma_wait3A_233] : memref<2x64x256xf32, #tpu.memory_space<vmem>> -> memref<1x64x256xf32, #tpu.memory_space<vmem>>
    %dma_wait3A_235 = tpu.memref_squeeze %dma_wait3A_234 : memref<1x64x256xf32, #tpu.memory_space<vmem>> -> memref<64x256xf32, #tpu.memory_space<vmem>>
    tpu.wait_dma2 semaphore(%arg13 : memref<!tpu.dma_semaphore, #tpu.memory_space<semaphore_mem>>) src(%dma_wait3A_235 : memref<64x256xf32, #tpu.memory_space<vmem>>) dst(%dma_wait3A_231 : memref<64x256xf32, #tpu.memory_space<hbm>>)
    return
  }
}

module attributes {stable_mosaic.version = 14 : i64} {
  func.func @_tc_scale_body(%arg0: i32, %arg1: memref<512x256xf32, #tpu.memory_space<vmem>>, %arg2: memref<16x1x1xf32, #tpu.memory_space<vmem>>, %arg3: memref<16x512x256xf32, #tpu.memory_space<vmem>>) attributes {dimension_semantics = [#tpu.dimension_semantics<arbitrary>], iteration_bounds = array<i64: 16>, scalar_prefetch = 0 : i64, scratch_operands = 0 : i64, tpu.core_type = #tpu.core_type<tc>, window_params = [{transform_indices = @transform_0, window_bounds = array<i64: 512, 256>}, {pipeline_mode = #tpu.pipeline_mode<synchronous>, transform_indices = @transform_1, window_bounds = array<i64: 16, 1, 1>}, {transform_indices = @transform_2, window_bounds = array<i64: 16, 512, 256>}]} {
    %get3A = arith.constant 0 : index
    %get3A_0 = arith.constant 0 : index
    %get3A_1 = vector.load %arg1[%get3A, %get3A_0] : memref<512x256xf32, #tpu.memory_space<vmem>>, vector<512x256xf32>
    %broadcast_in_dim3A = vector.shape_cast %get3A_1 : vector<512x256xf32> to vector<1x512x256xf32>
    %get3A_2 = arith.constant 0 : index
    %get3A_3 = arith.constant 0 : index
    %get3A_4 = arith.constant 0 : index
    %get3A_5 = vector.load %arg2[%get3A_2, %get3A_3, %get3A_4] : memref<16x1x1xf32, #tpu.memory_space<vmem>>, vector<16x1x1xf32>
    %mul3A = vector.broadcast %broadcast_in_dim3A : vector<1x512x256xf32> to vector<16x512x256xf32>
    %mul3A_6 = vector.broadcast %get3A_5 : vector<16x1x1xf32> to vector<16x512x256xf32>
    %mul3A_7 = arith.mulf %mul3A, %mul3A_6 : vector<16x512x256xf32>
    %swap3A = arith.constant 0 : index
    %swap3A_8 = arith.constant 0 : index
    %swap3A_9 = arith.constant 0 : index
    %swap3A_10 = vector.load %arg3[%swap3A, %swap3A_8, %swap3A_9] : memref<16x512x256xf32, #tpu.memory_space<vmem>>, vector<16x512x256xf32>
    tpu.vector_store %arg3[%swap3A, %swap3A_8, %swap3A_9], %mul3A_7 {strides = array<i32>} : memref<16x512x256xf32, #tpu.memory_space<vmem>>, vector<16x512x256xf32>,
    return
  }
  func.func @transform_0(%arg0: i32) -> (i32, i32) {
    %c0_i32 = arith.constant 0 : i32
    %c0_i32_0 = arith.constant 0 : i32
    return %arg0, %c0_i32 : i32, i32
  }
  func.func @transform_1(%arg0: i32) -> (i32, i32, i32) {
    %c0_i32 = arith.constant 0 : i32
    %c0_i32_0 = arith.constant 0 : i32
    %c0_i32_1 = arith.constant 0 : i32
    %c0_i32_2 = arith.constant 0 : i32
    return %c0_i32, %c0_i32_0, %c0_i32_1 : i32, i32, i32
  }
  func.func @transform_2(%arg0: i32) -> (i32, i32, i32) {
    %c0_i32 = arith.constant 0 : i32
    %c0_i32_0 = arith.constant 0 : i32
    %c0_i32_1 = arith.constant 0 : i32
    return %c0_i32, %arg0, %c0_i32_0 : i32, i32, i32
  }
}

</mosaic_0001>

<sc_bundles>
// kernel: kernel.4.cloned.1.call-start
scs
__scs_entry_jumppad:
0x0: {  	(pc) =	sbr.rel $0x88, $3  }
0x1: {  	(tag) =	ssettag $0x0;
	lr =	simm.s32 $0x1  }
0x2: {  	[smem:$0x3F9E] =	sst lr;
	_ =	strace $0xD0000000  }
0x3: {  	_ = 	snop  }
0x4: {  	_ = 	snop  }
0x5: {  	_ = 	snop  }
0x6: {  	_ = 	snop  }
0x7: {  	_ = 	snop  }
__scs_overlays_trampoline_lowered:
0x8: {  	[smem:$0x3FAD] =	sst s0  }
0x9: {  	[smem:$0x3FAE] =	sst s1  }
0xa: {  	[smem:$0x3FAF] =	sst s2  }
0xb: {  	[smem:$0x3FB0] =	sst s3  }
0xc: {  	[smem:$0x3FB1] =	sst s4  }
0xd: {  	[smem:$0x3FB2] =	sst s5  }
0xe: {  	[smem:$0x3FB3] =	sst s6  }
0xf: {  	[smem:$0x3FB4] =	sst s7  }
0x10: {  	[smem:$0x3FB5] =	sst s8  }
0x11: {  	[smem:$0x3FB6] =	sst s9;
	s0 =	simm.s32 @!p0 $0x0  }
0x12: {  	s1 =	sld [smem:$0x3F9C];
	s0 =	simm.s32 @p0 $0x1  }
0x13: {  	[smem:$0x3FB7] =	sst s0;
	s0 =	simm.s32 @!p1 $0x0  }
0x14: {  	s2 =	sld [smem:$0x3F9B];
	s0 =	simm.s32 @p1 $0x1  }
0x15: {  	[smem:$0x3FB8] =	sst s0;
	s0 =	simm.s32 @!p2 $0x0  }
0x16: {  	s3 =	sld [smem:$0x3FDB];
	s0 =	simm.s32 @p2 $0x1  }
0x17: {  	s4 =	simm.s32 $0x1BF5;
	[smem:$0x3FBA] =	sst s0  }
0x18: {  	s0 =	sld [smem:$0x3F9D];
	_ =	swait.ge [sflag:s4], $0x0  }
0x19: {  	s7 =	sld [smem:$0x3F9E]  }
0x1a: {  	s8 =	sadd.s32 $0xFFFFE003, lr  }
0x1b: {  	s9 =	sadd.s32 $0xFFFFFEF7, lr;
	s5 =	simm.s32 $0xFFFFFFFF;
	p2 =	slt.u32 s8, $0xFFFFF086  }
0x1c: {  	p1 =	slt.u32 s9, $0xF7A;
	s5 =	simm.s32 @!p2 $0x0  }
0x1d: {  	s5 =	simm.s32 @p1 $0x1;
	p0 =	seq.s32 s7, s2  }
0x1e: {  	s7 =	smul.u32 @!p0 $0xF7A, s2;
	p2 =	seq.s32 @!p0 s5, $0x0  }
0x1f: {  	s9 =	smul.u32 $0xF7A, s1;
	s8 =	simm.s32 @!p0 $0x1BF5;
	p2 =	por !p2, p0  }
0x20: {  	[sflag:s8] =	ssyncset.s32 @!p0 $0xFFFFF086;
	s6 =	sadd.s32 @!p0 s3, s7;
	s7 =	simm.s32 @!p0 $0x108  }
0x21: {  	s3 =	sadd.s32 s3, s9;
	s6 =	sadd.s32 @!p0 $0x88, s6;
	s7 =	simm.s32 @p2 $0x1082  }
0x22: {  	[simem:s7], [sflag:s8] =	dma.local @!p0 [hbm:s6], $0xF7A  }
0x23: {  	s9 =	sor.u32 $0xD0000000, s2;
	s6 =	simm.s32 $0x108;
	_ =	swait.ge @!p0 [sflag:s8], $0x0  }
0x24: {  	s3 =	sadd.s32 $0x88, s3;
	s6 =	simm.s32 @!p1 $0x1082;
	[sflag:s4] =	ssyncset.s32 $0xFFFFF086  }
0x25: {  	[simem:s6], [sflag:s4] =	dma.local [hbm:s3], $0xF7A  }
0x26: {  	[smem:$0x3F9E] =	sst s1;
	(tag) =	ssettag s2;
	_ =	strace s9  }
0x27: {  	s1 =	sld [smem:$0x3FAE]  }
0x28: {  	s2 =	sld [smem:$0x3FAF]  }
0x29: {  	s4 =	sld [smem:$0x3FB1]  }
0x2a: {  	p0 =	seq.s32 s5, $0x0;
	s5 =	sld [smem:$0x3FB2]  }
0x2b: {  	s6 =	sld [smem:$0x3FB3]  }
0x2c: {  	s7 =	sld [smem:$0x3FB4]  }
0x2d: {  	s3 =	simm.s32 $0x108;
	s8 =	sld [smem:$0x3FB5]  }
0x2e: {  	s3 =	simm.s32 @!p0 $0x1082;
	s9 =	sld [smem:$0x3FB6]  }
0x2f: {  	lr =	sadd.s32 s0, s3;
	s0 =	sld [smem:$0x3FAD]  }
0x30: {  	s3 =	sld [smem:$0x3FB0]  }
0x31: {  	[smem:$0x3FB9] =	sst s10  }
0x32: {  	s10 =	sld [smem:$0x3FB7];
	_ =	sdelay $0x3  }
0x33: {  	p0 =	seq.s32 s10, $0x1;
	s10 =	sld [smem:$0x3FB9];
	_ =	sdelay $0x3  }
0x34: {  	[smem:$0x3FB9] =	sst s10  }
0x35: {  	s10 =	sld [smem:$0x3FB8];
	_ =	sdelay $0x3  }
0x36: {  	p1 =	seq.s32 s10, $0x1;
	s10 =	sld [smem:$0x3FB9];
	_ =	sdelay $0x3  }
0x37: {  	[smem:$0x3FB9] =	sst s10  }
0x38: {  	s10 =	sld [smem:$0x3FBA]  }
0x39: {  	_ = 	snop;
	(pc) =	sbr.ind lr, $3  }
0x3a: {  	_ = 	snop  }
0x3b: {  	_ = 	snop  }
0x3c: {  	p2 =	seq.s32 s10, $0x1;
	s10 =	sld [smem:$0x3FB9]  }
0x3d: {  	_ =	shalt  }
0x3e: {  	_ =	shalt  }
0x3f: {  	_ =	shalt  }
0x40: {  	_ =	shalt  }
0x41: {  	_ =	shalt  }
0x42: {  	_ =	shalt  }
0x43: {  	_ =	shalt  }
0x44: {  	_ =	shalt  }
0x45: {  	_ =	shalt  }
0x46: {  	_ =	shalt  }
0x47: {  	_ =	shalt  }
0x48: {  	_ =	shalt  }
0x49: {  	_ =	shalt  }
0x4a: {  	_ =	shalt  }
0x4b: {  	_ =	shalt  }
0x4c: {  	_ =	shalt  }
0x4d: {  	_ =	shalt  }
0x4e: {  	_ =	shalt  }
0x4f: {  	_ =	shalt  }
0x50: {  	_ =	shalt  }
0x51: {  	_ =	shalt  }
0x52: {  	_ =	shalt  }
0x53: {  	_ =	shalt  }
0x54: {  	_ =	shalt  }
0x55: {  	_ =	shalt  }
0x56: {  	_ =	shalt  }
0x57: {  	_ =	shalt  }
0x58: {  	_ =	shalt  }
0x59: {  	_ =	shalt  }
0x5a: {  	_ =	shalt  }
0x5b: {  	_ =	shalt  }
0x5c: {  	_ =	shalt  }
0x5d: {  	_ =	shalt  }
0x5e: {  	_ =	shalt  }
0x5f: {  	_ =	shalt  }
0x60: {  	_ =	shalt  }
0x61: {  	_ =	shalt  }
0x62: {  	_ =	shalt  }
0x63: {  	_ =	shalt  }
0x64: {  	_ =	shalt  }
0x65: {  	_ =	shalt  }
0x66: {  	_ =	shalt  }
0x67: {  	_ =	shalt  }
0x68: {  	_ =	shalt  }
0x69: {  	_ =	shalt  }
0x6a: {  	_ =	shalt  }
0x6b: {  	_ =	shalt  }
0x6c: {  	_ =	shalt  }
0x6d: {  	_ =	shalt  }
0x6e: {  	_ =	shalt  }
0x6f: {  	_ =	shalt  }
0x70: {  	_ =	shalt  }
0x71: {  	_ =	shalt  }
0x72: {  	_ =	shalt  }
0x73: {  	_ =	shalt  }
0x74: {  	_ =	shalt  }
0x75: {  	_ =	shalt  }
0x76: {  	_ =	shalt  }
0x77: {  	_ =	shalt  }
0x78: {  	_ =	shalt  }
0x79: {  	_ =	shalt  }
0x7a: {  	_ =	shalt  }
0x7b: {  	_ =	shalt  }
0x7c: {  	_ =	shalt  }
0x7d: {  	_ =	shalt  }
0x7e: {  	_ =	shalt  }
0x7f: {  	_ =	shalt  }
0x80: {  	_ =	shalt  }
0x81: {  	_ =	shalt  }
0x82: {  	_ =	shalt  }
0x83: {  	_ =	shalt  }
0x84: {  	_ =	shalt  }
0x85: {  	_ =	shalt  }
0x86: {  	_ =	shalt  }
0x87: {  	_ =	shalt  }
.Lfunc_end0:
.L_simem_size_0:
called_computation_lowered:
.L_overlay_start_0:
0x88: {  	s2 =	sld [smem:$0x3FD9]  }
0x89: {  	s3 =	sld [smem:$0x3FFE];
	_ =	sdelay $0x1  }
0x8a: {  	s1 =	srdreg.scid  }
0x8b: {  	s0 =	sand.u32 $0x1, s1  }
0x8c: {  	s17 =	sshll.u32 s0, $0xA;
	s2 =	sadd.s32 s3, s2  }
0x8d: {  	s2 =	sadd.s32 s2, s17  }
0x8e: {  	[smem:$0x3FC5] =	sst s2  }
0x8f: {  	_ = 	snop  }
0x90: {  	s2 =	sld [smem:$0x3FC8]  }
0x91: {  	s18 =	sld [smem:$0x3FD0];
	(tm) =	ssettm $0x1  }
0x92: {  	s4 =	sld [smem:$0x3FFB];
	_ =	sdelay $0x3  }
0x93: {  	_ =	strace s4  }
0x94: {  	s4 =	sld [smem:$0x3FFC];
	_ =	sdelay $0x3  }
0x95: {  	_ =	strace s4  }
0x96: {  	s4 =	sld [smem:$0x3FFD];
	_ =	sdelay $0x3  }
0x97: {  	_ =	strace s4  }
0x98: {  	_ =	strace $0x8FFFFFFF  }
0x99: {  	s19 =	sld [smem:$0x3FDB];
	_ =	sdelay $0x1  }
0x9a: {  	s5 =	simm.s32 $_scs_section_size  }
0x9b: {  	s6 =	simm.s32 $_size__tile_overlayer_lowered;
	s7 =	simm.s32 $_tile_overlayer_lowered  }
0x9c: {  	s22 =	simm.s32 $0x1BFF;
	s21 =	sshll.u32 s7, $0x1;
	s4 =	sadd.s32 s5, s19  }
0x9d: {  	s8 =	simm.s32 $0x0;
	s20 =	sshll.u32 s6, $0x1;
	s6 =	sadd.s32 s21, s4  }
0x9e: {  	[timem:s8], [sflag:s22] =	dma.local [hbm:s6], s20  }
0x9f: {  	_ =	swait.ge [sflag:s22], s20  }
0xa0: {  	s5 =	ssub.s32 $0x0, s20;
	[sflag:s22] =	ssyncset.done $0x0  }
0xa1: {  	[sflag:s22] =	ssyncadd.s32 s5;
	_ =	sdelay $0x1  }
0xa2: {  	s23 =	simm.s32 $0x1B8B  }
0xa3: {  	_ =	swait.ge [sflag:s23], $0x1  }
0xa4: {  	[sflag:s23] =	ssyncset.done $0x0  }
0xa5: {  	s25 =	simm.s32 $0x1B8E;
	s24 =	sld [smem:$0x3FFE];
	[sflag:s23] =	ssyncadd.s32 $0xFFFFFFFF  }
0xa6: {  	s26 =	simm.s32 $execute0_lowered;
	[smem:$0x3FD2] =	sst s25  }
0xa7: {  	s6 =	sshll.u32 s26, $0x1;
	_ =	strace $0x80000046;
	[dreg:$0x1] =	wrdreg $0xFFFFFFFF  }
0xa8: {  	s28 =	simm.s32 $_size_execute0_lowered;
	s4 =	sadd.s32 s4, s6;
	[dreg:$0x0] =	wrdreg $0x0  }
0xa9: {  	s6 =	sshll.u32 s28, $0x1;
	[dreg:$0x2] =	wrdreg s4  }
0xaa: {  	[dreg:$0x3] =	wrdreg s6  }
0xab: {  	[dreg:$0x4] =	wrdreg $0xC0  }
0xac: {  	_ =	task [dreg:s8], $0x5FFFF  }
0xad: {  	[dreg:$0x1] =	wrdreg $0xFFFFFFFF  }
0xae: {  	[dreg:$0x0] =	wrdreg $0x60  }
0xaf: {  	[dreg:$0x2] =	wrdreg s24  }
0xb0: {  	[dreg:$0x3] =	wrdreg s2  }
0xb1: {  	[dreg:$0x4] =	wrdreg s18  }
0xb2: {  	[dreg:$0x5] =	wrdreg $0x9  }
0xb3: {  	_ =	task.clear_ibuf [dreg:s8], $0x6FFFF;
	_ =	strace $0x90000046  }
0xb4: {  	s29 =	simm.s32 $0x9;
	_ =	strace $0x80000048  }
0xb5: {  	_ =	swait.ge [sflag:s29], $0x1  }
0xb6: {  	[sflag:s29] =	ssyncadd.s32 $0xFFFFFFFF  }
0xb7: {  	_ =	strace $0x90000048  }
0xb8: {  	_ =	sfence  }
0xb9: {  	s30 =	sld [smem:$0x0];
	_ =	sdelay $0x2  }
0xba: {  	s31 =	sshll.u32 s1, $0xD;
	s1 =	sshrl.u32 s1, $0x2  }
0xbb: {  	s3 =	sand.u32 $0x4000, s31;
	s1 =	sadd.s32 s1, s30  }
0xbc: {  	s0 =	sor.u32 s3, s0;
	s1 =	sshll.u32 s1, $0x11  }
0xbd: {  	s0 =	sor.u32 s1, s0  }
0xbe: {  	s0 =	sadd.s32 $0x8F2B, s0  }
0xbf: {  	[sflag:s0] =	ssyncadd.remote.s32 $0x1  }
0xc0: {  	_ =	sfence.sel $0xFFFF  }
0xc1: {  	[dreg:$0x0] =	wrdreg $0xFFFFFFFF;
	(pc) =	sbr.abs _section_cstart, $3  }
0xc2: {  	[dreg:$0x1] =	wrdreg $0xFFFFFFFF  }
0xc3: {  	_ =	task.clear_ibuf [dreg:s8], $0x2FFFF;
	_ =	strace $0x9FFFFFFF  }
0xc4: {  	(tm) =	ssettm $0x7FFFFFFF  }
0xc5: {  	_ =	shalt  }
tec
execute0_lowered:
.L_overlay_start_1:
0x0: {  	(tag) =	ssettag $0x1  }
0x1: {  	s0 =	rddreg [dreg:$0x0]  }
0x2: {  	s2 =	rddreg [dreg:$0x1]  }
0x3: {  	s3 =	rddreg [dreg:$0x2]  }
0x4: {  	s1 =	simm.s32 $0x0;
	s4 =	srdreg.scid;
	s7 =	stileid.u32  }
0x5: {  	s19 =	simm.s32 $0x5;
	s20 =	simm.s32 $0x2000;
	s21 =	simm.s32 $0x4000  }
0x6: {  	s24 =	simm.s32 $0x1;
	s29 =	simm.s32 $0x3;
	s30 =	simm.s32 $0x4  }
0x7: {  	s31 =	simm.s32 $0x0;
	[smem:$0x7FF] =	sst s1;
	s4 =	sand.u32 $0x1, s4  }
0x8: {  	s7 =	sshll.u32 s7, $0x9;
	s8 =	sadd.s32 $0x800, s0;
	s26 =	sadd.s32 $0xC00, s0  }
0x9: {  	s0 =	sadd.s32 $0x1000, s0;
	_ =	strace $0x80000047;
	[dreg:$0x4] =	wrdreg s8  }
0xa: {  	s5 =	ssub.s32 $0x2, s4;
	s4 =	sshll.u32 s4, $0x8;
	[dreg:$0x5] =	wrdreg s26  }
0xb: {  	[dreg:$0x6] =	wrdreg s0;
	s6 =	sshrl.u32 s5, $0x1;
	s4 =	sor.u32 s4, s7  }
0xc: {  	s26 =	simm.s32 $0x2;
	s18 =	ssub.s32 s5, s6;
	s12 =	sshll.u32 s4, $0x5  }
0xd: {  	s6 =	sor.u32 $0x40, s4;
	s10 =	sor.u32 $0x80, s4;
	s11 =	sor.u32 $0xC0, s4  }
0xe: {  	s8 =	sadd.s32 s2, s12;
	s28 =	sshll.u32 s6, $0x5;
	s12 =	sadd.s32 s3, s12  }
0xf: {  	s16 =	sshll.u32 s10, $0x5;
	s17 =	sshll.u32 s11, $0x5;
	s18 =	smax.u32 s18, $0x1  }
0x10: {  	s9 =	sadd.s32 s2, s28;
	s13 =	sadd.s32 s2, s16;
	s14 =	sadd.s32 s3, s28  }
0x11: {  	s15 =	sadd.s32 s2, s17;
	s16 =	sadd.s32 s3, s16;
	s17 =	sadd.s32 s3, s17  }
.LBB2_1:
0x12: {  	s0 =	rddreg [dreg:$0x4]  }
0x13: {  	[tilespmem:s1], [sflag:$0x5] =	stream.linear.gather [hbm4b:s0+s1], $0x2000, $0x38;
	[tilespmem:$0x16000] =	vst v63  }
0x14: {  	_ =	swait.ge [sflag:s19], $0x2000  }
0x15: {  	[sflag:s19] =	ssyncset.done $0x0  }
0x16: {  	s2 =	rddreg [dreg:$0x5];
	[sflag:s19] =	ssyncadd.s32 $0xFFFFE000  }
0x17: {  	[tilespmem:s20], [sflag:$0x5] =	stream.linear.gather [hbm4b:s2+s1], $0x2000, $0x38;
	[tilespmem:$0x16000] =	vst v63  }
0x18: {  	_ =	swait.ge [sflag:s19], $0x2000  }
0x19: {  	[sflag:s19] =	ssyncset.done $0x0  }
0x1a: {  	s3 =	rddreg [dreg:$0x6];
	[sflag:s19] =	ssyncadd.s32 $0xFFFFE000  }
0x1b: {  	[tilespmem:s21], [sflag:$0x5] =	stream.linear.gather [hbm4b:s3+s1], $0x2000, $0x38;
	[tilespmem:$0x16000] =	vst v63  }
0x1c: {  	_ =	swait.ge [sflag:s19], $0x2000  }
0x1d: {  	[sflag:s19] =	ssyncset.done $0x0  }
0x1e: {  	s5 =	simm.s32 $0x6000;
	[sflag:s19] =	ssyncadd.s32 $0xFFFFE000  }
0x1f: {  	[tilespmem:s5], [sflag:$0x1] =	stream.linear.gather [hbm4b:s8+s1], $0x4000, $0x38;
	[tilespmem:$0x16000] =	vst v63  }
0x20: {  	s7 =	simm.s32 $0xA000  }
0x21: {  	[tilespmem:s7], [sflag:$0x2] =	stream.linear.gather [hbm4b:s9+s1], $0x4000, $0x38;
	[tilespmem:$0x16000] =	vst v63  }
0x22: {  	_ =	swait.ge [sflag:s24], $0x4000  }
0x23: {  	s22 =	sand.u32 $0x3800, s1;
	s2 =	sand.u32 $0x380, s1;
	[sflag:s24] =	ssyncset.done $0x0  }
0x24: {  	s0 =	sor.u32 s2, s22;
	[sflag:s24] =	ssyncadd.s32 $0xFFFFC000  }
0x25: {  	v3 =	vld [tilespmem:s0+$0x6000]  }
0x26: {  	v0 =	vmov s4;
	_ =	sdelay $0x4  }
0x27: {  	v1 =	vld.idx.msk [tilespmem:v0+s1+$0x0], $0xffff  }
0x28: {  	v2 =	vld.idx.msk [tilespmem:v0+s20+$0x0], $0xffff  }
0x29: {  	v4 =	vld.idx.msk [tilespmem:v3+s1+$0x0], $0xffff  }
0x2a: {  	v5 =	vld.idx.msk [tilespmem:v3+s20+$0x0], $0xffff  }
0x2b: {  	v0 =	vld.idx.msk [tilespmem:v0+s21+$0x0], $0xffff  }
0x2c: {  	v3 =	vld.idx.msk [tilespmem:v3+s21+$0x0], $0xffff;
	_ =	sdelay $0x2  }
0x2d: {  	v6 =	vld [tilespmem:s0+$0x6010];
	v4 =	vsub.f32 v1, v4;
	v5 =	vsub.f32 v2, v5;
	_ =	sdelay $0x1  }
0x2e: {  	v3 =	vsub.f32 v0, v3;
	v4 =	vand.u32 $0x7FFFFFFF, v4;
	v5 =	vand.u32 $0x7FFFFFFF, v5  }
0x2f: {  	v4 =	vadd.f32 v5, v4  }
0x30: {  	v3 =	vand.u32 $0x7FFFFFFF, v3  }
0x31: {  	v3 =	vadd.f32 v3, v4;
	_ =	sdelay $0x1  }
0x32: {  	[tilespmem:s0+$0xE000] =	vst v3  }
0x33: {  	v3 =	vld.idx.msk [tilespmem:v6+s1+$0x0], $0xffff  }
0x34: {  	v4 =	vld.idx.msk [tilespmem:v6+s20+$0x0], $0xffff;
	_ =	sdelay $0x1  }
0x35: {  	v5 =	vld.idx.msk [tilespmem:v6+s21+$0x0], $0xffff;
	_ =	sdelay $0x2  }
0x36: {  	v6 =	vld [tilespmem:s0+$0x6020];
	v3 =	vsub.f32 v1, v3;
	v4 =	vsub.f32 v2, v4;
	_ =	sdelay $0x1  }
0x37: {  	v5 =	vsub.f32 v0, v5;
	v3 =	vand.u32 $0x7FFFFFFF, v3;
	v4 =	vand.u32 $0x7FFFFFFF, v4  }
0x38: {  	v3 =	vadd.f32 v4, v3  }
0x39: {  	v4 =	vand.u32 $0x7FFFFFFF, v5  }
0x3a: {  	v3 =	vadd.f32 v4, v3;
	_ =	sdelay $0x1  }
0x3b: {  	[tilespmem:s0+$0xE010] =	vst v3  }
0x3c: {  	v3 =	vld.idx.msk [tilespmem:v6+s1+$0x0], $0xffff  }
0x3d: {  	v4 =	vld.idx.msk [tilespmem:v6+s20+$0x0], $0xffff;
	_ =	sdelay $0x1  }
0x3e: {  	v5 =	vld.idx.msk [tilespmem:v6+s21+$0x0], $0xffff;
	_ =	sdelay $0x2  }
0x3f: {  	v6 =	vld [tilespmem:s0+$0x6030];
	v3 =	vsub.f32 v1, v3;
	v4 =	vsub.f32 v2, v4;
	_ =	sdelay $0x1  }
0x40: {  	v5 =	vsub.f32 v0, v5;
	v3 =	vand.u32 $0x7FFFFFFF, v3;
	v4 =	vand.u32 $0x7FFFFFFF, v4  }
0x41: {  	v3 =	vadd.f32 v4, v3  }
0x42: {  	v4 =	vand.u32 $0x7FFFFFFF, v5  }
0x43: {  	v3 =	vadd.f32 v4, v3;
	_ =	sdelay $0x1  }
0x44: {  	[tilespmem:s0+$0xE020] =	vst v3  }
0x45: {  	v3 =	vld.idx.msk [tilespmem:v6+s1+$0x0], $0xffff  }
0x46: {  	v5 =	vld.idx.msk [tilespmem:v6+s20+$0x0], $0xffff;
	_ =	sdelay $0x1  }
0x47: {  	v6 =	vld.idx.msk [tilespmem:v6+s21+$0x0], $0xffff;
	_ =	sdelay $0x2  }
0x48: {  	v4 =	vld [tilespmem:s0+$0x6040];
	v3 =	vsub.f32 v1, v3;
	v5 =	vsub.f32 v2, v5  }
0x49: {  	s23 =	simm.s32 $0x100;
	s3 =	simm.s32 $0x80  }
0x4a: {  	s2 =	sand.u32 $0x3800, s23;
	s22 =	sand.u32 $0x380, s3;
	v6 =	vsub.f32 v0, v6;
	v3 =	vand.u32 $0x7FFFFFFF, v3;
	v5 =	vand.u32 $0x7FFFFFFF, v5  }
0x4b: {  	s2 =	sor.u32 s22, s2;
	v3 =	vadd.f32 v5, v3  }
0x4c: {  	v7 =	vld [tilespmem:s2+$0x6000];
	v5 =	vand.u32 $0x7FFFFFFF, v6  }
0x4d: {  	v3 =	vadd.f32 v5, v3;
	_ =	sdelay $0x1  }
0x4e: {  	[tilespmem:s0+$0xE030] =	vst v3  }
0x4f: {  	s25 =	sadd.s32 $0x1, s4;
	v8 =	vld.idx.msk [tilespmem:v4+s1+$0x0], $0xffff  }
0x50: {  	v6 =	vmov s25;
	v9 =	vld.idx.msk [tilespmem:v4+s20+$0x0], $0xffff  }
0x51: {  	v10 =	vld [tilespmem:s0+$0x6050]  }
0x52: {  	v4 =	vld.idx.msk [tilespmem:v4+s21+$0x0], $0xffff  }
0x53: {  	v11 =	vld.idx.msk [tilespmem:v7+s1+$0x0], $0xffff  }
0x54: {  	v12 =	vld.idx.msk [tilespmem:v7+s20+$0x0], $0xffff  }
0x55: {  	v5 =	vld.idx.msk [tilespmem:v6+s1+$0x0], $0xffff;
	v8 =	vsub.f32 v1, v8;
	v9 =	vsub.f32 v2, v9  }
0x56: {  	v3 =	vld.idx.msk [tilespmem:v6+s20+$0x0], $0xffff  }
0x57: {  	v7 =	vld.idx.msk [tilespmem:v7+s21+$0x0], $0xffff;
	v13 =	vsub.f32 v0, v4;
	v8 =	vand.u32 $0x7FFFFFFF, v8;
	v9 =	vand.u32 $0x7FFFFFFF, v9  }
0x58: {  	v4 =	vld.idx.msk [tilespmem:v6+s21+$0x0], $0xffff;
	v6 =	vadd.f32 v9, v8  }
0x59: {  	v8 =	vand.u32 $0x7FFFFFFF, v13  }
0x5a: {  	v6 =	vadd.f32 v8, v6  }
0x5b: {  	v9 =	vsub.f32 v3, v12;
	v8 =	vsub.f32 v5, v11;
	v11 =	vld [tilespmem:s2+$0x6010]  }
0x5c: {  	[tilespmem:s0+$0xE040] =	vst v6  }
0x5d: {  	v7 =	vsub.f32 v4, v7;
	v9 =	vand.u32 $0x7FFFFFFF, v9;
	v8 =	vand.u32 $0x7FFFFFFF, v8;
	v6 =	vld.idx.msk [tilespmem:v10+s1+$0x0], $0xffff  }
0x5e: {  	v12 =	vld.idx.msk [tilespmem:v10+s20+$0x0], $0xffff;
	v8 =	vadd.f32 v9, v8  }
0x5f: {  	v7 =	vand.u32 $0x7FFFFFFF, v7  }
0x60: {  	v9 =	vld.idx.msk [tilespmem:v10+s21+$0x0], $0xffff;
	v7 =	vadd.f32 v7, v8;
	_ =	sdelay $0x1  }
0x61: {  	v8 =	vld [tilespmem:s0+$0x6060];
	[tilespmem:s2+$0xE000] =	vst v7  }
0x62: {  	v6 =	vsub.f32 v1, v6;
	v7 =	vsub.f32 v2, v12;
	v10 =	vld.idx.msk [tilespmem:v11+s1+$0x0], $0xffff  }
0x63: {  	v12 =	vld.idx.msk [tilespmem:v11+s20+$0x0], $0xffff  }
0x64: {  	v9 =	vsub.f32 v0, v9;
	v6 =	vand.u32 $0x7FFFFFFF, v6;
	v7 =	vand.u32 $0x7FFFFFFF, v7  }
0x65: {  	v6 =	vadd.f32 v7, v6;
	v7 =	vld.idx.msk [tilespmem:v11+s21+$0x0], $0xffff  }
0x66: {  	v9 =	vand.u32 $0x7FFFFFFF, v9  }
0x67: {  	v6 =	vadd.f32 v9, v6  }
0x68: {  	v11 =	vld [tilespmem:s2+$0x6020];
	v9 =	vsub.f32 v5, v10;
	v10 =	vsub.f32 v3, v12  }
0x69: {  	[tilespmem:s0+$0xE050] =	vst v6  }
0x6a: {  	v9 =	vand.u32 $0x7FFFFFFF, v9;
	v10 =	vand.u32 $0x7FFFFFFF, v10;
	v6 =	vld.idx.msk [tilespmem:v8+s1+$0x0], $0xffff;
	v7 =	vsub.f32 v4, v7  }
0x6b: {  	v12 =	vld.idx.msk [tilespmem:v8+s20+$0x0], $0xffff;
	v9 =	vadd.f32 v10, v9  }
0x6c: {  	v7 =	vand.u32 $0x7FFFFFFF, v7  }
0x6d: {  	v8 =	vld.idx.msk [tilespmem:v8+s21+$0x0], $0xffff;
	v7 =	vadd.f32 v7, v9;
	_ =	sdelay $0x1  }
0x6e: {  	v9 =	vld [tilespmem:s0+$0x6070];
	[tilespmem:s2+$0xE010] =	vst v7  }
0x6f: {  	v6 =	vsub.f32 v1, v6;
	v7 =	vsub.f32 v2, v12;
	v10 =	vld.idx.msk [tilespmem:v11+s1+$0x0], $0xffff  }
0x70: {  	v12 =	vld.idx.msk [tilespmem:v11+s20+$0x0], $0xffff  }
0x71: {  	v8 =	vsub.f32 v0, v8;
	v6 =	vand.u32 $0x7FFFFFFF, v6;
	v7 =	vand.u32 $0x7FFFFFFF, v7  }
0x72: {  	v6 =	vadd.f32 v7, v6;
	v7 =	vld.idx.msk [tilespmem:v11+s21+$0x0], $0xffff  }
0x73: {  	s23 =	simm.s32 $0x100;
	s5 =	simm.s32 $0x200;
	v8 =	vand.u32 $0x7FFFFFFF, v8  }
0x74: {  	s23 =	sand.u32 $0x380, s23;
	s22 =	sand.u32 $0x3800, s5;
	v6 =	vadd.f32 v8, v6  }
0x75: {  	s22 =	sor.u32 s23, s22;
	v8 =	vsub.f32 v5, v10;
	v10 =	vld [tilespmem:s2+$0x6030];
	v12 =	vsub.f32 v3, v12  }
0x76: {  	v14 =	vld [tilespmem:s22+$0x6000];
	[tilespmem:s0+$0xE060] =	vst v6  }
0x77: {  	v6 =	vld.idx.msk [tilespmem:v9+s1+$0x0], $0xffff;
	v7 =	vsub.f32 v4, v7;
	v8 =	vand.u32 $0x7FFFFFFF, v8;
	v12 =	vand.u32 $0x7FFFFFFF, v12  }
0x78: {  	v13 =	vld.idx.msk [tilespmem:v9+s20+$0x0], $0xffff;
	v8 =	vadd.f32 v12, v8  }
0x79: {  	v7 =	vand.u32 $0x7FFFFFFF, v7  }
0x7a: {  	v9 =	vld.idx.msk [tilespmem:v9+s21+$0x0], $0xffff;
	v7 =	vadd.f32 v7, v8;
	_ =	sdelay $0x1  }
0x7b: {  	s3 =	sadd.s32 $0x1, s25;
	v11 =	vld [tilespmem:s0+$0x6400];
	[tilespmem:s2+$0xE020] =	vst v7  }
0x7c: {  	v8 =	vmov s3;
	v6 =	vsub.f32 v1, v6;
	v7 =	vsub.f32 v2, v13;
	v13 =	vld.idx.msk [tilespmem:v10+s1+$0x0], $0xffff  }
0x7d: {  	v15 =	vld.idx.msk [tilespmem:v10+s20+$0x0], $0xffff  }
0x7e: {  	v17 =	vld.idx.msk [tilespmem:v14+s21+$0x0], $0xffff;
	v9 =	vsub.f32 v0, v9;
	v6 =	vand.u32 $0x7FFFFFFF, v6;
	v7 =	vand.u32 $0x7FFFFFFF, v7  }
0x7f: {  	v10 =	vld.idx.msk [tilespmem:v10+s21+$0x0], $0xffff;
	v7 =	vadd.f32 v7, v6  }
0x80: {  	v12 =	vld [tilespmem:s2+$0x6040];
	v9 =	vand.u32 $0x7FFFFFFF, v9  }
0x81: {  	v6 =	vld.idx.msk [tilespmem:v8+s21+$0x0], $0xffff;
	v9 =	vadd.f32 v9, v7  }
0x82: {  	v7 =	vld.idx.msk [tilespmem:v8+s1+$0x0], $0xffff;
	v13 =	vsub.f32 v5, v13;
	v15 =	vsub.f32 v3, v15  }
0x83: {  	v8 =	vld.idx.msk [tilespmem:v8+s20+$0x0], $0xffff;
	[tilespmem:s0+$0xE070] =	vst v9  }
0x84: {  	v10 =	vsub.f32 v4, v10;
	v9 =	vld.idx.msk [tilespmem:v11+s1+$0x0], $0xffff;
	v13 =	vand.u32 $0x7FFFFFFF, v13;
	v15 =	vand.u32 $0x7FFFFFFF, v15  }
0x85: {  	v16 =	vld.idx.msk [tilespmem:v11+s20+$0x0], $0xffff;
	v13 =	vadd.f32 v15, v13  }
0x86: {  	v10 =	vand.u32 $0x7FFFFFFF, v10;
	v11 =	vld.idx.msk [tilespmem:v11+s21+$0x0], $0xffff  }
0x87: {  	v15 =	vld.idx.msk [tilespmem:v14+s1+$0x0], $0xffff;
	v10 =	vadd.f32 v10, v13  }
0x88: {  	v13 =	vld.idx.msk [tilespmem:v14+s20+$0x0], $0xffff  }
0x89: {  	v14 =	vld [tilespmem:s0+$0x6410];
	[tilespmem:s2+$0xE030] =	vst v10  }
0x8a: {  	v9 =	vsub.f32 v1, v9;
	v10 =	vsub.f32 v2, v16;
	v16 =	vld.idx.msk [tilespmem:v12+s1+$0x0], $0xffff  }
0x8b: {  	v18 =	vld.idx.msk [tilespmem:v12+s20+$0x0], $0xffff  }
0x8c: {  	v11 =	vsub.f32 v0, v11;
	v12 =	vld.idx.msk [tilespmem:v12+s21+$0x0], $0xffff;
	v9 =	vand.u32 $0x7FFFFFFF, v9;
	v10 =	vand.u32 $0x7FFFFFFF, v10  }
0x8d: {  	v9 =	vadd.f32 v10, v9;
	v10 =	vsub.f32 v7, v15  }
0x8e: {  	v11 =	vand.u32 $0x7FFFFFFF, v11;
	v13 =	vsub.f32 v8, v13;
	v15 =	vld [tilespmem:s22+$0x6010]  }
0x8f: {  	v9 =	vadd.f32 v11, v9;
	v10 =	vand.u32 $0x7FFFFFFF, v10;
	v11 =	vsub.f32 v6, v17  }
0x90: {  	v19 =	vld [tilespmem:s2+$0x6050];
	v13 =	vand.u32 $0x7FFFFFFF, v13;
	v16 =	vsub.f32 v5, v16;
	v18 =	vsub.f32 v3, v18  }
0x91: {  	v12 =	vsub.f32 v4, v12;
	[tilespmem:s0+$0xE400] =	vst v9;
	v9 =	vadd.f32 v13, v10  }
0x92: {  	v10 =	vand.u32 $0x7FFFFFFF, v11;
	v11 =	vld.idx.msk [tilespmem:v14+s1+$0x0], $0xffff;
	v13 =	vand.u32 $0x7FFFFFFF, v16;
	v16 =	vand.u32 $0x7FFFFFFF, v18  }
0x93: {  	v18 =	vld.idx.msk [tilespmem:v14+s20+$0x0], $0xffff;
	v9 =	vadd.f32 v10, v9;
	v10 =	vadd.f32 v16, v13  }
0x94: {  	v17 =	vld [tilespmem:s0+$0x6420];
	v12 =	vand.u32 $0x7FFFFFFF, v12  }
0x95: {  	v13 =	vld.idx.msk [tilespmem:v14+s21+$0x0], $0xffff;
	[tilespmem:s22+$0xE000] =	vst v9;
	v9 =	vadd.f32 v12, v10  }
0x96: {  	v10 =	vld.idx.msk [tilespmem:v15+s21+$0x0], $0xffff  }
0x97: {  	v12 =	vld.idx.msk [tilespmem:v15+s1+$0x0], $0xffff;
	[tilespmem:s2+$0xE040] =	vst v9  }
0x98: {  	v9 =	vsub.f32 v1, v11;
	v11 =	vsub.f32 v2, v18;
	v14 =	vld.idx.msk [tilespmem:v19+s1+$0x0], $0xffff  }
0x99: {  	v16 =	vld.idx.msk [tilespmem:v19+s20+$0x0], $0xffff  }
0x9a: {  	v15 =	vld.idx.msk [tilespmem:v15+s20+$0x0], $0xffff;
	v13 =	vsub.f32 v0, v13;
	v9 =	vand.u32 $0x7FFFFFFF, v9;
	v11 =	vand.u32 $0x7FFFFFFF, v11  }
0x9b: {  	v9 =	vadd.f32 v11, v9;
	v11 =	vld.idx.msk [tilespmem:v19+s21+$0x0], $0xffff  }
0x9c: {  	v13 =	vand.u32 $0x7FFFFFFF, v13  }
0x9d: {  	v22 =	vld [tilespmem:s22+$0x6040];
	v9 =	vadd.f32 v13, v9  }
0x9e: {  	v13 =	vsub.f32 v5, v14;
	v14 =	vsub.f32 v3, v16;
	v16 =	vld [tilespmem:s2+$0x6060]  }
0x9f: {  	s28 =	simm.s32 $0x180;
	s7 =	simm.s32 $0x300;
	v18 =	vld [tilespmem:s22+$0x6020];
	[tilespmem:s0+$0xE410] =	vst v9;
	v9 =	vsub.f32 v7, v12;
	v12 =	vsub.f32 v8, v15  }
0xa0: {  	s5 =	sand.u32 $0x3800, s7;
	s7 =	sand.u32 $0x380, s28;
	v15 =	vld.idx.msk [tilespmem:v17+s1+$0x0], $0xffff;
	v13 =	vand.u32 $0x7FFFFFFF, v13;
	v11 =	vsub.f32 v4, v11;
	v14 =	vand.u32 $0x7FFFFFFF, v14  }
0xa1: {  	s23 =	sor.u32 s7, s5;
	v10 =	vsub.f32 v6, v10;
	v19 =	vld.idx.msk [tilespmem:v17+s20+$0x0], $0xffff;
	v14 =	vadd.f32 v14, v13  }
0xa2: {  	v23 =	vld [tilespmem:s23+$0x6000];
	v9 =	vand.u32 $0x7FFFFFFF, v9;
	v12 =	vand.u32 $0x7FFFFFFF, v12;
	v11 =	vand.u32 $0x7FFFFFFF, v11  }
0xa3: {  	v9 =	vadd.f32 v12, v9;
	v12 =	vld.idx.msk [tilespmem:v17+s21+$0x0], $0xffff;
	v11 =	vadd.f32 v11, v14  }
0xa4: {  	v63 =	vld [tilespmem:s23+$0x6010];
	v10 =	vand.u32 $0x7FFFFFFF, v10  }
0xa5: {  	v9 =	vadd.f32 v10, v9;
	v10 =	vld [tilespmem:s0+$0x6430];
	[tilespmem:s2+$0xE050] =	vst v11  }
0xa6: {  	v11 =	vsub.f32 v1, v15;
	v15 =	vsub.f32 v2, v19;
	v17 =	vld.idx.msk [tilespmem:v16+s1+$0x0], $0xffff  }
0xa7: {  	[tilespmem:s22+$0xE010] =	vst v9;
	v9 =	vld.idx.msk [tilespmem:v16+s20+$0x0], $0xffff  }
0xa8: {  	v11 =	vand.u32 $0x7FFFFFFF, v11;
	v15 =	vand.u32 $0x7FFFFFFF, v15;
	v12 =	vsub.f32 v0, v12;
	v19 =	vld.idx.msk [tilespmem:v18+s1+$0x0], $0xffff  }
0xa9: {  	v11 =	vadd.f32 v15, v11;
	v15 =	vld.idx.msk [tilespmem:v16+s21+$0x0], $0xffff  }
0xaa: {  	v16 =	vld.idx.msk [tilespmem:v18+s20+$0x0], $0xffff;
	v12 =	vand.u32 $0x7FFFFFFF, v12  }
0xab: {  	v11 =	vadd.f32 v12, v11;
	v12 =	vld.idx.msk [tilespmem:v18+s21+$0x0], $0xffff  }
0xac: {  	v18 =	vld [tilespmem:s2+$0x6070];
	v17 =	vsub.f32 v5, v17;
	v9 =	vsub.f32 v3, v9  }
0xad: {  	v13 =	vld [tilespmem:s0+$0x6450];
	[tilespmem:s0+$0xE420] =	vst v11  }
0xae: {  	v11 =	vld.idx.msk [tilespmem:v10+s1+$0x0], $0xffff;
	v17 =	vand.u32 $0x7FFFFFFF, v17;
	v9 =	vand.u32 $0x7FFFFFFF, v9;
	v15 =	vsub.f32 v4, v15  }
0xaf: {  	v20 =	vld.idx.msk [tilespmem:v10+s20+$0x0], $0xffff;
	v9 =	vadd.f32 v9, v17  }
0xb0: {  	s25 =	sadd.s32 $0x1, s3;
	v19 =	vsub.f32 v7, v19;
	v16 =	vsub.f32 v8, v16;
	v17 =	vld [tilespmem:s22+$0x6030];
	v15 =	vand.u32 $0x7FFFFFFF, v15  }
0xb1: {  	v21 =	vmov s25;
	v10 =	vld.idx.msk [tilespmem:v10+s21+$0x0], $0xffff;
	v9 =	vadd.f32 v15, v9  }
0xb2: {  	v14 =	vld [tilespmem:s0+$0x6440];
	v19 =	vand.u32 $0x7FFFFFFF, v19;
	v12 =	vsub.f32 v6, v12;
	v16 =	vand.u32 $0x7FFFFFFF, v16  }
0xb3: {  	v15 =	vld [tilespmem:s2+$0x6400];
	v16 =	vadd.f32 v16, v19;
	[tilespmem:s2+$0xE060] =	vst v9  }
0xb4: {  	v9 =	vand.u32 $0x7FFFFFFF, v12;
	v11 =	vsub.f32 v1, v11;
	v19 =	vsub.f32 v2, v20;
	v12 =	vld.idx.msk [tilespmem:v18+s1+$0x0], $0xffff  }
0xb5: {  	v16 =	vadd.f32 v9, v16;
	v20 =	vld.idx.msk [tilespmem:v18+s20+$0x0], $0xffff  }
0xb6: {  	v10 =	vsub.f32 v0, v10;
	v9 =	vld.idx.msk [tilespmem:v21+s21+$0x0], $0xffff;
	v11 =	vand.u32 $0x7FFFFFFF, v11;
	v19 =	vand.u32 $0x7FFFFFFF, v19  }
0xb7: {  	[tilespmem:s22+$0xE020] =	vst v16;
	v16 =	vld.idx.msk [tilespmem:v18+s21+$0x0], $0xffff;
	v11 =	vadd.f32 v19, v11  }
0xb8: {  	v10 =	vand.u32 $0x7FFFFFFF, v10;
	v18 =	vld.idx.msk [tilespmem:v17+s1+$0x0], $0xffff  }
0xb9: {  	v19 =	vld.idx.msk [tilespmem:v17+s20+$0x0], $0xffff;
	v10 =	vadd.f32 v10, v11  }
0xba: {  	v17 =	vld.idx.msk [tilespmem:v17+s21+$0x0], $0xffff;
	v12 =	vsub.f32 v5, v12;
	v20 =	vsub.f32 v3, v20  }
0xbb: {  	v11 =	vld.idx.msk [tilespmem:v21+s1+$0x0], $0xffff;
	[tilespmem:s0+$0xE430] =	vst v10  }
0xbc: {  	v24 =	vld.idx.msk [tilespmem:v14+s1+$0x0], $0xffff;
	v12 =	vand.u32 $0x7FFFFFFF, v12;
	v20 =	vand.u32 $0x7FFFFFFF, v20  }
0xbd: {  	v16 =	vsub.f32 v4, v16;
	v25 =	vld.idx.msk [tilespmem:v14+s20+$0x0], $0xffff;
	v12 =	vadd.f32 v20, v12  }
0xbe: {  	v10 =	vld.idx.msk [tilespmem:v21+s20+$0x0], $0xffff;
	v18 =	vsub.f32 v7, v18;
	v19 =	vsub.f32 v8, v19  }
0xbf: {  	v14 =	vld.idx.msk [tilespmem:v14+s21+$0x0], $0xffff;
	v17 =	vsub.f32 v6, v17;
	v16 =	vand.u32 $0x7FFFFFFF, v16  }
0xc0: {  	v21 =	vld.idx.msk [tilespmem:v23+s20+$0x0], $0xffff;
	v12 =	vadd.f32 v16, v12;
	v18 =	vand.u32 $0x7FFFFFFF, v18;
	v19 =	vand.u32 $0x7FFFFFFF, v19  }
0xc1: {  	v16 =	vld.idx.msk [tilespmem:v23+s1+$0x0], $0xffff;
	v18 =	vadd.f32 v19, v18  }
0xc2: {  	v20 =	vld.idx.msk [tilespmem:v23+s21+$0x0], $0xffff;
	[tilespmem:s2+$0xE070] =	vst v12;
	v12 =	vand.u32 $0x7FFFFFFF, v17;
	v19 =	vsub.f32 v1, v24;
	v23 =	vsub.f32 v2, v25  }
0xc3: {  	v17 =	vld.idx.msk [tilespmem:v15+s1+$0x0], $0xffff;
	v12 =	vadd.f32 v12, v18  }
0xc4: {  	v14 =	vsub.f32 v0, v14;
	v18 =	vld.idx.msk [tilespmem:v15+s20+$0x0], $0xffff;
	v19 =	vand.u32 $0x7FFFFFFF, v19;
	v23 =	vand.u32 $0x7FFFFFFF, v23  }
0xc5: {  	[tilespmem:s22+$0xE030] =	vst v12;
	v12 =	vld.idx.msk [tilespmem:v15+s21+$0x0], $0xffff;
	v15 =	vadd.f32 v23, v19  }
0xc6: {  	v62 =	vld [tilespmem:s2+$0x6410];
	v14 =	vand.u32 $0x7FFFFFFF, v14;
	v16 =	vsub.f32 v11, v16  }
0xc7: {  	v21 =	vsub.f32 v10, v21;
	v19 =	vld.idx.msk [tilespmem:v22+s1+$0x0], $0xffff;
	v14 =	vadd.f32 v14, v15  }
0xc8: {  	v23 =	vld.idx.msk [tilespmem:v22+s20+$0x0], $0xffff;
	v15 =	vand.u32 $0x7FFFFFFF, v16;
	v16 =	vsub.f32 v9, v20  }
0xc9: {  	v20 =	vand.u32 $0x7FFFFFFF, v21;
	v21 =	vld.idx.msk [tilespmem:v22+s21+$0x0], $0xffff;
	v17 =	vsub.f32 v5, v17;
	v18 =	vsub.f32 v3, v18;
	[tilespmem:s0+$0xE440] =	vst v14  }
0xca: {  	v14 =	vadd.f32 v20, v15;
	v15 =	vand.u32 $0x7FFFFFFF, v16;
	v16 =	vld.idx.msk [tilespmem:v13+s1+$0x0], $0xffff  }
0xcb: {  	v17 =	vand.u32 $0x7FFFFFFF, v17;
	v18 =	vand.u32 $0x7FFFFFFF, v18;
	v20 =	vsub.f32 v4, v12;
	v22 =	vld.idx.msk [tilespmem:v13+s20+$0x0], $0xffff  }
0xcc: {  	v12 =	vld [tilespmem:s0+$0x6460];
	v14 =	vadd.f32 v15, v14;
	v15 =	vadd.f32 v18, v17  }
0xcd: {  	v13 =	vld.idx.msk [tilespmem:v13+s21+$0x0], $0xffff;
	v17 =	vsub.f32 v7, v19;
	v19 =	vsub.f32 v8, v23  }
0xce: {  	v18 =	vld [tilespmem:s22+$0x6050];
	v20 =	vand.u32 $0x7FFFFFFF, v20;
	v21 =	vsub.f32 v6, v21  }
0xcf: {  	v15 =	vadd.f32 v20, v15;
	[tilespmem:s23+$0xE000] =	vst v14;
	v17 =	vand.u32 $0x7FFFFFFF, v17;
	v19 =	vand.u32 $0x7FFFFFFF, v19;
	v14 =	vld [tilespmem:s2+$0x6420]  }
0xd0: {  	v20 =	vld.idx.msk [tilespmem:v63+s21+$0x0], $0xffff;
	v17 =	vadd.f32 v19, v17  }
0xd1: {  	v19 =	vand.u32 $0x7FFFFFFF, v21;
	v21 =	vld.idx.msk [tilespmem:v63+s1+$0x0], $0xffff;
	[tilespmem:s2+$0xE400] =	vst v15;
	v16 =	vsub.f32 v1, v16;
	v22 =	vsub.f32 v2, v22  }
0xd2: {  	v13 =	vsub.f32 v0, v13;
	v15 =	vld.idx.msk [tilespmem:v62+s1+$0x0], $0xffff  }
0xd3: {  	v19 =	vadd.f32 v19, v17;
	v17 =	vld.idx.msk [tilespmem:v62+s20+$0x0], $0xffff;
	v23 =	vand.u32 $0x7FFFFFFF, v16;
	v22 =	vand.u32 $0x7FFFFFFF, v22  }
0xd4: {  	v16 =	vld.idx.msk [tilespmem:v62+s21+$0x0], $0xffff;
	v23 =	vadd.f32 v22, v23  }
0xd5: {  	v13 =	vand.u32 $0x7FFFFFFF, v13;
	v22 =	vld.idx.msk [tilespmem:v63+s20+$0x0], $0xffff;
	[tilespmem:s22+$0xE040] =	vst v19  }
0xd6: {  	s3 =	simm.s32 $0x400;
	v19 =	vld.idx.msk [tilespmem:v18+s21+$0x0], $0xffff;
	v13 =	vadd.f32 v13, v23  }
.LBB2_2:
0xd7: {  	p0 =	sne.s32 s3, $0x3F00;
	v23 =	vld.idx.msk [tilespmem:v18+s1+$0x0], $0xffff  }
0xd8: {  	v15 =	vsub.f32 v5, v15;
	v17 =	vsub.f32 v3, v17;
	v18 =	vld.idx.msk [tilespmem:v18+s20+$0x0], $0xffff;
	[tilespmem:s0+$0xE450] =	vst v13  }
0xd9: {  	v24 =	vld.idx.msk [tilespmem:v12+s1+$0x0], $0xffff  }
0xda: {  	v13 =	vand.u32 $0x7FFFFFFF, v15;
	v15 =	vand.u32 $0x7FFFFFFF, v17;
	v16 =	vsub.f32 v4, v16;
	v17 =	vld.idx.msk [tilespmem:v12+s20+$0x0], $0xffff  }
0xdb: {  	v20 =	vsub.f32 v9, v20;
	v13 =	vadd.f32 v15, v13;
	v15 =	vld [tilespmem:s0+$0x6470]  }
0xdc: {  	v21 =	vsub.f32 v11, v21;
	v22 =	vsub.f32 v10, v22;
	v16 =	vand.u32 $0x7FFFFFFF, v16;
	v25 =	vld.idx.msk [tilespmem:v12+s21+$0x0], $0xffff  }
0xdd: {  	v12 =	vand.u32 $0x7FFFFFFF, v20;
	v23 =	vsub.f32 v7, v23;
	v13 =	vadd.f32 v16, v13;
	v20 =	vld [tilespmem:s23+$0x6020]  }
0xde: {  	v16 =	vand.u32 $0x7FFFFFFF, v21;
	v21 =	vand.u32 $0x7FFFFFFF, v22;
	v18 =	vsub.f32 v8, v18;
	v22 =	vld [tilespmem:s22+$0x6060]  }
0xdf: {  	v19 =	vsub.f32 v6, v19;
	v16 =	vadd.f32 v21, v16;
	v21 =	vand.u32 $0x7FFFFFFF, v23;
	[tilespmem:s2+$0xE410] =	vst v13;
	v13 =	vld [tilespmem:s2+$0x6450]  }
0xe0: {  	v24 =	vsub.f32 v1, v24;
	v18 =	vand.u32 $0x7FFFFFFF, v18;
	v17 =	vsub.f32 v2, v17;
	v23 =	vld.idx.msk [tilespmem:v14+s1+$0x0], $0xffff  }
0xe1: {  	v19 =	vand.u32 $0x7FFFFFFF, v19;
	v16 =	vadd.f32 v12, v16;
	v18 =	vadd.f32 v18, v21;
	v21 =	vld.idx.msk [tilespmem:v14+s20+$0x0], $0xffff  }
0xe2: {  	v24 =	vand.u32 $0x7FFFFFFF, v24;
	v17 =	vand.u32 $0x7FFFFFFF, v17;
	v25 =	vsub.f32 v0, v25;
	v12 =	vld [tilespmem:s2+$0x6440]  }
0xe3: {  	v18 =	vadd.f32 v19, v18;
	v17 =	vadd.f32 v17, v24;
	v14 =	vld.idx.msk [tilespmem:v14+s21+$0x0], $0xffff  }
0xe4: {  	v19 =	vand.u32 $0x7FFFFFFF, v25;
	[tilespmem:s23+$0xE010] =	vst v16;
	v16 =	vld [tilespmem:s2+$0x6430]  }
0xe5: {  	v17 =	vadd.f32 v19, v17;
	v24 =	vld.idx.msk [tilespmem:v20+s1+$0x0], $0xffff;
	[tilespmem:s22+$0xE050] =	vst v18  }
0xe6: {  	v18 =	vld.idx.msk [tilespmem:v22+s1+$0x0], $0xffff  }
0xe7: {  	v23 =	vsub.f32 v5, v23;
	v21 =	vsub.f32 v3, v21;
	v19 =	vld.idx.msk [tilespmem:v22+s20+$0x0], $0xffff;
	[tilespmem:s0+$0xE460] =	vst v17  }
0xe8: {  	v17 =	vld.idx.msk [tilespmem:v15+s1+$0x0], $0xffff  }
0xe9: {  	v23 =	vand.u32 $0x7FFFFFFF, v23;
	v21 =	vand.u32 $0x7FFFFFFF, v21;
	v14 =	vsub.f32 v4, v14;
	v25 =	vld.idx.msk [tilespmem:v15+s20+$0x0], $0xffff  }
0xea: {  	v21 =	vadd.f32 v21, v23;
	v22 =	vld.idx.msk [tilespmem:v22+s21+$0x0], $0xffff  }
0xeb: {  	v14 =	vand.u32 $0x7FFFFFFF, v14;
	v15 =	vld.idx.msk [tilespmem:v15+s21+$0x0], $0xffff  }
0xec: {  	v18 =	vsub.f32 v7, v18;
	v14 =	vadd.f32 v14, v21;
	v23 =	vld.idx.msk [tilespmem:v20+s20+$0x0], $0xffff  }
0xed: {  	v19 =	vsub.f32 v8, v19;
	v20 =	vld.idx.msk [tilespmem:v20+s21+$0x0], $0xffff  }
0xee: {  	v21 =	vsub.f32 v11, v24;
	v18 =	vand.u32 $0x7FFFFFFF, v18;
	v24 =	vld [tilespmem:s22+$0x6070];
	[tilespmem:s2+$0xE420] =	vst v14  }
0xef: {  	s25 =	sadd.s32 $0x1, s25;
	v17 =	vsub.f32 v1, v17;
	v1 =	vmovc v5;
	v14 =	vand.u32 $0x7FFFFFFF, v19;
	v2 =	vsub.f32 v2, v25;
	v19 =	vld.idx.msk [tilespmem:v16+s1+$0x0], $0xffff  }
0xf0: {  	v5 =	vmovc v7;
	v7 =	vmovc v11;
	v25 =	vmov s25;
	v14 =	vadd.f32 v14, v18;
	v18 =	vsub.f32 v6, v22;
	v22 =	vld.idx.msk [tilespmem:v16+s20+$0x0], $0xffff  }
0xf1: {  	v11 =	vand.u32 $0x7FFFFFFF, v17;
	v27 =	vand.u32 $0x7FFFFFFF, v2;
	v15 =	vsub.f32 v0, v15;
	v0 =	vmovc v4;
	v4 =	vmovc v6;
	v26 =	vld [tilespmem:s23+$0x6030]  }
0xf2: {  	s28 =	sadd.s32 $0x80, s28;
	v6 =	vmovc v9;
	v17 =	vsub.f32 v10, v23;
	v18 =	vand.u32 $0x7FFFFFFF, v18;
	v11 =	vadd.f32 v27, v11;
	v16 =	vld.idx.msk [tilespmem:v16+s21+$0x0], $0xffff  }
0xf3: {  	s5 =	sand.u32 $0x3800, s3;
	s7 =	sand.u32 $0x380, s28;
	v9 =	vsub.f32 v6, v20;
	v14 =	vadd.f32 v18, v14;
	v15 =	vand.u32 $0x7FFFFFFF, v15;
	v2 =	vmovc v3;
	v3 =	vmovc v8;
	v18 =	vld [tilespmem:s22+$0x6400]  }
0xf4: {  	s5 =	sor.u32 s7, s5;
	v20 =	vand.u32 $0x7FFFFFFF, v21;
	v8 =	vmovc v10;
	v17 =	vand.u32 $0x7FFFFFFF, v17;
	v11 =	vadd.f32 v15, v11;
	v21 =	vld [tilespmem:s23+$0x6040]  }
0xf5: {  	v10 =	vadd.f32 v17, v20;
	v15 =	vld [tilespmem:s5+$0x6000];
	[tilespmem:s22+$0xE060] =	vst v14  }
0xf6: {  	v9 =	vand.u32 $0x7FFFFFFF, v9;
	v17 =	vsub.f32 v1, v19;
	v19 =	vsub.f32 v2, v22;
	v14 =	vld.idx.msk [tilespmem:v24+s1+$0x0], $0xffff;
	[tilespmem:s0+$0xE470] =	vst v11;
	s0 =	smov.u32 s2;
	s2 =	smov.u32 s22;
	s22 =	smov.u32 s23  }
0xf7: {  	v10 =	vadd.f32 v9, v10;
	s23 =	smov.u32 s5;
	v20 =	vld.idx.msk [tilespmem:v24+s20+$0x0], $0xffff  }
0xf8: {  	v11 =	vand.u32 $0x7FFFFFFF, v17;
	v17 =	vand.u32 $0x7FFFFFFF, v19;
	v16 =	vsub.f32 v0, v16;
	v9 =	vld.idx.msk [tilespmem:v25+s21+$0x0], $0xffff  }
0xf9: {  	v11 =	vadd.f32 v17, v11;
	[tilespmem:s22+$0xE020] =	vst v10;
	v10 =	vld.idx.msk [tilespmem:v24+s21+$0x0], $0xffff  }
0xfa: {  	v16 =	vand.u32 $0x7FFFFFFF, v16;
	v17 =	vld.idx.msk [tilespmem:v26+s1+$0x0], $0xffff  }
0xfb: {  	v16 =	vadd.f32 v16, v11;
	v19 =	vld.idx.msk [tilespmem:v26+s20+$0x0], $0xffff  }
0xfc: {  	v11 =	vld.idx.msk [tilespmem:v25+s1+$0x0], $0xffff  }
0xfd: {  	v14 =	vsub.f32 v5, v14;
	v20 =	vsub.f32 v3, v20;
	v22 =	vld.idx.msk [tilespmem:v26+s21+$0x0], $0xffff;
	[tilespmem:s0+$0xE430] =	vst v16  }
0xfe: {  	v16 =	vld.idx.msk [tilespmem:v12+s1+$0x0], $0xffff  }
0xff: {  	v14 =	vand.u32 $0x7FFFFFFF, v14;
	v20 =	vand.u32 $0x7FFFFFFF, v20;
	v23 =	vsub.f32 v4, v10;
	v24 =	vld.idx.msk [tilespmem:v12+s20+$0x0], $0xffff  }
0x100: {  	v14 =	vadd.f32 v20, v14;
	v10 =	vld.idx.msk [tilespmem:v25+s20+$0x0], $0xffff  }
0x101: {  	v17 =	vsub.f32 v7, v17;
	v19 =	vsub.f32 v8, v19;
	v20 =	vand.u32 $0x7FFFFFFF, v23;
	v12 =	vld.idx.msk [tilespmem:v12+s21+$0x0], $0xffff  }
0x102: {  	v14 =	vadd.f32 v20, v14;
	v23 =	vld.idx.msk [tilespmem:v15+s21+$0x0], $0xffff  }
0x103: {  	v17 =	vand.u32 $0x7FFFFFFF, v17;
	v19 =	vand.u32 $0x7FFFFFFF, v19;
	v22 =	vsub.f32 v6, v22;
	v20 =	vld.idx.msk [tilespmem:v15+s1+$0x0], $0xffff  }
0x104: {  	v17 =	vadd.f32 v19, v17;
	v15 =	vld.idx.msk [tilespmem:v15+s20+$0x0], $0xffff;
	[tilespmem:s2+$0xE070] =	vst v14  }
0x105: {  	v16 =	vsub.f32 v1, v16;
	v14 =	vand.u32 $0x7FFFFFFF, v22;
	v22 =	vsub.f32 v2, v24;
	v19 =	vld.idx.msk [tilespmem:v18+s1+$0x0], $0xffff  }
0x106: {  	v14 =	vadd.f32 v14, v17;
	v17 =	vld.idx.msk [tilespmem:v18+s20+$0x0], $0xffff  }
0x107: {  	v16 =	vand.u32 $0x7FFFFFFF, v16;
	v22 =	vand.u32 $0x7FFFFFFF, v22;
	v12 =	vsub.f32 v0, v12;
	v24 =	vld [tilespmem:s2+$0x6410]  }
0x108: {  	v16 =	vadd.f32 v22, v16;
	[tilespmem:s22+$0xE030] =	vst v14;
	v14 =	vld.idx.msk [tilespmem:v18+s21+$0x0], $0xffff  }
0x109: {  	v18 =	vsub.f32 v11, v20;
	v12 =	vand.u32 $0x7FFFFFFF, v12;
	v20 =	vld.idx.msk [tilespmem:v21+s1+$0x0], $0xffff  }
0x10a: {  	v15 =	vsub.f32 v10, v15;
	v12 =	vadd.f32 v12, v16;
	v22 =	vld.idx.msk [tilespmem:v21+s20+$0x0], $0xffff  }
0x10b: {  	v16 =	vand.u32 $0x7FFFFFFF, v18;
	v18 =	vsub.f32 v9, v23;
	v23 =	vld [tilespmem:s23+$0x6010]  }
0x10c: {  	v19 =	vsub.f32 v5, v19;
	v15 =	vand.u32 $0x7FFFFFFF, v15;
	v17 =	vsub.f32 v3, v17;
	v21 =	vld.idx.msk [tilespmem:v21+s21+$0x0], $0xffff;
	[tilespmem:s0+$0xE440] =	vst v12  }
0x10d: {  	v12 =	vadd.f32 v15, v16;
	v15 =	vand.u32 $0x7FFFFFFF, v18;
	v16 =	vld.idx.msk [tilespmem:v13+s1+$0x0], $0xffff  }
0x10e: {  	v18 =	vand.u32 $0x7FFFFFFF, v19;
	v17 =	vand.u32 $0x7FFFFFFF, v17;
	v14 =	vsub.f32 v4, v14;
	v19 =	vld.idx.msk [tilespmem:v13+s20+$0x0], $0xffff  }
0x10f: {  	v15 =	vadd.f32 v15, v12;
	v17 =	vadd.f32 v17, v18;
	v12 =	vld [tilespmem:s0+$0x6460]  }
0x110: {  	v20 =	vsub.f32 v7, v20;
	v22 =	vsub.f32 v8, v22;
	v14 =	vand.u32 $0x7FFFFFFF, v14;
	v13 =	vld.idx.msk [tilespmem:v13+s21+$0x0], $0xffff  }
0x111: {  	v17 =	vadd.f32 v14, v17;
	v18 =	vld [tilespmem:s22+$0x6050]  }
0x112: {  	v22 =	vand.u32 $0x7FFFFFFF, v22;
	v21 =	vsub.f32 v6, v21;
	[tilespmem:s23+$0xE000] =	vst v15;
	v15 =	vand.u32 $0x7FFFFFFF, v20;
	v14 =	vld [tilespmem:s2+$0x6420]  }
0x113: {  	v20 =	vld.idx.msk [tilespmem:v23+s21+$0x0], $0xffff;
	v22 =	vadd.f32 v22, v15;
	[tilespmem:s2+$0xE400] =	vst v17  }
0x114: {  	v16 =	vsub.f32 v1, v16;
	v17 =	vand.u32 $0x7FFFFFFF, v21;
	v19 =	vsub.f32 v2, v19;
	v15 =	vld.idx.msk [tilespmem:v24+s1+$0x0], $0xffff  }
.Ltmp0:
0x115: {  	v25 =	vadd.f32 v17, v22;
	v17 =	vld.idx.msk [tilespmem:v24+s20+$0x0], $0xffff;
	(pc) =	sbr.rel @p0 .LBB2_2-.Ltmp0, $4  }
0x116: {  	v22 =	vand.u32 $0x7FFFFFFF, v16;
	v19 =	vand.u32 $0x7FFFFFFF, v19;
	v13 =	vsub.f32 v0, v13;
	v21 =	vld.idx.msk [tilespmem:v23+s1+$0x0], $0xffff  }
0x117: {  	v16 =	vld.idx.msk [tilespmem:v24+s21+$0x0], $0xffff;
	v24 =	vadd.f32 v19, v22  }
0x118: {  	v13 =	vand.u32 $0x7FFFFFFF, v13;
	v22 =	vld.idx.msk [tilespmem:v23+s20+$0x0], $0xffff;
	[tilespmem:s22+$0xE040] =	vst v25  }
0x119: {  	s3 =	sadd.s32 $0x100, s3;
	v19 =	vld.idx.msk [tilespmem:v18+s21+$0x0], $0xffff;
	v13 =	vadd.f32 v13, v24  }
0x11a: {  	_ =	sdelay $0x2  }
0x11b: {  	v23 =	vld [tilespmem:s23+$0x6020];
	v21 =	vsub.f32 v11, v21;
	v22 =	vsub.f32 v10, v22;
	_ =	sdelay $0x1  }
0x11c: {  	v20 =	vsub.f32 v9, v20;
	v21 =	vand.u32 $0x7FFFFFFF, v21;
	v22 =	vand.u32 $0x7FFFFFFF, v22  }
0x11d: {  	v21 =	vadd.f32 v22, v21  }
0x11e: {  	v20 =	vand.u32 $0x7FFFFFFF, v20  }
0x11f: {  	v20 =	vadd.f32 v20, v21;
	_ =	sdelay $0x1  }
0x120: {  	[tilespmem:s23+$0xE010] =	vst v20  }
0x121: {  	v20 =	vld.idx.msk [tilespmem:v23+s1+$0x0], $0xffff  }
0x122: {  	v21 =	vld.idx.msk [tilespmem:v23+s20+$0x0], $0xffff;
	_ =	sdelay $0x1  }
0x123: {  	v22 =	vld.idx.msk [tilespmem:v23+s21+$0x0], $0xffff;
	_ =	sdelay $0x2  }
0x124: {  	v23 =	vld [tilespmem:s23+$0x6030];
	v20 =	vsub.f32 v11, v20;
	v21 =	vsub.f32 v10, v21;
	_ =	sdelay $0x1  }
0x125: {  	v22 =	vsub.f32 v9, v22;
	v20 =	vand.u32 $0x7FFFFFFF, v20;
	v21 =	vand.u32 $0x7FFFFFFF, v21  }
0x126: {  	v20 =	vadd.f32 v21, v20  }
0x127: {  	v21 =	vand.u32 $0x7FFFFFFF, v22  }
0x128: {  	v20 =	vadd.f32 v21, v20;
	_ =	sdelay $0x1  }
0x129: {  	[tilespmem:s23+$0xE020] =	vst v20  }
0x12a: {  	v20 =	vld.idx.msk [tilespmem:v23+s1+$0x0], $0xffff  }
0x12b: {  	v22 =	vld.idx.msk [tilespmem:v23+s20+$0x0], $0xffff;
	_ =	sdelay $0x1  }
0x12c: {  	v23 =	vld.idx.msk [tilespmem:v23+s21+$0x0], $0xffff;
	_ =	sdelay $0x2  }
0x12d: {  	v21 =	vld [tilespmem:s23+$0x6040];
	v20 =	vsub.f32 v11, v20;
	v22 =	vsub.f32 v10, v22;
	_ =	sdelay $0x1  }
0x12e: {  	v23 =	vsub.f32 v9, v23;
	v20 =	vand.u32 $0x7FFFFFFF, v20;
	v22 =	vand.u32 $0x7FFFFFFF, v22  }
0x12f: {  	v20 =	vadd.f32 v22, v20  }
0x130: {  	v22 =	vand.u32 $0x7FFFFFFF, v23  }
0x131: {  	v20 =	vadd.f32 v22, v20;
	_ =	sdelay $0x1  }
0x132: {  	[tilespmem:s23+$0xE030] =	vst v20  }
0x133: {  	v20 =	vld.idx.msk [tilespmem:v21+s1+$0x0], $0xffff  }
0x134: {  	v22 =	vld.idx.msk [tilespmem:v21+s20+$0x0], $0xffff;
	_ =	sdelay $0x1  }
0x135: {  	v21 =	vld.idx.msk [tilespmem:v21+s21+$0x0], $0xffff;
	_ =	sdelay $0x2  }
0x136: {  	v23 =	vld [tilespmem:s23+$0x6050];
	v20 =	vsub.f32 v11, v20;
	v22 =	vsub.f32 v10, v22;
	_ =	sdelay $0x1  }
0x137: {  	v24 =	vld.idx.msk [tilespmem:v18+s1+$0x0], $0xffff;
	v21 =	vsub.f32 v9, v21;
	v20 =	vand.u32 $0x7FFFFFFF, v20;
	v22 =	vand.u32 $0x7FFFFFFF, v22  }
0x138: {  	v18 =	vld.idx.msk [tilespmem:v18+s20+$0x0], $0xffff;
	v20 =	vadd.f32 v22, v20  }
0x139: {  	v21 =	vand.u32 $0x7FFFFFFF, v21  }
0x13a: {  	v20 =	vadd.f32 v21, v20;
	_ =	sdelay $0x1  }
0x13b: {  	v21 =	vld [tilespmem:s22+$0x6060];
	[tilespmem:s23+$0xE040] =	vst v20  }
0x13c: {  	v18 =	vsub.f32 v8, v18;
	v20 =	vsub.f32 v7, v24;
	v22 =	vld.idx.msk [tilespmem:v23+s1+$0x0], $0xffff  }
0x13d: {  	v45 =	vld.idx.msk [tilespmem:v23+s20+$0x0], $0xffff  }
0x13e: {  	v19 =	vsub.f32 v6, v19;
	v18 =	vand.u32 $0x7FFFFFFF, v18;
	v20 =	vand.u32 $0x7FFFFFFF, v20  }
0x13f: {  	v18 =	vadd.f32 v18, v20;
	v20 =	vld.idx.msk [tilespmem:v23+s21+$0x0], $0xffff  }
0x140: {  	v19 =	vand.u32 $0x7FFFFFFF, v19  }
0x141: {  	v18 =	vadd.f32 v19, v18  }
0x142: {  	v23 =	vld [tilespmem:s23+$0x6060];
	v19 =	vsub.f32 v11, v22;
	v22 =	vsub.f32 v10, v45  }
0x143: {  	[tilespmem:s22+$0xE050] =	vst v18  }
0x144: {  	v18 =	vld.idx.msk [tilespmem:v21+s1+$0x0], $0xffff;
	v19 =	vand.u32 $0x7FFFFFFF, v19;
	v20 =	vsub.f32 v9, v20;
	v22 =	vand.u32 $0x7FFFFFFF, v22  }
0x145: {  	v46 =	vld.idx.msk [tilespmem:v21+s20+$0x0], $0xffff;
	v19 =	vadd.f32 v22, v19  }
0x146: {  	v20 =	vand.u32 $0x7FFFFFFF, v20  }
0x147: {  	v21 =	vld.idx.msk [tilespmem:v21+s21+$0x0], $0xffff;
	v19 =	vadd.f32 v20, v19;
	_ =	sdelay $0x1  }
0x148: {  	v20 =	vld [tilespmem:s22+$0x6070];
	[tilespmem:s23+$0xE050] =	vst v19  }
0x149: {  	v18 =	vsub.f32 v7, v18;
	v19 =	vsub.f32 v8, v46;
	v22 =	vld.idx.msk [tilespmem:v23+s1+$0x0], $0xffff  }
0x14a: {  	v47 =	vld.idx.msk [tilespmem:v23+s20+$0x0], $0xffff  }
0x14b: {  	v21 =	vsub.f32 v6, v21;
	v18 =	vand.u32 $0x7FFFFFFF, v18;
	v19 =	vand.u32 $0x7FFFFFFF, v19  }
0x14c: {  	v18 =	vadd.f32 v19, v18;
	v19 =	vld.idx.msk [tilespmem:v23+s21+$0x0], $0xffff  }
0x14d: {  	v21 =	vand.u32 $0x7FFFFFFF, v21  }
0x14e: {  	v18 =	vadd.f32 v21, v18  }
0x14f: {  	v48 =	vld [tilespmem:s23+$0x6070];
	v22 =	vsub.f32 v11, v22;
	v23 =	vsub.f32 v10, v47  }
0x150: {  	[tilespmem:s22+$0xE060] =	vst v18  }
0x151: {  	v18 =	vld.idx.msk [tilespmem:v20+s1+$0x0], $0xffff;
	v22 =	vand.u32 $0x7FFFFFFF, v22;
	v23 =	vand.u32 $0x7FFFFFFF, v23;
	v19 =	vsub.f32 v9, v19  }
0x152: {  	v25 =	vld.idx.msk [tilespmem:v20+s20+$0x0], $0xffff;
	v22 =	vadd.f32 v23, v22  }
0x153: {  	v19 =	vand.u32 $0x7FFFFFFF, v19  }
0x154: {  	v20 =	vld.idx.msk [tilespmem:v20+s21+$0x0], $0xffff;
	v19 =	vadd.f32 v19, v22;
	_ =	sdelay $0x1  }
0x155: {  	v21 =	vld [tilespmem:s22+$0x6400];
	[tilespmem:s23+$0xE060] =	vst v19  }
0x156: {  	v18 =	vsub.f32 v7, v18;
	v19 =	vsub.f32 v8, v25;
	v23 =	vld.idx.msk [tilespmem:v48+s1+$0x0], $0xffff  }
0x157: {  	v49 =	vld.idx.msk [tilespmem:v48+s20+$0x0], $0xffff  }
0x158: {  	v20 =	vsub.f32 v6, v20;
	v18 =	vand.u32 $0x7FFFFFFF, v18;
	v19 =	vand.u32 $0x7FFFFFFF, v19  }
0x159: {  	v18 =	vadd.f32 v19, v18;
	v19 =	vld.idx.msk [tilespmem:v48+s21+$0x0], $0xffff  }
0x15a: {  	v20 =	vand.u32 $0x7FFFFFFF, v20  }
0x15b: {  	v18 =	vadd.f32 v20, v18  }
0x15c: {  	v22 =	vld [tilespmem:s23+$0x6400];
	v20 =	vsub.f32 v11, v23;
	v23 =	vsub.f32 v10, v49  }
0x15d: {  	[tilespmem:s22+$0xE070] =	vst v18  }
0x15e: {  	v18 =	vld.idx.msk [tilespmem:v21+s1+$0x0], $0xffff;
	v20 =	vand.u32 $0x7FFFFFFF, v20;
	v23 =	vand.u32 $0x7FFFFFFF, v23;
	v19 =	vsub.f32 v9, v19  }
0x15f: {  	v50 =	vld.idx.msk [tilespmem:v21+s20+$0x0], $0xffff;
	v20 =	vadd.f32 v23, v20  }
0x160: {  	v19 =	vand.u32 $0x7FFFFFFF, v19  }
0x161: {  	v21 =	vld.idx.msk [tilespmem:v21+s21+$0x0], $0xffff;
	v19 =	vadd.f32 v19, v20;
	_ =	sdelay $0x1  }
0x162: {  	v20 =	vld [tilespmem:s22+$0x6410];
	[tilespmem:s23+$0xE070] =	vst v19  }
0x163: {  	v18 =	vsub.f32 v7, v18;
	v19 =	vsub.f32 v8, v50;
	v23 =	vld.idx.msk [tilespmem:v22+s1+$0x0], $0xffff  }
0x164: {  	v51 =	vld.idx.msk [tilespmem:v22+s20+$0x0], $0xffff  }
0x165: {  	v21 =	vsub.f32 v6, v21;
	v18 =	vand.u32 $0x7FFFFFFF, v18;
	v19 =	vand.u32 $0x7FFFFFFF, v19  }
0x166: {  	v15 =	vsub.f32 v5, v15;
	v18 =	vadd.f32 v19, v18;
	v19 =	vld.idx.msk [tilespmem:v22+s21+$0x0], $0xffff  }
0x167: {  	v17 =	vsub.f32 v3, v17;
	v21 =	vand.u32 $0x7FFFFFFF, v21  }
0x168: {  	v15 =	vand.u32 $0x7FFFFFFF, v15;
	v16 =	vsub.f32 v4, v16;
	v18 =	vadd.f32 v21, v18  }
0x169: {  	v17 =	vand.u32 $0x7FFFFFFF, v17;
	v22 =	vld [tilespmem:s23+$0x6410];
	v23 =	vsub.f32 v11, v23;
	v24 =	vsub.f32 v10, v51  }
0x16a: {  	v15 =	vadd.f32 v17, v15;
	v16 =	vand.u32 $0x7FFFFFFF, v16;
	[tilespmem:s22+$0xE400] =	vst v18  }
0x16b: {  	v17 =	vld.idx.msk [tilespmem:v20+s1+$0x0], $0xffff;
	v18 =	vand.u32 $0x7FFFFFFF, v23;
	v23 =	vand.u32 $0x7FFFFFFF, v24;
	v19 =	vsub.f32 v9, v19  }
0x16c: {  	v15 =	vadd.f32 v16, v15;
	v52 =	vld.idx.msk [tilespmem:v20+s20+$0x0], $0xffff;
	v18 =	vadd.f32 v23, v18  }
0x16d: {  	v16 =	vand.u32 $0x7FFFFFFF, v19  }
0x16e: {  	[tilespmem:s2+$0xE410] =	vst v15;
	v19 =	vld.idx.msk [tilespmem:v20+s21+$0x0], $0xffff;
	v16 =	vadd.f32 v16, v18  }
0x16f: {  	v53 =	vld.idx.msk [tilespmem:v14+s20+$0x0], $0xffff  }
0x170: {  	v21 =	vld [tilespmem:s22+$0x6420];
	[tilespmem:s23+$0xE400] =	vst v16  }
0x171: {  	v16 =	vsub.f32 v7, v17;
	v17 =	vsub.f32 v8, v52;
	v20 =	vld.idx.msk [tilespmem:v22+s1+$0x0], $0xffff  }
0x172: {  	v23 =	vld.idx.msk [tilespmem:v22+s20+$0x0], $0xffff  }
0x173: {  	v18 =	vld.idx.msk [tilespmem:v14+s1+$0x0], $0xffff;
	v16 =	vand.u32 $0x7FFFFFFF, v16;
	v17 =	vand.u32 $0x7FFFFFFF, v17;
	v19 =	vsub.f32 v6, v19  }
0x174: {  	v16 =	vadd.f32 v17, v16;
	v17 =	vld.idx.msk [tilespmem:v22+s21+$0x0], $0xffff  }
0x175: {  	v14 =	vld.idx.msk [tilespmem:v14+s21+$0x0], $0xffff;
	v19 =	vand.u32 $0x7FFFFFFF, v19  }
0x176: {  	v16 =	vadd.f32 v19, v16  }
0x177: {  	v15 =	vld [tilespmem:s23+$0x6420];
	v19 =	vsub.f32 v11, v20;
	v20 =	vsub.f32 v10, v23  }
0x178: {  	v18 =	vsub.f32 v5, v18;
	v23 =	vsub.f32 v3, v53;
	[tilespmem:s22+$0xE410] =	vst v16  }
0x179: {  	v16 =	vld.idx.msk [tilespmem:v21+s1+$0x0], $0xffff;
	v19 =	vand.u32 $0x7FFFFFFF, v19;
	v20 =	vand.u32 $0x7FFFFFFF, v20;
	v17 =	vsub.f32 v9, v17  }
0x17a: {  	v14 =	vsub.f32 v4, v14;
	v54 =	vld.idx.msk [tilespmem:v21+s20+$0x0], $0xffff;
	v19 =	vadd.f32 v20, v19  }
0x17b: {  	v22 =	vld [tilespmem:s2+$0x6430];
	v18 =	vand.u32 $0x7FFFFFFF, v18;
	v23 =	vand.u32 $0x7FFFFFFF, v23;
	v17 =	vand.u32 $0x7FFFFFFF, v17  }
0x17c: {  	v21 =	vld.idx.msk [tilespmem:v21+s21+$0x0], $0xffff;
	v18 =	vadd.f32 v23, v18;
	v17 =	vadd.f32 v17, v19  }
0x17d: {  	v14 =	vand.u32 $0x7FFFFFFF, v14  }
0x17e: {  	v14 =	vadd.f32 v14, v18;
	[tilespmem:s23+$0xE410] =	vst v17  }
0x17f: {  	v16 =	vsub.f32 v7, v16;
	v17 =	vsub.f32 v8, v54;
	v23 =	vld.idx.msk [tilespmem:v15+s1+$0x0], $0xffff  }
0x180: {  	[tilespmem:s2+$0xE420] =	vst v14;
	v14 =	vld.idx.msk [tilespmem:v15+s20+$0x0], $0xffff  }
0x181: {  	v18 =	vld [tilespmem:s22+$0x6430];
	v21 =	vsub.f32 v6, v21;
	v16 =	vand.u32 $0x7FFFFFFF, v16;
	v17 =	vand.u32 $0x7FFFFFFF, v17  }
0x182: {  	v15 =	vld.idx.msk [tilespmem:v15+s21+$0x0], $0xffff;
	v16 =	vadd.f32 v17, v16  }
0x183: {  	v21 =	vand.u32 $0x7FFFFFFF, v21  }
0x184: {  	v55 =	vld.idx.msk [tilespmem:v22+s1+$0x0], $0xffff;
	v16 =	vadd.f32 v21, v16  }
0x185: {  	v21 =	vld [tilespmem:s23+$0x6430];
	v23 =	vsub.f32 v11, v23;
	v14 =	vsub.f32 v10, v14  }
0x186: {  	v17 =	vld.idx.msk [tilespmem:v22+s20+$0x0], $0xffff  }
0x187: {  	v15 =	vsub.f32 v9, v15;
	[tilespmem:s22+$0xE420] =	vst v16;
	v16 =	vand.u32 $0x7FFFFFFF, v23;
	v14 =	vand.u32 $0x7FFFFFFF, v14  }
0x188: {  	v22 =	vld.idx.msk [tilespmem:v22+s21+$0x0], $0xffff;
	v14 =	vadd.f32 v14, v16  }
0x189: {  	v23 =	vld.idx.msk [tilespmem:v18+s1+$0x0], $0xffff;
	v15 =	vand.u32 $0x7FFFFFFF, v15  }
0x18a: {  	v16 =	vld.idx.msk [tilespmem:v18+s20+$0x0], $0xffff;
	v14 =	vadd.f32 v15, v14  }
0x18b: {  	v19 =	vld [tilespmem:s2+$0x6440];
	v17 =	vsub.f32 v3, v17;
	v15 =	vsub.f32 v5, v55  }
0x18c: {  	v18 =	vld.idx.msk [tilespmem:v18+s21+$0x0], $0xffff;
	[tilespmem:s23+$0xE420] =	vst v14  }
0x18d: {  	v14 =	vand.u32 $0x7FFFFFFF, v15;
	v15 =	vand.u32 $0x7FFFFFFF, v17;
	v17 =	vsub.f32 v4, v22;
	v22 =	vld.idx.msk [tilespmem:v21+s1+$0x0], $0xffff  }
0x18e: {  	v14 =	vadd.f32 v15, v14;
	v15 =	vld.idx.msk [tilespmem:v21+s20+$0x0], $0xffff  }
0x18f: {  	v26 =	vld [tilespmem:s22+$0x6440];
	v23 =	vsub.f32 v7, v23;
	v16 =	vsub.f32 v8, v16;
	v17 =	vand.u32 $0x7FFFFFFF, v17  }
0x190: {  	v14 =	vadd.f32 v17, v14;
	v17 =	vld.idx.msk [tilespmem:v21+s21+$0x0], $0xffff  }
0x191: {  	v18 =	vsub.f32 v6, v18;
	v21 =	vand.u32 $0x7FFFFFFF, v23;
	v16 =	vand.u32 $0x7FFFFFFF, v16  }
0x192: {  	v57 =	vld [tilespmem:s23+$0x6440];
	[tilespmem:s2+$0xE430] =	vst v14;
	v14 =	vadd.f32 v16, v21  }
0x193: {  	v18 =	vand.u32 $0x7FFFFFFF, v18;
	v16 =	vld.idx.msk [tilespmem:v19+s1+$0x0], $0xffff;
	v21 =	vsub.f32 v11, v22;
	v15 =	vsub.f32 v10, v15  }
0x194: {  	v14 =	vadd.f32 v18, v14;
	v18 =	vld.idx.msk [tilespmem:v19+s20+$0x0], $0xffff  }
0x195: {  	v21 =	vand.u32 $0x7FFFFFFF, v21;
	v15 =	vand.u32 $0x7FFFFFFF, v15;
	v17 =	vsub.f32 v9, v17  }
0x196: {  	v19 =	vld.idx.msk [tilespmem:v19+s21+$0x0], $0xffff;
	[tilespmem:s22+$0xE430] =	vst v14;
	v14 =	vadd.f32 v15, v21  }
0x197: {  	v15 =	vld.idx.msk [tilespmem:v26+s1+$0x0], $0xffff;
	v17 =	vand.u32 $0x7FFFFFFF, v17  }
0x198: {  	v21 =	vld.idx.msk [tilespmem:v26+s20+$0x0], $0xffff;
	v14 =	vadd.f32 v17, v14  }
0x199: {  	v20 =	vld [tilespmem:s2+$0x6450];
	v16 =	vsub.f32 v5, v16;
	v17 =	vsub.f32 v3, v18  }
0x19a: {  	v18 =	vld.idx.msk [tilespmem:v26+s21+$0x0], $0xffff;
	[tilespmem:s23+$0xE430] =	vst v14  }
0x19b: {  	v14 =	vand.u32 $0x7FFFFFFF, v16;
	v16 =	vand.u32 $0x7FFFFFFF, v17;
	v17 =	vsub.f32 v4, v19;
	v19 =	vld.idx.msk [tilespmem:v57+s1+$0x0], $0xffff  }
0x19c: {  	v14 =	vadd.f32 v16, v14;
	v16 =	vld.idx.msk [tilespmem:v57+s20+$0x0], $0xffff  }
0x19d: {  	v56 =	vld [tilespmem:s22+$0x6450];
	v15 =	vsub.f32 v7, v15;
	v21 =	vsub.f32 v8, v21;
	v17 =	vand.u32 $0x7FFFFFFF, v17  }
0x19e: {  	v14 =	vadd.f32 v17, v14;
	v17 =	vld.idx.msk [tilespmem:v57+s21+$0x0], $0xffff  }
0x19f: {  	v27 =	vld [tilespmem:s23+$0x6450];
	[tilespmem:s0+$0xE450] =	vst v13;
	v13 =	vand.u32 $0x7FFFFFFF, v15;
	v15 =	vand.u32 $0x7FFFFFFF, v21;
	v18 =	vsub.f32 v6, v18  }
0x1a0: {  	v58 =	vld [tilespmem:s0+$0x6470];
	v13 =	vadd.f32 v15, v13;
	[tilespmem:s2+$0xE440] =	vst v14  }
0x1a1: {  	v15 =	vand.u32 $0x7FFFFFFF, v18;
	v18 =	vsub.f32 v11, v19;
	v14 =	vld.idx.msk [tilespmem:v20+s1+$0x0], $0xffff;
	v16 =	vsub.f32 v10, v16  }
0x1a2: {  	v19 =	vld.idx.msk [tilespmem:v20+s20+$0x0], $0xffff;
	v13 =	vadd.f32 v15, v13  }
0x1a3: {  	v59 =	vld [tilespmem:s2+$0x6470];
	v18 =	vand.u32 $0x7FFFFFFF, v18;
	v16 =	vand.u32 $0x7FFFFFFF, v16;
	v17 =	vsub.f32 v9, v17  }
0x1a4: {  	v20 =	vld.idx.msk [tilespmem:v20+s21+$0x0], $0xffff;
	[tilespmem:s22+$0xE440] =	vst v13;
	v13 =	vadd.f32 v16, v18  }
0x1a5: {  	v16 =	vld.idx.msk [tilespmem:v56+s1+$0x0], $0xffff;
	v17 =	vand.u32 $0x7FFFFFFF, v17  }
0x1a6: {  	v18 =	vld.idx.msk [tilespmem:v56+s20+$0x0], $0xffff;
	v13 =	vadd.f32 v17, v13  }
0x1a7: {  	v22 =	vld.idx.msk [tilespmem:v56+s21+$0x0], $0xffff;
	v14 =	vsub.f32 v5, v14;
	v19 =	vsub.f32 v3, v19  }
0x1a8: {  	v17 =	vld [tilespmem:s2+$0x6460];
	[tilespmem:s23+$0xE440] =	vst v13  }
0x1a9: {  	v13 =	vand.u32 $0x7FFFFFFF, v14;
	v14 =	vand.u32 $0x7FFFFFFF, v19;
	v19 =	vsub.f32 v4, v20;
	v20 =	vld.idx.msk [tilespmem:v27+s1+$0x0], $0xffff  }
0x1aa: {  	v13 =	vadd.f32 v14, v13;
	v14 =	vld.idx.msk [tilespmem:v27+s20+$0x0], $0xffff  }
0x1ab: {  	v23 =	vld [tilespmem:s22+$0x6460];
	v16 =	vsub.f32 v7, v16;
	v18 =	vsub.f32 v8, v18;
	v19 =	vand.u32 $0x7FFFFFFF, v19  }
0x1ac: {  	v13 =	vadd.f32 v19, v13;
	v19 =	vld.idx.msk [tilespmem:v27+s21+$0x0], $0xffff  }
0x1ad: {  	v21 =	vld.idx.msk [tilespmem:v12+s1+$0x0], $0xffff;
	v22 =	vsub.f32 v6, v22;
	v16 =	vand.u32 $0x7FFFFFFF, v16;
	v18 =	vand.u32 $0x7FFFFFFF, v18  }
0x1ae: {  	v15 =	vld.idx.msk [tilespmem:v12+s20+$0x0], $0xffff;
	v16 =	vadd.f32 v18, v16  }
0x1af: {  	v18 =	vld [tilespmem:s23+$0x6460];
	[tilespmem:s2+$0xE450] =	vst v13;
	v13 =	vand.u32 $0x7FFFFFFF, v22;
	v20 =	vsub.f32 v11, v20;
	v14 =	vsub.f32 v10, v14  }
0x1b0: {  	v12 =	vld.idx.msk [tilespmem:v12+s21+$0x0], $0xffff;
	v13 =	vadd.f32 v13, v16  }
0x1b1: {  	v22 =	vld.idx.msk [tilespmem:v17+s1+$0x0], $0xffff;
	v20 =	vand.u32 $0x7FFFFFFF, v20;
	v14 =	vand.u32 $0x7FFFFFFF, v14;
	v19 =	vsub.f32 v9, v19  }
0x1b2: {  	v16 =	vld.idx.msk [tilespmem:v17+s20+$0x0], $0xffff;
	v14 =	vadd.f32 v14, v20  }
0x1b3: {  	v15 =	vsub.f32 v2, v15;
	v17 =	vld.idx.msk [tilespmem:v17+s21+$0x0], $0xffff;
	[tilespmem:s22+$0xE450] =	vst v13;
	v20 =	vsub.f32 v1, v21;
	v13 =	vand.u32 $0x7FFFFFFF, v19  }
0x1b4: {  	v19 =	vld.idx.msk [tilespmem:v23+s1+$0x0], $0xffff;
	v13 =	vadd.f32 v13, v14  }
0x1b5: {  	v12 =	vsub.f32 v0, v12;
	v15 =	vand.u32 $0x7FFFFFFF, v15;
	v14 =	vand.u32 $0x7FFFFFFF, v20;
	v20 =	vld.idx.msk [tilespmem:v23+s20+$0x0], $0xffff  }
0x1b6: {  	v14 =	vadd.f32 v15, v14;
	v15 =	vld.idx.msk [tilespmem:v23+s21+$0x0], $0xffff;
	[tilespmem:s23+$0xE450] =	vst v13  }
0x1b7: {  	v12 =	vand.u32 $0x7FFFFFFF, v12;
	v16 =	vsub.f32 v3, v16;
	v13 =	vsub.f32 v5, v22;
	v21 =	vld.idx.msk [tilespmem:v18+s1+$0x0], $0xffff  }
0x1b8: {  	v12 =	vadd.f32 v12, v14;
	v14 =	vld.idx.msk [tilespmem:v18+s20+$0x0], $0xffff  }
0x1b9: {  	v17 =	vsub.f32 v4, v17;
	v16 =	vand.u32 $0x7FFFFFFF, v16;
	v13 =	vand.u32 $0x7FFFFFFF, v13  }
0x1ba: {  	v18 =	vld.idx.msk [tilespmem:v18+s21+$0x0], $0xffff;
	v13 =	vadd.f32 v16, v13;
	v16 =	vsub.f32 v7, v19  }
0x1bb: {  	[tilespmem:s0+$0xE460] =	vst v12;
	v12 =	vand.u32 $0x7FFFFFFF, v17;
	v17 =	vld [tilespmem:s22+$0x6470];
	v19 =	vsub.f32 v8, v20  }
0x1bc: {  	v20 =	vld.idx.msk [tilespmem:v58+s1+$0x0], $0xffff;
	v15 =	vsub.f32 v6, v15;
	v12 =	vadd.f32 v12, v13;
	v13 =	vand.u32 $0x7FFFFFFF, v16  }
0x1bd: {  	v16 =	vand.u32 $0x7FFFFFFF, v19;
	v19 =	vld [tilespmem:s23+$0x6470];
	v21 =	vsub.f32 v11, v21;
	v14 =	vsub.f32 v10, v14  }
0x1be: {  	v22 =	vld.idx.msk [tilespmem:v58+s20+$0x0], $0xffff;
	v13 =	vadd.f32 v16, v13;
	v15 =	vand.u32 $0x7FFFFFFF, v15  }
0x1bf: {  	v16 =	vld.idx.msk [tilespmem:v58+s21+$0x0], $0xffff;
	v18 =	vsub.f32 v9, v18;
	[tilespmem:s2+$0xE460] =	vst v12;
	v12 =	vand.u32 $0x7FFFFFFF, v21;
	v14 =	vand.u32 $0x7FFFFFFF, v14  }
0x1c0: {  	v21 =	vld.idx.msk [tilespmem:v59+s1+$0x0], $0xffff;
	v13 =	vadd.f32 v15, v13;
	v12 =	vadd.f32 v14, v12  }
0x1c1: {  	v15 =	vand.u32 $0x7FFFFFFF, v18;
	v18 =	vld.idx.msk [tilespmem:v59+s21+$0x0], $0xffff  }
0x1c2: {  	v14 =	vld.idx.msk [tilespmem:v59+s20+$0x0], $0xffff;
	[tilespmem:s22+$0xE460] =	vst v13;
	v12 =	vadd.f32 v15, v12  }
0x1c3: {  	v1 =	vsub.f32 v1, v20;
	v2 =	vsub.f32 v2, v22;
	v13 =	vld.idx.msk [tilespmem:v17+s1+$0x0], $0xffff  }
0x1c4: {  	v15 =	vld.idx.msk [tilespmem:v17+s20+$0x0], $0xffff;
	[tilespmem:s23+$0xE460] =	vst v12  }
0x1c5: {  	v1 =	vand.u32 $0x7FFFFFFF, v1;
	v2 =	vand.u32 $0x7FFFFFFF, v2;
	v0 =	vsub.f32 v0, v16;
	v12 =	vld.idx.msk [tilespmem:v19+s1+$0x0], $0xffff  }
0x1c6: {  	v1 =	vadd.f32 v2, v1;
	v2 =	vld.idx.msk [tilespmem:v19+s20+$0x0], $0xffff  }
0x1c7: {  	v0 =	vand.u32 $0x7FFFFFFF, v0;
	v5 =	vsub.f32 v5, v21;
	v3 =	vsub.f32 v3, v14;
	v14 =	vld.idx.msk [tilespmem:v17+s21+$0x0], $0xffff  }
0x1c8: {  	v0 =	vadd.f32 v0, v1;
	v1 =	vsub.f32 v7, v13;
	v7 =	vld.idx.msk [tilespmem:v19+s21+$0x0], $0xffff  }
0x1c9: {  	v5 =	vand.u32 $0x7FFFFFFF, v5;
	v3 =	vand.u32 $0x7FFFFFFF, v3;
	v8 =	vsub.f32 v8, v15  }
0x1ca: {  	v4 =	vsub.f32 v4, v18;
	v3 =	vadd.f32 v3, v5;
	v1 =	vand.u32 $0x7FFFFFFF, v1  }
0x1cb: {  	v5 =	vand.u32 $0x7FFFFFFF, v8;
	v8 =	vsub.f32 v11, v12;
	v2 =	vsub.f32 v10, v2  }
0x1cc: {  	v4 =	vand.u32 $0x7FFFFFFF, v4;
	v6 =	vsub.f32 v6, v14;
	v1 =	vadd.f32 v5, v1  }
0x1cd: {  	v5 =	vand.u32 $0x7FFFFFFF, v8;
	v2 =	vand.u32 $0x7FFFFFFF, v2;
	v7 =	vsub.f32 v9, v7  }
0x1ce: {  	v3 =	vadd.f32 v4, v3;
	v4 =	vand.u32 $0x7FFFFFFF, v6;
	v2 =	vadd.f32 v2, v5  }
0x1cf: {  	[tilespmem:s0+$0xE470] =	vst v0;
	v0 =	vadd.f32 v4, v1;
	v1 =	vand.u32 $0x7FFFFFFF, v7  }
0x1d0: {  	[tilespmem:s2+$0xE470] =	vst v3;
	v1 =	vadd.f32 v1, v2  }
0x1d1: {  	[tilespmem:s22+$0xE470] =	vst v0  }
0x1d2: {  	s3 =	simm.s32 $0x0;
	s5 =	simm.s32 $0xE000;
	[tilespmem:s23+$0xE470] =	vst v1  }
0x1d3: {  	[hbm4b:s12+s3] =	stream.linear.scatter [tilespmem:s5], [sflag:$0x3], $0x4000, $0x38;
	[tilespmem:$0x16000] =	vst v63  }
0x1d4: {  	s7 =	simm.s32 $0x6000  }
0x1d5: {  	[tilespmem:s7], [sflag:$0x1] =	stream.linear.gather [hbm4b:s13+s3], $0x4000, $0x38;
	[tilespmem:$0x16000] =	vst v63  }
0x1d6: {  	_ =	swait.ge [sflag:s26], $0x4000  }
0x1d7: {  	s0 =	sand.u32 $0x380, s3;
	s22 =	sand.u32 $0x3800, s3;
	[sflag:s26] =	ssyncset.done $0x0  }
0x1d8: {  	s0 =	sor.u32 s0, s22;
	[sflag:s26] =	ssyncadd.s32 $0xFFFFC000  }
0x1d9: {  	v3 =	vld [tilespmem:s0+$0xA000]  }
0x1da: {  	v0 =	vmov s6;
	_ =	sdelay $0x4  }
0x1db: {  	v1 =	vld.idx.msk [tilespmem:v0+s1+$0x0], $0xffff  }
0x1dc: {  	v2 =	vld.idx.msk [tilespmem:v0+s20+$0x0], $0xffff  }
0x1dd: {  	v4 =	vld.idx.msk [tilespmem:v3+s1+$0x0], $0xffff  }
0x1de: {  	v5 =	vld.idx.msk [tilespmem:v3+s20+$0x0], $0xffff  }
0x1df: {  	v0 =	vld.idx.msk [tilespmem:v0+s21+$0x0], $0xffff  }
0x1e0: {  	v3 =	vld.idx.msk [tilespmem:v3+s21+$0x0], $0xffff;
	_ =	sdelay $0x2  }
0x1e1: {  	v6 =	vld [tilespmem:s0+$0xA010];
	v4 =	vsub.f32 v1, v4;
	v5 =	vsub.f32 v2, v5;
	_ =	sdelay $0x1  }
0x1e2: {  	v3 =	vsub.f32 v0, v3;
	v4 =	vand.u32 $0x7FFFFFFF, v4;
	v5 =	vand.u32 $0x7FFFFFFF, v5  }
0x1e3: {  	v4 =	vadd.f32 v5, v4  }
0x1e4: {  	v3 =	vand.u32 $0x7FFFFFFF, v3  }
0x1e5: {  	v3 =	vadd.f32 v3, v4;
	_ =	sdelay $0x1  }
0x1e6: {  	[tilespmem:s0+$0x12000] =	vst v3  }
0x1e7: {  	v3 =	vld.idx.msk [tilespmem:v6+s1+$0x0], $0xffff  }
0x1e8: {  	v4 =	vld.idx.msk [tilespmem:v6+s20+$0x0], $0xffff;
	_ =	sdelay $0x1  }
0x1e9: {  	v5 =	vld.idx.msk [tilespmem:v6+s21+$0x0], $0xffff;
	_ =	sdelay $0x2  }
0x1ea: {  	v6 =	vld [tilespmem:s0+$0xA020];
	v3 =	vsub.f32 v1, v3;
	v4 =	vsub.f32 v2, v4;
	_ =	sdelay $0x1  }
0x1eb: {  	v5 =	vsub.f32 v0, v5;
	v3 =	vand.u32 $0x7FFFFFFF, v3;
	v4 =	vand.u32 $0x7FFFFFFF, v4  }
0x1ec: {  	v3 =	vadd.f32 v4, v3  }
0x1ed: {  	v4 =	vand.u32 $0x7FFFFFFF, v5  }
0x1ee: {  	v3 =	vadd.f32 v4, v3;
	_ =	sdelay $0x1  }
0x1ef: {  	[tilespmem:s0+$0x12010] =	vst v3  }
0x1f0: {  	v3 =	vld.idx.msk [tilespmem:v6+s1+$0x0], $0xffff  }
0x1f1: {  	v4 =	vld.idx.msk [tilespmem:v6+s20+$0x0], $0xffff;
	_ =	sdelay $0x1  }
0x1f2: {  	v5 =	vld.idx.msk [tilespmem:v6+s21+$0x0], $0xffff;
	_ =	sdelay $0x2  }
0x1f3: {  	v6 =	vld [tilespmem:s0+$0xA030];
	v3 =	vsub.f32 v1, v3;
	v4 =	vsub.f32 v2, v4;
	_ =	sdelay $0x1  }
0x1f4: {  	v5 =	vsub.f32 v0, v5;
	v3 =	vand.u32 $0x7FFFFFFF, v3;
	v4 =	vand.u32 $0x7FFFFFFF, v4  }
0x1f5: {  	v3 =	vadd.f32 v4, v3  }
0x1f6: {  	v4 =	vand.u32 $0x7FFFFFFF, v5  }
0x1f7: {  	v3 =	vadd.f32 v4, v3;
	_ =	sdelay $0x1  }
0x1f8: {  	[tilespmem:s0+$0x12020] =	vst v3  }
0x1f9: {  	v3 =	vld.idx.msk [tilespmem:v6+s1+$0x0], $0xffff  }
0x1fa: {  	v5 =	vld.idx.msk [tilespmem:v6+s20+$0x0], $0xffff;
	_ =	sdelay $0x1  }
0x1fb: {  	v6 =	vld.idx.msk [tilespmem:v6+s21+$0x0], $0xffff;
	_ =	sdelay $0x2  }
0x1fc: {  	v4 =	vld [tilespmem:s0+$0xA040];
	v3 =	vsub.f32 v1, v3;
	v5 =	vsub.f32 v2, v5  }
0x1fd: {  	s23 =	simm.s32 $0x100;
	s3 =	simm.s32 $0x80  }
0x1fe: {  	s2 =	sand.u32 $0x3800, s23;
	s5 =	sand.u32 $0x380, s3;
	v6 =	vsub.f32 v0, v6;
	v3 =	vand.u32 $0x7FFFFFFF, v3;
	v5 =	vand.u32 $0x7FFFFFFF, v5  }
0x1ff: {  	s2 =	sor.u32 s5, s2;
	v3 =	vadd.f32 v5, v3  }
0x200: {  	v7 =	vld [tilespmem:s2+$0xA000];
	v5 =	vand.u32 $0x7FFFFFFF, v6  }
0x201: {  	v3 =	vadd.f32 v5, v3;
	_ =	sdelay $0x1  }
0x202: {  	[tilespmem:s0+$0x12030] =	vst v3  }
0x203: {  	s25 =	sadd.s32 $0x1, s6;
	v8 =	vld.idx.msk [tilespmem:v4+s1+$0x0], $0xffff  }
0x204: {  	v6 =	vmov s25;
	v9 =	vld.idx.msk [tilespmem:v4+s20+$0x0], $0xffff  }
0x205: {  	v10 =	vld [tilespmem:s0+$0xA050]  }
0x206: {  	v4 =	vld.idx.msk [tilespmem:v4+s21+$0x0], $0xffff  }
0x207: {  	v11 =	vld.idx.msk [tilespmem:v7+s1+$0x0], $0xffff  }
0x208: {  	v12 =	vld.idx.msk [tilespmem:v7+s20+$0x0], $0xffff  }
0x209: {  	v5 =	vld.idx.msk [tilespmem:v6+s1+$0x0], $0xffff;
	v8 =	vsub.f32 v1, v8;
	v9 =	vsub.f32 v2, v9  }
0x20a: {  	v3 =	vld.idx.msk [tilespmem:v6+s20+$0x0], $0xffff  }
0x20b: {  	v7 =	vld.idx.msk [tilespmem:v7+s21+$0x0], $0xffff;
	v13 =	vsub.f32 v0, v4;
	v8 =	vand.u32 $0x7FFFFFFF, v8;
	v9 =	vand.u32 $0x7FFFFFFF, v9  }
0x20c: {  	v4 =	vld.idx.msk [tilespmem:v6+s21+$0x0], $0xffff;
	v6 =	vadd.f32 v9, v8  }
0x20d: {  	v8 =	vand.u32 $0x7FFFFFFF, v13  }
0x20e: {  	v6 =	vadd.f32 v8, v6  }
0x20f: {  	v9 =	vsub.f32 v3, v12;
	v8 =	vsub.f32 v5, v11;
	v11 =	vld [tilespmem:s2+$0xA010]  }
0x210: {  	[tilespmem:s0+$0x12040] =	vst v6  }
0x211: {  	v7 =	vsub.f32 v4, v7;
	v9 =	vand.u32 $0x7FFFFFFF, v9;
	v8 =	vand.u32 $0x7FFFFFFF, v8;
	v6 =	vld.idx.msk [tilespmem:v10+s1+$0x0], $0xffff  }
0x212: {  	v12 =	vld.idx.msk [tilespmem:v10+s20+$0x0], $0xffff;
	v8 =	vadd.f32 v9, v8  }
0x213: {  	v7 =	vand.u32 $0x7FFFFFFF, v7  }
0x214: {  	v9 =	vld.idx.msk [tilespmem:v10+s21+$0x0], $0xffff;
	v7 =	vadd.f32 v7, v8;
	_ =	sdelay $0x1  }
0x215: {  	v8 =	vld [tilespmem:s0+$0xA060];
	[tilespmem:s2+$0x12000] =	vst v7  }
0x216: {  	v6 =	vsub.f32 v1, v6;
	v7 =	vsub.f32 v2, v12;
	v10 =	vld.idx.msk [tilespmem:v11+s1+$0x0], $0xffff  }
0x217: {  	v12 =	vld.idx.msk [tilespmem:v11+s20+$0x0], $0xffff  }
0x218: {  	v9 =	vsub.f32 v0, v9;
	v6 =	vand.u32 $0x7FFFFFFF, v6;
	v7 =	vand.u32 $0x7FFFFFFF, v7  }
0x219: {  	v6 =	vadd.f32 v7, v6;
	v7 =	vld.idx.msk [tilespmem:v11+s21+$0x0], $0xffff  }
0x21a: {  	v9 =	vand.u32 $0x7FFFFFFF, v9  }
0x21b: {  	v6 =	vadd.f32 v9, v6  }
0x21c: {  	v11 =	vld [tilespmem:s2+$0xA020];
	v9 =	vsub.f32 v5, v10;
	v10 =	vsub.f32 v3, v12  }
0x21d: {  	[tilespmem:s0+$0x12050] =	vst v6  }
0x21e: {  	v9 =	vand.u32 $0x7FFFFFFF, v9;
	v10 =	vand.u32 $0x7FFFFFFF, v10;
	v6 =	vld.idx.msk [tilespmem:v8+s1+$0x0], $0xffff;
	v7 =	vsub.f32 v4, v7  }
0x21f: {  	v12 =	vld.idx.msk [tilespmem:v8+s20+$0x0], $0xffff;
	v9 =	vadd.f32 v10, v9  }
0x220: {  	v7 =	vand.u32 $0x7FFFFFFF, v7  }
0x221: {  	v8 =	vld.idx.msk [tilespmem:v8+s21+$0x0], $0xffff;
	v7 =	vadd.f32 v7, v9;
	_ =	sdelay $0x1  }
0x222: {  	v9 =	vld [tilespmem:s0+$0xA070];
	[tilespmem:s2+$0x12010] =	vst v7  }
0x223: {  	v6 =	vsub.f32 v1, v6;
	v7 =	vsub.f32 v2, v12;
	v10 =	vld.idx.msk [tilespmem:v11+s1+$0x0], $0xffff  }
0x224: {  	v12 =	vld.idx.msk [tilespmem:v11+s20+$0x0], $0xffff  }
0x225: {  	v8 =	vsub.f32 v0, v8;
	v6 =	vand.u32 $0x7FFFFFFF, v6;
	v7 =	vand.u32 $0x7FFFFFFF, v7  }
0x226: {  	v6 =	vadd.f32 v7, v6;
	v7 =	vld.idx.msk [tilespmem:v11+s21+$0x0], $0xffff  }
0x227: {  	s22 =	simm.s32 $0x200;
	s7 =	simm.s32 $0x100;
	v8 =	vand.u32 $0x7FFFFFFF, v8  }
0x228: {  	s7 =	sand.u32 $0x380, s7;
	s5 =	sand.u32 $0x3800, s22;
	v6 =	vadd.f32 v8, v6  }
0x229: {  	s22 =	sor.u32 s7, s5;
	v8 =	vsub.f32 v5, v10;
	v10 =	vld [tilespmem:s2+$0xA030];
	v12 =	vsub.f32 v3, v12  }
0x22a: {  	v14 =	vld [tilespmem:s22+$0xA000];
	[tilespmem:s0+$0x12060] =	vst v6  }
0x22b: {  	v6 =	vld.idx.msk [tilespmem:v9+s1+$0x0], $0xffff;
	v7 =	vsub.f32 v4, v7;
	v8 =	vand.u32 $0x7FFFFFFF, v8;
	v12 =	vand.u32 $0x7FFFFFFF, v12  }
0x22c: {  	v13 =	vld.idx.msk [tilespmem:v9+s20+$0x0], $0xffff;
	v8 =	vadd.f32 v12, v8  }
0x22d: {  	v7 =	vand.u32 $0x7FFFFFFF, v7  }
0x22e: {  	v9 =	vld.idx.msk [tilespmem:v9+s21+$0x0], $0xffff;
	v7 =	vadd.f32 v7, v8;
	_ =	sdelay $0x1  }
0x22f: {  	s3 =	sadd.s32 $0x1, s25;
	v11 =	vld [tilespmem:s0+$0xA400];
	[tilespmem:s2+$0x12020] =	vst v7  }
0x230: {  	v8 =	vmov s3;
	v6 =	vsub.f32 v1, v6;
	v7 =	vsub.f32 v2, v13;
	v13 =	vld.idx.msk [tilespmem:v10+s1+$0x0], $0xffff  }
0x231: {  	v15 =	vld.idx.msk [tilespmem:v10+s20+$0x0], $0xffff  }
0x232: {  	v17 =	vld.idx.msk [tilespmem:v14+s21+$0x0], $0xffff;
	v9 =	vsub.f32 v0, v9;
	v6 =	vand.u32 $0x7FFFFFFF, v6;
	v7 =	vand.u32 $0x7FFFFFFF, v7  }
0x233: {  	v10 =	vld.idx.msk [tilespmem:v10+s21+$0x0], $0xffff;
	v7 =	vadd.f32 v7, v6  }
0x234: {  	v12 =	vld [tilespmem:s2+$0xA040];
	v9 =	vand.u32 $0x7FFFFFFF, v9  }
0x235: {  	v6 =	vld.idx.msk [tilespmem:v8+s21+$0x0], $0xffff;
	v9 =	vadd.f32 v9, v7  }
0x236: {  	v7 =	vld.idx.msk [tilespmem:v8+s1+$0x0], $0xffff;
	v13 =	vsub.f32 v5, v13;
	v15 =	vsub.f32 v3, v15  }
0x237: {  	v8 =	vld.idx.msk [tilespmem:v8+s20+$0x0], $0xffff;
	[tilespmem:s0+$0x12070] =	vst v9  }
0x238: {  	v10 =	vsub.f32 v4, v10;
	v9 =	vld.idx.msk [tilespmem:v11+s1+$0x0], $0xffff;
	v13 =	vand.u32 $0x7FFFFFFF, v13;
	v15 =	vand.u32 $0x7FFFFFFF, v15  }
0x239: {  	v16 =	vld.idx.msk [tilespmem:v11+s20+$0x0], $0xffff;
	v13 =	vadd.f32 v15, v13  }
0x23a: {  	v10 =	vand.u32 $0x7FFFFFFF, v10;
	v11 =	vld.idx.msk [tilespmem:v11+s21+$0x0], $0xffff  }
0x23b: {  	v15 =	vld.idx.msk [tilespmem:v14+s1+$0x0], $0xffff;
	v10 =	vadd.f32 v10, v13  }
0x23c: {  	v13 =	vld.idx.msk [tilespmem:v14+s20+$0x0], $0xffff  }
0x23d: {  	v14 =	vld [tilespmem:s0+$0xA410];
	[tilespmem:s2+$0x12030] =	vst v10  }
0x23e: {  	v9 =	vsub.f32 v1, v9;
	v10 =	vsub.f32 v2, v16;
	v16 =	vld.idx.msk [tilespmem:v12+s1+$0x0], $0xffff  }
0x23f: {  	v18 =	vld.idx.msk [tilespmem:v12+s20+$0x0], $0xffff  }
0x240: {  	v11 =	vsub.f32 v0, v11;
	v12 =	vld.idx.msk [tilespmem:v12+s21+$0x0], $0xffff;
	v9 =	vand.u32 $0x7FFFFFFF, v9;
	v10 =	vand.u32 $0x7FFFFFFF, v10  }
0x241: {  	v9 =	vadd.f32 v10, v9;
	v10 =	vsub.f32 v7, v15  }
0x242: {  	v11 =	vand.u32 $0x7FFFFFFF, v11;
	v13 =	vsub.f32 v8, v13;
	v15 =	vld [tilespmem:s22+$0xA010]  }
0x243: {  	v9 =	vadd.f32 v11, v9;
	v10 =	vand.u32 $0x7FFFFFFF, v10;
	v11 =	vsub.f32 v6, v17  }
0x244: {  	v19 =	vld [tilespmem:s2+$0xA050];
	v13 =	vand.u32 $0x7FFFFFFF, v13;
	v16 =	vsub.f32 v5, v16;
	v18 =	vsub.f32 v3, v18  }
0x245: {  	v12 =	vsub.f32 v4, v12;
	[tilespmem:s0+$0x12400] =	vst v9;
	v9 =	vadd.f32 v13, v10  }
0x246: {  	v10 =	vand.u32 $0x7FFFFFFF, v11;
	v11 =	vld.idx.msk [tilespmem:v14+s1+$0x0], $0xffff;
	v13 =	vand.u32 $0x7FFFFFFF, v16;
	v16 =	vand.u32 $0x7FFFFFFF, v18  }
0x247: {  	v18 =	vld.idx.msk [tilespmem:v14+s20+$0x0], $0xffff;
	v9 =	vadd.f32 v10, v9;
	v10 =	vadd.f32 v16, v13  }
0x248: {  	v17 =	vld [tilespmem:s0+$0xA420];
	v12 =	vand.u32 $0x7FFFFFFF, v12  }
0x249: {  	v13 =	vld.idx.msk [tilespmem:v14+s21+$0x0], $0xffff;
	[tilespmem:s22+$0x12000] =	vst v9;
	v9 =	vadd.f32 v12, v10  }
0x24a: {  	v10 =	vld.idx.msk [tilespmem:v15+s21+$0x0], $0xffff  }
0x24b: {  	v12 =	vld.idx.msk [tilespmem:v15+s1+$0x0], $0xffff;
	[tilespmem:s2+$0x12040] =	vst v9  }
0x24c: {  	v9 =	vsub.f32 v1, v11;
	v11 =	vsub.f32 v2, v18;
	v14 =	vld.idx.msk [tilespmem:v19+s1+$0x0], $0xffff  }
0x24d: {  	v16 =	vld.idx.msk [tilespmem:v19+s20+$0x0], $0xffff  }
0x24e: {  	v15 =	vld.idx.msk [tilespmem:v15+s20+$0x0], $0xffff;
	v13 =	vsub.f32 v0, v13;
	v9 =	vand.u32 $0x7FFFFFFF, v9;
	v11 =	vand.u32 $0x7FFFFFFF, v11  }
0x24f: {  	v9 =	vadd.f32 v11, v9;
	v11 =	vld.idx.msk [tilespmem:v19+s21+$0x0], $0xffff  }
0x250: {  	v13 =	vand.u32 $0x7FFFFFFF, v13  }
0x251: {  	v22 =	vld [tilespmem:s22+$0xA040];
	v9 =	vadd.f32 v13, v9  }
0x252: {  	v13 =	vsub.f32 v5, v14;
	v14 =	vsub.f32 v3, v16;
	v16 =	vld [tilespmem:s2+$0xA060]  }
0x253: {  	s28 =	simm.s32 $0x180;
	s23 =	simm.s32 $0x300;
	v18 =	vld [tilespmem:s22+$0xA020];
	[tilespmem:s0+$0x12410] =	vst v9;
	v9 =	vsub.f32 v7, v12;
	v12 =	vsub.f32 v8, v15  }
0x254: {  	s7 =	sand.u32 $0x3800, s23;
	s23 =	sand.u32 $0x380, s28;
	v15 =	vld.idx.msk [tilespmem:v17+s1+$0x0], $0xffff;
	v13 =	vand.u32 $0x7FFFFFFF, v13;
	v11 =	vsub.f32 v4, v11;
	v14 =	vand.u32 $0x7FFFFFFF, v14  }
0x255: {  	s23 =	sor.u32 s23, s7;
	v10 =	vsub.f32 v6, v10;
	v19 =	vld.idx.msk [tilespmem:v17+s20+$0x0], $0xffff;
	v14 =	vadd.f32 v14, v13  }
0x256: {  	v23 =	vld [tilespmem:s23+$0xA000];
	v9 =	vand.u32 $0x7FFFFFFF, v9;
	v12 =	vand.u32 $0x7FFFFFFF, v12;
	v11 =	vand.u32 $0x7FFFFFFF, v11  }
0x257: {  	v9 =	vadd.f32 v12, v9;
	v12 =	vld.idx.msk [tilespmem:v17+s21+$0x0], $0xffff;
	v11 =	vadd.f32 v11, v14  }
0x258: {  	v63 =	vld [tilespmem:s23+$0xA010];
	v10 =	vand.u32 $0x7FFFFFFF, v10  }
0x259: {  	v9 =	vadd.f32 v10, v9;
	v10 =	vld [tilespmem:s0+$0xA430];
	[tilespmem:s2+$0x12050] =	vst v11  }
0x25a: {  	v11 =	vsub.f32 v1, v15;
	v15 =	vsub.f32 v2, v19;
	v17 =	vld.idx.msk [tilespmem:v16+s1+$0x0], $0xffff  }
0x25b: {  	[tilespmem:s22+$0x12010] =	vst v9;
	v9 =	vld.idx.msk [tilespmem:v16+s20+$0x0], $0xffff  }
0x25c: {  	v11 =	vand.u32 $0x7FFFFFFF, v11;
	v15 =	vand.u32 $0x7FFFFFFF, v15;
	v12 =	vsub.f32 v0, v12;
	v19 =	vld.idx.msk [tilespmem:v18+s1+$0x0], $0xffff  }
0x25d: {  	v11 =	vadd.f32 v15, v11;
	v15 =	vld.idx.msk [tilespmem:v16+s21+$0x0], $0xffff  }
0x25e: {  	v16 =	vld.idx.msk [tilespmem:v18+s20+$0x0], $0xffff;
	v12 =	vand.u32 $0x7FFFFFFF, v12  }
0x25f: {  	v11 =	vadd.f32 v12, v11;
	v12 =	vld.idx.msk [tilespmem:v18+s21+$0x0], $0xffff  }
0x260: {  	v18 =	vld [tilespmem:s2+$0xA070];
	v17 =	vsub.f32 v5, v17;
	v9 =	vsub.f32 v3, v9  }
0x261: {  	v13 =	vld [tilespmem:s0+$0xA450];
	[tilespmem:s0+$0x12420] =	vst v11  }
0x262: {  	v11 =	vld.idx.msk [tilespmem:v10+s1+$0x0], $0xffff;
	v17 =	vand.u32 $0x7FFFFFFF, v17;
	v9 =	vand.u32 $0x7FFFFFFF, v9;
	v15 =	vsub.f32 v4, v15  }
0x263: {  	v20 =	vld.idx.msk [tilespmem:v10+s20+$0x0], $0xffff;
	v9 =	vadd.f32 v9, v17  }
0x264: {  	s25 =	sadd.s32 $0x1, s3;
	v19 =	vsub.f32 v7, v19;
	v16 =	vsub.f32 v8, v16;
	v17 =	vld [tilespmem:s22+$0xA030];
	v15 =	vand.u32 $0x7FFFFFFF, v15  }
0x265: {  	v21 =	vmov s25;
	v10 =	vld.idx.msk [tilespmem:v10+s21+$0x0], $0xffff;
	v9 =	vadd.f32 v15, v9  }
0x266: {  	v14 =	vld [tilespmem:s0+$0xA440];
	v19 =	vand.u32 $0x7FFFFFFF, v19;
	v12 =	vsub.f32 v6, v12;
	v16 =	vand.u32 $0x7FFFFFFF, v16  }
0x267: {  	v15 =	vld [tilespmem:s2+$0xA400];
	v16 =	vadd.f32 v16, v19;
	[tilespmem:s2+$0x12060] =	vst v9  }
0x268: {  	v9 =	vand.u32 $0x7FFFFFFF, v12;
	v11 =	vsub.f32 v1, v11;
	v19 =	vsub.f32 v2, v20;
	v12 =	vld.idx.msk [tilespmem:v18+s1+$0x0], $0xffff  }
0x269: {  	v16 =	vadd.f32 v9, v16;
	v20 =	vld.idx.msk [tilespmem:v18+s20+$0x0], $0xffff  }
0x26a: {  	v10 =	vsub.f32 v0, v10;
	v9 =	vld.idx.msk [tilespmem:v21+s21+$0x0], $0xffff;
	v11 =	vand.u32 $0x7FFFFFFF, v11;
	v19 =	vand.u32 $0x7FFFFFFF, v19  }
0x26b: {  	[tilespmem:s22+$0x12020] =	vst v16;
	v16 =	vld.idx.msk [tilespmem:v18+s21+$0x0], $0xffff;
	v11 =	vadd.f32 v19, v11  }
0x26c: {  	v10 =	vand.u32 $0x7FFFFFFF, v10;
	v18 =	vld.idx.msk [tilespmem:v17+s1+$0x0], $0xffff  }
0x26d: {  	v19 =	vld.idx.msk [tilespmem:v17+s20+$0x0], $0xffff;
	v10 =	vadd.f32 v10, v11  }
0x26e: {  	v17 =	vld.idx.msk [tilespmem:v17+s21+$0x0], $0xffff;
	v12 =	vsub.f32 v5, v12;
	v20 =	vsub.f32 v3, v20  }
0x26f: {  	v11 =	vld.idx.msk [tilespmem:v21+s1+$0x0], $0xffff;
	[tilespmem:s0+$0x12430] =	vst v10  }
0x270: {  	v60 =	vld.idx.msk [tilespmem:v14+s1+$0x0], $0xffff;
	v12 =	vand.u32 $0x7FFFFFFF, v12;
	v20 =	vand.u32 $0x7FFFFFFF, v20  }
0x271: {  	v16 =	vsub.f32 v4, v16;
	v61 =	vld.idx.msk [tilespmem:v14+s20+$0x0], $0xffff;
	v12 =	vadd.f32 v20, v12  }
0x272: {  	v10 =	vld.idx.msk [tilespmem:v21+s20+$0x0], $0xffff;
	v18 =	vsub.f32 v7, v18;
	v19 =	vsub.f32 v8, v19  }
0x273: {  	v14 =	vld.idx.msk [tilespmem:v14+s21+$0x0], $0xffff;
	v17 =	vsub.f32 v6, v17;
	v16 =	vand.u32 $0x7FFFFFFF, v16  }
0x274: {  	v21 =	vld.idx.msk [tilespmem:v23+s20+$0x0], $0xffff;
	v12 =	vadd.f32 v16, v12;
	v18 =	vand.u32 $0x7FFFFFFF, v18;
	v19 =	vand.u32 $0x7FFFFFFF, v19  }
0x275: {  	v16 =	vld.idx.msk [tilespmem:v23+s1+$0x0], $0xffff;
	v18 =	vadd.f32 v19, v18  }
0x276: {  	v20 =	vld.idx.msk [tilespmem:v23+s21+$0x0], $0xffff;
	[tilespmem:s2+$0x12070] =	vst v12;
	v12 =	vand.u32 $0x7FFFFFFF, v17;
	v19 =	vsub.f32 v1, v60;
	v23 =	vsub.f32 v2, v61  }
0x277: {  	v17 =	vld.idx.msk [tilespmem:v15+s1+$0x0], $0xffff;
	v12 =	vadd.f32 v12, v18  }
0x278: {  	v14 =	vsub.f32 v0, v14;
	v18 =	vld.idx.msk [tilespmem:v15+s20+$0x0], $0xffff;
	v19 =	vand.u32 $0x7FFFFFFF, v19;
	v23 =	vand.u32 $0x7FFFFFFF, v23  }
0x279: {  	[tilespmem:s22+$0x12030] =	vst v12;
	v12 =	vld.idx.msk [tilespmem:v15+s21+$0x0], $0xffff;
	v15 =	vadd.f32 v23, v19  }
0x27a: {  	v62 =	vld [tilespmem:s2+$0xA410];
	v14 =	vand.u32 $0x7FFFFFFF, v14;
	v16 =	vsub.f32 v11, v16  }
0x27b: {  	v21 =	vsub.f32 v10, v21;
	v19 =	vld.idx.msk [tilespmem:v22+s1+$0x0], $0xffff;
	v14 =	vadd.f32 v14, v15  }
0x27c: {  	v23 =	vld.idx.msk [tilespmem:v22+s20+$0x0], $0xffff;
	v15 =	vand.u32 $0x7FFFFFFF, v16;
	v16 =	vsub.f32 v9, v20  }
0x27d: {  	v20 =	vand.u32 $0x7FFFFFFF, v21;
	v21 =	vld.idx.msk [tilespmem:v22+s21+$0x0], $0xffff;
	v17 =	vsub.f32 v5, v17;
	v18 =	vsub.f32 v3, v18;
	[tilespmem:s0+$0x12440] =	vst v14  }
0x27e: {  	v14 =	vadd.f32 v20, v15;
	v15 =	vand.u32 $0x7FFFFFFF, v16;
	v16 =	vld.idx.msk [tilespmem:v13+s1+$0x0], $0xffff  }
0x27f: {  	v17 =	vand.u32 $0x7FFFFFFF, v17;
	v18 =	vand.u32 $0x7FFFFFFF, v18;
	v20 =	vsub.f32 v4, v12;
	v22 =	vld.idx.msk [tilespmem:v13+s20+$0x0], $0xffff  }
0x280: {  	v12 =	vld [tilespmem:s0+$0xA460];
	v14 =	vadd.f32 v15, v14;
	v15 =	vadd.f32 v18, v17  }
0x281: {  	v13 =	vld.idx.msk [tilespmem:v13+s21+$0x0], $0xffff;
	v17 =	vsub.f32 v7, v19;
	v19 =	vsub.f32 v8, v23  }
0x282: {  	v18 =	vld [tilespmem:s22+$0xA050];
	v20 =	vand.u32 $0x7FFFFFFF, v20;
	v21 =	vsub.f32 v6, v21  }
0x283: {  	v15 =	vadd.f32 v20, v15;
	[tilespmem:s23+$0x12000] =	vst v14;
	v17 =	vand.u32 $0x7FFFFFFF, v17;
	v19 =	vand.u32 $0x7FFFFFFF, v19;
	v14 =	vld [tilespmem:s2+$0xA420]  }
0x284: {  	v20 =	vld.idx.msk [tilespmem:v63+s21+$0x0], $0xffff;
	v17 =	vadd.f32 v19, v17  }
0x285: {  	v19 =	vand.u32 $0x7FFFFFFF, v21;
	v21 =	vld.idx.msk [tilespmem:v63+s1+$0x0], $0xffff;
	[tilespmem:s2+$0x12400] =	vst v15;
	v16 =	vsub.f32 v1, v16;
	v22 =	vsub.f32 v2, v22  }
0x286: {  	v13 =	vsub.f32 v0, v13;
	v15 =	vld.idx.msk [tilespmem:v62+s1+$0x0], $0xffff  }
0x287: {  	v19 =	vadd.f32 v19, v17;
	v17 =	vld.idx.msk [tilespmem:v62+s20+$0x0], $0xffff;
	v23 =	vand.u32 $0x7FFFFFFF, v16;
	v22 =	vand.u32 $0x7FFFFFFF, v22  }
0x288: {  	v16 =	vld.idx.msk [tilespmem:v62+s21+$0x0], $0xffff;
	v23 =	vadd.f32 v22, v23  }
0x289: {  	v13 =	vand.u32 $0x7FFFFFFF, v13;
	v22 =	vld.idx.msk [tilespmem:v63+s20+$0x0], $0xffff;
	[tilespmem:s22+$0x12040] =	vst v19  }
0x28a: {  	s3 =	simm.s32 $0x400;
	v19 =	vld.idx.msk [tilespmem:v18+s21+$0x0], $0xffff;
	v13 =	vadd.f32 v13, v23  }
.LBB2_4:
0x28b: {  	p0 =	sne.s32 s3, $0x3F00;
	v23 =	vld.idx.msk [tilespmem:v18+s1+$0x0], $0xffff  }
0x28c: {  	v15 =	vsub.f32 v5, v15;
	v17 =	vsub.f32 v3, v17;
	v18 =	vld.idx.msk [tilespmem:v18+s20+$0x0], $0xffff;
	[tilespmem:s0+$0x12450] =	vst v13  }
0x28d: {  	v24 =	vld.idx.msk [tilespmem:v12+s1+$0x0], $0xffff  }
0x28e: {  	v13 =	vand.u32 $0x7FFFFFFF, v15;
	v15 =	vand.u32 $0x7FFFFFFF, v17;
	v16 =	vsub.f32 v4, v16;
	v17 =	vld.idx.msk [tilespmem:v12+s20+$0x0], $0xffff  }
0x28f: {  	v20 =	vsub.f32 v9, v20;
	v13 =	vadd.f32 v15, v13;
	v15 =	vld [tilespmem:s0+$0xA470]  }
0x290: {  	v21 =	vsub.f32 v11, v21;
	v22 =	vsub.f32 v10, v22;
	v16 =	vand.u32 $0x7FFFFFFF, v16;
	v25 =	vld.idx.msk [tilespmem:v12+s21+$0x0], $0xffff  }
0x291: {  	v12 =	vand.u32 $0x7FFFFFFF, v20;
	v23 =	vsub.f32 v7, v23;
	v13 =	vadd.f32 v16, v13;
	v20 =	vld [tilespmem:s23+$0xA020]  }
0x292: {  	v16 =	vand.u32 $0x7FFFFFFF, v21;
	v21 =	vand.u32 $0x7FFFFFFF, v22;
	v18 =	vsub.f32 v8, v18;
	v22 =	vld [tilespmem:s22+$0xA060]  }
0x293: {  	v19 =	vsub.f32 v6, v19;
	v16 =	vadd.f32 v21, v16;
	v21 =	vand.u32 $0x7FFFFFFF, v23;
	[tilespmem:s2+$0x12410] =	vst v13;
	v13 =	vld [tilespmem:s2+$0xA450]  }
0x294: {  	v24 =	vsub.f32 v1, v24;
	v18 =	vand.u32 $0x7FFFFFFF, v18;
	v17 =	vsub.f32 v2, v17;
	v23 =	vld.idx.msk [tilespmem:v14+s1+$0x0], $0xffff  }
0x295: {  	v19 =	vand.u32 $0x7FFFFFFF, v19;
	v16 =	vadd.f32 v12, v16;
	v18 =	vadd.f32 v18, v21;
	v21 =	vld.idx.msk [tilespmem:v14+s20+$0x0], $0xffff  }
0x296: {  	v24 =	vand.u32 $0x7FFFFFFF, v24;
	v17 =	vand.u32 $0x7FFFFFFF, v17;
	v25 =	vsub.f32 v0, v25;
	v12 =	vld [tilespmem:s2+$0xA440]  }
0x297: {  	v18 =	vadd.f32 v19, v18;
	v17 =	vadd.f32 v17, v24;
	v14 =	vld.idx.msk [tilespmem:v14+s21+$0x0], $0xffff  }
0x298: {  	v19 =	vand.u32 $0x7FFFFFFF, v25;
	[tilespmem:s23+$0x12010] =	vst v16;
	v16 =	vld [tilespmem:s2+$0xA430]  }
0x299: {  	v17 =	vadd.f32 v19, v17;
	v24 =	vld.idx.msk [tilespmem:v20+s1+$0x0], $0xffff;
	[tilespmem:s22+$0x12050] =	vst v18  }
0x29a: {  	v18 =	vld.idx.msk [tilespmem:v22+s1+$0x0], $0xffff  }
0x29b: {  	v23 =	vsub.f32 v5, v23;
	v21 =	vsub.f32 v3, v21;
	v19 =	vld.idx.msk [tilespmem:v22+s20+$0x0], $0xffff;
	[tilespmem:s0+$0x12460] =	vst v17  }
0x29c: {  	v17 =	vld.idx.msk [tilespmem:v15+s1+$0x0], $0xffff  }
0x29d: {  	v23 =	vand.u32 $0x7FFFFFFF, v23;
	v21 =	vand.u32 $0x7FFFFFFF, v21;
	v14 =	vsub.f32 v4, v14;
	v25 =	vld.idx.msk [tilespmem:v15+s20+$0x0], $0xffff  }
0x29e: {  	v21 =	vadd.f32 v21, v23;
	v22 =	vld.idx.msk [tilespmem:v22+s21+$0x0], $0xffff  }
0x29f: {  	v14 =	vand.u32 $0x7FFFFFFF, v14;
	v15 =	vld.idx.msk [tilespmem:v15+s21+$0x0], $0xffff  }
0x2a0: {  	v18 =	vsub.f32 v7, v18;
	v14 =	vadd.f32 v14, v21;
	v23 =	vld.idx.msk [tilespmem:v20+s20+$0x0], $0xffff  }
0x2a1: {  	v19 =	vsub.f32 v8, v19;
	v20 =	vld.idx.msk [tilespmem:v20+s21+$0x0], $0xffff  }
0x2a2: {  	v21 =	vsub.f32 v11, v24;
	v18 =	vand.u32 $0x7FFFFFFF, v18;
	v24 =	vld [tilespmem:s22+$0xA070];
	[tilespmem:s2+$0x12420] =	vst v14  }
0x2a3: {  	s25 =	sadd.s32 $0x1, s25;
	v17 =	vsub.f32 v1, v17;
	v1 =	vmovc v5;
	v14 =	vand.u32 $0x7FFFFFFF, v19;
	v2 =	vsub.f32 v2, v25;
	v19 =	vld.idx.msk [tilespmem:v16+s1+$0x0], $0xffff  }
0x2a4: {  	v5 =	vmovc v7;
	v7 =	vmovc v11;
	v25 =	vmov s25;
	v14 =	vadd.f32 v14, v18;
	v18 =	vsub.f32 v6, v22;
	v22 =	vld.idx.msk [tilespmem:v16+s20+$0x0], $0xffff  }
0x2a5: {  	v11 =	vand.u32 $0x7FFFFFFF, v17;
	v27 =	vand.u32 $0x7FFFFFFF, v2;
	v15 =	vsub.f32 v0, v15;
	v0 =	vmovc v4;
	v4 =	vmovc v6;
	v26 =	vld [tilespmem:s23+$0xA030]  }
0x2a6: {  	s28 =	sadd.s32 $0x80, s28;
	v6 =	vmovc v9;
	v17 =	vsub.f32 v10, v23;
	v18 =	vand.u32 $0x7FFFFFFF, v18;
	v11 =	vadd.f32 v27, v11;
	v16 =	vld.idx.msk [tilespmem:v16+s21+$0x0], $0xffff  }
0x2a7: {  	s5 =	sand.u32 $0x3800, s3;
	s7 =	sand.u32 $0x380, s28;
	v9 =	vsub.f32 v6, v20;
	v14 =	vadd.f32 v18, v14;
	v15 =	vand.u32 $0x7FFFFFFF, v15;
	v2 =	vmovc v3;
	v3 =	vmovc v8;
	v18 =	vld [tilespmem:s22+$0xA400]  }
0x2a8: {  	s5 =	sor.u32 s7, s5;
	v20 =	vand.u32 $0x7FFFFFFF, v21;
	v8 =	vmovc v10;
	v17 =	vand.u32 $0x7FFFFFFF, v17;
	v11 =	vadd.f32 v15, v11;
	v21 =	vld [tilespmem:s23+$0xA040]  }
0x2a9: {  	v10 =	vadd.f32 v17, v20;
	v15 =	vld [tilespmem:s5+$0xA000];
	[tilespmem:s22+$0x12060] =	vst v14  }
0x2aa: {  	v9 =	vand.u32 $0x7FFFFFFF, v9;
	v17 =	vsub.f32 v1, v19;
	v19 =	vsub.f32 v2, v22;
	v14 =	vld.idx.msk [tilespmem:v24+s1+$0x0], $0xffff;
	[tilespmem:s0+$0x12470] =	vst v11;
	s0 =	smov.u32 s2;
	s2 =	smov.u32 s22;
	s22 =	smov.u32 s23  }
0x2ab: {  	v10 =	vadd.f32 v9, v10;
	s23 =	smov.u32 s5;
	v20 =	vld.idx.msk [tilespmem:v24+s20+$0x0], $0xffff  }
0x2ac: {  	v11 =	vand.u32 $0x7FFFFFFF, v17;
	v17 =	vand.u32 $0x7FFFFFFF, v19;
	v16 =	vsub.f32 v0, v16;
	v9 =	vld.idx.msk [tilespmem:v25+s21+$0x0], $0xffff  }
0x2ad: {  	v11 =	vadd.f32 v17, v11;
	[tilespmem:s22+$0x12020] =	vst v10;
	v10 =	vld.idx.msk [tilespmem:v24+s21+$0x0], $0xffff  }
0x2ae: {  	v16 =	vand.u32 $0x7FFFFFFF, v16;
	v17 =	vld.idx.msk [tilespmem:v26+s1+$0x0], $0xffff  }
0x2af: {  	v16 =	vadd.f32 v16, v11;
	v19 =	vld.idx.msk [tilespmem:v26+s20+$0x0], $0xffff  }
0x2b0: {  	v11 =	vld.idx.msk [tilespmem:v25+s1+$0x0], $0xffff  }
0x2b1: {  	v14 =	vsub.f32 v5, v14;
	v20 =	vsub.f32 v3, v20;
	v22 =	vld.idx.msk [tilespmem:v26+s21+$0x0], $0xffff;
	[tilespmem:s0+$0x12430] =	vst v16  }
0x2b2: {  	v16 =	vld.idx.msk [tilespmem:v12+s1+$0x0], $0xffff  }
0x2b3: {  	v14 =	vand.u32 $0x7FFFFFFF, v14;
	v20 =	vand.u32 $0x7FFFFFFF, v20;
	v23 =	vsub.f32 v4, v10;
	v24 =	vld.idx.msk [tilespmem:v12+s20+$0x0], $0xffff  }
0x2b4: {  	v14 =	vadd.f32 v20, v14;
	v10 =	vld.idx.msk [tilespmem:v25+s20+$0x0], $0xffff  }
0x2b5: {  	v17 =	vsub.f32 v7, v17;
	v19 =	vsub.f32 v8, v19;
	v20 =	vand.u32 $0x7FFFFFFF, v23;
	v12 =	vld.idx.msk [tilespmem:v12+s21+$0x0], $0xffff  }
0x2b6: {  	v14 =	vadd.f32 v20, v14;
	v23 =	vld.idx.msk [tilespmem:v15+s21+$0x0], $0xffff  }
0x2b7: {  	v17 =	vand.u32 $0x7FFFFFFF, v17;
	v19 =	vand.u32 $0x7FFFFFFF, v19;
	v22 =	vsub.f32 v6, v22;
	v20 =	vld.idx.msk [tilespmem:v15+s1+$0x0], $0xffff  }
0x2b8: {  	v17 =	vadd.f32 v19, v17;
	v15 =	vld.idx.msk [tilespmem:v15+s20+$0x0], $0xffff;
	[tilespmem:s2+$0x12070] =	vst v14  }
0x2b9: {  	v16 =	vsub.f32 v1, v16;
	v14 =	vand.u32 $0x7FFFFFFF, v22;
	v22 =	vsub.f32 v2, v24;
	v19 =	vld.idx.msk [tilespmem:v18+s1+$0x0], $0xffff  }
0x2ba: {  	v14 =	vadd.f32 v14, v17;
	v17 =	vld.idx.msk [tilespmem:v18+s20+$0x0], $0xffff  }
0x2bb: {  	v16 =	vand.u32 $0x7FFFFFFF, v16;
	v22 =	vand.u32 $0x7FFFFFFF, v22;
	v12 =	vsub.f32 v0, v12;
	v24 =	vld [tilespmem:s2+$0xA410]  }
0x2bc: {  	v16 =	vadd.f32 v22, v16;
	[tilespmem:s22+$0x12030] =	vst v14;
	v14 =	vld.idx.msk [tilespmem:v18+s21+$0x0], $0xffff  }
0x2bd: {  	v18 =	vsub.f32 v11, v20;
	v12 =	vand.u32 $0x7FFFFFFF, v12;
	v20 =	vld.idx.msk [tilespmem:v21+s1+$0x0], $0xffff  }
0x2be: {  	v15 =	vsub.f32 v10, v15;
	v12 =	vadd.f32 v12, v16;
	v22 =	vld.idx.msk [tilespmem:v21+s20+$0x0], $0xffff  }
0x2bf: {  	v16 =	vand.u32 $0x7FFFFFFF, v18;
	v18 =	vsub.f32 v9, v23;
	v23 =	vld [tilespmem:s23+$0xA010]  }
0x2c0: {  	v19 =	vsub.f32 v5, v19;
	v15 =	vand.u32 $0x7FFFFFFF, v15;
	v17 =	vsub.f32 v3, v17;
	v21 =	vld.idx.msk [tilespmem:v21+s21+$0x0], $0xffff;
	[tilespmem:s0+$0x12440] =	vst v12  }
0x2c1: {  	v12 =	vadd.f32 v15, v16;
	v15 =	vand.u32 $0x7FFFFFFF, v18;
	v16 =	vld.idx.msk [tilespmem:v13+s1+$0x0], $0xffff  }
0x2c2: {  	v18 =	vand.u32 $0x7FFFFFFF, v19;
	v17 =	vand.u32 $0x7FFFFFFF, v17;
	v14 =	vsub.f32 v4, v14;
	v19 =	vld.idx.msk [tilespmem:v13+s20+$0x0], $0xffff  }
0x2c3: {  	v15 =	vadd.f32 v15, v12;
	v17 =	vadd.f32 v17, v18;
	v12 =	vld [tilespmem:s0+$0xA460]  }
0x2c4: {  	v20 =	vsub.f32 v7, v20;
	v22 =	vsub.f32 v8, v22;
	v14 =	vand.u32 $0x7FFFFFFF, v14;
	v13 =	vld.idx.msk [tilespmem:v13+s21+$0x0], $0xffff  }
0x2c5: {  	v17 =	vadd.f32 v14, v17;
	v18 =	vld [tilespmem:s22+$0xA050]  }
0x2c6: {  	v22 =	vand.u32 $0x7FFFFFFF, v22;
	v21 =	vsub.f32 v6, v21;
	[tilespmem:s23+$0x12000] =	vst v15;
	v15 =	vand.u32 $0x7FFFFFFF, v20;
	v14 =	vld [tilespmem:s2+$0xA420]  }
0x2c7: {  	v20 =	vld.idx.msk [tilespmem:v23+s21+$0x0], $0xffff;
	v22 =	vadd.f32 v22, v15;
	[tilespmem:s2+$0x12400] =	vst v17  }
0x2c8: {  	v16 =	vsub.f32 v1, v16;
	v17 =	vand.u32 $0x7FFFFFFF, v21;
	v19 =	vsub.f32 v2, v19;
	v15 =	vld.idx.msk [tilespmem:v24+s1+$0x0], $0xffff  }
.Ltmp1:
0x2c9: {  	v25 =	vadd.f32 v17, v22;
	v17 =	vld.idx.msk [tilespmem:v24+s20+$0x0], $0xffff;
	(pc) =	sbr.rel @p0 .LBB2_4-.Ltmp1, $4  }
0x2ca: {  	v22 =	vand.u32 $0x7FFFFFFF, v16;
	v19 =	vand.u32 $0x7FFFFFFF, v19;
	v13 =	vsub.f32 v0, v13;
	v21 =	vld.idx.msk [tilespmem:v23+s1+$0x0], $0xffff  }
0x2cb: {  	v16 =	vld.idx.msk [tilespmem:v24+s21+$0x0], $0xffff;
	v24 =	vadd.f32 v19, v22  }
0x2cc: {  	v13 =	vand.u32 $0x7FFFFFFF, v13;
	v22 =	vld.idx.msk [tilespmem:v23+s20+$0x0], $0xffff;
	[tilespmem:s22+$0x12040] =	vst v25  }
0x2cd: {  	s3 =	sadd.s32 $0x100, s3;
	v19 =	vld.idx.msk [tilespmem:v18+s21+$0x0], $0xffff;
	v13 =	vadd.f32 v13, v24  }
0x2ce: {  	_ =	sdelay $0x2  }
0x2cf: {  	v23 =	vld [tilespmem:s23+$0xA020];
	v21 =	vsub.f32 v11, v21;
	v22 =	vsub.f32 v10, v22;
	_ =	sdelay $0x1  }
0x2d0: {  	v20 =	vsub.f32 v9, v20;
	v21 =	vand.u32 $0x7FFFFFFF, v21;
	v22 =	vand.u32 $0x7FFFFFFF, v22  }
0x2d1: {  	v21 =	vadd.f32 v22, v21  }
0x2d2: {  	v20 =	vand.u32 $0x7FFFFFFF, v20  }
0x2d3: {  	v20 =	vadd.f32 v20, v21;
	_ =	sdelay $0x1  }
0x2d4: {  	[tilespmem:s23+$0x12010] =	vst v20  }
0x2d5: {  	v20 =	vld.idx.msk [tilespmem:v23+s1+$0x0], $0xffff  }
0x2d6: {  	v21 =	vld.idx.msk [tilespmem:v23+s20+$0x0], $0xffff;
	_ =	sdelay $0x1  }
0x2d7: {  	v22 =	vld.idx.msk [tilespmem:v23+s21+$0x0], $0xffff;
	_ =	sdelay $0x2  }
0x2d8: {  	v23 =	vld [tilespmem:s23+$0xA030];
	v20 =	vsub.f32 v11, v20;
	v21 =	vsub.f32 v10, v21;
	_ =	sdelay $0x1  }
0x2d9: {  	v22 =	vsub.f32 v9, v22;
	v20 =	vand.u32 $0x7FFFFFFF, v20;
	v21 =	vand.u32 $0x7FFFFFFF, v21  }
0x2da: {  	v20 =	vadd.f32 v21, v20  }
0x2db: {  	v21 =	vand.u32 $0x7FFFFFFF, v22  }
0x2dc: {  	v20 =	vadd.f32 v21, v20;
	_ =	sdelay $0x1  }
0x2dd: {  	[tilespmem:s23+$0x12020] =	vst v20  }
0x2de: {  	v20 =	vld.idx.msk [tilespmem:v23+s1+$0x0], $0xffff  }
0x2df: {  	v22 =	vld.idx.msk [tilespmem:v23+s20+$0x0], $0xffff;
	_ =	sdelay $0x1  }
0x2e0: {  	v23 =	vld.idx.msk [tilespmem:v23+s21+$0x0], $0xffff;
	_ =	sdelay $0x2  }
0x2e1: {  	v21 =	vld [tilespmem:s23+$0xA040];
	v20 =	vsub.f32 v11, v20;
	v22 =	vsub.f32 v10, v22;
	_ =	sdelay $0x1  }
0x2e2: {  	v23 =	vsub.f32 v9, v23;
	v20 =	vand.u32 $0x7FFFFFFF, v20;
	v22 =	vand.u32 $0x7FFFFFFF, v22  }
0x2e3: {  	v20 =	vadd.f32 v22, v20  }
0x2e4: {  	v22 =	vand.u32 $0x7FFFFFFF, v23  }
0x2e5: {  	v20 =	vadd.f32 v22, v20;
	_ =	sdelay $0x1  }
0x2e6: {  	[tilespmem:s23+$0x12030] =	vst v20  }
0x2e7: {  	v20 =	vld.idx.msk [tilespmem:v21+s1+$0x0], $0xffff  }
0x2e8: {  	v22 =	vld.idx.msk [tilespmem:v21+s20+$0x0], $0xffff;
	_ =	sdelay $0x1  }
0x2e9: {  	v21 =	vld.idx.msk [tilespmem:v21+s21+$0x0], $0xffff;
	_ =	sdelay $0x2  }
0x2ea: {  	v23 =	vld [tilespmem:s23+$0xA050];
	v20 =	vsub.f32 v11, v20;
	v22 =	vsub.f32 v10, v22;
	_ =	sdelay $0x1  }
0x2eb: {  	v24 =	vld.idx.msk [tilespmem:v18+s1+$0x0], $0xffff;
	v21 =	vsub.f32 v9, v21;
	v20 =	vand.u32 $0x7FFFFFFF, v20;
	v22 =	vand.u32 $0x7FFFFFFF, v22  }
0x2ec: {  	v18 =	vld.idx.msk [tilespmem:v18+s20+$0x0], $0xffff;
	v20 =	vadd.f32 v22, v20  }
0x2ed: {  	v21 =	vand.u32 $0x7FFFFFFF, v21  }
0x2ee: {  	v20 =	vadd.f32 v21, v20;
	_ =	sdelay $0x1  }
0x2ef: {  	v21 =	vld [tilespmem:s22+$0xA060];
	[tilespmem:s23+$0x12040] =	vst v20  }
0x2f0: {  	v18 =	vsub.f32 v8, v18;
	v20 =	vsub.f32 v7, v24;
	v22 =	vld.idx.msk [tilespmem:v23+s1+$0x0], $0xffff  }
0x2f1: {  	v45 =	vld.idx.msk [tilespmem:v23+s20+$0x0], $0xffff  }
0x2f2: {  	v19 =	vsub.f32 v6, v19;
	v18 =	vand.u32 $0x7FFFFFFF, v18;
	v20 =	vand.u32 $0x7FFFFFFF, v20  }
0x2f3: {  	v18 =	vadd.f32 v18, v20;
	v20 =	vld.idx.msk [tilespmem:v23+s21+$0x0], $0xffff  }
0x2f4: {  	v19 =	vand.u32 $0x7FFFFFFF, v19  }
0x2f5: {  	v18 =	vadd.f32 v19, v18  }
0x2f6: {  	v23 =	vld [tilespmem:s23+$0xA060];
	v19 =	vsub.f32 v11, v22;
	v22 =	vsub.f32 v10, v45  }
0x2f7: {  	[tilespmem:s22+$0x12050] =	vst v18  }
0x2f8: {  	v18 =	vld.idx.msk [tilespmem:v21+s1+$0x0], $0xffff;
	v19 =	vand.u32 $0x7FFFFFFF, v19;
	v20 =	vsub.f32 v9, v20;
	v22 =	vand.u32 $0x7FFFFFFF, v22  }
0x2f9: {  	v46 =	vld.idx.msk [tilespmem:v21+s20+$0x0], $0xffff;
	v19 =	vadd.f32 v22, v19  }
0x2fa: {  	v20 =	vand.u32 $0x7FFFFFFF, v20  }
0x2fb: {  	v21 =	vld.idx.msk [tilespmem:v21+s21+$0x0], $0xffff;
	v19 =	vadd.f32 v20, v19;
	_ =	sdelay $0x1  }
0x2fc: {  	v20 =	vld [tilespmem:s22+$0xA070];
	[tilespmem:s23+$0x12050] =	vst v19  }
0x2fd: {  	v18 =	vsub.f32 v7, v18;
	v19 =	vsub.f32 v8, v46;
	v22 =	vld.idx.msk [tilespmem:v23+s1+$0x0], $0xffff  }
0x2fe: {  	v47 =	vld.idx.msk [tilespmem:v23+s20+$0x0], $0xffff  }
0x2ff: {  	v21 =	vsub.f32 v6, v21;
	v18 =	vand.u32 $0x7FFFFFFF, v18;
	v19 =	vand.u32 $0x7FFFFFFF, v19  }
0x300: {  	v18 =	vadd.f32 v19, v18;
	v19 =	vld.idx.msk [tilespmem:v23+s21+$0x0], $0xffff  }
0x301: {  	v21 =	vand.u32 $0x7FFFFFFF, v21  }
0x302: {  	v18 =	vadd.f32 v21, v18  }
0x303: {  	v48 =	vld [tilespmem:s23+$0xA070];
	v22 =	vsub.f32 v11, v22;
	v23 =	vsub.f32 v10, v47  }
0x304: {  	[tilespmem:s22+$0x12060] =	vst v18  }
0x305: {  	v18 =	vld.idx.msk [tilespmem:v20+s1+$0x0], $0xffff;
	v22 =	vand.u32 $0x7FFFFFFF, v22;
	v23 =	vand.u32 $0x7FFFFFFF, v23;
	v19 =	vsub.f32 v9, v19  }
0x306: {  	v25 =	vld.idx.msk [tilespmem:v20+s20+$0x0], $0xffff;
	v22 =	vadd.f32 v23, v22  }
0x307: {  	v19 =	vand.u32 $0x7FFFFFFF, v19  }
0x308: {  	v20 =	vld.idx.msk [tilespmem:v20+s21+$0x0], $0xffff;
	v19 =	vadd.f32 v19, v22;
	_ =	sdelay $0x1  }
0x309: {  	v21 =	vld [tilespmem:s22+$0xA400];
	[tilespmem:s23+$0x12060] =	vst v19  }
0x30a: {  	v18 =	vsub.f32 v7, v18;
	v19 =	vsub.f32 v8, v25;
	v23 =	vld.idx.msk [tilespmem:v48+s1+$0x0], $0xffff  }
0x30b: {  	v49 =	vld.idx.msk [tilespmem:v48+s20+$0x0], $0xffff  }
0x30c: {  	v20 =	vsub.f32 v6, v20;
	v18 =	vand.u32 $0x7FFFFFFF, v18;
	v19 =	vand.u32 $0x7FFFFFFF, v19  }
0x30d: {  	v18 =	vadd.f32 v19, v18;
	v19 =	vld.idx.msk [tilespmem:v48+s21+$0x0], $0xffff  }
0x30e: {  	v20 =	vand.u32 $0x7FFFFFFF, v20  }
0x30f: {  	v18 =	vadd.f32 v20, v18  }
0x310: {  	v22 =	vld [tilespmem:s23+$0xA400];
	v20 =	vsub.f32 v11, v23;
	v23 =	vsub.f32 v10, v49  }
0x311: {  	[tilespmem:s22+$0x12070] =	vst v18  }
0x312: {  	v18 =	vld.idx.msk [tilespmem:v21+s1+$0x0], $0xffff;
	v20 =	vand.u32 $0x7FFFFFFF, v20;
	v23 =	vand.u32 $0x7FFFFFFF, v23;
	v19 =	vsub.f32 v9, v19  }
0x313: {  	v50 =	vld.idx.msk [tilespmem:v21+s20+$0x0], $0xffff;
	v20 =	vadd.f32 v23, v20  }
0x314: {  	v19 =	vand.u32 $0x7FFFFFFF, v19  }
0x315: {  	v21 =	vld.idx.msk [tilespmem:v21+s21+$0x0], $0xffff;
	v19 =	vadd.f32 v19, v20;
	_ =	sdelay $0x1  }
0x316: {  	v20 =	vld [tilespmem:s22+$0xA410];
	[tilespmem:s23+$0x12070] =	vst v19  }
0x317: {  	v18 =	vsub.f32 v7, v18;
	v19 =	vsub.f32 v8, v50;
	v23 =	vld.idx.msk [tilespmem:v22+s1+$0x0], $0xffff  }
0x318: {  	v51 =	vld.idx.msk [tilespmem:v22+s20+$0x0], $0xffff  }
0x319: {  	v21 =	vsub.f32 v6, v21;
	v18 =	vand.u32 $0x7FFFFFFF, v18;
	v19 =	vand.u32 $0x7FFFFFFF, v19  }
0x31a: {  	v15 =	vsub.f32 v5, v15;
	v18 =	vadd.f32 v19, v18;
	v19 =	vld.idx.msk [tilespmem:v22+s21+$0x0], $0xffff  }
0x31b: {  	v17 =	vsub.f32 v3, v17;
	v21 =	vand.u32 $0x7FFFFFFF, v21  }
0x31c: {  	v15 =	vand.u32 $0x7FFFFFFF, v15;
	v16 =	vsub.f32 v4, v16;
	v18 =	vadd.f32 v21, v18  }
0x31d: {  	v17 =	vand.u32 $0x7FFFFFFF, v17;
	v22 =	vld [tilespmem:s23+$0xA410];
	v23 =	vsub.f32 v11, v23;
	v24 =	vsub.f32 v10, v51  }
0x31e: {  	v15 =	vadd.f32 v17, v15;
	v16 =	vand.u32 $0x7FFFFFFF, v16;
	[tilespmem:s22+$0x12400] =	vst v18  }
0x31f: {  	v17 =	vld.idx.msk [tilespmem:v20+s1+$0x0], $0xffff;
	v18 =	vand.u32 $0x7FFFFFFF, v23;
	v23 =	vand.u32 $0x7FFFFFFF, v24;
	v19 =	vsub.f32 v9, v19  }
0x320: {  	v15 =	vadd.f32 v16, v15;
	v52 =	vld.idx.msk [tilespmem:v20+s20+$0x0], $0xffff;
	v18 =	vadd.f32 v23, v18  }
0x321: {  	v16 =	vand.u32 $0x7FFFFFFF, v19  }
0x322: {  	[tilespmem:s2+$0x12410] =	vst v15;
	v19 =	vld.idx.msk [tilespmem:v20+s21+$0x0], $0xffff;
	v16 =	vadd.f32 v16, v18  }
0x323: {  	v53 =	vld.idx.msk [tilespmem:v14+s20+$0x0], $0xffff  }
0x324: {  	v21 =	vld [tilespmem:s22+$0xA420];
	[tilespmem:s23+$0x12400] =	vst v16  }
0x325: {  	v16 =	vsub.f32 v7, v17;
	v17 =	vsub.f32 v8, v52;
	v20 =	vld.idx.msk [tilespmem:v22+s1+$0x0], $0xffff  }
0x326: {  	v23 =	vld.idx.msk [tilespmem:v22+s20+$0x0], $0xffff  }
0x327: {  	v18 =	vld.idx.msk [tilespmem:v14+s1+$0x0], $0xffff;
	v16 =	vand.u32 $0x7FFFFFFF, v16;
	v17 =	vand.u32 $0x7FFFFFFF, v17;
	v19 =	vsub.f32 v6, v19  }
0x328: {  	v16 =	vadd.f32 v17, v16;
	v17 =	vld.idx.msk [tilespmem:v22+s21+$0x0], $0xffff  }
0x329: {  	v14 =	vld.idx.msk [tilespmem:v14+s21+$0x0], $0xffff;
	v19 =	vand.u32 $0x7FFFFFFF, v19  }
0x32a: {  	v16 =	vadd.f32 v19, v16  }
0x32b: {  	v15 =	vld [tilespmem:s23+$0xA420];
	v19 =	vsub.f32 v11, v20;
	v20 =	vsub.f32 v10, v23  }
0x32c: {  	v18 =	vsub.f32 v5, v18;
	v23 =	vsub.f32 v3, v53;
	[tilespmem:s22+$0x12410] =	vst v16  }
0x32d: {  	v16 =	vld.idx.msk [tilespmem:v21+s1+$0x0], $0xffff;
	v19 =	vand.u32 $0x7FFFFFFF, v19;
	v20 =	vand.u32 $0x7FFFFFFF, v20;
	v17 =	vsub.f32 v9, v17  }
0x32e: {  	v14 =	vsub.f32 v4, v14;
	v54 =	vld.idx.msk [tilespmem:v21+s20+$0x0], $0xffff;
	v19 =	vadd.f32 v20, v19  }
0x32f: {  	v22 =	vld [tilespmem:s2+$0xA430];
	v18 =	vand.u32 $0x7FFFFFFF, v18;
	v23 =	vand.u32 $0x7FFFFFFF, v23;
	v17 =	vand.u32 $0x7FFFFFFF, v17  }
0x330: {  	v21 =	vld.idx.msk [tilespmem:v21+s21+$0x0], $0xffff;
	v18 =	vadd.f32 v23, v18;
	v17 =	vadd.f32 v17, v19  }
0x331: {  	v14 =	vand.u32 $0x7FFFFFFF, v14  }
0x332: {  	v14 =	vadd.f32 v14, v18;
	[tilespmem:s23+$0x12410] =	vst v17  }
0x333: {  	v16 =	vsub.f32 v7, v16;
	v17 =	vsub.f32 v8, v54;
	v23 =	vld.idx.msk [tilespmem:v15+s1+$0x0], $0xffff  }
0x334: {  	[tilespmem:s2+$0x12420] =	vst v14;
	v14 =	vld.idx.msk [tilespmem:v15+s20+$0x0], $0xffff  }
0x335: {  	v18 =	vld [tilespmem:s22+$0xA430];
	v21 =	vsub.f32 v6, v21;
	v16 =	vand.u32 $0x7FFFFFFF, v16;
	v17 =	vand.u32 $0x7FFFFFFF, v17  }
0x336: {  	v15 =	vld.idx.msk [tilespmem:v15+s21+$0x0], $0xffff;
	v16 =	vadd.f32 v17, v16  }
0x337: {  	v21 =	vand.u32 $0x7FFFFFFF, v21  }
0x338: {  	v55 =	vld.idx.msk [tilespmem:v22+s1+$0x0], $0xffff;
	v16 =	vadd.f32 v21, v16  }
0x339: {  	v21 =	vld [tilespmem:s23+$0xA430];
	v23 =	vsub.f32 v11, v23;
	v14 =	vsub.f32 v10, v14  }
0x33a: {  	v17 =	vld.idx.msk [tilespmem:v22+s20+$0x0], $0xffff  }
0x33b: {  	v15 =	vsub.f32 v9, v15;
	[tilespmem:s22+$0x12420] =	vst v16;
	v16 =	vand.u32 $0x7FFFFFFF, v23;
	v14 =	vand.u32 $0x7FFFFFFF, v14  }
0x33c: {  	v22 =	vld.idx.msk [tilespmem:v22+s21+$0x0], $0xffff;
	v14 =	vadd.f32 v14, v16  }
0x33d: {  	v23 =	vld.idx.msk [tilespmem:v18+s1+$0x0], $0xffff;
	v15 =	vand.u32 $0x7FFFFFFF, v15  }
0x33e: {  	v16 =	vld.idx.msk [tilespmem:v18+s20+$0x0], $0xffff;
	v14 =	vadd.f32 v15, v14  }
0x33f: {  	v19 =	vld [tilespmem:s2+$0xA440];
	v17 =	vsub.f32 v3, v17;
	v15 =	vsub.f32 v5, v55  }
0x340: {  	v18 =	vld.idx.msk [tilespmem:v18+s21+$0x0], $0xffff;
	[tilespmem:s23+$0x12420] =	vst v14  }
0x341: {  	v14 =	vand.u32 $0x7FFFFFFF, v15;
	v15 =	vand.u32 $0x7FFFFFFF, v17;
	v17 =	vsub.f32 v4, v22;
	v22 =	vld.idx.msk [tilespmem:v21+s1+$0x0], $0xffff  }
0x342: {  	v14 =	vadd.f32 v15, v14;
	v15 =	vld.idx.msk [tilespmem:v21+s20+$0x0], $0xffff  }
0x343: {  	v26 =	vld [tilespmem:s22+$0xA440];
	v23 =	vsub.f32 v7, v23;
	v16 =	vsub.f32 v8, v16;
	v17 =	vand.u32 $0x7FFFFFFF, v17  }
0x344: {  	v14 =	vadd.f32 v17, v14;
	v17 =	vld.idx.msk [tilespmem:v21+s21+$0x0], $0xffff  }
0x345: {  	v18 =	vsub.f32 v6, v18;
	v21 =	vand.u32 $0x7FFFFFFF, v23;
	v16 =	vand.u32 $0x7FFFFFFF, v16  }
0x346: {  	v57 =	vld [tilespmem:s23+$0xA440];
	[tilespmem:s2+$0x12430] =	vst v14;
	v14 =	vadd.f32 v16, v21  }
0x347: {  	v18 =	vand.u32 $0x7FFFFFFF, v18;
	v16 =	vld.idx.msk [tilespmem:v19+s1+$0x0], $0xffff;
	v21 =	vsub.f32 v11, v22;
	v15 =	vsub.f32 v10, v15  }
0x348: {  	v14 =	vadd.f32 v18, v14;
	v18 =	vld.idx.msk [tilespmem:v19+s20+$0x0], $0xffff  }
0x349: {  	v21 =	vand.u32 $0x7FFFFFFF, v21;
	v15 =	vand.u32 $0x7FFFFFFF, v15;
	v17 =	vsub.f32 v9, v17  }
0x34a: {  	v19 =	vld.idx.msk [tilespmem:v19+s21+$0x0], $0xffff;
	[tilespmem:s22+$0x12430] =	vst v14;
	v14 =	vadd.f32 v15, v21  }
0x34b: {  	v15 =	vld.idx.msk [tilespmem:v26+s1+$0x0], $0xffff;
	v17 =	vand.u32 $0x7FFFFFFF, v17  }
0x34c: {  	v21 =	vld.idx.msk [tilespmem:v26+s20+$0x0], $0xffff;
	v14 =	vadd.f32 v17, v14  }
0x34d: {  	v20 =	vld [tilespmem:s2+$0xA450];
	v16 =	vsub.f32 v5, v16;
	v17 =	vsub.f32 v3, v18  }
0x34e: {  	v18 =	vld.idx.msk [tilespmem:v26+s21+$0x0], $0xffff;
	[tilespmem:s23+$0x12430] =	vst v14  }
0x34f: {  	v14 =	vand.u32 $0x7FFFFFFF, v16;
	v16 =	vand.u32 $0x7FFFFFFF, v17;
	v17 =	vsub.f32 v4, v19;
	v19 =	vld.idx.msk [tilespmem:v57+s1+$0x0], $0xffff  }
0x350: {  	v14 =	vadd.f32 v16, v14;
	v16 =	vld.idx.msk [tilespmem:v57+s20+$0x0], $0xffff  }
0x351: {  	v56 =	vld [tilespmem:s22+$0xA450];
	v15 =	vsub.f32 v7, v15;
	v21 =	vsub.f32 v8, v21;
	v17 =	vand.u32 $0x7FFFFFFF, v17  }
0x352: {  	v14 =	vadd.f32 v17, v14;
	v17 =	vld.idx.msk [tilespmem:v57+s21+$0x0], $0xffff  }
0x353: {  	v27 =	vld [tilespmem:s23+$0xA450];
	[tilespmem:s0+$0x12450] =	vst v13;
	v13 =	vand.u32 $0x7FFFFFFF, v15;
	v15 =	vand.u32 $0x7FFFFFFF, v21;
	v18 =	vsub.f32 v6, v18  }
0x354: {  	v58 =	vld [tilespmem:s0+$0xA470];
	v13 =	vadd.f32 v15, v13;
	[tilespmem:s2+$0x12440] =	vst v14  }
0x355: {  	v15 =	vand.u32 $0x7FFFFFFF, v18;
	v18 =	vsub.f32 v11, v19;
	v14 =	vld.idx.msk [tilespmem:v20+s1+$0x0], $0xffff;
	v16 =	vsub.f32 v10, v16  }
0x356: {  	v19 =	vld.idx.msk [tilespmem:v20+s20+$0x0], $0xffff;
	v13 =	vadd.f32 v15, v13  }
0x357: {  	v59 =	vld [tilespmem:s2+$0xA470];
	v18 =	vand.u32 $0x7FFFFFFF, v18;
	v16 =	vand.u32 $0x7FFFFFFF, v16;
	v17 =	vsub.f32 v9, v17  }
0x358: {  	v20 =	vld.idx.msk [tilespmem:v20+s21+$0x0], $0xffff;
	[tilespmem:s22+$0x12440] =	vst v13;
	v13 =	vadd.f32 v16, v18  }
0x359: {  	v16 =	vld.idx.msk [tilespmem:v56+s1+$0x0], $0xffff;
	v17 =	vand.u32 $0x7FFFFFFF, v17  }
0x35a: {  	v18 =	vld.idx.msk [tilespmem:v56+s20+$0x0], $0xffff;
	v13 =	vadd.f32 v17, v13  }
0x35b: {  	v22 =	vld.idx.msk [tilespmem:v56+s21+$0x0], $0xffff;
	v14 =	vsub.f32 v5, v14;
	v19 =	vsub.f32 v3, v19  }
0x35c: {  	v17 =	vld [tilespmem:s2+$0xA460];
	[tilespmem:s23+$0x12440] =	vst v13  }
0x35d: {  	v13 =	vand.u32 $0x7FFFFFFF, v14;
	v14 =	vand.u32 $0x7FFFFFFF, v19;
	v19 =	vsub.f32 v4, v20;
	v20 =	vld.idx.msk [tilespmem:v27+s1+$0x0], $0xffff  }
0x35e: {  	v13 =	vadd.f32 v14, v13;
	v14 =	vld.idx.msk [tilespmem:v27+s20+$0x0], $0xffff  }
0x35f: {  	v23 =	vld [tilespmem:s22+$0xA460];
	v16 =	vsub.f32 v7, v16;
	v18 =	vsub.f32 v8, v18;
	v19 =	vand.u32 $0x7FFFFFFF, v19  }
0x360: {  	v13 =	vadd.f32 v19, v13;
	v19 =	vld.idx.msk [tilespmem:v27+s21+$0x0], $0xffff  }
0x361: {  	v21 =	vld.idx.msk [tilespmem:v12+s1+$0x0], $0xffff;
	v22 =	vsub.f32 v6, v22;
	v16 =	vand.u32 $0x7FFFFFFF, v16;
	v18 =	vand.u32 $0x7FFFFFFF, v18  }
0x362: {  	v15 =	vld.idx.msk [tilespmem:v12+s20+$0x0], $0xffff;
	v16 =	vadd.f32 v18, v16  }
0x363: {  	v18 =	vld [tilespmem:s23+$0xA460];
	[tilespmem:s2+$0x12450] =	vst v13;
	v13 =	vand.u32 $0x7FFFFFFF, v22;
	v20 =	vsub.f32 v11, v20;
	v14 =	vsub.f32 v10, v14  }
0x364: {  	v12 =	vld.idx.msk [tilespmem:v12+s21+$0x0], $0xffff;
	v13 =	vadd.f32 v13, v16  }
0x365: {  	v22 =	vld.idx.msk [tilespmem:v17+s1+$0x0], $0xffff;
	v20 =	vand.u32 $0x7FFFFFFF, v20;
	v14 =	vand.u32 $0x7FFFFFFF, v14;
	v19 =	vsub.f32 v9, v19  }
0x366: {  	v16 =	vld.idx.msk [tilespmem:v17+s20+$0x0], $0xffff;
	v14 =	vadd.f32 v14, v20  }
0x367: {  	v15 =	vsub.f32 v2, v15;
	v17 =	vld.idx.msk [tilespmem:v17+s21+$0x0], $0xffff;
	[tilespmem:s22+$0x12450] =	vst v13;
	v20 =	vsub.f32 v1, v21;
	v13 =	vand.u32 $0x7FFFFFFF, v19  }
0x368: {  	v19 =	vld.idx.msk [tilespmem:v23+s1+$0x0], $0xffff;
	v13 =	vadd.f32 v13, v14  }
0x369: {  	v12 =	vsub.f32 v0, v12;
	v15 =	vand.u32 $0x7FFFFFFF, v15;
	v14 =	vand.u32 $0x7FFFFFFF, v20;
	v20 =	vld.idx.msk [tilespmem:v23+s20+$0x0], $0xffff  }
0x36a: {  	v14 =	vadd.f32 v15, v14;
	v15 =	vld.idx.msk [tilespmem:v23+s21+$0x0], $0xffff;
	[tilespmem:s23+$0x12450] =	vst v13  }
0x36b: {  	v12 =	vand.u32 $0x7FFFFFFF, v12;
	v16 =	vsub.f32 v3, v16;
	v13 =	vsub.f32 v5, v22;
	v21 =	vld.idx.msk [tilespmem:v18+s1+$0x0], $0xffff  }
0x36c: {  	v12 =	vadd.f32 v12, v14;
	v14 =	vld.idx.msk [tilespmem:v18+s20+$0x0], $0xffff  }
0x36d: {  	v17 =	vsub.f32 v4, v17;
	v16 =	vand.u32 $0x7FFFFFFF, v16;
	v13 =	vand.u32 $0x7FFFFFFF, v13  }
0x36e: {  	v18 =	vld.idx.msk [tilespmem:v18+s21+$0x0], $0xffff;
	v13 =	vadd.f32 v16, v13;
	v16 =	vsub.f32 v7, v19  }
0x36f: {  	[tilespmem:s0+$0x12460] =	vst v12;
	v12 =	vand.u32 $0x7FFFFFFF, v17;
	v17 =	vld [tilespmem:s22+$0xA470];
	v19 =	vsub.f32 v8, v20  }
0x370: {  	v20 =	vld.idx.msk [tilespmem:v58+s1+$0x0], $0xffff;
	v15 =	vsub.f32 v6, v15;
	v12 =	vadd.f32 v12, v13;
	v13 =	vand.u32 $0x7FFFFFFF, v16  }
0x371: {  	v16 =	vand.u32 $0x7FFFFFFF, v19;
	v19 =	vld [tilespmem:s23+$0xA470];
	v21 =	vsub.f32 v11, v21;
	v14 =	vsub.f32 v10, v14  }
0x372: {  	v22 =	vld.idx.msk [tilespmem:v58+s20+$0x0], $0xffff;
	v13 =	vadd.f32 v16, v13;
	v15 =	vand.u32 $0x7FFFFFFF, v15  }
0x373: {  	v16 =	vld.idx.msk [tilespmem:v58+s21+$0x0], $0xffff;
	v18 =	vsub.f32 v9, v18;
	[tilespmem:s2+$0x12460] =	vst v12;
	v12 =	vand.u32 $0x7FFFFFFF, v21;
	v14 =	vand.u32 $0x7FFFFFFF, v14  }
0x374: {  	v21 =	vld.idx.msk [tilespmem:v59+s1+$0x0], $0xffff;
	v13 =	vadd.f32 v15, v13;
	v12 =	vadd.f32 v14, v12  }
0x375: {  	v15 =	vand.u32 $0x7FFFFFFF, v18;
	v18 =	vld.idx.msk [tilespmem:v59+s21+$0x0], $0xffff  }
0x376: {  	v14 =	vld.idx.msk [tilespmem:v59+s20+$0x0], $0xffff;
	[tilespmem:s22+$0x12460] =	vst v13;
	v12 =	vadd.f32 v15, v12  }
0x377: {  	v1 =	vsub.f32 v1, v20;
	v2 =	vsub.f32 v2, v22;
	v13 =	vld.idx.msk [tilespmem:v17+s1+$0x0], $0xffff  }
0x378: {  	v15 =	vld.idx.msk [tilespmem:v17+s20+$0x0], $0xffff;
	[tilespmem:s23+$0x12460] =	vst v12  }
0x379: {  	v1 =	vand.u32 $0x7FFFFFFF, v1;
	v2 =	vand.u32 $0x7FFFFFFF, v2;
	v0 =	vsub.f32 v0, v16;
	v12 =	vld.idx.msk [tilespmem:v19+s1+$0x0], $0xffff  }
0x37a: {  	v1 =	vadd.f32 v2, v1;
	v2 =	vld.idx.msk [tilespmem:v19+s20+$0x0], $0xffff  }
0x37b: {  	v0 =	vand.u32 $0x7FFFFFFF, v0;
	v5 =	vsub.f32 v5, v21;
	v3 =	vsub.f32 v3, v14;
	v14 =	vld.idx.msk [tilespmem:v17+s21+$0x0], $0xffff  }
0x37c: {  	v0 =	vadd.f32 v0, v1;
	v1 =	vsub.f32 v7, v13;
	v7 =	vld.idx.msk [tilespmem:v19+s21+$0x0], $0xffff  }
0x37d: {  	v5 =	vand.u32 $0x7FFFFFFF, v5;
	v3 =	vand.u32 $0x7FFFFFFF, v3;
	v8 =	vsub.f32 v8, v15  }
0x37e: {  	v4 =	vsub.f32 v4, v18;
	v3 =	vadd.f32 v3, v5;
	v1 =	vand.u32 $0x7FFFFFFF, v1  }
0x37f: {  	v5 =	vand.u32 $0x7FFFFFFF, v8;
	v8 =	vsub.f32 v11, v12;
	v2 =	vsub.f32 v10, v2  }
0x380: {  	v4 =	vand.u32 $0x7FFFFFFF, v4;
	v6 =	vsub.f32 v6, v14;
	v1 =	vadd.f32 v5, v1  }
0x381: {  	v5 =	vand.u32 $0x7FFFFFFF, v8;
	v2 =	vand.u32 $0x7FFFFFFF, v2;
	v7 =	vsub.f32 v9, v7  }
0x382: {  	v3 =	vadd.f32 v4, v3;
	v4 =	vand.u32 $0x7FFFFFFF, v6;
	v2 =	vadd.f32 v2, v5  }
0x383: {  	[tilespmem:s0+$0x12470] =	vst v0;
	v0 =	vadd.f32 v4, v1;
	v1 =	vand.u32 $0x7FFFFFFF, v7  }
0x384: {  	[tilespmem:s2+$0x12470] =	vst v3;
	v1 =	vadd.f32 v1, v2  }
0x385: {  	[tilespmem:s22+$0x12470] =	vst v0  }
0x386: {  	s3 =	simm.s32 $0x0;
	s5 =	simm.s32 $0x12000;
	[tilespmem:s23+$0x12470] =	vst v1  }
0x387: {  	[hbm4b:s14+s3] =	stream.linear.scatter [tilespmem:s5], [sflag:$0x4], $0x4000, $0x38;
	[tilespmem:$0x16000] =	vst v63  }
0x388: {  	s7 =	simm.s32 $0xA000  }
0x389: {  	[tilespmem:s7], [sflag:$0x2] =	stream.linear.gather [hbm4b:s15+s3], $0x4000, $0x38;
	[tilespmem:$0x16000] =	vst v63  }
0x38a: {  	_ =	swait.ge [sflag:s24], $0x4000  }
0x38b: {  	[sflag:s24] =	ssyncset.done $0x0  }
0x38c: {  	[sflag:s24] =	ssyncadd.s32 $0xFFFFC000  }
0x38d: {  	_ =	swait.ge [sflag:s29], $0x4000  }
0x38e: {  	s0 =	sand.u32 $0x380, s3;
	s22 =	sand.u32 $0x3800, s3;
	[sflag:s29] =	ssyncset.done $0x0  }
0x38f: {  	s0 =	sor.u32 s0, s22;
	[sflag:s29] =	ssyncadd.s32 $0xFFFFC000  }
0x390: {  	v3 =	vld [tilespmem:s0+$0x6000]  }
0x391: {  	v0 =	vmov s10;
	_ =	sdelay $0x4  }
0x392: {  	v1 =	vld.idx.msk [tilespmem:v0+s1+$0x0], $0xffff  }
0x393: {  	v2 =	vld.idx.msk [tilespmem:v0+s20+$0x0], $0xffff  }
0x394: {  	v4 =	vld.idx.msk [tilespmem:v3+s1+$0x0], $0xffff  }
0x395: {  	v5 =	vld.idx.msk [tilespmem:v3+s20+$0x0], $0xffff  }
0x396: {  	v0 =	vld.idx.msk [tilespmem:v0+s21+$0x0], $0xffff  }
0x397: {  	v3 =	vld.idx.msk [tilespmem:v3+s21+$0x0], $0xffff;
	_ =	sdelay $0x2  }
0x398: {  	v6 =	vld [tilespmem:s0+$0x6010];
	v4 =	vsub.f32 v1, v4;
	v5 =	vsub.f32 v2, v5;
	_ =	sdelay $0x1  }
0x399: {  	v3 =	vsub.f32 v0, v3;
	v4 =	vand.u32 $0x7FFFFFFF, v4;
	v5 =	vand.u32 $0x7FFFFFFF, v5  }
0x39a: {  	v4 =	vadd.f32 v5, v4  }
0x39b: {  	v3 =	vand.u32 $0x7FFFFFFF, v3  }
0x39c: {  	v3 =	vadd.f32 v3, v4;
	_ =	sdelay $0x1  }
0x39d: {  	[tilespmem:s0+$0xE000] =	vst v3  }
0x39e: {  	v3 =	vld.idx.msk [tilespmem:v6+s1+$0x0], $0xffff  }
0x39f: {  	v4 =	vld.idx.msk [tilespmem:v6+s20+$0x0], $0xffff;
	_ =	sdelay $0x1  }
0x3a0: {  	v5 =	vld.idx.msk [tilespmem:v6+s21+$0x0], $0xffff;
	_ =	sdelay $0x2  }
0x3a1: {  	v6 =	vld [tilespmem:s0+$0x6020];
	v3 =	vsub.f32 v1, v3;
	v4 =	vsub.f32 v2, v4;
	_ =	sdelay $0x1  }
0x3a2: {  	v5 =	vsub.f32 v0, v5;
	v3 =	vand.u32 $0x7FFFFFFF, v3;
	v4 =	vand.u32 $0x7FFFFFFF, v4  }
0x3a3: {  	v3 =	vadd.f32 v4, v3  }
0x3a4: {  	v4 =	vand.u32 $0x7FFFFFFF, v5  }
0x3a5: {  	v3 =	vadd.f32 v4, v3;
	_ =	sdelay $0x1  }
0x3a6: {  	[tilespmem:s0+$0xE010] =	vst v3  }
0x3a7: {  	v3 =	vld.idx.msk [tilespmem:v6+s1+$0x0], $0xffff  }
0x3a8: {  	v4 =	vld.idx.msk [tilespmem:v6+s20+$0x0], $0xffff;
	_ =	sdelay $0x1  }
0x3a9: {  	v5 =	vld.idx.msk [tilespmem:v6+s21+$0x0], $0xffff;
	_ =	sdelay $0x2  }
0x3aa: {  	v6 =	vld [tilespmem:s0+$0x6030];
	v3 =	vsub.f32 v1, v3;
	v4 =	vsub.f32 v2, v4;
	_ =	sdelay $0x1  }
0x3ab: {  	v5 =	vsub.f32 v0, v5;
	v3 =	vand.u32 $0x7FFFFFFF, v3;
	v4 =	vand.u32 $0x7FFFFFFF, v4  }
0x3ac: {  	v3 =	vadd.f32 v4, v3  }
0x3ad: {  	v4 =	vand.u32 $0x7FFFFFFF, v5  }
0x3ae: {  	v3 =	vadd.f32 v4, v3;
	_ =	sdelay $0x1  }
0x3af: {  	[tilespmem:s0+$0xE020] =	vst v3  }
0x3b0: {  	v3 =	vld.idx.msk [tilespmem:v6+s1+$0x0], $0xffff  }
0x3b1: {  	v5 =	vld.idx.msk [tilespmem:v6+s20+$0x0], $0xffff;
	_ =	sdelay $0x1  }
0x3b2: {  	v6 =	vld.idx.msk [tilespmem:v6+s21+$0x0], $0xffff;
	_ =	sdelay $0x2  }
0x3b3: {  	v4 =	vld [tilespmem:s0+$0x6040];
	v3 =	vsub.f32 v1, v3;
	v5 =	vsub.f32 v2, v5  }
0x3b4: {  	s23 =	simm.s32 $0x100;
	s3 =	simm.s32 $0x80  }
0x3b5: {  	s2 =	sand.u32 $0x3800, s23;
	s5 =	sand.u32 $0x380, s3;
	v6 =	vsub.f32 v0, v6;
	v3 =	vand.u32 $0x7FFFFFFF, v3;
	v5 =	vand.u32 $0x7FFFFFFF, v5  }
0x3b6: {  	s2 =	sor.u32 s5, s2;
	v3 =	vadd.f32 v5, v3  }
0x3b7: {  	v7 =	vld [tilespmem:s2+$0x6000];
	v5 =	vand.u32 $0x7FFFFFFF, v6  }
0x3b8: {  	v3 =	vadd.f32 v5, v3;
	_ =	sdelay $0x1  }
0x3b9: {  	[tilespmem:s0+$0xE030] =	vst v3  }
0x3ba: {  	s25 =	sadd.s32 $0x1, s10;
	v8 =	vld.idx.msk [tilespmem:v4+s1+$0x0], $0xffff  }
0x3bb: {  	v6 =	vmov s25;
	v9 =	vld.idx.msk [tilespmem:v4+s20+$0x0], $0xffff  }
0x3bc: {  	v10 =	vld [tilespmem:s0+$0x6050]  }
0x3bd: {  	v4 =	vld.idx.msk [tilespmem:v4+s21+$0x0], $0xffff  }
0x3be: {  	v11 =	vld.idx.msk [tilespmem:v7+s1+$0x0], $0xffff  }
0x3bf: {  	v12 =	vld.idx.msk [tilespmem:v7+s20+$0x0], $0xffff  }
0x3c0: {  	v5 =	vld.idx.msk [tilespmem:v6+s1+$0x0], $0xffff;
	v8 =	vsub.f32 v1, v8;
	v9 =	vsub.f32 v2, v9  }
0x3c1: {  	v3 =	vld.idx.msk [tilespmem:v6+s20+$0x0], $0xffff  }
0x3c2: {  	v7 =	vld.idx.msk [tilespmem:v7+s21+$0x0], $0xffff;
	v13 =	vsub.f32 v0, v4;
	v8 =	vand.u32 $0x7FFFFFFF, v8;
	v9 =	vand.u32 $0x7FFFFFFF, v9  }
0x3c3: {  	v4 =	vld.idx.msk [tilespmem:v6+s21+$0x0], $0xffff;
	v6 =	vadd.f32 v9, v8  }
0x3c4: {  	v8 =	vand.u32 $0x7FFFFFFF, v13  }
0x3c5: {  	v6 =	vadd.f32 v8, v6  }
0x3c6: {  	v9 =	vsub.f32 v3, v12;
	v8 =	vsub.f32 v5, v11;
	v11 =	vld [tilespmem:s2+$0x6010]  }
0x3c7: {  	[tilespmem:s0+$0xE040] =	vst v6  }
0x3c8: {  	v7 =	vsub.f32 v4, v7;
	v9 =	vand.u32 $0x7FFFFFFF, v9;
	v8 =	vand.u32 $0x7FFFFFFF, v8;
	v6 =	vld.idx.msk [tilespmem:v10+s1+$0x0], $0xffff  }
0x3c9: {  	v12 =	vld.idx.msk [tilespmem:v10+s20+$0x0], $0xffff;
	v8 =	vadd.f32 v9, v8  }
0x3ca: {  	v7 =	vand.u32 $0x7FFFFFFF, v7  }
0x3cb: {  	v9 =	vld.idx.msk [tilespmem:v10+s21+$0x0], $0xffff;
	v7 =	vadd.f32 v7, v8;
	_ =	sdelay $0x1  }
0x3cc: {  	v8 =	vld [tilespmem:s0+$0x6060];
	[tilespmem:s2+$0xE000] =	vst v7  }
0x3cd: {  	v6 =	vsub.f32 v1, v6;
	v7 =	vsub.f32 v2, v12;
	v10 =	vld.idx.msk [tilespmem:v11+s1+$0x0], $0xffff  }
0x3ce: {  	v12 =	vld.idx.msk [tilespmem:v11+s20+$0x0], $0xffff  }
0x3cf: {  	v9 =	vsub.f32 v0, v9;
	v6 =	vand.u32 $0x7FFFFFFF, v6;
	v7 =	vand.u32 $0x7FFFFFFF, v7  }
0x3d0: {  	v6 =	vadd.f32 v7, v6;
	v7 =	vld.idx.msk [tilespmem:v11+s21+$0x0], $0xffff  }
0x3d1: {  	v9 =	vand.u32 $0x7FFFFFFF, v9  }
0x3d2: {  	v6 =	vadd.f32 v9, v6  }
0x3d3: {  	v11 =	vld [tilespmem:s2+$0x6020];
	v9 =	vsub.f32 v5, v10;
	v10 =	vsub.f32 v3, v12  }
0x3d4: {  	[tilespmem:s0+$0xE050] =	vst v6  }
0x3d5: {  	v9 =	vand.u32 $0x7FFFFFFF, v9;
	v10 =	vand.u32 $0x7FFFFFFF, v10;
	v6 =	vld.idx.msk [tilespmem:v8+s1+$0x0], $0xffff;
	v7 =	vsub.f32 v4, v7  }
0x3d6: {  	v12 =	vld.idx.msk [tilespmem:v8+s20+$0x0], $0xffff;
	v9 =	vadd.f32 v10, v9  }
0x3d7: {  	v7 =	vand.u32 $0x7FFFFFFF, v7  }
0x3d8: {  	v8 =	vld.idx.msk [tilespmem:v8+s21+$0x0], $0xffff;
	v7 =	vadd.f32 v7, v9;
	_ =	sdelay $0x1  }
0x3d9: {  	v9 =	vld [tilespmem:s0+$0x6070];
	[tilespmem:s2+$0xE010] =	vst v7  }
0x3da: {  	v6 =	vsub.f32 v1, v6;
	v7 =	vsub.f32 v2, v12;
	v10 =	vld.idx.msk [tilespmem:v11+s1+$0x0], $0xffff  }
0x3db: {  	v12 =	vld.idx.msk [tilespmem:v11+s20+$0x0], $0xffff  }
0x3dc: {  	v8 =	vsub.f32 v0, v8;
	v6 =	vand.u32 $0x7FFFFFFF, v6;
	v7 =	vand.u32 $0x7FFFFFFF, v7  }
0x3dd: {  	v6 =	vadd.f32 v7, v6;
	v7 =	vld.idx.msk [tilespmem:v11+s21+$0x0], $0xffff  }
0x3de: {  	s22 =	simm.s32 $0x200;
	s7 =	simm.s32 $0x100;
	v8 =	vand.u32 $0x7FFFFFFF, v8  }
0x3df: {  	s7 =	sand.u32 $0x380, s7;
	s5 =	sand.u32 $0x3800, s22;
	v6 =	vadd.f32 v8, v6  }
0x3e0: {  	s22 =	sor.u32 s7, s5;
	v8 =	vsub.f32 v5, v10;
	v10 =	vld [tilespmem:s2+$0x6030];
	v12 =	vsub.f32 v3, v12  }
0x3e1: {  	v14 =	vld [tilespmem:s22+$0x6000];
	[tilespmem:s0+$0xE060] =	vst v6  }
0x3e2: {  	v6 =	vld.idx.msk [tilespmem:v9+s1+$0x0], $0xffff;
	v7 =	vsub.f32 v4, v7;
	v8 =	vand.u32 $0x7FFFFFFF, v8;
	v12 =	vand.u32 $0x7FFFFFFF, v12  }
0x3e3: {  	v13 =	vld.idx.msk [tilespmem:v9+s20+$0x0], $0xffff;
	v8 =	vadd.f32 v12, v8  }
0x3e4: {  	v7 =	vand.u32 $0x7FFFFFFF, v7  }
0x3e5: {  	v9 =	vld.idx.msk [tilespmem:v9+s21+$0x0], $0xffff;
	v7 =	vadd.f32 v7, v8;
	_ =	sdelay $0x1  }
0x3e6: {  	s3 =	sadd.s32 $0x1, s25;
	v11 =	vld [tilespmem:s0+$0x6400];
	[tilespmem:s2+$0xE020] =	vst v7  }
0x3e7: {  	v8 =	vmov s3;
	v6 =	vsub.f32 v1, v6;
	v7 =	vsub.f32 v2, v13;
	v13 =	vld.idx.msk [tilespmem:v10+s1+$0x0], $0xffff  }
0x3e8: {  	v15 =	vld.idx.msk [tilespmem:v10+s20+$0x0], $0xffff  }
0x3e9: {  	v17 =	vld.idx.msk [tilespmem:v14+s21+$0x0], $0xffff;
	v9 =	vsub.f32 v0, v9;
	v6 =	vand.u32 $0x7FFFFFFF, v6;
	v7 =	vand.u32 $0x7FFFFFFF, v7  }
0x3ea: {  	v10 =	vld.idx.msk [tilespmem:v10+s21+$0x0], $0xffff;
	v7 =	vadd.f32 v7, v6  }
0x3eb: {  	v12 =	vld [tilespmem:s2+$0x6040];
	v9 =	vand.u32 $0x7FFFFFFF, v9  }
0x3ec: {  	v6 =	vld.idx.msk [tilespmem:v8+s21+$0x0], $0xffff;
	v9 =	vadd.f32 v9, v7  }
0x3ed: {  	v7 =	vld.idx.msk [tilespmem:v8+s1+$0x0], $0xffff;
	v13 =	vsub.f32 v5, v13;
	v15 =	vsub.f32 v3, v15  }
0x3ee: {  	v8 =	vld.idx.msk [tilespmem:v8+s20+$0x0], $0xffff;
	[tilespmem:s0+$0xE070] =	vst v9  }
0x3ef: {  	v10 =	vsub.f32 v4, v10;
	v9 =	vld.idx.msk [tilespmem:v11+s1+$0x0], $0xffff;
	v13 =	vand.u32 $0x7FFFFFFF, v13;
	v15 =	vand.u32 $0x7FFFFFFF, v15  }
0x3f0: {  	v16 =	vld.idx.msk [tilespmem:v11+s20+$0x0], $0xffff;
	v13 =	vadd.f32 v15, v13  }
0x3f1: {  	v10 =	vand.u32 $0x7FFFFFFF, v10;
	v11 =	vld.idx.msk [tilespmem:v11+s21+$0x0], $0xffff  }
0x3f2: {  	v15 =	vld.idx.msk [tilespmem:v14+s1+$0x0], $0xffff;
	v10 =	vadd.f32 v10, v13  }
0x3f3: {  	v13 =	vld.idx.msk [tilespmem:v14+s20+$0x0], $0xffff  }
0x3f4: {  	v14 =	vld [tilespmem:s0+$0x6410];
	[tilespmem:s2+$0xE030] =	vst v10  }
0x3f5: {  	v9 =	vsub.f32 v1, v9;
	v10 =	vsub.f32 v2, v16;
	v16 =	vld.idx.msk [tilespmem:v12+s1+$0x0], $0xffff  }
0x3f6: {  	v18 =	vld.idx.msk [tilespmem:v12+s20+$0x0], $0xffff  }
0x3f7: {  	v11 =	vsub.f32 v0, v11;
	v12 =	vld.idx.msk [tilespmem:v12+s21+$0x0], $0xffff;
	v9 =	vand.u32 $0x7FFFFFFF, v9;
	v10 =	vand.u32 $0x7FFFFFFF, v10  }
0x3f8: {  	v9 =	vadd.f32 v10, v9;
	v10 =	vsub.f32 v7, v15  }
0x3f9: {  	v11 =	vand.u32 $0x7FFFFFFF, v11;
	v13 =	vsub.f32 v8, v13;
	v15 =	vld [tilespmem:s22+$0x6010]  }
0x3fa: {  	v9 =	vadd.f32 v11, v9;
	v10 =	vand.u32 $0x7FFFFFFF, v10;
	v11 =	vsub.f32 v6, v17  }
0x3fb: {  	v19 =	vld [tilespmem:s2+$0x6050];
	v13 =	vand.u32 $0x7FFFFFFF, v13;
	v16 =	vsub.f32 v5, v16;
	v18 =	vsub.f32 v3, v18  }
0x3fc: {  	v12 =	vsub.f32 v4, v12;
	[tilespmem:s0+$0xE400] =	vst v9;
	v9 =	vadd.f32 v13, v10  }
0x3fd: {  	v10 =	vand.u32 $0x7FFFFFFF, v11;
	v11 =	vld.idx.msk [tilespmem:v14+s1+$0x0], $0xffff;
	v13 =	vand.u32 $0x7FFFFFFF, v16;
	v16 =	vand.u32 $0x7FFFFFFF, v18  }
0x3fe: {  	v18 =	vld.idx.msk [tilespmem:v14+s20+$0x0], $0xffff;
	v9 =	vadd.f32 v10, v9;
	v10 =	vadd.f32 v16, v13  }
0x3ff: {  	v17 =	vld [tilespmem:s0+$0x6420];
	v12 =	vand.u32 $0x7FFFFFFF, v12  }
0x400: {  	v13 =	vld.idx.msk [tilespmem:v14+s21+$0x0], $0xffff;
	[tilespmem:s22+$0xE000] =	vst v9;
	v9 =	vadd.f32 v12, v10  }
0x401: {  	v10 =	vld.idx.msk [tilespmem:v15+s21+$0x0], $0xffff  }
0x402: {  	v12 =	vld.idx.msk [tilespmem:v15+s1+$0x0], $0xffff;
	[tilespmem:s2+$0xE040] =	vst v9  }
0x403: {  	v9 =	vsub.f32 v1, v11;
	v11 =	vsub.f32 v2, v18;
	v14 =	vld.idx.msk [tilespmem:v19+s1+$0x0], $0xffff  }
0x404: {  	v16 =	vld.idx.msk [tilespmem:v19+s20+$0x0], $0xffff  }
0x405: {  	v15 =	vld.idx.msk [tilespmem:v15+s20+$0x0], $0xffff;
	v13 =	vsub.f32 v0, v13;
	v9 =	vand.u32 $0x7FFFFFFF, v9;
	v11 =	vand.u32 $0x7FFFFFFF, v11  }
0x406: {  	v9 =	vadd.f32 v11, v9;
	v11 =	vld.idx.msk [tilespmem:v19+s21+$0x0], $0xffff  }
0x407: {  	v13 =	vand.u32 $0x7FFFFFFF, v13  }
0x408: {  	v22 =	vld [tilespmem:s22+$0x6040];
	v9 =	vadd.f32 v13, v9  }
0x409: {  	v13 =	vsub.f32 v5, v14;
	v14 =	vsub.f32 v3, v16;
	v16 =	vld [tilespmem:s2+$0x6060]  }
0x40a: {  	s28 =	simm.s32 $0x180;
	s23 =	simm.s32 $0x300;
	v18 =	vld [tilespmem:s22+$0x6020];
	[tilespmem:s0+$0xE410] =	vst v9;
	v9 =	vsub.f32 v7, v12;
	v12 =	vsub.f32 v8, v15  }
0x40b: {  	s7 =	sand.u32 $0x3800, s23;
	s23 =	sand.u32 $0x380, s28;
	v15 =	vld.idx.msk [tilespmem:v17+s1+$0x0], $0xffff;
	v13 =	vand.u32 $0x7FFFFFFF, v13;
	v11 =	vsub.f32 v4, v11;
	v14 =	vand.u32 $0x7FFFFFFF, v14  }
0x40c: {  	s23 =	sor.u32 s23, s7;
	v10 =	vsub.f32 v6, v10;
	v19 =	vld.idx.msk [tilespmem:v17+s20+$0x0], $0xffff;
	v14 =	vadd.f32 v14, v13  }
0x40d: {  	v23 =	vld [tilespmem:s23+$0x6000];
	v9 =	vand.u32 $0x7FFFFFFF, v9;
	v12 =	vand.u32 $0x7FFFFFFF, v12;
	v11 =	vand.u32 $0x7FFFFFFF, v11  }
0x40e: {  	v9 =	vadd.f32 v12, v9;
	v12 =	vld.idx.msk [tilespmem:v17+s21+$0x0], $0xffff;
	v11 =	vadd.f32 v11, v14  }
0x40f: {  	v63 =	vld [tilespmem:s23+$0x6010];
	v10 =	vand.u32 $0x7FFFFFFF, v10  }
0x410: {  	v9 =	vadd.f32 v10, v9;
	v10 =	vld [tilespmem:s0+$0x6430];
	[tilespmem:s2+$0xE050] =	vst v11  }
0x411: {  	v11 =	vsub.f32 v1, v15;
	v15 =	vsub.f32 v2, v19;
	v17 =	vld.idx.msk [tilespmem:v16+s1+$0x0], $0xffff  }
0x412: {  	[tilespmem:s22+$0xE010] =	vst v9;
	v9 =	vld.idx.msk [tilespmem:v16+s20+$0x0], $0xffff  }
0x413: {  	v11 =	vand.u32 $0x7FFFFFFF, v11;
	v15 =	vand.u32 $0x7FFFFFFF, v15;
	v12 =	vsub.f32 v0, v12;
	v19 =	vld.idx.msk [tilespmem:v18+s1+$0x0], $0xffff  }
0x414: {  	v11 =	vadd.f32 v15, v11;
	v15 =	vld.idx.msk [tilespmem:v16+s21+$0x0], $0xffff  }
0x415: {  	v16 =	vld.idx.msk [tilespmem:v18+s20+$0x0], $0xffff;
	v12 =	vand.u32 $0x7FFFFFFF, v12  }
0x416: {  	v11 =	vadd.f32 v12, v11;
	v12 =	vld.idx.msk [tilespmem:v18+s21+$0x0], $0xffff  }
0x417: {  	v18 =	vld [tilespmem:s2+$0x6070];
	v17 =	vsub.f32 v5, v17;
	v9 =	vsub.f32 v3, v9  }
0x418: {  	v13 =	vld [tilespmem:s0+$0x6450];
	[tilespmem:s0+$0xE420] =	vst v11  }
0x419: {  	v11 =	vld.idx.msk [tilespmem:v10+s1+$0x0], $0xffff;
	v17 =	vand.u32 $0x7FFFFFFF, v17;
	v9 =	vand.u32 $0x7FFFFFFF, v9;
	v15 =	vsub.f32 v4, v15  }
0x41a: {  	v20 =	vld.idx.msk [tilespmem:v10+s20+$0x0], $0xffff;
	v9 =	vadd.f32 v9, v17  }
0x41b: {  	s25 =	sadd.s32 $0x1, s3;
	v19 =	vsub.f32 v7, v19;
	v16 =	vsub.f32 v8, v16;
	v17 =	vld [tilespmem:s22+$0x6030];
	v15 =	vand.u32 $0x7FFFFFFF, v15  }
0x41c: {  	v21 =	vmov s25;
	v10 =	vld.idx.msk [tilespmem:v10+s21+$0x0], $0xffff;
	v9 =	vadd.f32 v15, v9  }
0x41d: {  	v14 =	vld [tilespmem:s0+$0x6440];
	v19 =	vand.u32 $0x7FFFFFFF, v19;
	v12 =	vsub.f32 v6, v12;
	v16 =	vand.u32 $0x7FFFFFFF, v16  }
0x41e: {  	v15 =	vld [tilespmem:s2+$0x6400];
	v16 =	vadd.f32 v16, v19;
	[tilespmem:s2+$0xE060] =	vst v9  }
0x41f: {  	v9 =	vand.u32 $0x7FFFFFFF, v12;
	v11 =	vsub.f32 v1, v11;
	v19 =	vsub.f32 v2, v20;
	v12 =	vld.idx.msk [tilespmem:v18+s1+$0x0], $0xffff  }
0x420: {  	v16 =	vadd.f32 v9, v16;
	v20 =	vld.idx.msk [tilespmem:v18+s20+$0x0], $0xffff  }
0x421: {  	v10 =	vsub.f32 v0, v10;
	v9 =	vld.idx.msk [tilespmem:v21+s21+$0x0], $0xffff;
	v11 =	vand.u32 $0x7FFFFFFF, v11;
	v19 =	vand.u32 $0x7FFFFFFF, v19  }
0x422: {  	[tilespmem:s22+$0xE020] =	vst v16;
	v16 =	vld.idx.msk [tilespmem:v18+s21+$0x0], $0xffff;
	v11 =	vadd.f32 v19, v11  }
0x423: {  	v10 =	vand.u32 $0x7FFFFFFF, v10;
	v18 =	vld.idx.msk [tilespmem:v17+s1+$0x0], $0xffff  }
0x424: {  	v19 =	vld.idx.msk [tilespmem:v17+s20+$0x0], $0xffff;
	v10 =	vadd.f32 v10, v11  }
0x425: {  	v17 =	vld.idx.msk [tilespmem:v17+s21+$0x0], $0xffff;
	v12 =	vsub.f32 v5, v12;
	v20 =	vsub.f32 v3, v20  }
0x426: {  	v11 =	vld.idx.msk [tilespmem:v21+s1+$0x0], $0xffff;
	[tilespmem:s0+$0xE430] =	vst v10  }
0x427: {  	v60 =	vld.idx.msk [tilespmem:v14+s1+$0x0], $0xffff;
	v12 =	vand.u32 $0x7FFFFFFF, v12;
	v20 =	vand.u32 $0x7FFFFFFF, v20  }
0x428: {  	v16 =	vsub.f32 v4, v16;
	v61 =	vld.idx.msk [tilespmem:v14+s20+$0x0], $0xffff;
	v12 =	vadd.f32 v20, v12  }
0x429: {  	v10 =	vld.idx.msk [tilespmem:v21+s20+$0x0], $0xffff;
	v18 =	vsub.f32 v7, v18;
	v19 =	vsub.f32 v8, v19  }
0x42a: {  	v14 =	vld.idx.msk [tilespmem:v14+s21+$0x0], $0xffff;
	v17 =	vsub.f32 v6, v17;
	v16 =	vand.u32 $0x7FFFFFFF, v16  }
0x42b: {  	v21 =	vld.idx.msk [tilespmem:v23+s20+$0x0], $0xffff;
	v12 =	vadd.f32 v16, v12;
	v18 =	vand.u32 $0x7FFFFFFF, v18;
	v19 =	vand.u32 $0x7FFFFFFF, v19  }
0x42c: {  	v16 =	vld.idx.msk [tilespmem:v23+s1+$0x0], $0xffff;
	v18 =	vadd.f32 v19, v18  }
0x42d: {  	v20 =	vld.idx.msk [tilespmem:v23+s21+$0x0], $0xffff;
	[tilespmem:s2+$0xE070] =	vst v12;
	v12 =	vand.u32 $0x7FFFFFFF, v17;
	v19 =	vsub.f32 v1, v60;
	v23 =	vsub.f32 v2, v61  }
0x42e: {  	v17 =	vld.idx.msk [tilespmem:v15+s1+$0x0], $0xffff;
	v12 =	vadd.f32 v12, v18  }
0x42f: {  	v14 =	vsub.f32 v0, v14;
	v18 =	vld.idx.msk [tilespmem:v15+s20+$0x0], $0xffff;
	v19 =	vand.u32 $0x7FFFFFFF, v19;
	v23 =	vand.u32 $0x7FFFFFFF, v23  }
0x430: {  	[tilespmem:s22+$0xE030] =	vst v12;
	v12 =	vld.idx.msk [tilespmem:v15+s21+$0x0], $0xffff;
	v15 =	vadd.f32 v23, v19  }
0x431: {  	v62 =	vld [tilespmem:s2+$0x6410];
	v14 =	vand.u32 $0x7FFFFFFF, v14;
	v16 =	vsub.f32 v11, v16  }
0x432: {  	v21 =	vsub.f32 v10, v21;
	v19 =	vld.idx.msk [tilespmem:v22+s1+$0x0], $0xffff;
	v14 =	vadd.f32 v14, v15  }
0x433: {  	v23 =	vld.idx.msk [tilespmem:v22+s20+$0x0], $0xffff;
	v15 =	vand.u32 $0x7FFFFFFF, v16;
	v16 =	vsub.f32 v9, v20  }
0x434: {  	v20 =	vand.u32 $0x7FFFFFFF, v21;
	v21 =	vld.idx.msk [tilespmem:v22+s21+$0x0], $0xffff;
	v17 =	vsub.f32 v5, v17;
	v18 =	vsub.f32 v3, v18;
	[tilespmem:s0+$0xE440] =	vst v14  }
0x435: {  	v14 =	vadd.f32 v20, v15;
	v15 =	vand.u32 $0x7FFFFFFF, v16;
	v16 =	vld.idx.msk [tilespmem:v13+s1+$0x0], $0xffff  }
0x436: {  	v17 =	vand.u32 $0x7FFFFFFF, v17;
	v18 =	vand.u32 $0x7FFFFFFF, v18;
	v20 =	vsub.f32 v4, v12;
	v22 =	vld.idx.msk [tilespmem:v13+s20+$0x0], $0xffff  }
0x437: {  	v12 =	vld [tilespmem:s0+$0x6460];
	v14 =	vadd.f32 v15, v14;
	v15 =	vadd.f32 v18, v17  }
0x438: {  	v13 =	vld.idx.msk [tilespmem:v13+s21+$0x0], $0xffff;
	v17 =	vsub.f32 v7, v19;
	v19 =	vsub.f32 v8, v23  }
0x439: {  	v18 =	vld [tilespmem:s22+$0x6050];
	v20 =	vand.u32 $0x7FFFFFFF, v20;
	v21 =	vsub.f32 v6, v21  }
0x43a: {  	v15 =	vadd.f32 v20, v15;
	[tilespmem:s23+$0xE000] =	vst v14;
	v17 =	vand.u32 $0x7FFFFFFF, v17;
	v19 =	vand.u32 $0x7FFFFFFF, v19;
	v14 =	vld [tilespmem:s2+$0x6420]  }
0x43b: {  	v20 =	vld.idx.msk [tilespmem:v63+s21+$0x0], $0xffff;
	v17 =	vadd.f32 v19, v17  }
0x43c: {  	v19 =	vand.u32 $0x7FFFFFFF, v21;
	v21 =	vld.idx.msk [tilespmem:v63+s1+$0x0], $0xffff;
	[tilespmem:s2+$0xE400] =	vst v15;
	v16 =	vsub.f32 v1, v16;
	v22 =	vsub.f32 v2, v22  }
0x43d: {  	v13 =	vsub.f32 v0, v13;
	v15 =	vld.idx.msk [tilespmem:v62+s1+$0x0], $0xffff  }
0x43e: {  	v19 =	vadd.f32 v19, v17;
	v17 =	vld.idx.msk [tilespmem:v62+s20+$0x0], $0xffff;
	v23 =	vand.u32 $0x7FFFFFFF, v16;
	v22 =	vand.u32 $0x7FFFFFFF, v22  }
0x43f: {  	v16 =	vld.idx.msk [tilespmem:v62+s21+$0x0], $0xffff;
	v23 =	vadd.f32 v22, v23  }
0x440: {  	v13 =	vand.u32 $0x7FFFFFFF, v13;
	v22 =	vld.idx.msk [tilespmem:v63+s20+$0x0], $0xffff;
	[tilespmem:s22+$0xE040] =	vst v19  }
0x441: {  	s3 =	simm.s32 $0x400;
	v19 =	vld.idx.msk [tilespmem:v18+s21+$0x0], $0xffff;
	v13 =	vadd.f32 v13, v23  }
.LBB2_6:
0x442: {  	p0 =	sne.s32 s3, $0x3F00;
	v23 =	vld.idx.msk [tilespmem:v18+s1+$0x0], $0xffff  }
0x443: {  	v15 =	vsub.f32 v5, v15;
	v17 =	vsub.f32 v3, v17;
	v18 =	vld.idx.msk [tilespmem:v18+s20+$0x0], $0xffff;
	[tilespmem:s0+$0xE450] =	vst v13  }
0x444: {  	v24 =	vld.idx.msk [tilespmem:v12+s1+$0x0], $0xffff  }
0x445: {  	v13 =	vand.u32 $0x7FFFFFFF, v15;
	v15 =	vand.u32 $0x7FFFFFFF, v17;
	v16 =	vsub.f32 v4, v16;
	v17 =	vld.idx.msk [tilespmem:v12+s20+$0x0], $0xffff  }
0x446: {  	v20 =	vsub.f32 v9, v20;
	v13 =	vadd.f32 v15, v13;
	v15 =	vld [tilespmem:s0+$0x6470]  }
0x447: {  	v21 =	vsub.f32 v11, v21;
	v22 =	vsub.f32 v10, v22;
	v16 =	vand.u32 $0x7FFFFFFF, v16;
	v25 =	vld.idx.msk [tilespmem:v12+s21+$0x0], $0xffff  }
0x448: {  	v12 =	vand.u32 $0x7FFFFFFF, v20;
	v23 =	vsub.f32 v7, v23;
	v13 =	vadd.f32 v16, v13;
	v20 =	vld [tilespmem:s23+$0x6020]  }
0x449: {  	v16 =	vand.u32 $0x7FFFFFFF, v21;
	v21 =	vand.u32 $0x7FFFFFFF, v22;
	v18 =	vsub.f32 v8, v18;
	v22 =	vld [tilespmem:s22+$0x6060]  }
0x44a: {  	v19 =	vsub.f32 v6, v19;
	v16 =	vadd.f32 v21, v16;
	v21 =	vand.u32 $0x7FFFFFFF, v23;
	[tilespmem:s2+$0xE410] =	vst v13;
	v13 =	vld [tilespmem:s2+$0x6450]  }
0x44b: {  	v24 =	vsub.f32 v1, v24;
	v18 =	vand.u32 $0x7FFFFFFF, v18;
	v17 =	vsub.f32 v2, v17;
	v23 =	vld.idx.msk [tilespmem:v14+s1+$0x0], $0xffff  }
0x44c: {  	v19 =	vand.u32 $0x7FFFFFFF, v19;
	v16 =	vadd.f32 v12, v16;
	v18 =	vadd.f32 v18, v21;
	v21 =	vld.idx.msk [tilespmem:v14+s20+$0x0], $0xffff  }
0x44d: {  	v24 =	vand.u32 $0x7FFFFFFF, v24;
	v17 =	vand.u32 $0x7FFFFFFF, v17;
	v25 =	vsub.f32 v0, v25;
	v12 =	vld [tilespmem:s2+$0x6440]  }
0x44e: {  	v18 =	vadd.f32 v19, v18;
	v17 =	vadd.f32 v17, v24;
	v14 =	vld.idx.msk [tilespmem:v14+s21+$0x0], $0xffff  }
0x44f: {  	v19 =	vand.u32 $0x7FFFFFFF, v25;
	[tilespmem:s23+$0xE010] =	vst v16;
	v16 =	vld [tilespmem:s2+$0x6430]  }
0x450: {  	v17 =	vadd.f32 v19, v17;
	v24 =	vld.idx.msk [tilespmem:v20+s1+$0x0], $0xffff;
	[tilespmem:s22+$0xE050] =	vst v18  }
0x451: {  	v18 =	vld.idx.msk [tilespmem:v22+s1+$0x0], $0xffff  }
0x452: {  	v23 =	vsub.f32 v5, v23;
	v21 =	vsub.f32 v3, v21;
	v19 =	vld.idx.msk [tilespmem:v22+s20+$0x0], $0xffff;
	[tilespmem:s0+$0xE460] =	vst v17  }
0x453: {  	v17 =	vld.idx.msk [tilespmem:v15+s1+$0x0], $0xffff  }
0x454: {  	v23 =	vand.u32 $0x7FFFFFFF, v23;
	v21 =	vand.u32 $0x7FFFFFFF, v21;
	v14 =	vsub.f32 v4, v14;
	v25 =	vld.idx.msk [tilespmem:v15+s20+$0x0], $0xffff  }
0x455: {  	v21 =	vadd.f32 v21, v23;
	v22 =	vld.idx.msk [tilespmem:v22+s21+$0x0], $0xffff  }
0x456: {  	v14 =	vand.u32 $0x7FFFFFFF, v14;
	v15 =	vld.idx.msk [tilespmem:v15+s21+$0x0], $0xffff  }
0x457: {  	v18 =	vsub.f32 v7, v18;
	v14 =	vadd.f32 v14, v21;
	v23 =	vld.idx.msk [tilespmem:v20+s20+$0x0], $0xffff  }
0x458: {  	v19 =	vsub.f32 v8, v19;
	v20 =	vld.idx.msk [tilespmem:v20+s21+$0x0], $0xffff  }
0x459: {  	v21 =	vsub.f32 v11, v24;
	v18 =	vand.u32 $0x7FFFFFFF, v18;
	v24 =	vld [tilespmem:s22+$0x6070];
	[tilespmem:s2+$0xE420] =	vst v14  }
0x45a: {  	s25 =	sadd.s32 $0x1, s25;
	v17 =	vsub.f32 v1, v17;
	v1 =	vmovc v5;
	v14 =	vand.u32 $0x7FFFFFFF, v19;
	v2 =	vsub.f32 v2, v25;
	v19 =	vld.idx.msk [tilespmem:v16+s1+$0x0], $0xffff  }
0x45b: {  	v5 =	vmovc v7;
	v7 =	vmovc v11;
	v25 =	vmov s25;
	v14 =	vadd.f32 v14, v18;
	v18 =	vsub.f32 v6, v22;
	v22 =	vld.idx.msk [tilespmem:v16+s20+$0x0], $0xffff  }
0x45c: {  	v11 =	vand.u32 $0x7FFFFFFF, v17;
	v27 =	vand.u32 $0x7FFFFFFF, v2;
	v15 =	vsub.f32 v0, v15;
	v0 =	vmovc v4;
	v4 =	vmovc v6;
	v26 =	vld [tilespmem:s23+$0x6030]  }
0x45d: {  	s28 =	sadd.s32 $0x80, s28;
	v6 =	vmovc v9;
	v17 =	vsub.f32 v10, v23;
	v18 =	vand.u32 $0x7FFFFFFF, v18;
	v11 =	vadd.f32 v27, v11;
	v16 =	vld.idx.msk [tilespmem:v16+s21+$0x0], $0xffff  }
0x45e: {  	s5 =	sand.u32 $0x3800, s3;
	s7 =	sand.u32 $0x380, s28;
	v9 =	vsub.f32 v6, v20;
	v14 =	vadd.f32 v18, v14;
	v15 =	vand.u32 $0x7FFFFFFF, v15;
	v2 =	vmovc v3;
	v3 =	vmovc v8;
	v18 =	vld [tilespmem:s22+$0x6400]  }
0x45f: {  	s5 =	sor.u32 s7, s5;
	v20 =	vand.u32 $0x7FFFFFFF, v21;
	v8 =	vmovc v10;
	v17 =	vand.u32 $0x7FFFFFFF, v17;
	v11 =	vadd.f32 v15, v11;
	v21 =	vld [tilespmem:s23+$0x6040]  }
0x460: {  	v10 =	vadd.f32 v17, v20;
	v15 =	vld [tilespmem:s5+$0x6000];
	[tilespmem:s22+$0xE060] =	vst v14  }
0x461: {  	v9 =	vand.u32 $0x7FFFFFFF, v9;
	v17 =	vsub.f32 v1, v19;
	v19 =	vsub.f32 v2, v22;
	v14 =	vld.idx.msk [tilespmem:v24+s1+$0x0], $0xffff;
	[tilespmem:s0+$0xE470] =	vst v11;
	s0 =	smov.u32 s2;
	s2 =	smov.u32 s22;
	s22 =	smov.u32 s23  }
0x462: {  	v10 =	vadd.f32 v9, v10;
	s23 =	smov.u32 s5;
	v20 =	vld.idx.msk [tilespmem:v24+s20+$0x0], $0xffff  }
0x463: {  	v11 =	vand.u32 $0x7FFFFFFF, v17;
	v17 =	vand.u32 $0x7FFFFFFF, v19;
	v16 =	vsub.f32 v0, v16;
	v9 =	vld.idx.msk [tilespmem:v25+s21+$0x0], $0xffff  }
0x464: {  	v11 =	vadd.f32 v17, v11;
	[tilespmem:s22+$0xE020] =	vst v10;
	v10 =	vld.idx.msk [tilespmem:v24+s21+$0x0], $0xffff  }
0x465: {  	v16 =	vand.u32 $0x7FFFFFFF, v16;
	v17 =	vld.idx.msk [tilespmem:v26+s1+$0x0], $0xffff  }
0x466: {  	v16 =	vadd.f32 v16, v11;
	v19 =	vld.idx.msk [tilespmem:v26+s20+$0x0], $0xffff  }
0x467: {  	v11 =	vld.idx.msk [tilespmem:v25+s1+$0x0], $0xffff  }
0x468: {  	v14 =	vsub.f32 v5, v14;
	v20 =	vsub.f32 v3, v20;
	v22 =	vld.idx.msk [tilespmem:v26+s21+$0x0], $0xffff;
	[tilespmem:s0+$0xE430] =	vst v16  }
0x469: {  	v16 =	vld.idx.msk [tilespmem:v12+s1+$0x0], $0xffff  }
0x46a: {  	v14 =	vand.u32 $0x7FFFFFFF, v14;
	v20 =	vand.u32 $0x7FFFFFFF, v20;
	v23 =	vsub.f32 v4, v10;
	v24 =	vld.idx.msk [tilespmem:v12+s20+$0x0], $0xffff  }
0x46b: {  	v14 =	vadd.f32 v20, v14;
	v10 =	vld.idx.msk [tilespmem:v25+s20+$0x0], $0xffff  }
0x46c: {  	v17 =	vsub.f32 v7, v17;
	v19 =	vsub.f32 v8, v19;
	v20 =	vand.u32 $0x7FFFFFFF, v23;
	v12 =	vld.idx.msk [tilespmem:v12+s21+$0x0], $0xffff  }
0x46d: {  	v14 =	vadd.f32 v20, v14;
	v23 =	vld.idx.msk [tilespmem:v15+s21+$0x0], $0xffff  }
0x46e: {  	v17 =	vand.u32 $0x7FFFFFFF, v17;
	v19 =	vand.u32 $0x7FFFFFFF, v19;
	v22 =	vsub.f32 v6, v22;
	v20 =	vld.idx.msk [tilespmem:v15+s1+$0x0], $0xffff  }
0x46f: {  	v17 =	vadd.f32 v19, v17;
	v15 =	vld.idx.msk [tilespmem:v15+s20+$0x0], $0xffff;
	[tilespmem:s2+$0xE070] =	vst v14  }
0x470: {  	v16 =	vsub.f32 v1, v16;
	v14 =	vand.u32 $0x7FFFFFFF, v22;
	v22 =	vsub.f32 v2, v24;
	v19 =	vld.idx.msk [tilespmem:v18+s1+$0x0], $0xffff  }
0x471: {  	v14 =	vadd.f32 v14, v17;
	v17 =	vld.idx.msk [tilespmem:v18+s20+$0x0], $0xffff  }
0x472: {  	v16 =	vand.u32 $0x7FFFFFFF, v16;
	v22 =	vand.u32 $0x7FFFFFFF, v22;
	v12 =	vsub.f32 v0, v12;
	v24 =	vld [tilespmem:s2+$0x6410]  }
0x473: {  	v16 =	vadd.f32 v22, v16;
	[tilespmem:s22+$0xE030] =	vst v14;
	v14 =	vld.idx.msk [tilespmem:v18+s21+$0x0], $0xffff  }
0x474: {  	v18 =	vsub.f32 v11, v20;
	v12 =	vand.u32 $0x7FFFFFFF, v12;
	v20 =	vld.idx.msk [tilespmem:v21+s1+$0x0], $0xffff  }
0x475: {  	v15 =	vsub.f32 v10, v15;
	v12 =	vadd.f32 v12, v16;
	v22 =	vld.idx.msk [tilespmem:v21+s20+$0x0], $0xffff  }
0x476: {  	v16 =	vand.u32 $0x7FFFFFFF, v18;
	v18 =	vsub.f32 v9, v23;
	v23 =	vld [tilespmem:s23+$0x6010]  }
0x477: {  	v19 =	vsub.f32 v5, v19;
	v15 =	vand.u32 $0x7FFFFFFF, v15;
	v17 =	vsub.f32 v3, v17;
	v21 =	vld.idx.msk [tilespmem:v21+s21+$0x0], $0xffff;
	[tilespmem:s0+$0xE440] =	vst v12  }
0x478: {  	v12 =	vadd.f32 v15, v16;
	v15 =	vand.u32 $0x7FFFFFFF, v18;
	v16 =	vld.idx.msk [tilespmem:v13+s1+$0x0], $0xffff  }
0x479: {  	v18 =	vand.u32 $0x7FFFFFFF, v19;
	v17 =	vand.u32 $0x7FFFFFFF, v17;
	v14 =	vsub.f32 v4, v14;
	v19 =	vld.idx.msk [tilespmem:v13+s20+$0x0], $0xffff  }
0x47a: {  	v15 =	vadd.f32 v15, v12;
	v17 =	vadd.f32 v17, v18;
	v12 =	vld [tilespmem:s0+$0x6460]  }
0x47b: {  	v20 =	vsub.f32 v7, v20;
	v22 =	vsub.f32 v8, v22;
	v14 =	vand.u32 $0x7FFFFFFF, v14;
	v13 =	vld.idx.msk [tilespmem:v13+s21+$0x0], $0xffff  }
0x47c: {  	v17 =	vadd.f32 v14, v17;
	v18 =	vld [tilespmem:s22+$0x6050]  }
0x47d: {  	v22 =	vand.u32 $0x7FFFFFFF, v22;
	v21 =	vsub.f32 v6, v21;
	[tilespmem:s23+$0xE000] =	vst v15;
	v15 =	vand.u32 $0x7FFFFFFF, v20;
	v14 =	vld [tilespmem:s2+$0x6420]  }
0x47e: {  	v20 =	vld.idx.msk [tilespmem:v23+s21+$0x0], $0xffff;
	v22 =	vadd.f32 v22, v15;
	[tilespmem:s2+$0xE400] =	vst v17  }
0x47f: {  	v16 =	vsub.f32 v1, v16;
	v17 =	vand.u32 $0x7FFFFFFF, v21;
	v19 =	vsub.f32 v2, v19;
	v15 =	vld.idx.msk [tilespmem:v24+s1+$0x0], $0xffff  }
.Ltmp2:
0x480: {  	v25 =	vadd.f32 v17, v22;
	v17 =	vld.idx.msk [tilespmem:v24+s20+$0x0], $0xffff;
	(pc) =	sbr.rel @p0 .LBB2_6-.Ltmp2, $4  }
0x481: {  	v22 =	vand.u32 $0x7FFFFFFF, v16;
	v19 =	vand.u32 $0x7FFFFFFF, v19;
	v13 =	vsub.f32 v0, v13;
	v21 =	vld.idx.msk [tilespmem:v23+s1+$0x0], $0xffff  }
0x482: {  	v16 =	vld.idx.msk [tilespmem:v24+s21+$0x0], $0xffff;
	v24 =	vadd.f32 v19, v22  }
0x483: {  	v13 =	vand.u32 $0x7FFFFFFF, v13;
	v22 =	vld.idx.msk [tilespmem:v23+s20+$0x0], $0xffff;
	[tilespmem:s22+$0xE040] =	vst v25  }
0x484: {  	s3 =	sadd.s32 $0x100, s3;
	v19 =	vld.idx.msk [tilespmem:v18+s21+$0x0], $0xffff;
	v13 =	vadd.f32 v13, v24  }
0x485: {  	_ =	sdelay $0x2  }
0x486: {  	v23 =	vld [tilespmem:s23+$0x6020];
	v21 =	vsub.f32 v11, v21;
	v22 =	vsub.f32 v10, v22;
	_ =	sdelay $0x1  }
0x487: {  	v20 =	vsub.f32 v9, v20;
	v21 =	vand.u32 $0x7FFFFFFF, v21;
	v22 =	vand.u32 $0x7FFFFFFF, v22  }
0x488: {  	v21 =	vadd.f32 v22, v21  }
0x489: {  	v20 =	vand.u32 $0x7FFFFFFF, v20  }
0x48a: {  	v20 =	vadd.f32 v20, v21;
	_ =	sdelay $0x1  }
0x48b: {  	[tilespmem:s23+$0xE010] =	vst v20  }
0x48c: {  	v20 =	vld.idx.msk [tilespmem:v23+s1+$0x0], $0xffff  }
0x48d: {  	v21 =	vld.idx.msk [tilespmem:v23+s20+$0x0], $0xffff;
	_ =	sdelay $0x1  }
0x48e: {  	v22 =	vld.idx.msk [tilespmem:v23+s21+$0x0], $0xffff;
	_ =	sdelay $0x2  }
0x48f: {  	v23 =	vld [tilespmem:s23+$0x6030];
	v20 =	vsub.f32 v11, v20;
	v21 =	vsub.f32 v10, v21;
	_ =	sdelay $0x1  }
0x490: {  	v22 =	vsub.f32 v9, v22;
	v20 =	vand.u32 $0x7FFFFFFF, v20;
	v21 =	vand.u32 $0x7FFFFFFF, v21  }
0x491: {  	v20 =	vadd.f32 v21, v20  }
0x492: {  	v21 =	vand.u32 $0x7FFFFFFF, v22  }
0x493: {  	v20 =	vadd.f32 v21, v20;
	_ =	sdelay $0x1  }
0x494: {  	[tilespmem:s23+$0xE020] =	vst v20  }
0x495: {  	v20 =	vld.idx.msk [tilespmem:v23+s1+$0x0], $0xffff  }
0x496: {  	v22 =	vld.idx.msk [tilespmem:v23+s20+$0x0], $0xffff;
	_ =	sdelay $0x1  }
0x497: {  	v23 =	vld.idx.msk [tilespmem:v23+s21+$0x0], $0xffff;
	_ =	sdelay $0x2  }
0x498: {  	v21 =	vld [tilespmem:s23+$0x6040];
	v20 =	vsub.f32 v11, v20;
	v22 =	vsub.f32 v10, v22;
	_ =	sdelay $0x1  }
0x499: {  	v23 =	vsub.f32 v9, v23;
	v20 =	vand.u32 $0x7FFFFFFF, v20;
	v22 =	vand.u32 $0x7FFFFFFF, v22  }
0x49a: {  	v20 =	vadd.f32 v22, v20  }
0x49b: {  	v22 =	vand.u32 $0x7FFFFFFF, v23  }
0x49c: {  	v20 =	vadd.f32 v22, v20;
	_ =	sdelay $0x1  }
0x49d: {  	[tilespmem:s23+$0xE030] =	vst v20  }
0x49e: {  	v20 =	vld.idx.msk [tilespmem:v21+s1+$0x0], $0xffff  }
0x49f: {  	v22 =	vld.idx.msk [tilespmem:v21+s20+$0x0], $0xffff;
	_ =	sdelay $0x1  }
0x4a0: {  	v21 =	vld.idx.msk [tilespmem:v21+s21+$0x0], $0xffff;
	_ =	sdelay $0x2  }
0x4a1: {  	v23 =	vld [tilespmem:s23+$0x6050];
	v20 =	vsub.f32 v11, v20;
	v22 =	vsub.f32 v10, v22;
	_ =	sdelay $0x1  }
0x4a2: {  	v24 =	vld.idx.msk [tilespmem:v18+s1+$0x0], $0xffff;
	v21 =	vsub.f32 v9, v21;
	v20 =	vand.u32 $0x7FFFFFFF, v20;
	v22 =	vand.u32 $0x7FFFFFFF, v22  }
0x4a3: {  	v18 =	vld.idx.msk [tilespmem:v18+s20+$0x0], $0xffff;
	v20 =	vadd.f32 v22, v20  }
0x4a4: {  	v21 =	vand.u32 $0x7FFFFFFF, v21  }
0x4a5: {  	v20 =	vadd.f32 v21, v20;
	_ =	sdelay $0x1  }
0x4a6: {  	v21 =	vld [tilespmem:s22+$0x6060];
	[tilespmem:s23+$0xE040] =	vst v20  }
0x4a7: {  	v18 =	vsub.f32 v8, v18;
	v20 =	vsub.f32 v7, v24;
	v22 =	vld.idx.msk [tilespmem:v23+s1+$0x0], $0xffff  }
0x4a8: {  	v45 =	vld.idx.msk [tilespmem:v23+s20+$0x0], $0xffff  }
0x4a9: {  	v19 =	vsub.f32 v6, v19;
	v18 =	vand.u32 $0x7FFFFFFF, v18;
	v20 =	vand.u32 $0x7FFFFFFF, v20  }
0x4aa: {  	v18 =	vadd.f32 v18, v20;
	v20 =	vld.idx.msk [tilespmem:v23+s21+$0x0], $0xffff  }
0x4ab: {  	v19 =	vand.u32 $0x7FFFFFFF, v19  }
0x4ac: {  	v18 =	vadd.f32 v19, v18  }
0x4ad: {  	v23 =	vld [tilespmem:s23+$0x6060];
	v19 =	vsub.f32 v11, v22;
	v22 =	vsub.f32 v10, v45  }
0x4ae: {  	[tilespmem:s22+$0xE050] =	vst v18  }
0x4af: {  	v18 =	vld.idx.msk [tilespmem:v21+s1+$0x0], $0xffff;
	v19 =	vand.u32 $0x7FFFFFFF, v19;
	v20 =	vsub.f32 v9, v20;
	v22 =	vand.u32 $0x7FFFFFFF, v22  }
0x4b0: {  	v46 =	vld.idx.msk [tilespmem:v21+s20+$0x0], $0xffff;
	v19 =	vadd.f32 v22, v19  }
0x4b1: {  	v20 =	vand.u32 $0x7FFFFFFF, v20  }
0x4b2: {  	v21 =	vld.idx.msk [tilespmem:v21+s21+$0x0], $0xffff;
	v19 =	vadd.f32 v20, v19;
	_ =	sdelay $0x1  }
0x4b3: {  	v20 =	vld [tilespmem:s22+$0x6070];
	[tilespmem:s23+$0xE050] =	vst v19  }
0x4b4: {  	v18 =	vsub.f32 v7, v18;
	v19 =	vsub.f32 v8, v46;
	v22 =	vld.idx.msk [tilespmem:v23+s1+$0x0], $0xffff  }
0x4b5: {  	v47 =	vld.idx.msk [tilespmem:v23+s20+$0x0], $0xffff  }
0x4b6: {  	v21 =	vsub.f32 v6, v21;
	v18 =	vand.u32 $0x7FFFFFFF, v18;
	v19 =	vand.u32 $0x7FFFFFFF, v19  }
0x4b7: {  	v18 =	vadd.f32 v19, v18;
	v19 =	vld.idx.msk [tilespmem:v23+s21+$0x0], $0xffff  }
0x4b8: {  	v21 =	vand.u32 $0x7FFFFFFF, v21  }
0x4b9: {  	v18 =	vadd.f32 v21, v18  }
0x4ba: {  	v48 =	vld [tilespmem:s23+$0x6070];
	v22 =	vsub.f32 v11, v22;
	v23 =	vsub.f32 v10, v47  }
0x4bb: {  	[tilespmem:s22+$0xE060] =	vst v18  }
0x4bc: {  	v18 =	vld.idx.msk [tilespmem:v20+s1+$0x0], $0xffff;
	v22 =	vand.u32 $0x7FFFFFFF, v22;
	v23 =	vand.u32 $0x7FFFFFFF, v23;
	v19 =	vsub.f32 v9, v19  }
0x4bd: {  	v25 =	vld.idx.msk [tilespmem:v20+s20+$0x0], $0xffff;
	v22 =	vadd.f32 v23, v22  }
0x4be: {  	v19 =	vand.u32 $0x7FFFFFFF, v19  }
0x4bf: {  	v20 =	vld.idx.msk [tilespmem:v20+s21+$0x0], $0xffff;
	v19 =	vadd.f32 v19, v22;
	_ =	sdelay $0x1  }
0x4c0: {  	v21 =	vld [tilespmem:s22+$0x6400];
	[tilespmem:s23+$0xE060] =	vst v19  }
0x4c1: {  	v18 =	vsub.f32 v7, v18;
	v19 =	vsub.f32 v8, v25;
	v23 =	vld.idx.msk [tilespmem:v48+s1+$0x0], $0xffff  }
0x4c2: {  	v49 =	vld.idx.msk [tilespmem:v48+s20+$0x0], $0xffff  }
0x4c3: {  	v20 =	vsub.f32 v6, v20;
	v18 =	vand.u32 $0x7FFFFFFF, v18;
	v19 =	vand.u32 $0x7FFFFFFF, v19  }
0x4c4: {  	v18 =	vadd.f32 v19, v18;
	v19 =	vld.idx.msk [tilespmem:v48+s21+$0x0], $0xffff  }
0x4c5: {  	v20 =	vand.u32 $0x7FFFFFFF, v20  }
0x4c6: {  	v18 =	vadd.f32 v20, v18  }
0x4c7: {  	v22 =	vld [tilespmem:s23+$0x6400];
	v20 =	vsub.f32 v11, v23;
	v23 =	vsub.f32 v10, v49  }
0x4c8: {  	[tilespmem:s22+$0xE070] =	vst v18  }
0x4c9: {  	v18 =	vld.idx.msk [tilespmem:v21+s1+$0x0], $0xffff;
	v20 =	vand.u32 $0x7FFFFFFF, v20;
	v23 =	vand.u32 $0x7FFFFFFF, v23;
	v19 =	vsub.f32 v9, v19  }
0x4ca: {  	v50 =	vld.idx.msk [tilespmem:v21+s20+$0x0], $0xffff;
	v20 =	vadd.f32 v23, v20  }
0x4cb: {  	v19 =	vand.u32 $0x7FFFFFFF, v19  }
0x4cc: {  	v21 =	vld.idx.msk [tilespmem:v21+s21+$0x0], $0xffff;
	v19 =	vadd.f32 v19, v20;
	_ =	sdelay $0x1  }
0x4cd: {  	v20 =	vld [tilespmem:s22+$0x6410];
	[tilespmem:s23+$0xE070] =	vst v19  }
0x4ce: {  	v18 =	vsub.f32 v7, v18;
	v19 =	vsub.f32 v8, v50;
	v23 =	vld.idx.msk [tilespmem:v22+s1+$0x0], $0xffff  }
0x4cf: {  	v51 =	vld.idx.msk [tilespmem:v22+s20+$0x0], $0xffff  }
0x4d0: {  	v21 =	vsub.f32 v6, v21;
	v18 =	vand.u32 $0x7FFFFFFF, v18;
	v19 =	vand.u32 $0x7FFFFFFF, v19  }
0x4d1: {  	v15 =	vsub.f32 v5, v15;
	v18 =	vadd.f32 v19, v18;
	v19 =	vld.idx.msk [tilespmem:v22+s21+$0x0], $0xffff  }
0x4d2: {  	v17 =	vsub.f32 v3, v17;
	v21 =	vand.u32 $0x7FFFFFFF, v21  }
0x4d3: {  	v15 =	vand.u32 $0x7FFFFFFF, v15;
	v16 =	vsub.f32 v4, v16;
	v18 =	vadd.f32 v21, v18  }
0x4d4: {  	v17 =	vand.u32 $0x7FFFFFFF, v17;
	v22 =	vld [tilespmem:s23+$0x6410];
	v23 =	vsub.f32 v11, v23;
	v24 =	vsub.f32 v10, v51  }
0x4d5: {  	v15 =	vadd.f32 v17, v15;
	v16 =	vand.u32 $0x7FFFFFFF, v16;
	[tilespmem:s22+$0xE400] =	vst v18  }
0x4d6: {  	v17 =	vld.idx.msk [tilespmem:v20+s1+$0x0], $0xffff;
	v18 =	vand.u32 $0x7FFFFFFF, v23;
	v23 =	vand.u32 $0x7FFFFFFF, v24;
	v19 =	vsub.f32 v9, v19  }
0x4d7: {  	v15 =	vadd.f32 v16, v15;
	v52 =	vld.idx.msk [tilespmem:v20+s20+$0x0], $0xffff;
	v18 =	vadd.f32 v23, v18  }
0x4d8: {  	v16 =	vand.u32 $0x7FFFFFFF, v19  }
0x4d9: {  	[tilespmem:s2+$0xE410] =	vst v15;
	v19 =	vld.idx.msk [tilespmem:v20+s21+$0x0], $0xffff;
	v16 =	vadd.f32 v16, v18  }
0x4da: {  	v53 =	vld.idx.msk [tilespmem:v14+s20+$0x0], $0xffff  }
0x4db: {  	v21 =	vld [tilespmem:s22+$0x6420];
	[tilespmem:s23+$0xE400] =	vst v16  }
0x4dc: {  	v16 =	vsub.f32 v7, v17;
	v17 =	vsub.f32 v8, v52;
	v20 =	vld.idx.msk [tilespmem:v22+s1+$0x0], $0xffff  }
0x4dd: {  	v23 =	vld.idx.msk [tilespmem:v22+s20+$0x0], $0xffff  }
0x4de: {  	v18 =	vld.idx.msk [tilespmem:v14+s1+$0x0], $0xffff;
	v16 =	vand.u32 $0x7FFFFFFF, v16;
	v17 =	vand.u32 $0x7FFFFFFF, v17;
	v19 =	vsub.f32 v6, v19  }
0x4df: {  	v16 =	vadd.f32 v17, v16;
	v17 =	vld.idx.msk [tilespmem:v22+s21+$0x0], $0xffff  }
0x4e0: {  	v14 =	vld.idx.msk [tilespmem:v14+s21+$0x0], $0xffff;
	v19 =	vand.u32 $0x7FFFFFFF, v19  }
0x4e1: {  	v16 =	vadd.f32 v19, v16  }
0x4e2: {  	v15 =	vld [tilespmem:s23+$0x6420];
	v19 =	vsub.f32 v11, v20;
	v20 =	vsub.f32 v10, v23  }
0x4e3: {  	v18 =	vsub.f32 v5, v18;
	v23 =	vsub.f32 v3, v53;
	[tilespmem:s22+$0xE410] =	vst v16  }
0x4e4: {  	v16 =	vld.idx.msk [tilespmem:v21+s1+$0x0], $0xffff;
	v19 =	vand.u32 $0x7FFFFFFF, v19;
	v20 =	vand.u32 $0x7FFFFFFF, v20;
	v17 =	vsub.f32 v9, v17  }
0x4e5: {  	v14 =	vsub.f32 v4, v14;
	v54 =	vld.idx.msk [tilespmem:v21+s20+$0x0], $0xffff;
	v19 =	vadd.f32 v20, v19  }
0x4e6: {  	v22 =	vld [tilespmem:s2+$0x6430];
	v18 =	vand.u32 $0x7FFFFFFF, v18;
	v23 =	vand.u32 $0x7FFFFFFF, v23;
	v17 =	vand.u32 $0x7FFFFFFF, v17  }
0x4e7: {  	v21 =	vld.idx.msk [tilespmem:v21+s21+$0x0], $0xffff;
	v18 =	vadd.f32 v23, v18;
	v17 =	vadd.f32 v17, v19  }
0x4e8: {  	v14 =	vand.u32 $0x7FFFFFFF, v14  }
0x4e9: {  	v14 =	vadd.f32 v14, v18;
	[tilespmem:s23+$0xE410] =	vst v17  }
0x4ea: {  	v16 =	vsub.f32 v7, v16;
	v17 =	vsub.f32 v8, v54;
	v23 =	vld.idx.msk [tilespmem:v15+s1+$0x0], $0xffff  }
0x4eb: {  	[tilespmem:s2+$0xE420] =	vst v14;
	v14 =	vld.idx.msk [tilespmem:v15+s20+$0x0], $0xffff  }
0x4ec: {  	v18 =	vld [tilespmem:s22+$0x6430];
	v21 =	vsub.f32 v6, v21;
	v16 =	vand.u32 $0x7FFFFFFF, v16;
	v17 =	vand.u32 $0x7FFFFFFF, v17  }
0x4ed: {  	v15 =	vld.idx.msk [tilespmem:v15+s21+$0x0], $0xffff;
	v16 =	vadd.f32 v17, v16  }
0x4ee: {  	v21 =	vand.u32 $0x7FFFFFFF, v21  }
0x4ef: {  	v55 =	vld.idx.msk [tilespmem:v22+s1+$0x0], $0xffff;
	v16 =	vadd.f32 v21, v16  }
0x4f0: {  	v21 =	vld [tilespmem:s23+$0x6430];
	v23 =	vsub.f32 v11, v23;
	v14 =	vsub.f32 v10, v14  }
0x4f1: {  	v17 =	vld.idx.msk [tilespmem:v22+s20+$0x0], $0xffff  }
0x4f2: {  	v15 =	vsub.f32 v9, v15;
	[tilespmem:s22+$0xE420] =	vst v16;
	v16 =	vand.u32 $0x7FFFFFFF, v23;
	v14 =	vand.u32 $0x7FFFFFFF, v14  }
0x4f3: {  	v22 =	vld.idx.msk [tilespmem:v22+s21+$0x0], $0xffff;
	v14 =	vadd.f32 v14, v16  }
0x4f4: {  	v23 =	vld.idx.msk [tilespmem:v18+s1+$0x0], $0xffff;
	v15 =	vand.u32 $0x7FFFFFFF, v15  }
0x4f5: {  	v16 =	vld.idx.msk [tilespmem:v18+s20+$0x0], $0xffff;
	v14 =	vadd.f32 v15, v14  }
0x4f6: {  	v19 =	vld [tilespmem:s2+$0x6440];
	v17 =	vsub.f32 v3, v17;
	v15 =	vsub.f32 v5, v55  }
0x4f7: {  	v18 =	vld.idx.msk [tilespmem:v18+s21+$0x0], $0xffff;
	[tilespmem:s23+$0xE420] =	vst v14  }
0x4f8: {  	v14 =	vand.u32 $0x7FFFFFFF, v15;
	v15 =	vand.u32 $0x7FFFFFFF, v17;
	v17 =	vsub.f32 v4, v22;
	v22 =	vld.idx.msk [tilespmem:v21+s1+$0x0], $0xffff  }
0x4f9: {  	v14 =	vadd.f32 v15, v14;
	v15 =	vld.idx.msk [tilespmem:v21+s20+$0x0], $0xffff  }
0x4fa: {  	v26 =	vld [tilespmem:s22+$0x6440];
	v23 =	vsub.f32 v7, v23;
	v16 =	vsub.f32 v8, v16;
	v17 =	vand.u32 $0x7FFFFFFF, v17  }
0x4fb: {  	v14 =	vadd.f32 v17, v14;
	v17 =	vld.idx.msk [tilespmem:v21+s21+$0x0], $0xffff  }
0x4fc: {  	v18 =	vsub.f32 v6, v18;
	v21 =	vand.u32 $0x7FFFFFFF, v23;
	v16 =	vand.u32 $0x7FFFFFFF, v16  }
0x4fd: {  	v57 =	vld [tilespmem:s23+$0x6440];
	[tilespmem:s2+$0xE430] =	vst v14;
	v14 =	vadd.f32 v16, v21  }
0x4fe: {  	v18 =	vand.u32 $0x7FFFFFFF, v18;
	v16 =	vld.idx.msk [tilespmem:v19+s1+$0x0], $0xffff;
	v21 =	vsub.f32 v11, v22;
	v15 =	vsub.f32 v10, v15  }
0x4ff: {  	v14 =	vadd.f32 v18, v14;
	v18 =	vld.idx.msk [tilespmem:v19+s20+$0x0], $0xffff  }
0x500: {  	v21 =	vand.u32 $0x7FFFFFFF, v21;
	v15 =	vand.u32 $0x7FFFFFFF, v15;
	v17 =	vsub.f32 v9, v17  }
0x501: {  	v19 =	vld.idx.msk [tilespmem:v19+s21+$0x0], $0xffff;
	[tilespmem:s22+$0xE430] =	vst v14;
	v14 =	vadd.f32 v15, v21  }
0x502: {  	v15 =	vld.idx.msk [tilespmem:v26+s1+$0x0], $0xffff;
	v17 =	vand.u32 $0x7FFFFFFF, v17  }
0x503: {  	v21 =	vld.idx.msk [tilespmem:v26+s20+$0x0], $0xffff;
	v14 =	vadd.f32 v17, v14  }
0x504: {  	v20 =	vld [tilespmem:s2+$0x6450];
	v16 =	vsub.f32 v5, v16;
	v17 =	vsub.f32 v3, v18  }
0x505: {  	v18 =	vld.idx.msk [tilespmem:v26+s21+$0x0], $0xffff;
	[tilespmem:s23+$0xE430] =	vst v14  }
0x506: {  	v14 =	vand.u32 $0x7FFFFFFF, v16;
	v16 =	vand.u32 $0x7FFFFFFF, v17;
	v17 =	vsub.f32 v4, v19;
	v19 =	vld.idx.msk [tilespmem:v57+s1+$0x0], $0xffff  }
0x507: {  	v14 =	vadd.f32 v16, v14;
	v16 =	vld.idx.msk [tilespmem:v57+s20+$0x0], $0xffff  }
0x508: {  	v56 =	vld [tilespmem:s22+$0x6450];
	v15 =	vsub.f32 v7, v15;
	v21 =	vsub.f32 v8, v21;
	v17 =	vand.u32 $0x7FFFFFFF, v17  }
0x509: {  	v14 =	vadd.f32 v17, v14;
	v17 =	vld.idx.msk [tilespmem:v57+s21+$0x0], $0xffff  }
0x50a: {  	v27 =	vld [tilespmem:s23+$0x6450];
	[tilespmem:s0+$0xE450] =	vst v13;
	v13 =	vand.u32 $0x7FFFFFFF, v15;
	v15 =	vand.u32 $0x7FFFFFFF, v21;
	v18 =	vsub.f32 v6, v18  }
0x50b: {  	v58 =	vld [tilespmem:s0+$0x6470];
	v13 =	vadd.f32 v15, v13;
	[tilespmem:s2+$0xE440] =	vst v14  }
0x50c: {  	v15 =	vand.u32 $0x7FFFFFFF, v18;
	v18 =	vsub.f32 v11, v19;
	v14 =	vld.idx.msk [tilespmem:v20+s1+$0x0], $0xffff;
	v16 =	vsub.f32 v10, v16  }
0x50d: {  	v19 =	vld.idx.msk [tilespmem:v20+s20+$0x0], $0xffff;
	v13 =	vadd.f32 v15, v13  }
0x50e: {  	v59 =	vld [tilespmem:s2+$0x6470];
	v18 =	vand.u32 $0x7FFFFFFF, v18;
	v16 =	vand.u32 $0x7FFFFFFF, v16;
	v17 =	vsub.f32 v9, v17  }
0x50f: {  	v20 =	vld.idx.msk [tilespmem:v20+s21+$0x0], $0xffff;
	[tilespmem:s22+$0xE440] =	vst v13;
	v13 =	vadd.f32 v16, v18  }
0x510: {  	v16 =	vld.idx.msk [tilespmem:v56+s1+$0x0], $0xffff;
	v17 =	vand.u32 $0x7FFFFFFF, v17  }
0x511: {  	v18 =	vld.idx.msk [tilespmem:v56+s20+$0x0], $0xffff;
	v13 =	vadd.f32 v17, v13  }
0x512: {  	v22 =	vld.idx.msk [tilespmem:v56+s21+$0x0], $0xffff;
	v14 =	vsub.f32 v5, v14;
	v19 =	vsub.f32 v3, v19  }
0x513: {  	v17 =	vld [tilespmem:s2+$0x6460];
	[tilespmem:s23+$0xE440] =	vst v13  }
0x514: {  	v13 =	vand.u32 $0x7FFFFFFF, v14;
	v14 =	vand.u32 $0x7FFFFFFF, v19;
	v19 =	vsub.f32 v4, v20;
	v20 =	vld.idx.msk [tilespmem:v27+s1+$0x0], $0xffff  }
0x515: {  	v13 =	vadd.f32 v14, v13;
	v14 =	vld.idx.msk [tilespmem:v27+s20+$0x0], $0xffff  }
0x516: {  	v23 =	vld [tilespmem:s22+$0x6460];
	v16 =	vsub.f32 v7, v16;
	v18 =	vsub.f32 v8, v18;
	v19 =	vand.u32 $0x7FFFFFFF, v19  }
0x517: {  	v13 =	vadd.f32 v19, v13;
	v19 =	vld.idx.msk [tilespmem:v27+s21+$0x0], $0xffff  }
0x518: {  	v21 =	vld.idx.msk [tilespmem:v12+s1+$0x0], $0xffff;
	v22 =	vsub.f32 v6, v22;
	v16 =	vand.u32 $0x7FFFFFFF, v16;
	v18 =	vand.u32 $0x7FFFFFFF, v18  }
0x519: {  	v15 =	vld.idx.msk [tilespmem:v12+s20+$0x0], $0xffff;
	v16 =	vadd.f32 v18, v16  }
0x51a: {  	v18 =	vld [tilespmem:s23+$0x6460];
	[tilespmem:s2+$0xE450] =	vst v13;
	v13 =	vand.u32 $0x7FFFFFFF, v22;
	v20 =	vsub.f32 v11, v20;
	v14 =	vsub.f32 v10, v14  }
0x51b: {  	v12 =	vld.idx.msk [tilespmem:v12+s21+$0x0], $0xffff;
	v13 =	vadd.f32 v13, v16  }
0x51c: {  	v22 =	vld.idx.msk [tilespmem:v17+s1+$0x0], $0xffff;
	v20 =	vand.u32 $0x7FFFFFFF, v20;
	v14 =	vand.u32 $0x7FFFFFFF, v14;
	v19 =	vsub.f32 v9, v19  }
0x51d: {  	v16 =	vld.idx.msk [tilespmem:v17+s20+$0x0], $0xffff;
	v14 =	vadd.f32 v14, v20  }
0x51e: {  	v15 =	vsub.f32 v2, v15;
	v17 =	vld.idx.msk [tilespmem:v17+s21+$0x0], $0xffff;
	[tilespmem:s22+$0xE450] =	vst v13;
	v20 =	vsub.f32 v1, v21;
	v13 =	vand.u32 $0x7FFFFFFF, v19  }
0x51f: {  	v19 =	vld.idx.msk [tilespmem:v23+s1+$0x0], $0xffff;
	v13 =	vadd.f32 v13, v14  }
0x520: {  	v12 =	vsub.f32 v0, v12;
	v15 =	vand.u32 $0x7FFFFFFF, v15;
	v14 =	vand.u32 $0x7FFFFFFF, v20;
	v20 =	vld.idx.msk [tilespmem:v23+s20+$0x0], $0xffff  }
0x521: {  	v14 =	vadd.f32 v15, v14;
	v15 =	vld.idx.msk [tilespmem:v23+s21+$0x0], $0xffff;
	[tilespmem:s23+$0xE450] =	vst v13  }
0x522: {  	v12 =	vand.u32 $0x7FFFFFFF, v12;
	v16 =	vsub.f32 v3, v16;
	v13 =	vsub.f32 v5, v22;
	v21 =	vld.idx.msk [tilespmem:v18+s1+$0x0], $0xffff  }
0x523: {  	v12 =	vadd.f32 v12, v14;
	v14 =	vld.idx.msk [tilespmem:v18+s20+$0x0], $0xffff  }
0x524: {  	v17 =	vsub.f32 v4, v17;
	v16 =	vand.u32 $0x7FFFFFFF, v16;
	v13 =	vand.u32 $0x7FFFFFFF, v13  }
0x525: {  	v18 =	vld.idx.msk [tilespmem:v18+s21+$0x0], $0xffff;
	v13 =	vadd.f32 v16, v13;
	v16 =	vsub.f32 v7, v19  }
0x526: {  	[tilespmem:s0+$0xE460] =	vst v12;
	v12 =	vand.u32 $0x7FFFFFFF, v17;
	v17 =	vld [tilespmem:s22+$0x6470];
	v19 =	vsub.f32 v8, v20  }
0x527: {  	v20 =	vld.idx.msk [tilespmem:v58+s1+$0x0], $0xffff;
	v15 =	vsub.f32 v6, v15;
	v12 =	vadd.f32 v12, v13;
	v13 =	vand.u32 $0x7FFFFFFF, v16  }
0x528: {  	v16 =	vand.u32 $0x7FFFFFFF, v19;
	v19 =	vld [tilespmem:s23+$0x6470];
	v21 =	vsub.f32 v11, v21;
	v14 =	vsub.f32 v10, v14  }
0x529: {  	v22 =	vld.idx.msk [tilespmem:v58+s20+$0x0], $0xffff;
	v13 =	vadd.f32 v16, v13;
	v15 =	vand.u32 $0x7FFFFFFF, v15  }
0x52a: {  	v16 =	vld.idx.msk [tilespmem:v58+s21+$0x0], $0xffff;
	v18 =	vsub.f32 v9, v18;
	[tilespmem:s2+$0xE460] =	vst v12;
	v12 =	vand.u32 $0x7FFFFFFF, v21;
	v14 =	vand.u32 $0x7FFFFFFF, v14  }
0x52b: {  	v21 =	vld.idx.msk [tilespmem:v59+s1+$0x0], $0xffff;
	v13 =	vadd.f32 v15, v13;
	v12 =	vadd.f32 v14, v12  }
0x52c: {  	v15 =	vand.u32 $0x7FFFFFFF, v18;
	v18 =	vld.idx.msk [tilespmem:v59+s21+$0x0], $0xffff  }
0x52d: {  	v14 =	vld.idx.msk [tilespmem:v59+s20+$0x0], $0xffff;
	[tilespmem:s22+$0xE460] =	vst v13;
	v12 =	vadd.f32 v15, v12  }
0x52e: {  	v1 =	vsub.f32 v1, v20;
	v2 =	vsub.f32 v2, v22;
	v13 =	vld.idx.msk [tilespmem:v17+s1+$0x0], $0xffff  }
0x52f: {  	v15 =	vld.idx.msk [tilespmem:v17+s20+$0x0], $0xffff;
	[tilespmem:s23+$0xE460] =	vst v12  }
0x530: {  	v1 =	vand.u32 $0x7FFFFFFF, v1;
	v2 =	vand.u32 $0x7FFFFFFF, v2;
	v0 =	vsub.f32 v0, v16;
	v12 =	vld.idx.msk [tilespmem:v19+s1+$0x0], $0xffff  }
0x531: {  	v1 =	vadd.f32 v2, v1;
	v2 =	vld.idx.msk [tilespmem:v19+s20+$0x0], $0xffff  }
0x532: {  	v0 =	vand.u32 $0x7FFFFFFF, v0;
	v5 =	vsub.f32 v5, v21;
	v3 =	vsub.f32 v3, v14;
	v14 =	vld.idx.msk [tilespmem:v17+s21+$0x0], $0xffff  }
0x533: {  	v0 =	vadd.f32 v0, v1;
	v1 =	vsub.f32 v7, v13;
	v7 =	vld.idx.msk [tilespmem:v19+s21+$0x0], $0xffff  }
0x534: {  	v5 =	vand.u32 $0x7FFFFFFF, v5;
	v3 =	vand.u32 $0x7FFFFFFF, v3;
	v8 =	vsub.f32 v8, v15  }
0x535: {  	v4 =	vsub.f32 v4, v18;
	v3 =	vadd.f32 v3, v5;
	v1 =	vand.u32 $0x7FFFFFFF, v1  }
0x536: {  	v5 =	vand.u32 $0x7FFFFFFF, v8;
	v8 =	vsub.f32 v11, v12;
	v2 =	vsub.f32 v10, v2  }
0x537: {  	v4 =	vand.u32 $0x7FFFFFFF, v4;
	v6 =	vsub.f32 v6, v14;
	v1 =	vadd.f32 v5, v1  }
0x538: {  	v5 =	vand.u32 $0x7FFFFFFF, v8;
	v2 =	vand.u32 $0x7FFFFFFF, v2;
	v7 =	vsub.f32 v9, v7  }
0x539: {  	v3 =	vadd.f32 v4, v3;
	v4 =	vand.u32 $0x7FFFFFFF, v6;
	v2 =	vadd.f32 v2, v5  }
0x53a: {  	[tilespmem:s0+$0xE470] =	vst v0;
	v0 =	vadd.f32 v4, v1;
	v1 =	vand.u32 $0x7FFFFFFF, v7  }
0x53b: {  	[tilespmem:s2+$0xE470] =	vst v3;
	v1 =	vadd.f32 v1, v2  }
0x53c: {  	[tilespmem:s22+$0xE470] =	vst v0  }
0x53d: {  	s5 =	simm.s32 $0x0;
	s7 =	simm.s32 $0xE000;
	[tilespmem:s23+$0xE470] =	vst v1  }
0x53e: {  	[hbm4b:s16+s5] =	stream.linear.scatter [tilespmem:s7], [sflag:$0x3], $0x4000, $0x38;
	[tilespmem:$0x16000] =	vst v63  }
0x53f: {  	_ =	swait.ge [sflag:s26], $0x4000  }
0x540: {  	[sflag:s26] =	ssyncset.done $0x0  }
0x541: {  	[sflag:s26] =	ssyncadd.s32 $0xFFFFC000  }
0x542: {  	_ =	swait.ge [sflag:s30], $0x4000  }
0x543: {  	s0 =	sand.u32 $0x380, s5;
	s22 =	sand.u32 $0x3800, s5;
	[sflag:s30] =	ssyncset.done $0x0  }
0x544: {  	s0 =	sor.u32 s0, s22;
	[sflag:s30] =	ssyncadd.s32 $0xFFFFC000  }
0x545: {  	v3 =	vld [tilespmem:s0+$0xA000]  }
0x546: {  	v0 =	vmov s11;
	_ =	sdelay $0x4  }
0x547: {  	v1 =	vld.idx.msk [tilespmem:v0+s1+$0x0], $0xffff  }
0x548: {  	v2 =	vld.idx.msk [tilespmem:v0+s20+$0x0], $0xffff  }
0x549: {  	v4 =	vld.idx.msk [tilespmem:v3+s1+$0x0], $0xffff  }
0x54a: {  	v5 =	vld.idx.msk [tilespmem:v3+s20+$0x0], $0xffff  }
0x54b: {  	v0 =	vld.idx.msk [tilespmem:v0+s21+$0x0], $0xffff  }
0x54c: {  	v3 =	vld.idx.msk [tilespmem:v3+s21+$0x0], $0xffff;
	_ =	sdelay $0x2  }
0x54d: {  	v6 =	vld [tilespmem:s0+$0xA010];
	v4 =	vsub.f32 v1, v4;
	v5 =	vsub.f32 v2, v5;
	_ =	sdelay $0x1  }
0x54e: {  	v3 =	vsub.f32 v0, v3;
	v4 =	vand.u32 $0x7FFFFFFF, v4;
	v5 =	vand.u32 $0x7FFFFFFF, v5  }
0x54f: {  	v4 =	vadd.f32 v5, v4  }
0x550: {  	v3 =	vand.u32 $0x7FFFFFFF, v3  }
0x551: {  	v3 =	vadd.f32 v3, v4;
	_ =	sdelay $0x1  }
0x552: {  	[tilespmem:s0+$0x12000] =	vst v3  }
0x553: {  	v3 =	vld.idx.msk [tilespmem:v6+s1+$0x0], $0xffff  }
0x554: {  	v4 =	vld.idx.msk [tilespmem:v6+s20+$0x0], $0xffff;
	_ =	sdelay $0x1  }
0x555: {  	v5 =	vld.idx.msk [tilespmem:v6+s21+$0x0], $0xffff;
	_ =	sdelay $0x2  }
0x556: {  	v6 =	vld [tilespmem:s0+$0xA020];
	v3 =	vsub.f32 v1, v3;
	v4 =	vsub.f32 v2, v4;
	_ =	sdelay $0x1  }
0x557: {  	v5 =	vsub.f32 v0, v5;
	v3 =	vand.u32 $0x7FFFFFFF, v3;
	v4 =	vand.u32 $0x7FFFFFFF, v4  }
0x558: {  	v3 =	vadd.f32 v4, v3  }
0x559: {  	v4 =	vand.u32 $0x7FFFFFFF, v5  }
0x55a: {  	v3 =	vadd.f32 v4, v3;
	_ =	sdelay $0x1  }
0x55b: {  	[tilespmem:s0+$0x12010] =	vst v3  }
0x55c: {  	v3 =	vld.idx.msk [tilespmem:v6+s1+$0x0], $0xffff  }
0x55d: {  	v4 =	vld.idx.msk [tilespmem:v6+s20+$0x0], $0xffff;
	_ =	sdelay $0x1  }
0x55e: {  	v5 =	vld.idx.msk [tilespmem:v6+s21+$0x0], $0xffff;
	_ =	sdelay $0x2  }
0x55f: {  	v6 =	vld [tilespmem:s0+$0xA030];
	v3 =	vsub.f32 v1, v3;
	v4 =	vsub.f32 v2, v4;
	_ =	sdelay $0x1  }
0x560: {  	v5 =	vsub.f32 v0, v5;
	v3 =	vand.u32 $0x7FFFFFFF, v3;
	v4 =	vand.u32 $0x7FFFFFFF, v4  }
0x561: {  	v3 =	vadd.f32 v4, v3  }
0x562: {  	v4 =	vand.u32 $0x7FFFFFFF, v5  }
0x563: {  	v3 =	vadd.f32 v4, v3;
	_ =	sdelay $0x1  }
0x564: {  	[tilespmem:s0+$0x12020] =	vst v3  }
0x565: {  	v3 =	vld.idx.msk [tilespmem:v6+s1+$0x0], $0xffff  }
0x566: {  	v5 =	vld.idx.msk [tilespmem:v6+s20+$0x0], $0xffff;
	_ =	sdelay $0x1  }
0x567: {  	v6 =	vld.idx.msk [tilespmem:v6+s21+$0x0], $0xffff;
	_ =	sdelay $0x2  }
0x568: {  	v4 =	vld [tilespmem:s0+$0xA040];
	v3 =	vsub.f32 v1, v3;
	v5 =	vsub.f32 v2, v5  }
0x569: {  	s3 =	simm.s32 $0x80;
	s23 =	simm.s32 $0x100  }
0x56a: {  	s2 =	sand.u32 $0x3800, s23;
	s5 =	sand.u32 $0x380, s3;
	v6 =	vsub.f32 v0, v6;
	v3 =	vand.u32 $0x7FFFFFFF, v3;
	v5 =	vand.u32 $0x7FFFFFFF, v5  }
0x56b: {  	s2 =	sor.u32 s5, s2;
	v3 =	vadd.f32 v5, v3  }
0x56c: {  	v7 =	vld [tilespmem:s2+$0xA000];
	v5 =	vand.u32 $0x7FFFFFFF, v6  }
0x56d: {  	v3 =	vadd.f32 v5, v3;
	_ =	sdelay $0x1  }
0x56e: {  	[tilespmem:s0+$0x12030] =	vst v3  }
0x56f: {  	s25 =	sadd.s32 $0x1, s11;
	v8 =	vld.idx.msk [tilespmem:v4+s1+$0x0], $0xffff  }
0x570: {  	v6 =	vmov s25;
	v9 =	vld.idx.msk [tilespmem:v4+s20+$0x0], $0xffff  }
0x571: {  	v10 =	vld [tilespmem:s0+$0xA050]  }
0x572: {  	v4 =	vld.idx.msk [tilespmem:v4+s21+$0x0], $0xffff  }
0x573: {  	v11 =	vld.idx.msk [tilespmem:v7+s1+$0x0], $0xffff  }
0x574: {  	v12 =	vld.idx.msk [tilespmem:v7+s20+$0x0], $0xffff  }
0x575: {  	v5 =	vld.idx.msk [tilespmem:v6+s1+$0x0], $0xffff;
	v8 =	vsub.f32 v1, v8;
	v9 =	vsub.f32 v2, v9  }
0x576: {  	v3 =	vld.idx.msk [tilespmem:v6+s20+$0x0], $0xffff  }
0x577: {  	v7 =	vld.idx.msk [tilespmem:v7+s21+$0x0], $0xffff;
	v13 =	vsub.f32 v0, v4;
	v8 =	vand.u32 $0x7FFFFFFF, v8;
	v9 =	vand.u32 $0x7FFFFFFF, v9  }
0x578: {  	v4 =	vld.idx.msk [tilespmem:v6+s21+$0x0], $0xffff;
	v6 =	vadd.f32 v9, v8  }
0x579: {  	v8 =	vand.u32 $0x7FFFFFFF, v13  }
0x57a: {  	v6 =	vadd.f32 v8, v6  }
0x57b: {  	v9 =	vsub.f32 v3, v12;
	v8 =	vsub.f32 v5, v11;
	v11 =	vld [tilespmem:s2+$0xA010]  }
0x57c: {  	[tilespmem:s0+$0x12040] =	vst v6  }
0x57d: {  	v7 =	vsub.f32 v4, v7;
	v9 =	vand.u32 $0x7FFFFFFF, v9;
	v8 =	vand.u32 $0x7FFFFFFF, v8;
	v6 =	vld.idx.msk [tilespmem:v10+s1+$0x0], $0xffff  }
0x57e: {  	v12 =	vld.idx.msk [tilespmem:v10+s20+$0x0], $0xffff;
	v8 =	vadd.f32 v9, v8  }
0x57f: {  	v7 =	vand.u32 $0x7FFFFFFF, v7  }
0x580: {  	v9 =	vld.idx.msk [tilespmem:v10+s21+$0x0], $0xffff;
	v7 =	vadd.f32 v7, v8;
	_ =	sdelay $0x1  }
0x581: {  	v8 =	vld [tilespmem:s0+$0xA060];
	[tilespmem:s2+$0x12000] =	vst v7  }
0x582: {  	v6 =	vsub.f32 v1, v6;
	v7 =	vsub.f32 v2, v12;
	v10 =	vld.idx.msk [tilespmem:v11+s1+$0x0], $0xffff  }
0x583: {  	v12 =	vld.idx.msk [tilespmem:v11+s20+$0x0], $0xffff  }
0x584: {  	v9 =	vsub.f32 v0, v9;
	v6 =	vand.u32 $0x7FFFFFFF, v6;
	v7 =	vand.u32 $0x7FFFFFFF, v7  }
0x585: {  	v6 =	vadd.f32 v7, v6;
	v7 =	vld.idx.msk [tilespmem:v11+s21+$0x0], $0xffff  }
0x586: {  	v9 =	vand.u32 $0x7FFFFFFF, v9  }
0x587: {  	v6 =	vadd.f32 v9, v6  }
0x588: {  	v11 =	vld [tilespmem:s2+$0xA020];
	v9 =	vsub.f32 v5, v10;
	v10 =	vsub.f32 v3, v12  }
0x589: {  	[tilespmem:s0+$0x12050] =	vst v6  }
0x58a: {  	v9 =	vand.u32 $0x7FFFFFFF, v9;
	v10 =	vand.u32 $0x7FFFFFFF, v10;
	v6 =	vld.idx.msk [tilespmem:v8+s1+$0x0], $0xffff;
	v7 =	vsub.f32 v4, v7  }
0x58b: {  	v12 =	vld.idx.msk [tilespmem:v8+s20+$0x0], $0xffff;
	v9 =	vadd.f32 v10, v9  }
0x58c: {  	v7 =	vand.u32 $0x7FFFFFFF, v7  }
0x58d: {  	v8 =	vld.idx.msk [tilespmem:v8+s21+$0x0], $0xffff;
	v7 =	vadd.f32 v7, v9;
	_ =	sdelay $0x1  }
0x58e: {  	v9 =	vld [tilespmem:s0+$0xA070];
	[tilespmem:s2+$0x12010] =	vst v7  }
0x58f: {  	v6 =	vsub.f32 v1, v6;
	v7 =	vsub.f32 v2, v12;
	v10 =	vld.idx.msk [tilespmem:v11+s1+$0x0], $0xffff  }
0x590: {  	v12 =	vld.idx.msk [tilespmem:v11+s20+$0x0], $0xffff  }
0x591: {  	v8 =	vsub.f32 v0, v8;
	v6 =	vand.u32 $0x7FFFFFFF, v6;
	v7 =	vand.u32 $0x7FFFFFFF, v7  }
0x592: {  	v6 =	vadd.f32 v7, v6;
	v7 =	vld.idx.msk [tilespmem:v11+s21+$0x0], $0xffff  }
0x593: {  	s22 =	simm.s32 $0x200;
	s7 =	simm.s32 $0x100;
	v8 =	vand.u32 $0x7FFFFFFF, v8  }
0x594: {  	s5 =	sand.u32 $0x3800, s22;
	s7 =	sand.u32 $0x380, s7;
	v6 =	vadd.f32 v8, v6  }
0x595: {  	s22 =	sor.u32 s7, s5;
	v8 =	vsub.f32 v5, v10;
	v10 =	vld [tilespmem:s2+$0xA030];
	v12 =	vsub.f32 v3, v12  }
0x596: {  	v14 =	vld [tilespmem:s22+$0xA000];
	[tilespmem:s0+$0x12060] =	vst v6  }
0x597: {  	v6 =	vld.idx.msk [tilespmem:v9+s1+$0x0], $0xffff;
	v7 =	vsub.f32 v4, v7;
	v8 =	vand.u32 $0x7FFFFFFF, v8;
	v12 =	vand.u32 $0x7FFFFFFF, v12  }
0x598: {  	v13 =	vld.idx.msk [tilespmem:v9+s20+$0x0], $0xffff;
	v8 =	vadd.f32 v12, v8  }
0x599: {  	v7 =	vand.u32 $0x7FFFFFFF, v7  }
0x59a: {  	v9 =	vld.idx.msk [tilespmem:v9+s21+$0x0], $0xffff;
	v7 =	vadd.f32 v7, v8;
	_ =	sdelay $0x1  }
0x59b: {  	s3 =	sadd.s32 $0x1, s25;
	v11 =	vld [tilespmem:s0+$0xA400];
	[tilespmem:s2+$0x12020] =	vst v7  }
0x59c: {  	v8 =	vmov s3;
	v6 =	vsub.f32 v1, v6;
	v7 =	vsub.f32 v2, v13;
	v13 =	vld.idx.msk [tilespmem:v10+s1+$0x0], $0xffff  }
0x59d: {  	v15 =	vld.idx.msk [tilespmem:v10+s20+$0x0], $0xffff  }
0x59e: {  	v17 =	vld.idx.msk [tilespmem:v14+s21+$0x0], $0xffff;
	v9 =	vsub.f32 v0, v9;
	v6 =	vand.u32 $0x7FFFFFFF, v6;
	v7 =	vand.u32 $0x7FFFFFFF, v7  }
0x59f: {  	v10 =	vld.idx.msk [tilespmem:v10+s21+$0x0], $0xffff;
	v7 =	vadd.f32 v7, v6  }
0x5a0: {  	v12 =	vld [tilespmem:s2+$0xA040];
	v9 =	vand.u32 $0x7FFFFFFF, v9  }
0x5a1: {  	v6 =	vld.idx.msk [tilespmem:v8+s21+$0x0], $0xffff;
	v9 =	vadd.f32 v9, v7  }
0x5a2: {  	v7 =	vld.idx.msk [tilespmem:v8+s1+$0x0], $0xffff;
	v13 =	vsub.f32 v5, v13;
	v15 =	vsub.f32 v3, v15  }
0x5a3: {  	v8 =	vld.idx.msk [tilespmem:v8+s20+$0x0], $0xffff;
	[tilespmem:s0+$0x12070] =	vst v9  }
0x5a4: {  	v10 =	vsub.f32 v4, v10;
	v9 =	vld.idx.msk [tilespmem:v11+s1+$0x0], $0xffff;
	v13 =	vand.u32 $0x7FFFFFFF, v13;
	v15 =	vand.u32 $0x7FFFFFFF, v15  }
0x5a5: {  	v16 =	vld.idx.msk [tilespmem:v11+s20+$0x0], $0xffff;
	v13 =	vadd.f32 v15, v13  }
0x5a6: {  	v10 =	vand.u32 $0x7FFFFFFF, v10;
	v11 =	vld.idx.msk [tilespmem:v11+s21+$0x0], $0xffff  }
0x5a7: {  	v15 =	vld.idx.msk [tilespmem:v14+s1+$0x0], $0xffff;
	v10 =	vadd.f32 v10, v13  }
0x5a8: {  	v13 =	vld.idx.msk [tilespmem:v14+s20+$0x0], $0xffff  }
0x5a9: {  	v14 =	vld [tilespmem:s0+$0xA410];
	[tilespmem:s2+$0x12030] =	vst v10  }
0x5aa: {  	v9 =	vsub.f32 v1, v9;
	v10 =	vsub.f32 v2, v16;
	v16 =	vld.idx.msk [tilespmem:v12+s1+$0x0], $0xffff  }
0x5ab: {  	v18 =	vld.idx.msk [tilespmem:v12+s20+$0x0], $0xffff  }
0x5ac: {  	v11 =	vsub.f32 v0, v11;
	v12 =	vld.idx.msk [tilespmem:v12+s21+$0x0], $0xffff;
	v9 =	vand.u32 $0x7FFFFFFF, v9;
	v10 =	vand.u32 $0x7FFFFFFF, v10  }
0x5ad: {  	v9 =	vadd.f32 v10, v9;
	v10 =	vsub.f32 v7, v15  }
0x5ae: {  	v11 =	vand.u32 $0x7FFFFFFF, v11;
	v13 =	vsub.f32 v8, v13;
	v15 =	vld [tilespmem:s22+$0xA010]  }
0x5af: {  	v9 =	vadd.f32 v11, v9;
	v10 =	vand.u32 $0x7FFFFFFF, v10;
	v11 =	vsub.f32 v6, v17  }
0x5b0: {  	v19 =	vld [tilespmem:s2+$0xA050];
	v13 =	vand.u32 $0x7FFFFFFF, v13;
	v16 =	vsub.f32 v5, v16;
	v18 =	vsub.f32 v3, v18  }
0x5b1: {  	v12 =	vsub.f32 v4, v12;
	[tilespmem:s0+$0x12400] =	vst v9;
	v9 =	vadd.f32 v13, v10  }
0x5b2: {  	v10 =	vand.u32 $0x7FFFFFFF, v11;
	v11 =	vld.idx.msk [tilespmem:v14+s1+$0x0], $0xffff;
	v13 =	vand.u32 $0x7FFFFFFF, v16;
	v16 =	vand.u32 $0x7FFFFFFF, v18  }
0x5b3: {  	v18 =	vld.idx.msk [tilespmem:v14+s20+$0x0], $0xffff;
	v9 =	vadd.f32 v10, v9;
	v10 =	vadd.f32 v16, v13  }
0x5b4: {  	v17 =	vld [tilespmem:s0+$0xA420];
	v12 =	vand.u32 $0x7FFFFFFF, v12  }
0x5b5: {  	v13 =	vld.idx.msk [tilespmem:v14+s21+$0x0], $0xffff;
	[tilespmem:s22+$0x12000] =	vst v9;
	v9 =	vadd.f32 v12, v10  }
0x5b6: {  	v10 =	vld.idx.msk [tilespmem:v15+s21+$0x0], $0xffff  }
0x5b7: {  	v12 =	vld.idx.msk [tilespmem:v15+s1+$0x0], $0xffff;
	[tilespmem:s2+$0x12040] =	vst v9  }
0x5b8: {  	v9 =	vsub.f32 v1, v11;
	v11 =	vsub.f32 v2, v18;
	v14 =	vld.idx.msk [tilespmem:v19+s1+$0x0], $0xffff  }
0x5b9: {  	v16 =	vld.idx.msk [tilespmem:v19+s20+$0x0], $0xffff  }
0x5ba: {  	v15 =	vld.idx.msk [tilespmem:v15+s20+$0x0], $0xffff;
	v13 =	vsub.f32 v0, v13;
	v9 =	vand.u32 $0x7FFFFFFF, v9;
	v11 =	vand.u32 $0x7FFFFFFF, v11  }
0x5bb: {  	v9 =	vadd.f32 v11, v9;
	v11 =	vld.idx.msk [tilespmem:v19+s21+$0x0], $0xffff  }
0x5bc: {  	v13 =	vand.u32 $0x7FFFFFFF, v13  }
0x5bd: {  	v22 =	vld [tilespmem:s22+$0xA040];
	v9 =	vadd.f32 v13, v9  }
0x5be: {  	v13 =	vsub.f32 v5, v14;
	v14 =	vsub.f32 v3, v16;
	v16 =	vld [tilespmem:s2+$0xA060]  }
0x5bf: {  	s28 =	simm.s32 $0x180;
	s23 =	simm.s32 $0x300;
	v18 =	vld [tilespmem:s22+$0xA020];
	[tilespmem:s0+$0x12410] =	vst v9;
	v9 =	vsub.f32 v7, v12;
	v12 =	vsub.f32 v8, v15  }
0x5c0: {  	s7 =	sand.u32 $0x3800, s23;
	s23 =	sand.u32 $0x380, s28;
	v15 =	vld.idx.msk [tilespmem:v17+s1+$0x0], $0xffff;
	v13 =	vand.u32 $0x7FFFFFFF, v13;
	v11 =	vsub.f32 v4, v11;
	v14 =	vand.u32 $0x7FFFFFFF, v14  }
0x5c1: {  	s23 =	sor.u32 s23, s7;
	v10 =	vsub.f32 v6, v10;
	v19 =	vld.idx.msk [tilespmem:v17+s20+$0x0], $0xffff;
	v14 =	vadd.f32 v14, v13  }
0x5c2: {  	v23 =	vld [tilespmem:s23+$0xA000];
	v9 =	vand.u32 $0x7FFFFFFF, v9;
	v12 =	vand.u32 $0x7FFFFFFF, v12;
	v11 =	vand.u32 $0x7FFFFFFF, v11  }
0x5c3: {  	v9 =	vadd.f32 v12, v9;
	v12 =	vld.idx.msk [tilespmem:v17+s21+$0x0], $0xffff;
	v11 =	vadd.f32 v11, v14  }
0x5c4: {  	v63 =	vld [tilespmem:s23+$0xA010];
	v10 =	vand.u32 $0x7FFFFFFF, v10  }
0x5c5: {  	v9 =	vadd.f32 v10, v9;
	v10 =	vld [tilespmem:s0+$0xA430];
	[tilespmem:s2+$0x12050] =	vst v11  }
0x5c6: {  	v11 =	vsub.f32 v1, v15;
	v15 =	vsub.f32 v2, v19;
	v17 =	vld.idx.msk [tilespmem:v16+s1+$0x0], $0xffff  }
0x5c7: {  	[tilespmem:s22+$0x12010] =	vst v9;
	v9 =	vld.idx.msk [tilespmem:v16+s20+$0x0], $0xffff  }
0x5c8: {  	v11 =	vand.u32 $0x7FFFFFFF, v11;
	v15 =	vand.u32 $0x7FFFFFFF, v15;
	v12 =	vsub.f32 v0, v12;
	v19 =	vld.idx.msk [tilespmem:v18+s1+$0x0], $0xffff  }
0x5c9: {  	v11 =	vadd.f32 v15, v11;
	v15 =	vld.idx.msk [tilespmem:v16+s21+$0x0], $0xffff  }
0x5ca: {  	v16 =	vld.idx.msk [tilespmem:v18+s20+$0x0], $0xffff;
	v12 =	vand.u32 $0x7FFFFFFF, v12  }
0x5cb: {  	v11 =	vadd.f32 v12, v11;
	v12 =	vld.idx.msk [tilespmem:v18+s21+$0x0], $0xffff  }
0x5cc: {  	v18 =	vld [tilespmem:s2+$0xA070];
	v17 =	vsub.f32 v5, v17;
	v9 =	vsub.f32 v3, v9  }
0x5cd: {  	v13 =	vld [tilespmem:s0+$0xA450];
	[tilespmem:s0+$0x12420] =	vst v11  }
0x5ce: {  	v11 =	vld.idx.msk [tilespmem:v10+s1+$0x0], $0xffff;
	v17 =	vand.u32 $0x7FFFFFFF, v17;
	v9 =	vand.u32 $0x7FFFFFFF, v9;
	v15 =	vsub.f32 v4, v15  }
0x5cf: {  	v20 =	vld.idx.msk [tilespmem:v10+s20+$0x0], $0xffff;
	v9 =	vadd.f32 v9, v17  }
0x5d0: {  	s25 =	sadd.s32 $0x1, s3;
	v19 =	vsub.f32 v7, v19;
	v16 =	vsub.f32 v8, v16;
	v17 =	vld [tilespmem:s22+$0xA030];
	v15 =	vand.u32 $0x7FFFFFFF, v15  }
0x5d1: {  	v21 =	vmov s25;
	v10 =	vld.idx.msk [tilespmem:v10+s21+$0x0], $0xffff;
	v9 =	vadd.f32 v15, v9  }
0x5d2: {  	v14 =	vld [tilespmem:s0+$0xA440];
	v19 =	vand.u32 $0x7FFFFFFF, v19;
	v12 =	vsub.f32 v6, v12;
	v16 =	vand.u32 $0x7FFFFFFF, v16  }
0x5d3: {  	v15 =	vld [tilespmem:s2+$0xA400];
	v16 =	vadd.f32 v16, v19;
	[tilespmem:s2+$0x12060] =	vst v9  }
0x5d4: {  	v9 =	vand.u32 $0x7FFFFFFF, v12;
	v11 =	vsub.f32 v1, v11;
	v19 =	vsub.f32 v2, v20;
	v12 =	vld.idx.msk [tilespmem:v18+s1+$0x0], $0xffff  }
0x5d5: {  	v16 =	vadd.f32 v9, v16;
	v20 =	vld.idx.msk [tilespmem:v18+s20+$0x0], $0xffff  }
0x5d6: {  	v10 =	vsub.f32 v0, v10;
	v9 =	vld.idx.msk [tilespmem:v21+s21+$0x0], $0xffff;
	v11 =	vand.u32 $0x7FFFFFFF, v11;
	v19 =	vand.u32 $0x7FFFFFFF, v19  }
0x5d7: {  	[tilespmem:s22+$0x12020] =	vst v16;
	v16 =	vld.idx.msk [tilespmem:v18+s21+$0x0], $0xffff;
	v11 =	vadd.f32 v19, v11  }
0x5d8: {  	v10 =	vand.u32 $0x7FFFFFFF, v10;
	v18 =	vld.idx.msk [tilespmem:v17+s1+$0x0], $0xffff  }
0x5d9: {  	v19 =	vld.idx.msk [tilespmem:v17+s20+$0x0], $0xffff;
	v10 =	vadd.f32 v10, v11  }
0x5da: {  	v17 =	vld.idx.msk [tilespmem:v17+s21+$0x0], $0xffff;
	v12 =	vsub.f32 v5, v12;
	v20 =	vsub.f32 v3, v20  }
0x5db: {  	v11 =	vld.idx.msk [tilespmem:v21+s1+$0x0], $0xffff;
	[tilespmem:s0+$0x12430] =	vst v10  }
0x5dc: {  	v60 =	vld.idx.msk [tilespmem:v14+s1+$0x0], $0xffff;
	v12 =	vand.u32 $0x7FFFFFFF, v12;
	v20 =	vand.u32 $0x7FFFFFFF, v20  }
0x5dd: {  	v16 =	vsub.f32 v4, v16;
	v61 =	vld.idx.msk [tilespmem:v14+s20+$0x0], $0xffff;
	v12 =	vadd.f32 v20, v12  }
0x5de: {  	v10 =	vld.idx.msk [tilespmem:v21+s20+$0x0], $0xffff;
	v18 =	vsub.f32 v7, v18;
	v19 =	vsub.f32 v8, v19  }
0x5df: {  	v14 =	vld.idx.msk [tilespmem:v14+s21+$0x0], $0xffff;
	v17 =	vsub.f32 v6, v17;
	v16 =	vand.u32 $0x7FFFFFFF, v16  }
0x5e0: {  	v21 =	vld.idx.msk [tilespmem:v23+s20+$0x0], $0xffff;
	v12 =	vadd.f32 v16, v12;
	v18 =	vand.u32 $0x7FFFFFFF, v18;
	v19 =	vand.u32 $0x7FFFFFFF, v19  }
0x5e1: {  	v16 =	vld.idx.msk [tilespmem:v23+s1+$0x0], $0xffff;
	v18 =	vadd.f32 v19, v18  }
0x5e2: {  	v20 =	vld.idx.msk [tilespmem:v23+s21+$0x0], $0xffff;
	[tilespmem:s2+$0x12070] =	vst v12;
	v12 =	vand.u32 $0x7FFFFFFF, v17;
	v19 =	vsub.f32 v1, v60;
	v23 =	vsub.f32 v2, v61  }
0x5e3: {  	v17 =	vld.idx.msk [tilespmem:v15+s1+$0x0], $0xffff;
	v12 =	vadd.f32 v12, v18  }
0x5e4: {  	v14 =	vsub.f32 v0, v14;
	v18 =	vld.idx.msk [tilespmem:v15+s20+$0x0], $0xffff;
	v19 =	vand.u32 $0x7FFFFFFF, v19;
	v23 =	vand.u32 $0x7FFFFFFF, v23  }
0x5e5: {  	[tilespmem:s22+$0x12030] =	vst v12;
	v12 =	vld.idx.msk [tilespmem:v15+s21+$0x0], $0xffff;
	v15 =	vadd.f32 v23, v19  }
0x5e6: {  	v62 =	vld [tilespmem:s2+$0xA410];
	v14 =	vand.u32 $0x7FFFFFFF, v14;
	v16 =	vsub.f32 v11, v16  }
0x5e7: {  	v21 =	vsub.f32 v10, v21;
	v19 =	vld.idx.msk [tilespmem:v22+s1+$0x0], $0xffff;
	v14 =	vadd.f32 v14, v15  }
0x5e8: {  	v23 =	vld.idx.msk [tilespmem:v22+s20+$0x0], $0xffff;
	v15 =	vand.u32 $0x7FFFFFFF, v16;
	v16 =	vsub.f32 v9, v20  }
0x5e9: {  	v20 =	vand.u32 $0x7FFFFFFF, v21;
	v21 =	vld.idx.msk [tilespmem:v22+s21+$0x0], $0xffff;
	v17 =	vsub.f32 v5, v17;
	v18 =	vsub.f32 v3, v18;
	[tilespmem:s0+$0x12440] =	vst v14  }
0x5ea: {  	v14 =	vadd.f32 v20, v15;
	v15 =	vand.u32 $0x7FFFFFFF, v16;
	v16 =	vld.idx.msk [tilespmem:v13+s1+$0x0], $0xffff  }
0x5eb: {  	v17 =	vand.u32 $0x7FFFFFFF, v17;
	v18 =	vand.u32 $0x7FFFFFFF, v18;
	v20 =	vsub.f32 v4, v12;
	v22 =	vld.idx.msk [tilespmem:v13+s20+$0x0], $0xffff  }
0x5ec: {  	v12 =	vld [tilespmem:s0+$0xA460];
	v14 =	vadd.f32 v15, v14;
	v15 =	vadd.f32 v18, v17  }
0x5ed: {  	v13 =	vld.idx.msk [tilespmem:v13+s21+$0x0], $0xffff;
	v17 =	vsub.f32 v7, v19;
	v19 =	vsub.f32 v8, v23  }
0x5ee: {  	v18 =	vld [tilespmem:s22+$0xA050];
	v20 =	vand.u32 $0x7FFFFFFF, v20;
	v21 =	vsub.f32 v6, v21  }
0x5ef: {  	v15 =	vadd.f32 v20, v15;
	[tilespmem:s23+$0x12000] =	vst v14;
	v17 =	vand.u32 $0x7FFFFFFF, v17;
	v19 =	vand.u32 $0x7FFFFFFF, v19;
	v14 =	vld [tilespmem:s2+$0xA420]  }
0x5f0: {  	v20 =	vld.idx.msk [tilespmem:v63+s21+$0x0], $0xffff;
	v17 =	vadd.f32 v19, v17  }
0x5f1: {  	v19 =	vand.u32 $0x7FFFFFFF, v21;
	v21 =	vld.idx.msk [tilespmem:v63+s1+$0x0], $0xffff;
	[tilespmem:s2+$0x12400] =	vst v15;
	v16 =	vsub.f32 v1, v16;
	v22 =	vsub.f32 v2, v22  }
0x5f2: {  	v13 =	vsub.f32 v0, v13;
	v15 =	vld.idx.msk [tilespmem:v62+s1+$0x0], $0xffff  }
0x5f3: {  	v19 =	vadd.f32 v19, v17;
	v17 =	vld.idx.msk [tilespmem:v62+s20+$0x0], $0xffff;
	v23 =	vand.u32 $0x7FFFFFFF, v16;
	v22 =	vand.u32 $0x7FFFFFFF, v22  }
0x5f4: {  	v16 =	vld.idx.msk [tilespmem:v62+s21+$0x0], $0xffff;
	v23 =	vadd.f32 v22, v23  }
0x5f5: {  	v13 =	vand.u32 $0x7FFFFFFF, v13;
	v22 =	vld.idx.msk [tilespmem:v63+s20+$0x0], $0xffff;
	[tilespmem:s22+$0x12040] =	vst v19  }
0x5f6: {  	s3 =	simm.s32 $0x400;
	v19 =	vld.idx.msk [tilespmem:v18+s21+$0x0], $0xffff;
	v13 =	vadd.f32 v13, v23  }
.LBB2_8:
0x5f7: {  	p0 =	sne.s32 s3, $0x3F00;
	v23 =	vld.idx.msk [tilespmem:v18+s1+$0x0], $0xffff  }
0x5f8: {  	v15 =	vsub.f32 v5, v15;
	v17 =	vsub.f32 v3, v17;
	v18 =	vld.idx.msk [tilespmem:v18+s20+$0x0], $0xffff;
	[tilespmem:s0+$0x12450] =	vst v13  }
0x5f9: {  	v24 =	vld.idx.msk [tilespmem:v12+s1+$0x0], $0xffff  }
0x5fa: {  	v13 =	vand.u32 $0x7FFFFFFF, v15;
	v15 =	vand.u32 $0x7FFFFFFF, v17;
	v16 =	vsub.f32 v4, v16;
	v17 =	vld.idx.msk [tilespmem:v12+s20+$0x0], $0xffff  }
0x5fb: {  	v20 =	vsub.f32 v9, v20;
	v13 =	vadd.f32 v15, v13;
	v15 =	vld [tilespmem:s0+$0xA470]  }
0x5fc: {  	v21 =	vsub.f32 v11, v21;
	v22 =	vsub.f32 v10, v22;
	v16 =	vand.u32 $0x7FFFFFFF, v16;
	v25 =	vld.idx.msk [tilespmem:v12+s21+$0x0], $0xffff  }
0x5fd: {  	v12 =	vand.u32 $0x7FFFFFFF, v20;
	v23 =	vsub.f32 v7, v23;
	v13 =	vadd.f32 v16, v13;
	v20 =	vld [tilespmem:s23+$0xA020]  }
0x5fe: {  	v16 =	vand.u32 $0x7FFFFFFF, v21;
	v21 =	vand.u32 $0x7FFFFFFF, v22;
	v18 =	vsub.f32 v8, v18;
	v22 =	vld [tilespmem:s22+$0xA060]  }
0x5ff: {  	v19 =	vsub.f32 v6, v19;
	v16 =	vadd.f32 v21, v16;
	v21 =	vand.u32 $0x7FFFFFFF, v23;
	[tilespmem:s2+$0x12410] =	vst v13;
	v13 =	vld [tilespmem:s2+$0xA450]  }
0x600: {  	v24 =	vsub.f32 v1, v24;
	v18 =	vand.u32 $0x7FFFFFFF, v18;
	v17 =	vsub.f32 v2, v17;
	v23 =	vld.idx.msk [tilespmem:v14+s1+$0x0], $0xffff  }
0x601: {  	v19 =	vand.u32 $0x7FFFFFFF, v19;
	v16 =	vadd.f32 v12, v16;
	v18 =	vadd.f32 v18, v21;
	v21 =	vld.idx.msk [tilespmem:v14+s20+$0x0], $0xffff  }
0x602: {  	v24 =	vand.u32 $0x7FFFFFFF, v24;
	v17 =	vand.u32 $0x7FFFFFFF, v17;
	v25 =	vsub.f32 v0, v25;
	v12 =	vld [tilespmem:s2+$0xA440]  }
0x603: {  	v18 =	vadd.f32 v19, v18;
	v17 =	vadd.f32 v17, v24;
	v14 =	vld.idx.msk [tilespmem:v14+s21+$0x0], $0xffff  }
0x604: {  	v19 =	vand.u32 $0x7FFFFFFF, v25;
	[tilespmem:s23+$0x12010] =	vst v16;
	v16 =	vld [tilespmem:s2+$0xA430]  }
0x605: {  	v17 =	vadd.f32 v19, v17;
	v24 =	vld.idx.msk [tilespmem:v20+s1+$0x0], $0xffff;
	[tilespmem:s22+$0x12050] =	vst v18  }
0x606: {  	v18 =	vld.idx.msk [tilespmem:v22+s1+$0x0], $0xffff  }
0x607: {  	v23 =	vsub.f32 v5, v23;
	v21 =	vsub.f32 v3, v21;
	v19 =	vld.idx.msk [tilespmem:v22+s20+$0x0], $0xffff;
	[tilespmem:s0+$0x12460] =	vst v17  }
0x608: {  	v17 =	vld.idx.msk [tilespmem:v15+s1+$0x0], $0xffff  }
0x609: {  	v23 =	vand.u32 $0x7FFFFFFF, v23;
	v21 =	vand.u32 $0x7FFFFFFF, v21;
	v14 =	vsub.f32 v4, v14;
	v25 =	vld.idx.msk [tilespmem:v15+s20+$0x0], $0xffff  }
0x60a: {  	v21 =	vadd.f32 v21, v23;
	v22 =	vld.idx.msk [tilespmem:v22+s21+$0x0], $0xffff  }
0x60b: {  	v14 =	vand.u32 $0x7FFFFFFF, v14;
	v15 =	vld.idx.msk [tilespmem:v15+s21+$0x0], $0xffff  }
0x60c: {  	v18 =	vsub.f32 v7, v18;
	v14 =	vadd.f32 v14, v21;
	v23 =	vld.idx.msk [tilespmem:v20+s20+$0x0], $0xffff  }
0x60d: {  	v19 =	vsub.f32 v8, v19;
	v20 =	vld.idx.msk [tilespmem:v20+s21+$0x0], $0xffff  }
0x60e: {  	v21 =	vsub.f32 v11, v24;
	v18 =	vand.u32 $0x7FFFFFFF, v18;
	v24 =	vld [tilespmem:s22+$0xA070];
	[tilespmem:s2+$0x12420] =	vst v14  }
0x60f: {  	s25 =	sadd.s32 $0x1, s25;
	v17 =	vsub.f32 v1, v17;
	v1 =	vmovc v5;
	v14 =	vand.u32 $0x7FFFFFFF, v19;
	v2 =	vsub.f32 v2, v25;
	v19 =	vld.idx.msk [tilespmem:v16+s1+$0x0], $0xffff  }
0x610: {  	v5 =	vmovc v7;
	v7 =	vmovc v11;
	v25 =	vmov s25;
	v14 =	vadd.f32 v14, v18;
	v18 =	vsub.f32 v6, v22;
	v22 =	vld.idx.msk [tilespmem:v16+s20+$0x0], $0xffff  }
0x611: {  	v11 =	vand.u32 $0x7FFFFFFF, v17;
	v27 =	vand.u32 $0x7FFFFFFF, v2;
	v15 =	vsub.f32 v0, v15;
	v0 =	vmovc v4;
	v4 =	vmovc v6;
	v26 =	vld [tilespmem:s23+$0xA030]  }
0x612: {  	s28 =	sadd.s32 $0x80, s28;
	v6 =	vmovc v9;
	v17 =	vsub.f32 v10, v23;
	v18 =	vand.u32 $0x7FFFFFFF, v18;
	v11 =	vadd.f32 v27, v11;
	v16 =	vld.idx.msk [tilespmem:v16+s21+$0x0], $0xffff  }
0x613: {  	s5 =	sand.u32 $0x3800, s3;
	s7 =	sand.u32 $0x380, s28;
	v9 =	vsub.f32 v6, v20;
	v14 =	vadd.f32 v18, v14;
	v15 =	vand.u32 $0x7FFFFFFF, v15;
	v2 =	vmovc v3;
	v3 =	vmovc v8;
	v18 =	vld [tilespmem:s22+$0xA400]  }
0x614: {  	s5 =	sor.u32 s7, s5;
	v20 =	vand.u32 $0x7FFFFFFF, v21;
	v8 =	vmovc v10;
	v17 =	vand.u32 $0x7FFFFFFF, v17;
	v11 =	vadd.f32 v15, v11;
	v21 =	vld [tilespmem:s23+$0xA040]  }
0x615: {  	v10 =	vadd.f32 v17, v20;
	v15 =	vld [tilespmem:s5+$0xA000];
	[tilespmem:s22+$0x12060] =	vst v14  }
0x616: {  	v9 =	vand.u32 $0x7FFFFFFF, v9;
	v17 =	vsub.f32 v1, v19;
	v19 =	vsub.f32 v2, v22;
	v14 =	vld.idx.msk [tilespmem:v24+s1+$0x0], $0xffff;
	[tilespmem:s0+$0x12470] =	vst v11;
	s0 =	smov.u32 s2;
	s2 =	smov.u32 s22;
	s22 =	smov.u32 s23  }
0x617: {  	v10 =	vadd.f32 v9, v10;
	s23 =	smov.u32 s5;
	v20 =	vld.idx.msk [tilespmem:v24+s20+$0x0], $0xffff  }
0x618: {  	v11 =	vand.u32 $0x7FFFFFFF, v17;
	v17 =	vand.u32 $0x7FFFFFFF, v19;
	v16 =	vsub.f32 v0, v16;
	v9 =	vld.idx.msk [tilespmem:v25+s21+$0x0], $0xffff  }
0x619: {  	v11 =	vadd.f32 v17, v11;
	[tilespmem:s22+$0x12020] =	vst v10;
	v10 =	vld.idx.msk [tilespmem:v24+s21+$0x0], $0xffff  }
0x61a: {  	v16 =	vand.u32 $0x7FFFFFFF, v16;
	v17 =	vld.idx.msk [tilespmem:v26+s1+$0x0], $0xffff  }
0x61b: {  	v16 =	vadd.f32 v16, v11;
	v19 =	vld.idx.msk [tilespmem:v26+s20+$0x0], $0xffff  }
0x61c: {  	v11 =	vld.idx.msk [tilespmem:v25+s1+$0x0], $0xffff  }
0x61d: {  	v14 =	vsub.f32 v5, v14;
	v20 =	vsub.f32 v3, v20;
	v22 =	vld.idx.msk [tilespmem:v26+s21+$0x0], $0xffff;
	[tilespmem:s0+$0x12430] =	vst v16  }
0x61e: {  	v16 =	vld.idx.msk [tilespmem:v12+s1+$0x0], $0xffff  }
0x61f: {  	v14 =	vand.u32 $0x7FFFFFFF, v14;
	v20 =	vand.u32 $0x7FFFFFFF, v20;
	v23 =	vsub.f32 v4, v10;
	v24 =	vld.idx.msk [tilespmem:v12+s20+$0x0], $0xffff  }
0x620: {  	v14 =	vadd.f32 v20, v14;
	v10 =	vld.idx.msk [tilespmem:v25+s20+$0x0], $0xffff  }
0x621: {  	v17 =	vsub.f32 v7, v17;
	v19 =	vsub.f32 v8, v19;
	v20 =	vand.u32 $0x7FFFFFFF, v23;
	v12 =	vld.idx.msk [tilespmem:v12+s21+$0x0], $0xffff  }
0x622: {  	v14 =	vadd.f32 v20, v14;
	v23 =	vld.idx.msk [tilespmem:v15+s21+$0x0], $0xffff  }
0x623: {  	v17 =	vand.u32 $0x7FFFFFFF, v17;
	v19 =	vand.u32 $0x7FFFFFFF, v19;
	v22 =	vsub.f32 v6, v22;
	v20 =	vld.idx.msk [tilespmem:v15+s1+$0x0], $0xffff  }
0x624: {  	v17 =	vadd.f32 v19, v17;
	v15 =	vld.idx.msk [tilespmem:v15+s20+$0x0], $0xffff;
	[tilespmem:s2+$0x12070] =	vst v14  }
0x625: {  	v16 =	vsub.f32 v1, v16;
	v14 =	vand.u32 $0x7FFFFFFF, v22;
	v22 =	vsub.f32 v2, v24;
	v19 =	vld.idx.msk [tilespmem:v18+s1+$0x0], $0xffff  }
0x626: {  	v14 =	vadd.f32 v14, v17;
	v17 =	vld.idx.msk [tilespmem:v18+s20+$0x0], $0xffff  }
0x627: {  	v16 =	vand.u32 $0x7FFFFFFF, v16;
	v22 =	vand.u32 $0x7FFFFFFF, v22;
	v12 =	vsub.f32 v0, v12;
	v24 =	vld [tilespmem:s2+$0xA410]  }
0x628: {  	v16 =	vadd.f32 v22, v16;
	[tilespmem:s22+$0x12030] =	vst v14;
	v14 =	vld.idx.msk [tilespmem:v18+s21+$0x0], $0xffff  }
0x629: {  	v18 =	vsub.f32 v11, v20;
	v12 =	vand.u32 $0x7FFFFFFF, v12;
	v20 =	vld.idx.msk [tilespmem:v21+s1+$0x0], $0xffff  }
0x62a: {  	v15 =	vsub.f32 v10, v15;
	v12 =	vadd.f32 v12, v16;
	v22 =	vld.idx.msk [tilespmem:v21+s20+$0x0], $0xffff  }
0x62b: {  	v16 =	vand.u32 $0x7FFFFFFF, v18;
	v18 =	vsub.f32 v9, v23;
	v23 =	vld [tilespmem:s23+$0xA010]  }
0x62c: {  	v19 =	vsub.f32 v5, v19;
	v15 =	vand.u32 $0x7FFFFFFF, v15;
	v17 =	vsub.f32 v3, v17;
	v21 =	vld.idx.msk [tilespmem:v21+s21+$0x0], $0xffff;
	[tilespmem:s0+$0x12440] =	vst v12  }
0x62d: {  	v12 =	vadd.f32 v15, v16;
	v15 =	vand.u32 $0x7FFFFFFF, v18;
	v16 =	vld.idx.msk [tilespmem:v13+s1+$0x0], $0xffff  }
0x62e: {  	v18 =	vand.u32 $0x7FFFFFFF, v19;
	v17 =	vand.u32 $0x7FFFFFFF, v17;
	v14 =	vsub.f32 v4, v14;
	v19 =	vld.idx.msk [tilespmem:v13+s20+$0x0], $0xffff  }
0x62f: {  	v15 =	vadd.f32 v15, v12;
	v17 =	vadd.f32 v17, v18;
	v12 =	vld [tilespmem:s0+$0xA460]  }
0x630: {  	v20 =	vsub.f32 v7, v20;
	v22 =	vsub.f32 v8, v22;
	v14 =	vand.u32 $0x7FFFFFFF, v14;
	v13 =	vld.idx.msk [tilespmem:v13+s21+$0x0], $0xffff  }
0x631: {  	v17 =	vadd.f32 v14, v17;
	v18 =	vld [tilespmem:s22+$0xA050]  }
0x632: {  	v22 =	vand.u32 $0x7FFFFFFF, v22;
	v21 =	vsub.f32 v6, v21;
	[tilespmem:s23+$0x12000] =	vst v15;
	v15 =	vand.u32 $0x7FFFFFFF, v20;
	v14 =	vld [tilespmem:s2+$0xA420]  }
0x633: {  	v20 =	vld.idx.msk [tilespmem:v23+s21+$0x0], $0xffff;
	v22 =	vadd.f32 v22, v15;
	[tilespmem:s2+$0x12400] =	vst v17  }
0x634: {  	v16 =	vsub.f32 v1, v16;
	v17 =	vand.u32 $0x7FFFFFFF, v21;
	v19 =	vsub.f32 v2, v19;
	v15 =	vld.idx.msk [tilespmem:v24+s1+$0x0], $0xffff  }
.Ltmp3:
0x635: {  	v25 =	vadd.f32 v17, v22;
	v17 =	vld.idx.msk [tilespmem:v24+s20+$0x0], $0xffff;
	(pc) =	sbr.rel @p0 .LBB2_8-.Ltmp3, $4  }
0x636: {  	v22 =	vand.u32 $0x7FFFFFFF, v16;
	v19 =	vand.u32 $0x7FFFFFFF, v19;
	v13 =	vsub.f32 v0, v13;
	v21 =	vld.idx.msk [tilespmem:v23+s1+$0x0], $0xffff  }
0x637: {  	v16 =	vld.idx.msk [tilespmem:v24+s21+$0x0], $0xffff;
	v24 =	vadd.f32 v19, v22  }
0x638: {  	v13 =	vand.u32 $0x7FFFFFFF, v13;
	v22 =	vld.idx.msk [tilespmem:v23+s20+$0x0], $0xffff;
	[tilespmem:s22+$0x12040] =	vst v25  }
0x639: {  	s3 =	sadd.s32 $0x100, s3;
	v19 =	vld.idx.msk [tilespmem:v18+s21+$0x0], $0xffff;
	v13 =	vadd.f32 v13, v24  }
0x63a: {  	_ =	sdelay $0x2  }
0x63b: {  	v23 =	vld [tilespmem:s23+$0xA020];
	v21 =	vsub.f32 v11, v21;
	v22 =	vsub.f32 v10, v22;
	_ =	sdelay $0x1  }
0x63c: {  	v20 =	vsub.f32 v9, v20;
	v21 =	vand.u32 $0x7FFFFFFF, v21;
	v22 =	vand.u32 $0x7FFFFFFF, v22  }
0x63d: {  	v21 =	vadd.f32 v22, v21  }
0x63e: {  	v20 =	vand.u32 $0x7FFFFFFF, v20  }
0x63f: {  	v20 =	vadd.f32 v20, v21;
	_ =	sdelay $0x1  }
0x640: {  	[tilespmem:s23+$0x12010] =	vst v20  }
0x641: {  	v20 =	vld.idx.msk [tilespmem:v23+s1+$0x0], $0xffff  }
0x642: {  	v45 =	vld.idx.msk [tilespmem:v23+s20+$0x0], $0xffff;
	_ =	sdelay $0x1  }
0x643: {  	v46 =	vld.idx.msk [tilespmem:v23+s21+$0x0], $0xffff;
	_ =	sdelay $0x2  }
0x644: {  	v47 =	vld [tilespmem:s23+$0xA030];
	v20 =	vsub.f32 v11, v20;
	v21 =	vsub.f32 v10, v45;
	_ =	sdelay $0x1  }
0x645: {  	v22 =	vsub.f32 v9, v46;
	v20 =	vand.u32 $0x7FFFFFFF, v20;
	v21 =	vand.u32 $0x7FFFFFFF, v21  }
0x646: {  	v20 =	vadd.f32 v21, v20  }
0x647: {  	v48 =	vand.u32 $0x7FFFFFFF, v22  }
0x648: {  	v20 =	vadd.f32 v48, v20;
	_ =	sdelay $0x1  }
0x649: {  	[tilespmem:s23+$0x12020] =	vst v20  }
0x64a: {  	v20 =	vld.idx.msk [tilespmem:v47+s1+$0x0], $0xffff  }
0x64b: {  	v50 =	vld.idx.msk [tilespmem:v47+s20+$0x0], $0xffff;
	_ =	sdelay $0x1  }
0x64c: {  	v23 =	vld.idx.msk [tilespmem:v47+s21+$0x0], $0xffff;
	_ =	sdelay $0x2  }
0x64d: {  	v49 =	vld [tilespmem:s23+$0xA040];
	v20 =	vsub.f32 v11, v20;
	v22 =	vsub.f32 v10, v50;
	_ =	sdelay $0x1  }
0x64e: {  	v23 =	vsub.f32 v9, v23;
	v20 =	vand.u32 $0x7FFFFFFF, v20;
	v22 =	vand.u32 $0x7FFFFFFF, v22  }
0x64f: {  	v20 =	vadd.f32 v22, v20  }
0x650: {  	v51 =	vand.u32 $0x7FFFFFFF, v23  }
0x651: {  	v20 =	vadd.f32 v51, v20;
	_ =	sdelay $0x1  }
0x652: {  	[tilespmem:s23+$0x12030] =	vst v20  }
0x653: {  	v20 =	vld.idx.msk [tilespmem:v49+s1+$0x0], $0xffff  }
0x654: {  	v52 =	vld.idx.msk [tilespmem:v49+s20+$0x0], $0xffff;
	_ =	sdelay $0x1  }
0x655: {  	v21 =	vld.idx.msk [tilespmem:v49+s21+$0x0], $0xffff;
	_ =	sdelay $0x2  }
0x656: {  	v53 =	vld [tilespmem:s23+$0xA050];
	v20 =	vsub.f32 v11, v20;
	v22 =	vsub.f32 v10, v52;
	_ =	sdelay $0x1  }
0x657: {  	v21 =	vsub.f32 v9, v21;
	v20 =	vand.u32 $0x7FFFFFFF, v20;
	v22 =	vand.u32 $0x7FFFFFFF, v22  }
0x658: {  	v20 =	vadd.f32 v22, v20  }
0x659: {  	v24 =	vld.idx.msk [tilespmem:v18+s1+$0x0], $0xffff;
	v21 =	vand.u32 $0x7FFFFFFF, v21  }
0x65a: {  	v54 =	vld.idx.msk [tilespmem:v18+s20+$0x0], $0xffff;
	v20 =	vadd.f32 v21, v20;
	_ =	sdelay $0x1  }
0x65b: {  	[tilespmem:s23+$0x12040] =	vst v20  }
0x65c: {  	v57 =	vld.idx.msk [tilespmem:v53+s1+$0x0], $0xffff  }
0x65d: {  	v58 =	vld.idx.msk [tilespmem:v53+s20+$0x0], $0xffff  }
0x65e: {  	v55 =	vld [tilespmem:s22+$0xA060];
	v56 =	vsub.f32 v7, v24;
	v18 =	vsub.f32 v8, v54  }
0x65f: {  	v59 =	vld.idx.msk [tilespmem:v53+s21+$0x0], $0xffff  }
0x660: {  	v19 =	vsub.f32 v6, v19;
	v18 =	vand.u32 $0x7FFFFFFF, v18;
	v20 =	vand.u32 $0x7FFFFFFF, v56  }
0x661: {  	v18 =	vadd.f32 v18, v20  }
0x662: {  	v62 =	vld [tilespmem:s23+$0xA060];
	v19 =	vand.u32 $0x7FFFFFFF, v19;
	v60 =	vsub.f32 v11, v57;
	v61 =	vsub.f32 v10, v58  }
0x663: {  	v18 =	vadd.f32 v19, v18  }
0x664: {  	v20 =	vsub.f32 v9, v59;
	v19 =	vand.u32 $0x7FFFFFFF, v60;
	v22 =	vand.u32 $0x7FFFFFFF, v61  }
0x665: {  	[tilespmem:s22+$0x12050] =	vst v18;
	v19 =	vadd.f32 v22, v19  }
0x666: {  	v18 =	vld.idx.msk [tilespmem:v55+s1+$0x0], $0xffff;
	v20 =	vand.u32 $0x7FFFFFFF, v20  }
0x667: {  	v63 =	vld.idx.msk [tilespmem:v55+s20+$0x0], $0xffff;
	v19 =	vadd.f32 v20, v19;
	_ =	sdelay $0x1  }
0x668: {  	v21 =	vld.idx.msk [tilespmem:v55+s21+$0x0], $0xffff;
	[tilespmem:s23+$0x12050] =	vst v19  }
0x669: {  	v30 =	vld.idx.msk [tilespmem:v62+s1+$0x0], $0xffff  }
0x66a: {  	v31 =	vld.idx.msk [tilespmem:v62+s20+$0x0], $0xffff  }
0x66b: {  	v28 =	vld [tilespmem:s22+$0xA070];
	v18 =	vsub.f32 v7, v18;
	v29 =	vsub.f32 v8, v63  }
0x66c: {  	v32 =	vld.idx.msk [tilespmem:v62+s21+$0x0], $0xffff  }
0x66d: {  	v21 =	vsub.f32 v6, v21;
	v18 =	vand.u32 $0x7FFFFFFF, v18;
	v19 =	vand.u32 $0x7FFFFFFF, v29  }
0x66e: {  	v18 =	vadd.f32 v19, v18  }
0x66f: {  	v35 =	vld [tilespmem:s23+$0xA070];
	v21 =	vand.u32 $0x7FFFFFFF, v21;
	v22 =	vsub.f32 v11, v30;
	v34 =	vsub.f32 v10, v31  }
0x670: {  	v18 =	vadd.f32 v21, v18  }
0x671: {  	v19 =	vsub.f32 v9, v32;
	v22 =	vand.u32 $0x7FFFFFFF, v22;
	v23 =	vand.u32 $0x7FFFFFFF, v34  }
0x672: {  	[tilespmem:s22+$0x12060] =	vst v18;
	v22 =	vadd.f32 v23, v22  }
0x673: {  	v18 =	vld.idx.msk [tilespmem:v28+s1+$0x0], $0xffff;
	v19 =	vand.u32 $0x7FFFFFFF, v19  }
0x674: {  	v25 =	vld.idx.msk [tilespmem:v28+s20+$0x0], $0xffff;
	v19 =	vadd.f32 v19, v22;
	_ =	sdelay $0x1  }
0x675: {  	v20 =	vld.idx.msk [tilespmem:v28+s21+$0x0], $0xffff;
	[tilespmem:s23+$0x12060] =	vst v19  }
0x676: {  	v38 =	vld.idx.msk [tilespmem:v35+s1+$0x0], $0xffff  }
0x677: {  	v39 =	vld.idx.msk [tilespmem:v35+s20+$0x0], $0xffff  }
0x678: {  	v33 =	vld [tilespmem:s22+$0xA400];
	v18 =	vsub.f32 v7, v18;
	v37 =	vsub.f32 v8, v25  }
0x679: {  	v40 =	vld.idx.msk [tilespmem:v35+s21+$0x0], $0xffff  }
0x67a: {  	v20 =	vsub.f32 v6, v20;
	v18 =	vand.u32 $0x7FFFFFFF, v18;
	v19 =	vand.u32 $0x7FFFFFFF, v37  }
0x67b: {  	v18 =	vadd.f32 v19, v18  }
0x67c: {  	v36 =	vld [tilespmem:s23+$0xA400];
	v20 =	vand.u32 $0x7FFFFFFF, v20;
	v41 =	vsub.f32 v11, v38;
	v42 =	vsub.f32 v10, v39  }
0x67d: {  	v18 =	vadd.f32 v20, v18  }
0x67e: {  	v19 =	vsub.f32 v9, v40;
	v20 =	vand.u32 $0x7FFFFFFF, v41;
	v23 =	vand.u32 $0x7FFFFFFF, v42  }
0x67f: {  	[tilespmem:s22+$0x12070] =	vst v18;
	v20 =	vadd.f32 v23, v20  }
0x680: {  	v18 =	vld.idx.msk [tilespmem:v33+s1+$0x0], $0xffff;
	v19 =	vand.u32 $0x7FFFFFFF, v19  }
0x681: {  	v43 =	vld.idx.msk [tilespmem:v33+s20+$0x0], $0xffff;
	v19 =	vadd.f32 v19, v20;
	_ =	sdelay $0x1  }
0x682: {  	v21 =	vld.idx.msk [tilespmem:v33+s21+$0x0], $0xffff;
	[tilespmem:s23+$0x12070] =	vst v19  }
0x683: {  	v46 =	vld.idx.msk [tilespmem:v36+s1+$0x0], $0xffff  }
0x684: {  	v47 =	vld.idx.msk [tilespmem:v36+s20+$0x0], $0xffff  }
0x685: {  	v44 =	vld [tilespmem:s22+$0xA410];
	v18 =	vsub.f32 v7, v18;
	v45 =	vsub.f32 v8, v43  }
0x686: {  	v15 =	vsub.f32 v5, v15;
	v48 =	vld.idx.msk [tilespmem:v36+s21+$0x0], $0xffff  }
0x687: {  	v21 =	vsub.f32 v6, v21;
	v18 =	vand.u32 $0x7FFFFFFF, v18;
	v19 =	vand.u32 $0x7FFFFFFF, v45  }
0x688: {  	v17 =	vsub.f32 v3, v17;
	v15 =	vand.u32 $0x7FFFFFFF, v15;
	v18 =	vadd.f32 v19, v18  }
0x689: {  	v50 =	vld [tilespmem:s23+$0xA410];
	v21 =	vand.u32 $0x7FFFFFFF, v21;
	v23 =	vsub.f32 v11, v46;
	v24 =	vsub.f32 v10, v47  }
0x68a: {  	v17 =	vand.u32 $0x7FFFFFFF, v17;
	v16 =	vsub.f32 v4, v16;
	v18 =	vadd.f32 v21, v18  }
0x68b: {  	v19 =	vsub.f32 v9, v48;
	v52 =	vand.u32 $0x7FFFFFFF, v23;
	v53 =	vand.u32 $0x7FFFFFFF, v24  }
0x68c: {  	v15 =	vadd.f32 v17, v15;
	[tilespmem:s22+$0x12400] =	vst v18;
	v18 =	vadd.f32 v53, v52  }
0x68d: {  	v16 =	vand.u32 $0x7FFFFFFF, v16;
	v51 =	vld.idx.msk [tilespmem:v44+s1+$0x0], $0xffff;
	v55 =	vand.u32 $0x7FFFFFFF, v19  }
0x68e: {  	v15 =	vadd.f32 v16, v15;
	v54 =	vld.idx.msk [tilespmem:v44+s20+$0x0], $0xffff;
	v16 =	vadd.f32 v55, v18;
	_ =	sdelay $0x1  }
0x68f: {  	v56 =	vld.idx.msk [tilespmem:v44+s21+$0x0], $0xffff;
	[tilespmem:s23+$0x12400] =	vst v16  }
0x690: {  	v61 =	vld.idx.msk [tilespmem:v50+s1+$0x0], $0xffff  }
0x691: {  	v62 =	vld.idx.msk [tilespmem:v50+s20+$0x0], $0xffff  }
0x692: {  	v49 =	vld [tilespmem:s22+$0xA420];
	v59 =	vsub.f32 v7, v51;
	v60 =	vsub.f32 v8, v54  }
0x693: {  	v28 =	vld.idx.msk [tilespmem:v50+s21+$0x0], $0xffff  }
0x694: {  	v19 =	vsub.f32 v6, v56;
	v16 =	vand.u32 $0x7FFFFFFF, v59;
	v17 =	vand.u32 $0x7FFFFFFF, v60  }
0x695: {  	[tilespmem:s2+$0x12410] =	vst v15;
	v57 =	vld [tilespmem:s23+$0xA420];
	v16 =	vadd.f32 v17, v16  }
0x696: {  	v58 =	vld.idx.msk [tilespmem:v14+s1+$0x0], $0xffff;
	v19 =	vand.u32 $0x7FFFFFFF, v19;
	v30 =	vsub.f32 v11, v61;
	v31 =	vsub.f32 v10, v62  }
0x697: {  	v63 =	vld.idx.msk [tilespmem:v14+s20+$0x0], $0xffff;
	v16 =	vadd.f32 v19, v16  }
0x698: {  	v17 =	vsub.f32 v9, v28;
	v19 =	vand.u32 $0x7FFFFFFF, v30;
	v20 =	vand.u32 $0x7FFFFFFF, v31  }
0x699: {  	v29 =	vld.idx.msk [tilespmem:v14+s21+$0x0], $0xffff;
	[tilespmem:s22+$0x12410] =	vst v16;
	v19 =	vadd.f32 v20, v19  }
0x69a: {  	v16 =	vld.idx.msk [tilespmem:v49+s1+$0x0], $0xffff;
	v17 =	vand.u32 $0x7FFFFFFF, v17  }
0x69b: {  	v34 =	vld.idx.msk [tilespmem:v49+s20+$0x0], $0xffff;
	v17 =	vadd.f32 v17, v19  }
0x69c: {  	v32 =	vld [tilespmem:s2+$0xA430];
	v33 =	vsub.f32 v3, v63;
	v18 =	vsub.f32 v5, v58  }
0x69d: {  	v21 =	vld.idx.msk [tilespmem:v49+s21+$0x0], $0xffff;
	[tilespmem:s23+$0x12410] =	vst v17  }
0x69e: {  	v14 =	vsub.f32 v4, v29;
	v23 =	vand.u32 $0x7FFFFFFF, v33;
	v18 =	vand.u32 $0x7FFFFFFF, v18;
	v38 =	vld.idx.msk [tilespmem:v57+s1+$0x0], $0xffff  }
0x69f: {  	v18 =	vadd.f32 v23, v18;
	v39 =	vld.idx.msk [tilespmem:v57+s20+$0x0], $0xffff  }
0x6a0: {  	v14 =	vand.u32 $0x7FFFFFFF, v14;
	v36 =	vld [tilespmem:s22+$0xA430];
	v16 =	vsub.f32 v7, v16;
	v37 =	vsub.f32 v8, v34  }
0x6a1: {  	v14 =	vadd.f32 v14, v18;
	v15 =	vld.idx.msk [tilespmem:v57+s21+$0x0], $0xffff  }
0x6a2: {  	v21 =	vsub.f32 v6, v21;
	v16 =	vand.u32 $0x7FFFFFFF, v16;
	v17 =	vand.u32 $0x7FFFFFFF, v37  }
0x6a3: {  	v16 =	vadd.f32 v17, v16  }
0x6a4: {  	v42 =	vld [tilespmem:s23+$0xA430];
	[tilespmem:s2+$0x12420] =	vst v14;
	v21 =	vand.u32 $0x7FFFFFFF, v21;
	v23 =	vsub.f32 v11, v38;
	v14 =	vsub.f32 v10, v39  }
0x6a5: {  	v40 =	vld.idx.msk [tilespmem:v32+s1+$0x0], $0xffff;
	v16 =	vadd.f32 v21, v16  }
0x6a6: {  	v41 =	vld.idx.msk [tilespmem:v32+s20+$0x0], $0xffff;
	v15 =	vsub.f32 v9, v15;
	v43 =	vand.u32 $0x7FFFFFFF, v23;
	v14 =	vand.u32 $0x7FFFFFFF, v14  }
0x6a7: {  	v22 =	vld.idx.msk [tilespmem:v32+s21+$0x0], $0xffff;
	[tilespmem:s22+$0x12420] =	vst v16;
	v14 =	vadd.f32 v14, v43  }
0x6a8: {  	v44 =	vld.idx.msk [tilespmem:v36+s1+$0x0], $0xffff;
	v15 =	vand.u32 $0x7FFFFFFF, v15  }
0x6a9: {  	v45 =	vld.idx.msk [tilespmem:v36+s20+$0x0], $0xffff;
	v14 =	vadd.f32 v15, v14  }
0x6aa: {  	v18 =	vld.idx.msk [tilespmem:v36+s21+$0x0], $0xffff  }
0x6ab: {  	v35 =	vld [tilespmem:s2+$0xA440];
	v46 =	vsub.f32 v5, v40;
	v17 =	vsub.f32 v3, v41;
	[tilespmem:s23+$0x12420] =	vst v14  }
0x6ac: {  	v50 =	vsub.f32 v4, v22;
	v51 =	vld.idx.msk [tilespmem:v42+s1+$0x0], $0xffff  }
0x6ad: {  	v48 =	vand.u32 $0x7FFFFFFF, v46;
	v49 =	vand.u32 $0x7FFFFFFF, v17;
	v23 =	vsub.f32 v7, v44;
	v52 =	vld.idx.msk [tilespmem:v42+s20+$0x0], $0xffff  }
0x6ae: {  	v26 =	vld [tilespmem:s22+$0xA440];
	v16 =	vsub.f32 v8, v45;
	v14 =	vadd.f32 v49, v48  }
0x6af: {  	v17 =	vand.u32 $0x7FFFFFFF, v50;
	v18 =	vsub.f32 v6, v18;
	v53 =	vld.idx.msk [tilespmem:v42+s21+$0x0], $0xffff  }
0x6b0: {  	v54 =	vand.u32 $0x7FFFFFFF, v23;
	v16 =	vand.u32 $0x7FFFFFFF, v16;
	v14 =	vadd.f32 v17, v14  }
0x6b1: {  	v55 =	vadd.f32 v16, v54  }
0x6b2: {  	v47 =	vld [tilespmem:s23+$0xA440];
	v18 =	vand.u32 $0x7FFFFFFF, v18;
	[tilespmem:s2+$0x12430] =	vst v14;
	v57 =	vsub.f32 v11, v51;
	v15 =	vsub.f32 v10, v52  }
0x6b3: {  	v14 =	vadd.f32 v18, v55;
	v56 =	vld.idx.msk [tilespmem:v35+s1+$0x0], $0xffff  }
0x6b4: {  	v58 =	vld.idx.msk [tilespmem:v35+s20+$0x0], $0xffff;
	v17 =	vsub.f32 v9, v53;
	v21 =	vand.u32 $0x7FFFFFFF, v57;
	v15 =	vand.u32 $0x7FFFFFFF, v15  }
0x6b5: {  	v19 =	vld.idx.msk [tilespmem:v35+s21+$0x0], $0xffff;
	[tilespmem:s22+$0x12430] =	vst v14;
	v59 =	vadd.f32 v15, v21  }
0x6b6: {  	v60 =	vld.idx.msk [tilespmem:v26+s1+$0x0], $0xffff;
	v17 =	vand.u32 $0x7FFFFFFF, v17  }
0x6b7: {  	v61 =	vld.idx.msk [tilespmem:v26+s20+$0x0], $0xffff;
	v14 =	vadd.f32 v17, v59  }
0x6b8: {  	v63 =	vld.idx.msk [tilespmem:v26+s21+$0x0], $0xffff  }
0x6b9: {  	v20 =	vld [tilespmem:s2+$0xA450];
	v16 =	vsub.f32 v5, v56;
	v62 =	vsub.f32 v3, v58;
	[tilespmem:s23+$0x12430] =	vst v14  }
0x6ba: {  	v29 =	vsub.f32 v4, v19;
	v30 =	vld.idx.msk [tilespmem:v47+s1+$0x0], $0xffff  }
0x6bb: {  	v26 =	vand.u32 $0x7FFFFFFF, v16;
	v28 =	vand.u32 $0x7FFFFFFF, v62;
	v15 =	vsub.f32 v7, v60;
	v31 =	vld.idx.msk [tilespmem:v47+s20+$0x0], $0xffff  }
0x6bc: {  	v25 =	vld [tilespmem:s22+$0xA450];
	v21 =	vsub.f32 v8, v61;
	v14 =	vadd.f32 v28, v26  }
0x6bd: {  	v17 =	vand.u32 $0x7FFFFFFF, v29;
	v18 =	vsub.f32 v6, v63;
	v32 =	vld.idx.msk [tilespmem:v47+s21+$0x0], $0xffff  }
0x6be: {  	v27 =	vld [tilespmem:s23+$0xA450];
	v33 =	vand.u32 $0x7FFFFFFF, v15;
	v34 =	vand.u32 $0x7FFFFFFF, v21;
	v14 =	vadd.f32 v17, v14  }
0x6bf: {  	[tilespmem:s0+$0x12450] =	vst v13;
	v50 =	vld [tilespmem:s22+$0xA460];
	v13 =	vadd.f32 v34, v33  }
0x6c0: {  	v39 =	vld.idx.msk [tilespmem:v12+s20+$0x0], $0xffff;
	v36 =	vand.u32 $0x7FFFFFFF, v18;
	[tilespmem:s2+$0x12440] =	vst v14;
	v37 =	vsub.f32 v11, v30;
	v16 =	vsub.f32 v10, v31  }
0x6c1: {  	v13 =	vadd.f32 v36, v13;
	v14 =	vld.idx.msk [tilespmem:v20+s1+$0x0], $0xffff  }
0x6c2: {  	v38 =	vld.idx.msk [tilespmem:v20+s20+$0x0], $0xffff;
	v17 =	vsub.f32 v9, v32;
	v18 =	vand.u32 $0x7FFFFFFF, v37;
	v16 =	vand.u32 $0x7FFFFFFF, v16  }
0x6c3: {  	v20 =	vld.idx.msk [tilespmem:v20+s21+$0x0], $0xffff;
	[tilespmem:s22+$0x12440] =	vst v13;
	v40 =	vadd.f32 v16, v18  }
0x6c4: {  	v41 =	vld.idx.msk [tilespmem:v25+s1+$0x0], $0xffff;
	v17 =	vand.u32 $0x7FFFFFFF, v17  }
0x6c5: {  	v42 =	vld.idx.msk [tilespmem:v25+s20+$0x0], $0xffff;
	v13 =	vadd.f32 v17, v40  }
0x6c6: {  	v44 =	vld.idx.msk [tilespmem:v25+s21+$0x0], $0xffff  }
0x6c7: {  	v43 =	vld [tilespmem:s2+$0xA460];
	v14 =	vsub.f32 v5, v14;
	v19 =	vsub.f32 v3, v38;
	[tilespmem:s23+$0x12440] =	vst v13  }
0x6c8: {  	v47 =	vsub.f32 v4, v20;
	v48 =	vld.idx.msk [tilespmem:v27+s1+$0x0], $0xffff  }
0x6c9: {  	v45 =	vand.u32 $0x7FFFFFFF, v14;
	v46 =	vand.u32 $0x7FFFFFFF, v19;
	v16 =	vsub.f32 v7, v41;
	v49 =	vld.idx.msk [tilespmem:v27+s20+$0x0], $0xffff  }
0x6ca: {  	v55 =	vld [tilespmem:s23+$0xA460];
	v18 =	vsub.f32 v8, v42;
	v13 =	vadd.f32 v46, v45  }
0x6cb: {  	v19 =	vand.u32 $0x7FFFFFFF, v47;
	v22 =	vsub.f32 v6, v44;
	v51 =	vld.idx.msk [tilespmem:v27+s21+$0x0], $0xffff  }
0x6cc: {  	v35 =	vld.idx.msk [tilespmem:v12+s1+$0x0], $0xffff;
	v16 =	vand.u32 $0x7FFFFFFF, v16;
	v18 =	vand.u32 $0x7FFFFFFF, v18;
	v13 =	vadd.f32 v19, v13  }
0x6cd: {  	v52 =	vld [tilespmem:s0+$0xA470];
	v16 =	vadd.f32 v18, v16  }
0x6ce: {  	v53 =	vld.idx.msk [tilespmem:v12+s21+$0x0], $0xffff;
	v54 =	vand.u32 $0x7FFFFFFF, v22;
	[tilespmem:s2+$0x12450] =	vst v13;
	v20 =	vsub.f32 v11, v48;
	v14 =	vsub.f32 v10, v49  }
0x6cf: {  	v13 =	vadd.f32 v54, v16;
	v56 =	vld.idx.msk [tilespmem:v43+s1+$0x0], $0xffff  }
0x6d0: {  	v57 =	vld.idx.msk [tilespmem:v43+s20+$0x0], $0xffff;
	v19 =	vsub.f32 v9, v51;
	v20 =	vand.u32 $0x7FFFFFFF, v20;
	v14 =	vand.u32 $0x7FFFFFFF, v14  }
0x6d1: {  	v17 =	vld.idx.msk [tilespmem:v43+s21+$0x0], $0xffff;
	[tilespmem:s22+$0x12450] =	vst v13;
	v14 =	vadd.f32 v14, v20  }
0x6d2: {  	v59 =	vsub.f32 v1, v35;
	v61 =	vld.idx.msk [tilespmem:v50+s1+$0x0], $0xffff;
	v60 =	vand.u32 $0x7FFFFFFF, v19  }
0x6d3: {  	v15 =	vsub.f32 v2, v39;
	v63 =	vld.idx.msk [tilespmem:v50+s20+$0x0], $0xffff;
	v13 =	vadd.f32 v60, v14  }
0x6d4: {  	v58 =	vld [tilespmem:s2+$0xA470];
	v12 =	vsub.f32 v0, v53  }
0x6d5: {  	v62 =	vand.u32 $0x7FFFFFFF, v59;
	v15 =	vand.u32 $0x7FFFFFFF, v15;
	v26 =	vld.idx.msk [tilespmem:v50+s21+$0x0], $0xffff;
	v16 =	vsub.f32 v3, v57;
	[tilespmem:s23+$0x12450] =	vst v13  }
0x6d6: {  	v12 =	vand.u32 $0x7FFFFFFF, v12;
	v27 =	vsub.f32 v5, v56;
	v14 =	vadd.f32 v15, v62;
	v28 =	vld.idx.msk [tilespmem:v55+s1+$0x0], $0xffff  }
0x6d7: {  	v17 =	vsub.f32 v4, v17;
	v16 =	vand.u32 $0x7FFFFFFF, v16;
	v30 =	vsub.f32 v7, v61;
	v29 =	vld.idx.msk [tilespmem:v55+s20+$0x0], $0xffff  }
0x6d8: {  	v32 =	vld [tilespmem:s22+$0xA470];
	v33 =	vsub.f32 v8, v63;
	v12 =	vadd.f32 v12, v14;
	v13 =	vand.u32 $0x7FFFFFFF, v27  }
0x6d9: {  	v31 =	vand.u32 $0x7FFFFFFF, v17;
	v13 =	vadd.f32 v16, v13;
	v18 =	vld.idx.msk [tilespmem:v55+s21+$0x0], $0xffff  }
0x6da: {  	v37 =	vld [tilespmem:s23+$0xA470];
	v15 =	vsub.f32 v6, v26;
	v35 =	vand.u32 $0x7FFFFFFF, v30;
	v36 =	vand.u32 $0x7FFFFFFF, v33;
	[tilespmem:s0+$0x12460] =	vst v12  }
0x6db: {  	v34 =	vld.idx.msk [tilespmem:v52+s1+$0x0], $0xffff;
	v12 =	vadd.f32 v31, v13;
	v13 =	vadd.f32 v36, v35  }
0x6dc: {  	v15 =	vand.u32 $0x7FFFFFFF, v15;
	v38 =	vld.idx.msk [tilespmem:v52+s20+$0x0], $0xffff;
	v21 =	vsub.f32 v11, v28;
	v14 =	vsub.f32 v10, v29  }
0x6dd: {  	v39 =	vld.idx.msk [tilespmem:v52+s21+$0x0], $0xffff;
	[tilespmem:s2+$0x12460] =	vst v12;
	v13 =	vadd.f32 v15, v13  }
0x6de: {  	v18 =	vsub.f32 v9, v18;
	v41 =	vld.idx.msk [tilespmem:v58+s1+$0x0], $0xffff;
	v40 =	vand.u32 $0x7FFFFFFF, v21;
	v14 =	vand.u32 $0x7FFFFFFF, v14  }
0x6df: {  	v42 =	vld.idx.msk [tilespmem:v58+s20+$0x0], $0xffff;
	v12 =	vadd.f32 v14, v40  }
0x6e0: {  	v44 =	vld.idx.msk [tilespmem:v58+s21+$0x0], $0xffff;
	[tilespmem:s22+$0x12460] =	vst v13;
	v43 =	vand.u32 $0x7FFFFFFF, v18  }
0x6e1: {  	v13 =	vld.idx.msk [tilespmem:v32+s1+$0x0], $0xffff;
	v12 =	vadd.f32 v43, v12  }
0x6e2: {  	v45 =	vsub.f32 v1, v34;
	v46 =	vsub.f32 v2, v38;
	v47 =	vld.idx.msk [tilespmem:v32+s20+$0x0], $0xffff  }
0x6e3: {  	v52 =	vld.idx.msk [tilespmem:v32+s21+$0x0], $0xffff;
	[tilespmem:s23+$0x12460] =	vst v12  }
0x6e4: {  	v1 =	vand.u32 $0x7FFFFFFF, v45;
	v2 =	vand.u32 $0x7FFFFFFF, v46;
	v12 =	vld.idx.msk [tilespmem:v37+s1+$0x0], $0xffff  }
0x6e5: {  	v48 =	vsub.f32 v0, v39;
	v1 =	vadd.f32 v2, v1;
	v49 =	vld.idx.msk [tilespmem:v37+s20+$0x0], $0xffff  }
0x6e6: {  	v50 =	vsub.f32 v5, v41;
	v51 =	vsub.f32 v3, v42  }
0x6e7: {  	v0 =	vand.u32 $0x7FFFFFFF, v48;
	v56 =	vsub.f32 v4, v44;
	v53 =	vsub.f32 v7, v13;
	v54 =	vld.idx.msk [tilespmem:v37+s21+$0x0], $0xffff  }
0x6e8: {  	v0 =	vadd.f32 v0, v1;
	v5 =	vand.u32 $0x7FFFFFFF, v50;
	v55 =	vsub.f32 v8, v47  }
0x6e9: {  	v3 =	vand.u32 $0x7FFFFFFF, v51;
	v59 =	vsub.f32 v6, v52;
	v1 =	vand.u32 $0x7FFFFFFF, v53  }
0x6ea: {  	v57 =	vand.u32 $0x7FFFFFFF, v55;
	v58 =	vsub.f32 v11, v12;
	v2 =	vsub.f32 v10, v49  }
0x6eb: {  	v4 =	vand.u32 $0x7FFFFFFF, v56;
	v3 =	vadd.f32 v3, v5;
	v1 =	vadd.f32 v57, v1  }
0x6ec: {  	v7 =	vsub.f32 v9, v54;
	v60 =	vand.u32 $0x7FFFFFFF, v58;
	v2 =	vand.u32 $0x7FFFFFFF, v2  }
0x6ed: {  	v61 =	vand.u32 $0x7FFFFFFF, v59;
	v3 =	vadd.f32 v4, v3;
	v2 =	vadd.f32 v2, v60  }
0x6ee: {  	[tilespmem:s0+$0x12470] =	vst v0;
	v62 =	vadd.f32 v61, v1;
	v63 =	vand.u32 $0x7FFFFFFF, v7  }
0x6ef: {  	[tilespmem:s2+$0x12470] =	vst v3;
	v1 =	vadd.f32 v63, v2  }
0x6f0: {  	[tilespmem:s22+$0x12470] =	vst v62  }
0x6f1: {  	s28 =	simm.s32 $0x12000;
	s31 =	sadd.s32 $0x1, s31;
	[tilespmem:s23+$0x12470] =	vst v1  }
0x6f2: {  	[hbm4b:s17+s1] =	stream.linear.scatter [tilespmem:s28], [sflag:$0x4], $0x4000, $0x38;
	[tilespmem:$0x16000] =	vst v63  }
0x6f3: {  	p0 =	sne.s32 s31, s18;
	_ =	swait.ge [sflag:s29], $0x4000  }
.Ltmp4:
0x6f4: {  	[sflag:s29] =	ssyncset.done $0x0;
	(pc) =	sbr.rel @p0 .LBB2_1-.Ltmp4, $4  }
0x6f5: {  	[sflag:s29] =	ssyncadd.s32 $0xFFFFC000  }
0x6f6: {  	_ =	swait.ge [sflag:s30], $0x4000  }
0x6f7: {  	[sflag:s30] =	ssyncset.done $0x0  }
0x6f8: {  	[sflag:s30] =	ssyncadd.s32 $0xFFFFC000  }
0x6f9: {  	_ =	sfence.sel $0x180000  }
0x6fa: {  	[bflag:$0x0] =	sbarrier.arrive $0xFFFF  }
0x6fb: {  	_ =	strace $0x90000047  }
0x6fc: {  	s0 =	stileid.u32;
	[bflag:$0x2] =	sbarrier.arrive $0xFFFF  }
0x6fd: {  	p0 =	sne.s32 s0, $0x0;
	s0 =	rddreg [dreg:$0x3]  }
0x6fe: {  	s0 =	sadd.s32 @!p0 $0x100000, s0  }
0x6ff: {  	[sflag:s0] =	ssyncadd.tile.s32 @!p0 $0x1;
	_ =	shalt  }
.Lfunc_end2:
_tile_overlayer_lowered:
.L_overlay_start_2:
0x700: {  	(tag) =	ssettag $0x2  }
0x701: {  	s0 =	rddreg [dreg:$0x0];
	s2 =	stileid.u32  }
0x702: {  	s1 =	rddreg [dreg:$0x1];
	p0 =	sne.s32 s2, $0x0  }
0x703: {  	s3 =	rddreg [dreg:$0x2];
	[bflag:$0x3] =	sbarrier.arrive $0xFFFF;
	s2 =	simm.s32 @!p0 $0x1C05  }
0x704: {  	[timem:s3], [sflag:s2] =	dma.local @!p0 [hbm:s0], s1  }
0x705: {  	s0 =	simm.s32 @!p0 $0x5  }
0x706: {  	_ =	swait.ge @!p0 [sflag:s0], s1  }
0x707: {  	s1 =	ssub.s32 @!p0 $0x0, s1;
	[sflag:s0] =	ssyncset.done @!p0 $0x0  }
0x708: {  	[sflag:s0] =	ssyncadd.s32 @!p0 s1  }
0x709: {  	[bflag:$0x3] =	sbarrier.arrive $0xFFFF  }
0x70a: {  	_ =	shalt  }

</sc_bundles>
